<compile_context>
chip_gen: v7x
topology: tpu7x:2x2x1
jax: 0.10.2.dev20260603
libtpu: 0.0.44.dev20260713+nightly
codegen_flags: <defaults>
</compile_context>

<pallas_src>
import functools

import jax
import jax.numpy as jnp
from jax import lax
from jax.experimental import pallas as pl
from jax.experimental.pallas import tpu as pltpu
from jax.experimental.pallas import tpu_sc as plsc

N = 10000
M = 20000
E = 320000
D = 128

NC = 2
NS = 16
LL = 16

RS = 5000
AQ = 5120
CG = 128
SB = 4096
EP = NS * 160 * CG
P = EP - E
ET = EP // NS

_mesh = plsc.VectorSubcoreMesh(
    core_axis_name="c", subcore_axis_name="s", num_cores=NC, num_subcores=NS
)

_RZ = AQ // NS
_ZCH = ((0, 128), (128, 128), (256, 64))


def _make_scatter(npass, gather):
    W = D
    scratch = [
        pltpu.VMEM_SHARED((AQ, W), jnp.float32),
        pltpu.VMEM((SB,), jnp.int32),
        pltpu.VMEM((ET + CG,), jnp.int32),
        pltpu.VMEM((CG, W), jnp.float32),
        pltpu.VMEM((CG, W), jnp.float32),
        pltpu.SemaphoreType.DMA,
        pltpu.SemaphoreType.DMA,
    ]
    if gather:
        scratch[2:2] = [
            pltpu.VMEM((SB,), jnp.int32),
            pltpu.VMEM((ET + CG,), jnp.int32),
        ]

    def _body(tab, gidx, fidx, onesr, zrows, out, acc, sf, sg, cg_, cd,
              rows, zbuf, sem, semb):
        c = lax.axis_index("c")
        s = lax.axis_index("s")
        iota = lax.iota(jnp.int32, LL)
        dump = jnp.full((LL,), RS, jnp.int32) + s

        if not gather:
            pltpu.sync_copy(onesr, rows)

        for p in range(npass):
            lo = (c * npass + p) * RS

            pltpu.sync_copy(zrows, zbuf)
            for off, sz in _ZCH:
                pltpu.sync_copy(zbuf.at[pl.ds(0, sz)],
                                acc.at[pl.ds(s * _RZ + off, sz)])
            plsc.subcore_barrier()

            def outer(b, count):
                base = s * ET + b * SB
                pltpu.sync_copy(fidx.at[pl.ds(base, SB)], sf)
                if gather:
                    pltpu.sync_copy(gidx.at[pl.ds(base, SB)], sg)

                def inner(i, cnt):
                    fvec = sf[pl.ds(i * LL, LL)]
                    ld = fvec - lo
                    mask = (ld >= 0) & (ld < RS)
                    mi = jnp.where(mask, 1, 0).astype(jnp.int32)
                    offs = cnt + plsc.cumsum(mi) - 1
                    plsc.store_scatter(cd, [offs], ld, mask=mask)
                    if gather:
                        gvec = sg[pl.ds(i * LL, LL)]
                        plsc.store_scatter(cg_, [offs], gvec, mask=mask)
                    return cnt + jnp.sum(mi)

                return lax.fori_loop(0, SB // LL, inner, count)

            K = lax.fori_loop(0, ET // SB, outer, jnp.int32(0))

            for i in range(CG // LL):
                offs = K + i * LL + iota
                plsc.store_scatter(cd, [offs], dump)
                if gather:
                    plsc.store_scatter(cg_, [offs], iota)

            nch = (K + CG - 1) // CG

            if gather:
                gmax = jnp.maximum(nch - 1, 0)

                def _issue(g, buf, sm):
                    base = jnp.minimum(g, gmax) * CG
                    pltpu.async_copy(tab.at[cg_.at[pl.ds(base, CG)]],
                                     buf, sm)

                def _wait(buf, sm):
                    pltpu.make_async_copy(
                        tab.at[cg_.at[pl.ds(0, CG)]], buf, sm).wait()

                def _scat(g, buf):
                    pltpu.sync_copy(buf, acc.at[cd.at[pl.ds(g * CG, CG)]],
                                    add=True)

                _issue(jnp.int32(0), rows, sem)

                def gs2(jj, carry):
                    g = jj * 2
                    _wait(rows, sem)
                    _issue(g + 1, zbuf, semb)
                    _scat(g, rows)
                    _wait(zbuf, semb)
                    _issue(g + 2, rows, sem)
                    _scat(g + 1, zbuf)
                    return carry

                lax.fori_loop(0, nch // 2, gs2, 0)
                _wait(rows, sem)

                @pl.when(nch % 2 == 1)
                def _():
                    _scat(nch - 1, rows)
            else:
                def gs(j, carry):
                    pltpu.sync_copy(rows,
                                    acc.at[cd.at[pl.ds(j * CG, CG)]],
                                    add=True)
                    return carry

                lax.fori_loop(0, nch, gs, 0)
            plsc.subcore_barrier()

            for off, sz in _ZCH:
                pltpu.sync_copy(acc.at[pl.ds(s * _RZ + off, sz)],
                                zbuf.at[pl.ds(0, sz)])
                pltpu.sync_copy(zbuf.at[pl.ds(0, sz)],
                                out.at[c * npass + p,
                                       pl.ds(s * _RZ + off, sz)])
            if p + 1 < npass:
                plsc.subcore_barrier()

    out_type = jax.ShapeDtypeStruct((NC * npass, AQ, W), jnp.float32)
    cp = pltpu.CompilerParams(needs_layout_passes=False)

    if gather:
        @functools.partial(pl.kernel, out_type=out_type, mesh=_mesh,
                           compiler_params=cp, scratch_types=scratch)
        def _k(tab, gidx, fidx, zrows, out, acc, sf, sg, cg_, cd, rows,
               zbuf, sem, semb):
            _body(tab, gidx, fidx, None, zrows, out, acc, sf, sg, cg_, cd,
                  rows, zbuf, sem, semb)
    else:
        @functools.partial(pl.kernel, out_type=out_type, mesh=_mesh,
                           compiler_params=cp, scratch_types=scratch)
        def _k(onesr, zrows, fidx, out, acc, sf, cd, rows, zbuf, sem, semb):
            _body(None, None, fidx, onesr, zrows, out, acc, sf, None, None,
                  cd, rows, zbuf, sem, semb)

    return _k


_histn_kernel = _make_scatter(1, gather=False)
_histm_kernel = _make_scatter(2, gather=False)
_scatter1_kernel = _make_scatter(2, gather=True)
_scatter2_kernel = _make_scatter(1, gather=True)



_BS = 200
_NB = RS // _BS


def _deg_spec():
    return pl.BlockSpec((1, _BS, D), lambda i: (i // _NB, i % _NB, 0))


def _k1_body(h_ref, w1_ref, degn_ref, x_ref):
    nrm = lax.rsqrt(jnp.maximum(degn_ref[0][:, 0:1], 1.0))
    x_ref[...] = (
        jnp.dot(h_ref[...], w1_ref[...], preferred_element_type=jnp.float32)
        * nrm
    )


def _k1(h, W1, degn):
    return pl.pallas_call(
        _k1_body,
        out_shape=jax.ShapeDtypeStruct((N, D), jnp.float32),
        grid=(N // _BS,),
        in_specs=[
            pl.BlockSpec((_BS, D), lambda i: (i, 0)),
            pl.BlockSpec((D, D), lambda i: (0, 0)),
            _deg_spec(),
        ],
        out_specs=pl.BlockSpec((_BS, D), lambda i: (i, 0)),
    )(h, W1, degn)


def _kmid_body(a_ref, degm_ref, w2_ref, b1_ref, y_ref):
    nrm = lax.rsqrt(jnp.maximum(degm_ref[0][:, 0:1], 1.0))
    t = (a_ref[0] * nrm + b1_ref[...]) * nrm
    y_ref[...] = jnp.dot(t, w2_ref[...], preferred_element_type=jnp.float32)


def _kmid(accm, degm, W2, b1):
    return pl.pallas_call(
        _kmid_body,
        out_shape=jax.ShapeDtypeStruct((M, D), jnp.float32),
        grid=(M // _BS,),
        in_specs=[
            pl.BlockSpec((1, _BS, D), lambda i: (i // _NB, i % _NB, 0)),
            _deg_spec(),
            pl.BlockSpec((D, D), lambda i: (0, 0)),
            pl.BlockSpec((1, D), lambda i: (0, 0)),
        ],
        out_specs=pl.BlockSpec((_BS, D), lambda i: (i, 0)),
    )(accm, degm, W2, b1)


def _kpost_body(h_ref, a_ref, degn_ref, b2_ref, w3_ref, b3_ref,
                w4_ref, b4_ref, g1_ref, be1_ref, g2_ref, be2_ref, o_ref):
    nrm = lax.rsqrt(jnp.maximum(degn_ref[0][:, 0:1], 1.0))
    h_node = a_ref[0] * nrm + b2_ref[...]
    t = h_ref[...] + h_node
    mu = jnp.mean(t, axis=-1, keepdims=True)
    var = jnp.mean((t - mu) ** 2, axis=-1, keepdims=True)
    h1 = (t - mu) * lax.rsqrt(var + 1e-5) * g1_ref[...] + be1_ref[...]
    f = jnp.maximum(
        jnp.dot(h1, w3_ref[...], preferred_element_type=jnp.float32)
        + b3_ref[...],
        0.0,
    )
    hf = (
        jnp.dot(f, w4_ref[...], preferred_element_type=jnp.float32)
        + b4_ref[...]
    )
    t2 = h1 + hf
    mu2 = jnp.mean(t2, axis=-1, keepdims=True)
    var2 = jnp.mean((t2 - mu2) ** 2, axis=-1, keepdims=True)
    o_ref[...] = (
        (t2 - mu2) * lax.rsqrt(var2 + 1e-5) * g2_ref[...] + be2_ref[...]
    )


def _kpost(h, accn, degn, b2, W3, b3, W4, b4, g1, be1, g2, be2):
    row = lambda i: (i, 0)
    fix2 = lambda i: (0, 0)
    return pl.pallas_call(
        _kpost_body,
        out_shape=jax.ShapeDtypeStruct((N, D), jnp.float32),
        grid=(N // _BS,),
        in_specs=[
            pl.BlockSpec((_BS, D), row),
            pl.BlockSpec((1, _BS, D), lambda i: (i // _NB, i % _NB, 0)),
            _deg_spec(),
            pl.BlockSpec((1, D), fix2),
            pl.BlockSpec((D, 4 * D), fix2),
            pl.BlockSpec((1, 4 * D), fix2),
            pl.BlockSpec((4 * D, D), fix2),
            pl.BlockSpec((1, D), fix2),
            pl.BlockSpec((1, D), fix2),
            pl.BlockSpec((1, D), fix2),
            pl.BlockSpec((1, D), fix2),
            pl.BlockSpec((1, D), fix2),
        ],
        out_specs=pl.BlockSpec((_BS, D), row),
    )(h, accn, degn, b2, W3, b3, W4, b4, g1, be1, g2, be2)




def kernel(h, src_idx, dst_idx, W1, b1, W2, b2, W3, b3, W4, b4, g1, be1, g2,
           be2):
    pad = (jnp.arange(P, dtype=jnp.int32) % LL).astype(jnp.int32)
    srcA = jnp.concatenate([src_idx, N + pad])
    dstA = jnp.concatenate([dst_idx, M + pad])
    dstC = jnp.concatenate([dst_idx, pad])
    onesr = jnp.ones((CG, D), jnp.float32)
    zrows = jnp.zeros((CG, D), jnp.float32)

    degn = _histn_kernel(onesr, zrows, srcA)
    degm = _histm_kernel(onesr, zrows, dstA)
    x = _k1(h, W1, degn)
    accm = _scatter1_kernel(x, srcA, dstA, zrows)
    y = _kmid(accm, degm, W2, b1.reshape(1, D))
    accn = _scatter2_kernel(y, dstC, srcA, zrows)
    out = _kpost(
        h, accn, degn, b2.reshape(1, D), W3, b3.reshape(1, 4 * D),
        W4, b4.reshape(1, D), g1.reshape(1, D), be1.reshape(1, D),
        g2.reshape(1, D), be2.reshape(1, D),
    )
    return out

# --- scband reference (transcript-rebuilt; emitter-appended) ---
"""Pipeline reference for scband-relational-hypergraph-layer-38603166057018 (READ-ONLY COPY).

The authoritative reference and input builder live on the scoring server;
editing this copy changes nothing except your own understanding.
"""

import jax, jax.numpy as jnp
import numpy as np

N = 10000
M = 20000
E = 320000
D = 128

def _layernorm(x, g, b, eps=1e-5):
    mu = jnp.mean(x, axis=-1, keepdims=True)
    var = jnp.var(x, axis=-1, keepdims=True)
    return (x - mu) / jnp.sqrt(var + eps) * g + b

def setup_inputs(seed: int = 0):
    key = jax.random.key(seed)
    ks = jax.random.split(key, 16)
    s = 1.0 / np.sqrt(D)
    return {
        "h": jax.random.normal(ks[0], (N, D), dtype=jnp.float32),
        "src_idx": jax.random.randint(ks[1], (E,), 0, N, dtype=jnp.int32),
        "dst_idx": jax.random.randint(ks[2], (E,), 0, M, dtype=jnp.int32),
        "W1": jax.random.normal(ks[3], (D, D), dtype=jnp.float32) * s,
        "b1": jnp.zeros((D,), dtype=jnp.float32),
        "W2": jax.random.normal(ks[4], (D, D), dtype=jnp.float32) * s,
        "b2": jnp.zeros((D,), dtype=jnp.float32),
        "W3": jax.random.normal(ks[5], (D, 4 * D), dtype=jnp.float32) * s,
        "b3": jnp.zeros((4 * D,), dtype=jnp.float32),
        "W4": jax.random.normal(ks[6], (4 * D, D), dtype=jnp.float32) / np.sqrt(4 * D),
        "b4": jnp.zeros((D,), dtype=jnp.float32),
        "g1": jnp.ones((D,), dtype=jnp.float32),
        "be1": jnp.zeros((D,), dtype=jnp.float32),
        "g2": jnp.ones((D,), dtype=jnp.float32),
        "be2": jnp.zeros((D,), dtype=jnp.float32),
    }

def reference(h, src_idx, dst_idx, W1, b1, W2, b2, W3, b3, W4, b4, g1, be1, g2, be2):
    # NOTE: in the original torch forward, the HyperEdgeAttention output is
    # immediately overwritten by the node_to_hyperedge GraphConv result, so it
    # has no effect on the output and is omitted here. dropout=0.0 -> identity.
    ones = jnp.ones((E,), dtype=jnp.float32)
    deg_node = jnp.clip(jax.ops.segment_sum(ones, src_idx, num_segments=N), 1.0, None)
    deg_hyper = jnp.clip(jax.ops.segment_sum(ones, dst_idx, num_segments=M), 1.0, None)
    nrm_node = deg_node ** -0.5
    nrm_hyper = deg_hyper ** -0.5
    # node -> hyperedge GraphConv (DGL norm='both')
    x = (h * nrm_node[:, None]) @ W1
    h_hyper = jax.ops.segment_sum(x[src_idx], dst_idx, num_segments=M)
    h_hyper = h_hyper * nrm_hyper[:, None] + b1
    # hyperedge -> node GraphConv on reversed graph (norm='both')
    y = (h_hyper * nrm_hyper[:, None]) @ W2
    h_node = jax.ops.segment_sum(y[dst_idx], src_idx, num_segments=N)
    h_node = h_node * nrm_node[:, None] + b2
    h1 = _layernorm(h + h_node, g1, be1)
    hf = jax.nn.relu(h1 @ W3 + b3) @ W4 + b4
    out = _layernorm(h1 + hf, g2, be2)
    return out

if __name__ == "__main__":
    import jax
    _d = setup_inputs()
    print(jax.jit(kernel)(*tuple(_d.values())))

</pallas_src>

<mosaic_0001>
#map = affine_map<(d0, d1) -> (0, 0)>
#map1 = affine_map<(d0, d1) -> (0)>
#map2 = affine_map<(d0, d1) -> (0, 0, 0)>
module attributes {stable_mosaic.version = 14 : i64} {
  func.func @_k(%arg0: i32, %arg1: i32, %arg2: memref<20000x128xf32, #tpu.memory_space<hbm>>, %arg3: memref<327680xi32, #tpu.memory_space<hbm>>, %arg4: memref<327680xi32, #tpu.memory_space<hbm>>, %arg5: memref<128x128xf32, #tpu.memory_space<hbm>>, %arg6: memref<2x5120x128xf32, #tpu.memory_space<hbm>>, %arg7: memref<5120x128xf32, #tpu.memory_space<vmem_shared>>, %arg8: memref<4096xi32, #tpu.memory_space<vmem>>, %arg9: memref<4096xi32, #tpu.memory_space<vmem>>, %arg10: memref<20608xi32, #tpu.memory_space<vmem>>, %arg11: memref<20608xi32, #tpu.memory_space<vmem>>, %arg12: memref<128x128xf32, #tpu.memory_space<vmem>>, %arg13: memref<128x128xf32, #tpu.memory_space<vmem>>, %arg14: memref<!tpu.dma_semaphore, #tpu.memory_space<semaphore_mem>>, %arg15: memref<!tpu.dma_semaphore, #tpu.memory_space<semaphore_mem>>) attributes {dimension_semantics = [#tpu.dimension_semantics<core_parallel>, #tpu.dimension_semantics<subcore_parallel>], iteration_bounds = array<i64: 2, 16>, scalar_prefetch = 0 : i64, scratch_operands = 9 : i64, tpu.core_type = #tpu.core_type<sc_vector_subcore>, window_params = [{transform_indices = #map}, {transform_indices = #map1}, {transform_indices = #map1}, {transform_indices = #map}, {transform_indices = #map2}]} {
    %iota3A = tpu.iota {dimensions = array<i32: 0>} : vector<16xi32>
    %broadcast_in_dim3A = arith.constant 5000 : i32
    %broadcast_in_dim3A_0 = vector.broadcast %broadcast_in_dim3A : i32 to vector<16xi32>
    %add3A = vector.broadcast %arg1 : i32 to vector<16xi32>
    %add3A_1 = arith.addi %broadcast_in_dim3A_0, %add3A : vector<16xi32>
    %mul3A = arith.constant 1 : i32
    %mul3A_2 = arith.muli %arg0, %mul3A : i32
    %add3A_3 = arith.constant 0 : i32
    %add3A_4 = arith.addi %mul3A_2, %add3A_3 : i32
    %mul3A_5 = arith.constant 5000 : i32
    %mul3A_6 = arith.muli %add3A_4, %mul3A_5 : i32
    "tpu.region"() ({
      %run_scoped3A = tpu.sem_alloc : memref<!tpu.dma_semaphore, #tpu.memory_space<semaphore_mem>>
      tpu.enqueue_dma source(%arg5 : memref<128x128xf32, #tpu.memory_space<hbm>>) target(%arg13 : memref<128x128xf32, #tpu.memory_space<vmem>>) target_semaphore(%run_scoped3A : memref<!tpu.dma_semaphore, #tpu.memory_space<semaphore_mem>>)
      tpu.wait_dma2 semaphore(%run_scoped3A : memref<!tpu.dma_semaphore, #tpu.memory_space<semaphore_mem>>) src(%arg5 : memref<128x128xf32, #tpu.memory_space<hbm>>) dst(%arg13 : memref<128x128xf32, #tpu.memory_space<vmem>>)
      tpu.yield
    }) : () -> ()
    %mul3A_7 = arith.constant 320 : i32
    %mul3A_8 = arith.muli %arg1, %mul3A_7 : i32
    %add3A_9 = arith.constant 0 : i32
    %add3A_10 = arith.addi %mul3A_8, %add3A_9 : i32
    "tpu.region"() ({
      %run_scoped3A = tpu.sem_alloc : memref<!tpu.dma_semaphore, #tpu.memory_space<semaphore_mem>>
      %dma_start3A_177 = arith.constant 0 : i32
      %dma_start3A_178 = arith.constant 0 : i32
      %dma_start3A_179 = tpu.memref_slice %arg13[%dma_start3A_177, %dma_start3A_178] : memref<128x128xf32, #tpu.memory_space<vmem>> -> memref<128x128xf32, #tpu.memory_space<vmem>>
      %dma_start3A_180 = arith.constant 0 : i32
      %dma_start3A_181 = tpu.memref_slice %arg7[%add3A_10, %dma_start3A_180] : memref<5120x128xf32, #tpu.memory_space<vmem_shared>> -> memref<128x128xf32, #tpu.memory_space<vmem_shared>>
      %dma_start3A_182 = arith.constant 0 : i32
      %dma_start3A_183 = tpu.memref_slice %arg7[%add3A_10, %dma_start3A_182] : memref<5120x128xf32, #tpu.memory_space<vmem_shared>> -> memref<128x128xf32, #tpu.memory_space<vmem_shared>>
      %dma_start3A_184 = arith.constant 0 : i32
      %dma_start3A_185 = arith.constant 0 : i32
      %dma_start3A_186 = tpu.memref_slice %arg13[%dma_start3A_184, %dma_start3A_185] : memref<128x128xf32, #tpu.memory_space<vmem>> -> memref<128x128xf32, #tpu.memory_space<vmem>>
      tpu.enqueue_dma source(%dma_start3A_186 : memref<128x128xf32, #tpu.memory_space<vmem>>) target(%dma_start3A_183 : memref<128x128xf32, #tpu.memory_space<vmem_shared>>) target_semaphore(%run_scoped3A : memref<!tpu.dma_semaphore, #tpu.memory_space<semaphore_mem>>)
      %dma_wait3A_187 = arith.constant 0 : i32
      %dma_wait3A_188 = arith.constant 0 : i32
      %dma_wait3A_189 = tpu.memref_slice %arg13[%dma_wait3A_187, %dma_wait3A_188] : memref<128x128xf32, #tpu.memory_space<vmem>> -> memref<128x128xf32, #tpu.memory_space<vmem>>
      %dma_wait3A_190 = arith.constant 0 : i32
      %dma_wait3A_191 = tpu.memref_slice %arg7[%add3A_10, %dma_wait3A_190] : memref<5120x128xf32, #tpu.memory_space<vmem_shared>> -> memref<128x128xf32, #tpu.memory_space<vmem_shared>>
      %dma_wait3A_192 = arith.constant 0 : i32
      %dma_wait3A_193 = tpu.memref_slice %arg7[%add3A_10, %dma_wait3A_192] : memref<5120x128xf32, #tpu.memory_space<vmem_shared>> -> memref<128x128xf32, #tpu.memory_space<vmem_shared>>
      %dma_wait3A_194 = arith.constant 0 : i32
      %dma_wait3A_195 = arith.constant 0 : i32
      %dma_wait3A_196 = tpu.memref_slice %arg13[%dma_wait3A_194, %dma_wait3A_195] : memref<128x128xf32, #tpu.memory_space<vmem>> -> memref<128x128xf32, #tpu.memory_space<vmem>>
      tpu.wait_dma2 semaphore(%run_scoped3A : memref<!tpu.dma_semaphore, #tpu.memory_space<semaphore_mem>>) src(%dma_wait3A_196 : memref<128x128xf32, #tpu.memory_space<vmem>>) dst(%dma_wait3A_193 : memref<128x128xf32, #tpu.memory_space<vmem_shared>>)
      tpu.yield
    }) : () -> ()
    %mul3A_11 = arith.constant 320 : i32
    %mul3A_12 = arith.muli %arg1, %mul3A_11 : i32
    %add3A_13 = arith.constant 128 : i32
    %add3A_14 = arith.addi %mul3A_12, %add3A_13 : i32
    "tpu.region"() ({
      %run_scoped3A = tpu.sem_alloc : memref<!tpu.dma_semaphore, #tpu.memory_space<semaphore_mem>>
      %dma_start3A_177 = arith.constant 0 : i32
      %dma_start3A_178 = arith.constant 0 : i32
      %dma_start3A_179 = tpu.memref_slice %arg13[%dma_start3A_177, %dma_start3A_178] : memref<128x128xf32, #tpu.memory_space<vmem>> -> memref<128x128xf32, #tpu.memory_space<vmem>>
      %dma_start3A_180 = arith.constant 0 : i32
      %dma_start3A_181 = tpu.memref_slice %arg7[%add3A_14, %dma_start3A_180] : memref<5120x128xf32, #tpu.memory_space<vmem_shared>> -> memref<128x128xf32, #tpu.memory_space<vmem_shared>>
      %dma_start3A_182 = arith.constant 0 : i32
      %dma_start3A_183 = tpu.memref_slice %arg7[%add3A_14, %dma_start3A_182] : memref<5120x128xf32, #tpu.memory_space<vmem_shared>> -> memref<128x128xf32, #tpu.memory_space<vmem_shared>>
      %dma_start3A_184 = arith.constant 0 : i32
      %dma_start3A_185 = arith.constant 0 : i32
      %dma_start3A_186 = tpu.memref_slice %arg13[%dma_start3A_184, %dma_start3A_185] : memref<128x128xf32, #tpu.memory_space<vmem>> -> memref<128x128xf32, #tpu.memory_space<vmem>>
      tpu.enqueue_dma source(%dma_start3A_186 : memref<128x128xf32, #tpu.memory_space<vmem>>) target(%dma_start3A_183 : memref<128x128xf32, #tpu.memory_space<vmem_shared>>) target_semaphore(%run_scoped3A : memref<!tpu.dma_semaphore, #tpu.memory_space<semaphore_mem>>)
      %dma_wait3A_187 = arith.constant 0 : i32
      %dma_wait3A_188 = arith.constant 0 : i32
      %dma_wait3A_189 = tpu.memref_slice %arg13[%dma_wait3A_187, %dma_wait3A_188] : memref<128x128xf32, #tpu.memory_space<vmem>> -> memref<128x128xf32, #tpu.memory_space<vmem>>
      %dma_wait3A_190 = arith.constant 0 : i32
      %dma_wait3A_191 = tpu.memref_slice %arg7[%add3A_14, %dma_wait3A_190] : memref<5120x128xf32, #tpu.memory_space<vmem_shared>> -> memref<128x128xf32, #tpu.memory_space<vmem_shared>>
      %dma_wait3A_192 = arith.constant 0 : i32
      %dma_wait3A_193 = tpu.memref_slice %arg7[%add3A_14, %dma_wait3A_192] : memref<5120x128xf32, #tpu.memory_space<vmem_shared>> -> memref<128x128xf32, #tpu.memory_space<vmem_shared>>
      %dma_wait3A_194 = arith.constant 0 : i32
      %dma_wait3A_195 = arith.constant 0 : i32
      %dma_wait3A_196 = tpu.memref_slice %arg13[%dma_wait3A_194, %dma_wait3A_195] : memref<128x128xf32, #tpu.memory_space<vmem>> -> memref<128x128xf32, #tpu.memory_space<vmem>>
      tpu.wait_dma2 semaphore(%run_scoped3A : memref<!tpu.dma_semaphore, #tpu.memory_space<semaphore_mem>>) src(%dma_wait3A_196 : memref<128x128xf32, #tpu.memory_space<vmem>>) dst(%dma_wait3A_193 : memref<128x128xf32, #tpu.memory_space<vmem_shared>>)
      tpu.yield
    }) : () -> ()
    %mul3A_15 = arith.constant 320 : i32
    %mul3A_16 = arith.muli %arg1, %mul3A_15 : i32
    %add3A_17 = arith.constant 256 : i32
    %add3A_18 = arith.addi %mul3A_16, %add3A_17 : i32
    "tpu.region"() ({
      %run_scoped3A = tpu.sem_alloc : memref<!tpu.dma_semaphore, #tpu.memory_space<semaphore_mem>>
      %dma_start3A_177 = arith.constant 0 : i32
      %dma_start3A_178 = arith.constant 0 : i32
      %dma_start3A_179 = tpu.memref_slice %arg13[%dma_start3A_177, %dma_start3A_178] : memref<128x128xf32, #tpu.memory_space<vmem>> -> memref<64x128xf32, #tpu.memory_space<vmem>>
      %dma_start3A_180 = arith.constant 0 : i32
      %dma_start3A_181 = tpu.memref_slice %arg7[%add3A_18, %dma_start3A_180] : memref<5120x128xf32, #tpu.memory_space<vmem_shared>> -> memref<64x128xf32, #tpu.memory_space<vmem_shared>>
      %dma_start3A_182 = arith.constant 0 : i32
      %dma_start3A_183 = tpu.memref_slice %arg7[%add3A_18, %dma_start3A_182] : memref<5120x128xf32, #tpu.memory_space<vmem_shared>> -> memref<64x128xf32, #tpu.memory_space<vmem_shared>>
      %dma_start3A_184 = arith.constant 0 : i32
      %dma_start3A_185 = arith.constant 0 : i32
      %dma_start3A_186 = tpu.memref_slice %arg13[%dma_start3A_184, %dma_start3A_185] : memref<128x128xf32, #tpu.memory_space<vmem>> -> memref<64x128xf32, #tpu.memory_space<vmem>>
      tpu.enqueue_dma source(%dma_start3A_186 : memref<64x128xf32, #tpu.memory_space<vmem>>) target(%dma_start3A_183 : memref<64x128xf32, #tpu.memory_space<vmem_shared>>) target_semaphore(%run_scoped3A : memref<!tpu.dma_semaphore, #tpu.memory_space<semaphore_mem>>)
      %dma_wait3A_187 = arith.constant 0 : i32
      %dma_wait3A_188 = arith.constant 0 : i32
      %dma_wait3A_189 = tpu.memref_slice %arg13[%dma_wait3A_187, %dma_wait3A_188] : memref<128x128xf32, #tpu.memory_space<vmem>> -> memref<64x128xf32, #tpu.memory_space<vmem>>
      %dma_wait3A_190 = arith.constant 0 : i32
      %dma_wait3A_191 = tpu.memref_slice %arg7[%add3A_18, %dma_wait3A_190] : memref<5120x128xf32, #tpu.memory_space<vmem_shared>> -> memref<64x128xf32, #tpu.memory_space<vmem_shared>>
      %dma_wait3A_192 = arith.constant 0 : i32
      %dma_wait3A_193 = tpu.memref_slice %arg7[%add3A_18, %dma_wait3A_192] : memref<5120x128xf32, #tpu.memory_space<vmem_shared>> -> memref<64x128xf32, #tpu.memory_space<vmem_shared>>
      %dma_wait3A_194 = arith.constant 0 : i32
      %dma_wait3A_195 = arith.constant 0 : i32
      %dma_wait3A_196 = tpu.memref_slice %arg13[%dma_wait3A_194, %dma_wait3A_195] : memref<128x128xf32, #tpu.memory_space<vmem>> -> memref<64x128xf32, #tpu.memory_space<vmem>>
      tpu.wait_dma2 semaphore(%run_scoped3A : memref<!tpu.dma_semaphore, #tpu.memory_space<semaphore_mem>>) src(%dma_wait3A_196 : memref<64x128xf32, #tpu.memory_space<vmem>>) dst(%dma_wait3A_193 : memref<64x128xf32, #tpu.memory_space<vmem_shared>>)
      tpu.yield
    }) : () -> ()
    %barrier3A = arith.constant 0 : index
    tpu.barrier barrier_id(%barrier3A)
    %scan3A = arith.constant 0 : i32
    %scan3A_19 = arith.constant 0 : i32
    %scan3A_20 = arith.constant 5 : i32
    %scan3A_21 = arith.addi %scan3A_19, %scan3A_20 : i32
    %scan3A_22 = arith.constant 1 : i32
    %scan3A_23 = scf.for %scan3A_177 = %scan3A_19 to %scan3A_21 step %scan3A_22 iter_args(%scan3A_178 = %scan3A) -> (i32)  : i32 {
      %mul3A_179 = arith.constant 20480 : i32
      %mul3A_180 = arith.muli %arg1, %mul3A_179 : i32
      %mul3A_181 = arith.constant 4096 : i32
      %mul3A_182 = arith.muli %scan3A_177, %mul3A_181 : i32
      %add3A_183 = arith.addi %mul3A_180, %mul3A_182 : i32
      "tpu.region"() ({
        %run_scoped3A = tpu.sem_alloc : memref<!tpu.dma_semaphore, #tpu.memory_space<semaphore_mem>>
        %dma_start3A_190 = tpu.memref_slice %arg4[%add3A_183] : memref<327680xi32, #tpu.memory_space<hbm>> -> memref<4096xi32, #tpu.memory_space<hbm>>
        %dma_start3A_191 = tpu.memref_slice %arg4[%add3A_183] : memref<327680xi32, #tpu.memory_space<hbm>> -> memref<4096xi32, #tpu.memory_space<hbm>>
        tpu.enqueue_dma source(%dma_start3A_191 : memref<4096xi32, #tpu.memory_space<hbm>>) target(%arg8 : memref<4096xi32, #tpu.memory_space<vmem>>) target_semaphore(%run_scoped3A : memref<!tpu.dma_semaphore, #tpu.memory_space<semaphore_mem>>)
        %dma_wait3A_192 = tpu.memref_slice %arg4[%add3A_183] : memref<327680xi32, #tpu.memory_space<hbm>> -> memref<4096xi32, #tpu.memory_space<hbm>>
        %dma_wait3A_193 = tpu.memref_slice %arg4[%add3A_183] : memref<327680xi32, #tpu.memory_space<hbm>> -> memref<4096xi32, #tpu.memory_space<hbm>>
        tpu.wait_dma2 semaphore(%run_scoped3A : memref<!tpu.dma_semaphore, #tpu.memory_space<semaphore_mem>>) src(%dma_wait3A_193 : memref<4096xi32, #tpu.memory_space<hbm>>) dst(%arg8 : memref<4096xi32, #tpu.memory_space<vmem>>)
        tpu.yield
      }) : () -> ()
      "tpu.region"() ({
        %run_scoped3A = tpu.sem_alloc : memref<!tpu.dma_semaphore, #tpu.memory_space<semaphore_mem>>
        %dma_start3A_190 = tpu.memref_slice %arg3[%add3A_183] : memref<327680xi32, #tpu.memory_space<hbm>> -> memref<4096xi32, #tpu.memory_space<hbm>>
        %dma_start3A_191 = tpu.memref_slice %arg3[%add3A_183] : memref<327680xi32, #tpu.memory_space<hbm>> -> memref<4096xi32, #tpu.memory_space<hbm>>
        tpu.enqueue_dma source(%dma_start3A_191 : memref<4096xi32, #tpu.memory_space<hbm>>) target(%arg9 : memref<4096xi32, #tpu.memory_space<vmem>>) target_semaphore(%run_scoped3A : memref<!tpu.dma_semaphore, #tpu.memory_space<semaphore_mem>>)
        %dma_wait3A_192 = tpu.memref_slice %arg3[%add3A_183] : memref<327680xi32, #tpu.memory_space<hbm>> -> memref<4096xi32, #tpu.memory_space<hbm>>
        %dma_wait3A_193 = tpu.memref_slice %arg3[%add3A_183] : memref<327680xi32, #tpu.memory_space<hbm>> -> memref<4096xi32, #tpu.memory_space<hbm>>
        tpu.wait_dma2 semaphore(%run_scoped3A : memref<!tpu.dma_semaphore, #tpu.memory_space<semaphore_mem>>) src(%dma_wait3A_193 : memref<4096xi32, #tpu.memory_space<hbm>>) dst(%arg9 : memref<4096xi32, #tpu.memory_space<vmem>>)
        tpu.yield
      }) : () -> ()
      %scan3A_184 = arith.constant 0 : i32
      %scan3A_185 = arith.constant 256 : i32
      %scan3A_186 = arith.addi %scan3A_184, %scan3A_185 : i32
      %scan3A_187 = arith.constant 1 : i32
      %scan3A_188 = scf.for %scan3A_190 = %scan3A_184 to %scan3A_186 step %scan3A_187 iter_args(%scan3A_191 = %scan3A_178) -> (i32)  : i32 {
        %mul3A_192 = arith.constant 16 : i32
        %mul3A_193 = arith.muli %scan3A_190, %mul3A_192 : i32
        %get3A = arith.index_cast %mul3A_193 : i32 to index
        %get3A_194 = tpu.vector_load %arg8[%get3A] {strides = array<i32>} : memref<4096xi32, #tpu.memory_space<vmem>>, vector<16xi32>,
        %sub3A_195 = vector.broadcast %mul3A_6 : i32 to vector<16xi32>
        %sub3A_196 = arith.subi %get3A_194, %sub3A_195 : vector<16xi32>
        %ge3A = arith.constant 0 : i32
        %ge3A_197 = vector.broadcast %ge3A : i32 to vector<16xi32>
        %ge3A_198 = arith.cmpi sge, %sub3A_196, %ge3A_197 : vector<16xi32>
        %lt3A_199 = arith.constant 5000 : i32
        %lt3A_200 = vector.broadcast %lt3A_199 : i32 to vector<16xi32>
        %lt3A_201 = arith.cmpi slt, %sub3A_196, %lt3A_200 : vector<16xi32>
        %and3A_202 = arith.andi %ge3A_198, %lt3A_201 : vector<16xi1>
        %jit3A_203 = arith.constant 1 : i32
        %jit3A_204 = arith.constant 0 : i32
        %broadcast_in_dim3A_205 = vector.broadcast %jit3A_203 : i32 to vector<16xi32>
        %broadcast_in_dim3A_206 = vector.broadcast %jit3A_204 : i32 to vector<16xi32>
        %select_n3A_207 = arith.select %and3A_202, %broadcast_in_dim3A_205, %broadcast_in_dim3A_206 : vector<16xi1>, vector<16xi32>
        %broadcast_in_dim3A_208 = arith.constant true
        %broadcast_in_dim3A_209 = vector.broadcast %broadcast_in_dim3A_208 : i1 to vector<16xi1>
        %masked_cumsum3A = tpu.scan <sum>, %select_n3A_207 masked %broadcast_in_dim3A_209 : vector<16xi32>, vector<16xi1> -> vector<16xi32>
        %add3A_210 = vector.broadcast %scan3A_191 : i32 to vector<16xi32>
        %add3A_211 = arith.addi %add3A_210, %masked_cumsum3A : vector<16xi32>
        %sub3A_212 = arith.constant 1 : i32
        %sub3A_213 = vector.broadcast %sub3A_212 : i32 to vector<16xi32>
        %sub3A_214 = arith.subi %add3A_211, %sub3A_213 : vector<16xi32>
        tpu.vector_store_idx %arg11[%sub3A_214], %sub3A_196 masked %and3A_202 : memref<20608xi32, #tpu.memory_space<vmem>>[vector<16xi32>], vector<16xi32>, vector<16xi1>
        %mul3A_215 = arith.constant 16 : i32
        %mul3A_216 = arith.muli %scan3A_190, %mul3A_215 : i32
        %get3A_217 = arith.index_cast %mul3A_216 : i32 to index
        %get3A_218 = tpu.vector_load %arg9[%get3A_217] {strides = array<i32>} : memref<4096xi32, #tpu.memory_space<vmem>>, vector<16xi32>,
        tpu.vector_store_idx %arg10[%sub3A_214], %get3A_218 masked %and3A_202 : memref<20608xi32, #tpu.memory_space<vmem>>[vector<16xi32>], vector<16xi32>, vector<16xi1>
        %reduce_sum3A = arith.constant true
        %reduce_sum3A_219 = vector.broadcast %reduce_sum3A : i1 to vector<16xi1>
        %reduce_sum3A_220 = tpu.scan <sum>, %select_n3A_207 masked %reduce_sum3A_219 : vector<16xi32>, vector<16xi1> -> vector<16xi32>
        %reduce_sum3A_221 = vector.extract %reduce_sum3A_220[15] : i32 from vector<16xi32>
        %add3A_222 = arith.addi %scan3A_191, %reduce_sum3A_221 : i32
        scf.yield %add3A_222 : i32
      }
      %scan3A_189 = arith.constant 256 : i32
      scf.yield %scan3A_188 : i32
    }
    %scan3A_24 = arith.constant 5 : i32
    %add3A_25 = arith.constant 0 : i32
    %add3A_26 = arith.addi %scan3A_23, %add3A_25 : i32
    %add3A_27 = vector.broadcast %add3A_26 : i32 to vector<16xi32>
    %add3A_28 = arith.addi %add3A_27, %iota3A : vector<16xi32>
    tpu.vector_store_idx %arg11[%add3A_28], %add3A_1 : memref<20608xi32, #tpu.memory_space<vmem>>[vector<16xi32>], vector<16xi32>,
    tpu.vector_store_idx %arg10[%add3A_28], %iota3A : memref<20608xi32, #tpu.memory_space<vmem>>[vector<16xi32>], vector<16xi32>,
    %add3A_29 = arith.constant 16 : i32
    %add3A_30 = arith.addi %scan3A_23, %add3A_29 : i32
    %add3A_31 = vector.broadcast %add3A_30 : i32 to vector<16xi32>
    %add3A_32 = arith.addi %add3A_31, %iota3A : vector<16xi32>
    tpu.vector_store_idx %arg11[%add3A_32], %add3A_1 : memref<20608xi32, #tpu.memory_space<vmem>>[vector<16xi32>], vector<16xi32>,
    tpu.vector_store_idx %arg10[%add3A_32], %iota3A : memref<20608xi32, #tpu.memory_space<vmem>>[vector<16xi32>], vector<16xi32>,
    %add3A_33 = arith.constant 32 : i32
    %add3A_34 = arith.addi %scan3A_23, %add3A_33 : i32
    %add3A_35 = vector.broadcast %add3A_34 : i32 to vector<16xi32>
    %add3A_36 = arith.addi %add3A_35, %iota3A : vector<16xi32>
    tpu.vector_store_idx %arg11[%add3A_36], %add3A_1 : memref<20608xi32, #tpu.memory_space<vmem>>[vector<16xi32>], vector<16xi32>,
    tpu.vector_store_idx %arg10[%add3A_36], %iota3A : memref<20608xi32, #tpu.memory_space<vmem>>[vector<16xi32>], vector<16xi32>,
    %add3A_37 = arith.constant 48 : i32
    %add3A_38 = arith.addi %scan3A_23, %add3A_37 : i32
    %add3A_39 = vector.broadcast %add3A_38 : i32 to vector<16xi32>
    %add3A_40 = arith.addi %add3A_39, %iota3A : vector<16xi32>
    tpu.vector_store_idx %arg11[%add3A_40], %add3A_1 : memref<20608xi32, #tpu.memory_space<vmem>>[vector<16xi32>], vector<16xi32>,
    tpu.vector_store_idx %arg10[%add3A_40], %iota3A : memref<20608xi32, #tpu.memory_space<vmem>>[vector<16xi32>], vector<16xi32>,
    %add3A_41 = arith.constant 64 : i32
    %add3A_42 = arith.addi %scan3A_23, %add3A_41 : i32
    %add3A_43 = vector.broadcast %add3A_42 : i32 to vector<16xi32>
    %add3A_44 = arith.addi %add3A_43, %iota3A : vector<16xi32>
    tpu.vector_store_idx %arg11[%add3A_44], %add3A_1 : memref<20608xi32, #tpu.memory_space<vmem>>[vector<16xi32>], vector<16xi32>,
    tpu.vector_store_idx %arg10[%add3A_44], %iota3A : memref<20608xi32, #tpu.memory_space<vmem>>[vector<16xi32>], vector<16xi32>,
    %add3A_45 = arith.constant 80 : i32
    %add3A_46 = arith.addi %scan3A_23, %add3A_45 : i32
    %add3A_47 = vector.broadcast %add3A_46 : i32 to vector<16xi32>
    %add3A_48 = arith.addi %add3A_47, %iota3A : vector<16xi32>
    tpu.vector_store_idx %arg11[%add3A_48], %add3A_1 : memref<20608xi32, #tpu.memory_space<vmem>>[vector<16xi32>], vector<16xi32>,
    tpu.vector_store_idx %arg10[%add3A_48], %iota3A : memref<20608xi32, #tpu.memory_space<vmem>>[vector<16xi32>], vector<16xi32>,
    %add3A_49 = arith.constant 96 : i32
    %add3A_50 = arith.addi %scan3A_23, %add3A_49 : i32
    %add3A_51 = vector.broadcast %add3A_50 : i32 to vector<16xi32>
    %add3A_52 = arith.addi %add3A_51, %iota3A : vector<16xi32>
    tpu.vector_store_idx %arg11[%add3A_52], %add3A_1 : memref<20608xi32, #tpu.memory_space<vmem>>[vector<16xi32>], vector<16xi32>,
    tpu.vector_store_idx %arg10[%add3A_52], %iota3A : memref<20608xi32, #tpu.memory_space<vmem>>[vector<16xi32>], vector<16xi32>,
    %add3A_53 = arith.constant 112 : i32
    %add3A_54 = arith.addi %scan3A_23, %add3A_53 : i32
    %add3A_55 = vector.broadcast %add3A_54 : i32 to vector<16xi32>
    %add3A_56 = arith.addi %add3A_55, %iota3A : vector<16xi32>
    tpu.vector_store_idx %arg11[%add3A_56], %add3A_1 : memref<20608xi32, #tpu.memory_space<vmem>>[vector<16xi32>], vector<16xi32>,
    tpu.vector_store_idx %arg10[%add3A_56], %iota3A : memref<20608xi32, #tpu.memory_space<vmem>>[vector<16xi32>], vector<16xi32>,
    %add3A_57 = arith.constant 128 : i32
    %add3A_58 = arith.addi %scan3A_23, %add3A_57 : i32
    %sub3A = arith.constant 1 : i32
    %sub3A_59 = arith.subi %add3A_58, %sub3A : i32
    %jit3A = arith.constant 128 : i32
    %div3A = arith.divsi %sub3A_59, %jit3A : i32
    %sign3A = arith.constant 0 : i32
    %sign3A_60 = arith.cmpi sgt, %sub3A_59, %sign3A : i32
    %sign3A_61 = arith.extui %sign3A_60 : i1 to i32
    %sign3A_62 = arith.constant 0 : i32
    %sign3A_63 = arith.cmpi slt, %sub3A_59, %sign3A_62 : i32
    %sign3A_64 = arith.extui %sign3A_63 : i1 to i32
    %sign3A_65 = arith.subi %sign3A_61, %sign3A_64 : i32
    %sign3A_66 = arith.constant 0 : i32
    %sign3A_67 = arith.cmpi sgt, %jit3A, %sign3A_66 : i32
    %sign3A_68 = arith.extui %sign3A_67 : i1 to i32
    %sign3A_69 = arith.constant 0 : i32
    %sign3A_70 = arith.cmpi slt, %jit3A, %sign3A_69 : i32
    %sign3A_71 = arith.extui %sign3A_70 : i1 to i32
    %sign3A_72 = arith.subi %sign3A_68, %sign3A_71 : i32
    %ne3A = arith.cmpi ne, %sign3A_65, %sign3A_72 : i32
    %rem3A = arith.remsi %sub3A_59, %jit3A : i32
    %ne3A_73 = arith.constant 0 : i32
    %ne3A_74 = arith.cmpi ne, %rem3A, %ne3A_73 : i32
    %and3A = arith.andi %ne3A, %ne3A_74 : i1
    %sub3A_75 = arith.constant 1 : i32
    %sub3A_76 = arith.subi %div3A, %sub3A_75 : i32
    %select_n3A = arith.select %and3A, %sub3A_76, %div3A : i32
    %sub3A_77 = arith.constant 1 : i32
    %sub3A_78 = arith.subi %select_n3A, %sub3A_77 : i32
    %max3A = arith.constant 0 : i32
    %max3A_79 = arith.maxsi %sub3A_78, %max3A : i32
    %min3A = arith.constant 0 : i32
    %min3A_80 = arith.minsi %min3A, %max3A_79 : i32
    %mul3A_81 = arith.constant 128 : i32
    %mul3A_82 = arith.muli %min3A_80, %mul3A_81 : i32
    %dma_start3A = tpu.memref_slice %arg10[%mul3A_82] : memref<20608xi32, #tpu.memory_space<vmem>> -> memref<128xi32, #tpu.memory_space<vmem>>
    %dma_start3A_83 = arith.constant 0 : i32
    %dma_start3A_84 = arith.constant 0 : i32
    %dma_start3A_85 = tpu.memref_slice %arg2[%dma_start3A_83, %dma_start3A_84] : memref<20000x128xf32, #tpu.memory_space<hbm>> -> memref<20000x128xf32, #tpu.memory_space<hbm>>
    tpu.enqueue_indirect_dma source(%dma_start3A_85 : memref<20000x128xf32, #tpu.memory_space<hbm>>) target(%arg12 : memref<128x128xf32, #tpu.memory_space<vmem>>) offsets(%dma_start3A : memref<128xi32, #tpu.memory_space<vmem>>) semaphore(%arg14 : memref<!tpu.dma_semaphore, #tpu.memory_space<semaphore_mem>>)
    %jit3A_86 = arith.constant 2 : i32
    %div3A_87 = arith.divsi %select_n3A, %jit3A_86 : i32
    %sign3A_88 = arith.constant 0 : i32
    %sign3A_89 = arith.cmpi sgt, %select_n3A, %sign3A_88 : i32
    %sign3A_90 = arith.extui %sign3A_89 : i1 to i32
    %sign3A_91 = arith.constant 0 : i32
    %sign3A_92 = arith.cmpi slt, %select_n3A, %sign3A_91 : i32
    %sign3A_93 = arith.extui %sign3A_92 : i1 to i32
    %sign3A_94 = arith.subi %sign3A_90, %sign3A_93 : i32
    %sign3A_95 = arith.constant 0 : i32
    %sign3A_96 = arith.cmpi sgt, %jit3A_86, %sign3A_95 : i32
    %sign3A_97 = arith.extui %sign3A_96 : i1 to i32
    %sign3A_98 = arith.constant 0 : i32
    %sign3A_99 = arith.cmpi slt, %jit3A_86, %sign3A_98 : i32
    %sign3A_100 = arith.extui %sign3A_99 : i1 to i32
    %sign3A_101 = arith.subi %sign3A_97, %sign3A_100 : i32
    %ne3A_102 = arith.cmpi ne, %sign3A_94, %sign3A_101 : i32
    %rem3A_103 = arith.remsi %select_n3A, %jit3A_86 : i32
    %ne3A_104 = arith.constant 0 : i32
    %ne3A_105 = arith.cmpi ne, %rem3A_103, %ne3A_104 : i32
    %and3A_106 = arith.andi %ne3A_102, %ne3A_105 : i1
    %sub3A_107 = arith.constant 1 : i32
    %sub3A_108 = arith.subi %div3A_87, %sub3A_107 : i32
    %select_n3A_109 = arith.select %and3A_106, %sub3A_108, %div3A_87 : i32
    %while3A = arith.constant 0 : i32
    %while3A_110 = arith.constant 0 : i32
    %while3A_111 = arith.subi %select_n3A_109, %while3A_110 : i32
    %while3A_112 = arith.addi %while3A_110, %while3A_111 : i32
    %while3A_113 = arith.constant 1 : i32
    %while3A_114 = arith.divsi %while3A_111, %while3A_113 : i32
    %while3A_115 = arith.muli %while3A_114, %while3A_113 : i32
    %while3A_116 = arith.addi %while3A_110, %while3A_115 : i32
    %while3A_117 = arith.constant 1 : i32
    scf.for %while3A_177 = %while3A_110 to %while3A_116 step %while3A_117  : i32 {
      %mul3A_178 = arith.constant 2 : i32
      %mul3A_179 = arith.muli %while3A_177, %mul3A_178 : i32
      %dma_wait3A_180 = arith.constant 0 : i32
      %dma_wait3A_181 = tpu.memref_slice %arg10[%dma_wait3A_180] : memref<20608xi32, #tpu.memory_space<vmem>> -> memref<128xi32, #tpu.memory_space<vmem>>
      %dma_wait3A_182 = arith.constant 0 : i32
      %dma_wait3A_183 = arith.constant 0 : i32
      %dma_wait3A_184 = tpu.memref_slice %arg2[%dma_wait3A_182, %dma_wait3A_183] : memref<20000x128xf32, #tpu.memory_space<hbm>> -> memref<20000x128xf32, #tpu.memory_space<hbm>>
      tpu.wait_indirect_dma semaphore(%arg14 : memref<!tpu.dma_semaphore, #tpu.memory_space<semaphore_mem>>) src(%dma_wait3A_184 : memref<20000x128xf32, #tpu.memory_space<hbm>>) dst(%arg12 : memref<128x128xf32, #tpu.memory_space<vmem>>)
      %add3A_185 = arith.constant 1 : i32
      %add3A_186 = arith.addi %mul3A_179, %add3A_185 : i32
      %min3A_187 = arith.minsi %add3A_186, %max3A_79 : i32
      %mul3A_188 = arith.constant 128 : i32
      %mul3A_189 = arith.muli %min3A_187, %mul3A_188 : i32
      %dma_start3A_190 = tpu.memref_slice %arg10[%mul3A_189] : memref<20608xi32, #tpu.memory_space<vmem>> -> memref<128xi32, #tpu.memory_space<vmem>>
      %dma_start3A_191 = arith.constant 0 : i32
      %dma_start3A_192 = arith.constant 0 : i32
      %dma_start3A_193 = tpu.memref_slice %arg2[%dma_start3A_191, %dma_start3A_192] : memref<20000x128xf32, #tpu.memory_space<hbm>> -> memref<20000x128xf32, #tpu.memory_space<hbm>>
      tpu.enqueue_indirect_dma source(%dma_start3A_193 : memref<20000x128xf32, #tpu.memory_space<hbm>>) target(%arg13 : memref<128x128xf32, #tpu.memory_space<vmem>>) offsets(%dma_start3A_190 : memref<128xi32, #tpu.memory_space<vmem>>) semaphore(%arg15 : memref<!tpu.dma_semaphore, #tpu.memory_space<semaphore_mem>>)
      %mul3A_194 = arith.constant 128 : i32
      %mul3A_195 = arith.muli %mul3A_179, %mul3A_194 : i32
      "tpu.region"() ({
        %run_scoped3A = tpu.sem_alloc : memref<!tpu.dma_semaphore, #tpu.memory_space<semaphore_mem>>
        %dma_start3A_214 = tpu.memref_slice %arg11[%mul3A_195] : memref<20608xi32, #tpu.memory_space<vmem>> -> memref<128xi32, #tpu.memory_space<vmem>>
        %dma_start3A_215 = arith.constant 0 : i32
        %dma_start3A_216 = arith.constant 0 : i32
        %dma_start3A_217 = tpu.memref_slice %arg7[%dma_start3A_215, %dma_start3A_216] : memref<5120x128xf32, #tpu.memory_space<vmem_shared>> -> memref<5120x128xf32, #tpu.memory_space<vmem_shared>>
        tpu.enqueue_indirect_dma source(%arg12 : memref<128x128xf32, #tpu.memory_space<vmem>>) target(%dma_start3A_217 : memref<5120x128xf32, #tpu.memory_space<vmem_shared>>) offsets(%dma_start3A_214 : memref<128xi32, #tpu.memory_space<vmem>>) semaphore(%run_scoped3A : memref<!tpu.dma_semaphore, #tpu.memory_space<semaphore_mem>>) {add = true}
        %dma_wait3A_218 = tpu.memref_slice %arg11[%mul3A_195] : memref<20608xi32, #tpu.memory_space<vmem>> -> memref<128xi32, #tpu.memory_space<vmem>>
        %dma_wait3A_219 = arith.constant 0 : i32
        %dma_wait3A_220 = arith.constant 0 : i32
        %dma_wait3A_221 = tpu.memref_slice %arg7[%dma_wait3A_219, %dma_wait3A_220] : memref<5120x128xf32, #tpu.memory_space<vmem_shared>> -> memref<5120x128xf32, #tpu.memory_space<vmem_shared>>
        tpu.wait_indirect_dma semaphore(%run_scoped3A : memref<!tpu.dma_semaphore, #tpu.memory_space<semaphore_mem>>) src(%arg12 : memref<128x128xf32, #tpu.memory_space<vmem>>) dst(%dma_wait3A_221 : memref<5120x128xf32, #tpu.memory_space<vmem_shared>>)
        tpu.yield
      }) : () -> ()
      %dma_wait3A_196 = arith.constant 0 : i32
      %dma_wait3A_197 = tpu.memref_slice %arg10[%dma_wait3A_196] : memref<20608xi32, #tpu.memory_space<vmem>> -> memref<128xi32, #tpu.memory_space<vmem>>
      %dma_wait3A_198 = arith.constant 0 : i32
      %dma_wait3A_199 = arith.constant 0 : i32
      %dma_wait3A_200 = tpu.memref_slice %arg2[%dma_wait3A_198, %dma_wait3A_199] : memref<20000x128xf32, #tpu.memory_space<hbm>> -> memref<20000x128xf32, #tpu.memory_space<hbm>>
      tpu.wait_indirect_dma semaphore(%arg15 : memref<!tpu.dma_semaphore, #tpu.memory_space<semaphore_mem>>) src(%dma_wait3A_200 : memref<20000x128xf32, #tpu.memory_space<hbm>>) dst(%arg13 : memref<128x128xf32, #tpu.memory_space<vmem>>)
      %add3A_201 = arith.constant 2 : i32
      %add3A_202 = arith.addi %mul3A_179, %add3A_201 : i32
      %min3A_203 = arith.minsi %add3A_202, %max3A_79 : i32
      %mul3A_204 = arith.constant 128 : i32
      %mul3A_205 = arith.muli %min3A_203, %mul3A_204 : i32
      %dma_start3A_206 = tpu.memref_slice %arg10[%mul3A_205] : memref<20608xi32, #tpu.memory_space<vmem>> -> memref<128xi32, #tpu.memory_space<vmem>>
      %dma_start3A_207 = arith.constant 0 : i32
      %dma_start3A_208 = arith.constant 0 : i32
      %dma_start3A_209 = tpu.memref_slice %arg2[%dma_start3A_207, %dma_start3A_208] : memref<20000x128xf32, #tpu.memory_space<hbm>> -> memref<20000x128xf32, #tpu.memory_space<hbm>>
      tpu.enqueue_indirect_dma source(%dma_start3A_209 : memref<20000x128xf32, #tpu.memory_space<hbm>>) target(%arg12 : memref<128x128xf32, #tpu.memory_space<vmem>>) offsets(%dma_start3A_206 : memref<128xi32, #tpu.memory_space<vmem>>) semaphore(%arg14 : memref<!tpu.dma_semaphore, #tpu.memory_space<semaphore_mem>>)
      %add3A_210 = arith.constant 1 : i32
      %add3A_211 = arith.addi %mul3A_179, %add3A_210 : i32
      %mul3A_212 = arith.constant 128 : i32
      %mul3A_213 = arith.muli %add3A_211, %mul3A_212 : i32
      "tpu.region"() ({
        %run_scoped3A = tpu.sem_alloc : memref<!tpu.dma_semaphore, #tpu.memory_space<semaphore_mem>>
        %dma_start3A_214 = tpu.memref_slice %arg11[%mul3A_213] : memref<20608xi32, #tpu.memory_space<vmem>> -> memref<128xi32, #tpu.memory_space<vmem>>
        %dma_start3A_215 = arith.constant 0 : i32
        %dma_start3A_216 = arith.constant 0 : i32
        %dma_start3A_217 = tpu.memref_slice %arg7[%dma_start3A_215, %dma_start3A_216] : memref<5120x128xf32, #tpu.memory_space<vmem_shared>> -> memref<5120x128xf32, #tpu.memory_space<vmem_shared>>
        tpu.enqueue_indirect_dma source(%arg13 : memref<128x128xf32, #tpu.memory_space<vmem>>) target(%dma_start3A_217 : memref<5120x128xf32, #tpu.memory_space<vmem_shared>>) offsets(%dma_start3A_214 : memref<128xi32, #tpu.memory_space<vmem>>) semaphore(%run_scoped3A : memref<!tpu.dma_semaphore, #tpu.memory_space<semaphore_mem>>) {add = true}
        %dma_wait3A_218 = tpu.memref_slice %arg11[%mul3A_213] : memref<20608xi32, #tpu.memory_space<vmem>> -> memref<128xi32, #tpu.memory_space<vmem>>
        %dma_wait3A_219 = arith.constant 0 : i32
        %dma_wait3A_220 = arith.constant 0 : i32
        %dma_wait3A_221 = tpu.memref_slice %arg7[%dma_wait3A_219, %dma_wait3A_220] : memref<5120x128xf32, #tpu.memory_space<vmem_shared>> -> memref<5120x128xf32, #tpu.memory_space<vmem_shared>>
        tpu.wait_indirect_dma semaphore(%run_scoped3A : memref<!tpu.dma_semaphore, #tpu.memory_space<semaphore_mem>>) src(%arg13 : memref<128x128xf32, #tpu.memory_space<vmem>>) dst(%dma_wait3A_221 : memref<5120x128xf32, #tpu.memory_space<vmem_shared>>)
        tpu.yield
      }) : () -> ()
    }
    %while3A_118 = arith.constant 1 : i32
    scf.for %while3A_177 = %while3A_116 to %while3A_112 step %while3A_118  : i32 {
      %mul3A_178 = arith.constant 2 : i32
      %mul3A_179 = arith.muli %while3A_177, %mul3A_178 : i32
      %dma_wait3A_180 = arith.constant 0 : i32
      %dma_wait3A_181 = tpu.memref_slice %arg10[%dma_wait3A_180] : memref<20608xi32, #tpu.memory_space<vmem>> -> memref<128xi32, #tpu.memory_space<vmem>>
      %dma_wait3A_182 = arith.constant 0 : i32
      %dma_wait3A_183 = arith.constant 0 : i32
      %dma_wait3A_184 = tpu.memref_slice %arg2[%dma_wait3A_182, %dma_wait3A_183] : memref<20000x128xf32, #tpu.memory_space<hbm>> -> memref<20000x128xf32, #tpu.memory_space<hbm>>
      tpu.wait_indirect_dma semaphore(%arg14 : memref<!tpu.dma_semaphore, #tpu.memory_space<semaphore_mem>>) src(%dma_wait3A_184 : memref<20000x128xf32, #tpu.memory_space<hbm>>) dst(%arg12 : memref<128x128xf32, #tpu.memory_space<vmem>>)
      %add3A_185 = arith.constant 1 : i32
      %add3A_186 = arith.addi %mul3A_179, %add3A_185 : i32
      %min3A_187 = arith.minsi %add3A_186, %max3A_79 : i32
      %mul3A_188 = arith.constant 128 : i32
      %mul3A_189 = arith.muli %min3A_187, %mul3A_188 : i32
      %dma_start3A_190 = tpu.memref_slice %arg10[%mul3A_189] : memref<20608xi32, #tpu.memory_space<vmem>> -> memref<128xi32, #tpu.memory_space<vmem>>
      %dma_start3A_191 = arith.constant 0 : i32
      %dma_start3A_192 = arith.constant 0 : i32
      %dma_start3A_193 = tpu.memref_slice %arg2[%dma_start3A_191, %dma_start3A_192] : memref<20000x128xf32, #tpu.memory_space<hbm>> -> memref<20000x128xf32, #tpu.memory_space<hbm>>
      tpu.enqueue_indirect_dma source(%dma_start3A_193 : memref<20000x128xf32, #tpu.memory_space<hbm>>) target(%arg13 : memref<128x128xf32, #tpu.memory_space<vmem>>) offsets(%dma_start3A_190 : memref<128xi32, #tpu.memory_space<vmem>>) semaphore(%arg15 : memref<!tpu.dma_semaphore, #tpu.memory_space<semaphore_mem>>)
      %mul3A_194 = arith.constant 128 : i32
      %mul3A_195 = arith.muli %mul3A_179, %mul3A_194 : i32
      "tpu.region"() ({
        %run_scoped3A = tpu.sem_alloc : memref<!tpu.dma_semaphore, #tpu.memory_space<semaphore_mem>>
        %dma_start3A_214 = tpu.memref_slice %arg11[%mul3A_195] : memref<20608xi32, #tpu.memory_space<vmem>> -> memref<128xi32, #tpu.memory_space<vmem>>
        %dma_start3A_215 = arith.constant 0 : i32
        %dma_start3A_216 = arith.constant 0 : i32
        %dma_start3A_217 = tpu.memref_slice %arg7[%dma_start3A_215, %dma_start3A_216] : memref<5120x128xf32, #tpu.memory_space<vmem_shared>> -> memref<5120x128xf32, #tpu.memory_space<vmem_shared>>
        tpu.enqueue_indirect_dma source(%arg12 : memref<128x128xf32, #tpu.memory_space<vmem>>) target(%dma_start3A_217 : memref<5120x128xf32, #tpu.memory_space<vmem_shared>>) offsets(%dma_start3A_214 : memref<128xi32, #tpu.memory_space<vmem>>) semaphore(%run_scoped3A : memref<!tpu.dma_semaphore, #tpu.memory_space<semaphore_mem>>) {add = true}
        %dma_wait3A_218 = tpu.memref_slice %arg11[%mul3A_195] : memref<20608xi32, #tpu.memory_space<vmem>> -> memref<128xi32, #tpu.memory_space<vmem>>
        %dma_wait3A_219 = arith.constant 0 : i32
        %dma_wait3A_220 = arith.constant 0 : i32
        %dma_wait3A_221 = tpu.memref_slice %arg7[%dma_wait3A_219, %dma_wait3A_220] : memref<5120x128xf32, #tpu.memory_space<vmem_shared>> -> memref<5120x128xf32, #tpu.memory_space<vmem_shared>>
        tpu.wait_indirect_dma semaphore(%run_scoped3A : memref<!tpu.dma_semaphore, #tpu.memory_space<semaphore_mem>>) src(%arg12 : memref<128x128xf32, #tpu.memory_space<vmem>>) dst(%dma_wait3A_221 : memref<5120x128xf32, #tpu.memory_space<vmem_shared>>)
        tpu.yield
      }) : () -> ()
      %dma_wait3A_196 = arith.constant 0 : i32
      %dma_wait3A_197 = tpu.memref_slice %arg10[%dma_wait3A_196] : memref<20608xi32, #tpu.memory_space<vmem>> -> memref<128xi32, #tpu.memory_space<vmem>>
      %dma_wait3A_198 = arith.constant 0 : i32
      %dma_wait3A_199 = arith.constant 0 : i32
      %dma_wait3A_200 = tpu.memref_slice %arg2[%dma_wait3A_198, %dma_wait3A_199] : memref<20000x128xf32, #tpu.memory_space<hbm>> -> memref<20000x128xf32, #tpu.memory_space<hbm>>
      tpu.wait_indirect_dma semaphore(%arg15 : memref<!tpu.dma_semaphore, #tpu.memory_space<semaphore_mem>>) src(%dma_wait3A_200 : memref<20000x128xf32, #tpu.memory_space<hbm>>) dst(%arg13 : memref<128x128xf32, #tpu.memory_space<vmem>>)
      %add3A_201 = arith.constant 2 : i32
      %add3A_202 = arith.addi %mul3A_179, %add3A_201 : i32
      %min3A_203 = arith.minsi %add3A_202, %max3A_79 : i32
      %mul3A_204 = arith.constant 128 : i32
      %mul3A_205 = arith.muli %min3A_203, %mul3A_204 : i32
      %dma_start3A_206 = tpu.memref_slice %arg10[%mul3A_205] : memref<20608xi32, #tpu.memory_space<vmem>> -> memref<128xi32, #tpu.memory_space<vmem>>
      %dma_start3A_207 = arith.constant 0 : i32
      %dma_start3A_208 = arith.constant 0 : i32
      %dma_start3A_209 = tpu.memref_slice %arg2[%dma_start3A_207, %dma_start3A_208] : memref<20000x128xf32, #tpu.memory_space<hbm>> -> memref<20000x128xf32, #tpu.memory_space<hbm>>
      tpu.enqueue_indirect_dma source(%dma_start3A_209 : memref<20000x128xf32, #tpu.memory_space<hbm>>) target(%arg12 : memref<128x128xf32, #tpu.memory_space<vmem>>) offsets(%dma_start3A_206 : memref<128xi32, #tpu.memory_space<vmem>>) semaphore(%arg14 : memref<!tpu.dma_semaphore, #tpu.memory_space<semaphore_mem>>)
      %add3A_210 = arith.constant 1 : i32
      %add3A_211 = arith.addi %mul3A_179, %add3A_210 : i32
      %mul3A_212 = arith.constant 128 : i32
      %mul3A_213 = arith.muli %add3A_211, %mul3A_212 : i32
      "tpu.region"() ({
        %run_scoped3A = tpu.sem_alloc : memref<!tpu.dma_semaphore, #tpu.memory_space<semaphore_mem>>
        %dma_start3A_214 = tpu.memref_slice %arg11[%mul3A_213] : memref<20608xi32, #tpu.memory_space<vmem>> -> memref<128xi32, #tpu.memory_space<vmem>>
        %dma_start3A_215 = arith.constant 0 : i32
        %dma_start3A_216 = arith.constant 0 : i32
        %dma_start3A_217 = tpu.memref_slice %arg7[%dma_start3A_215, %dma_start3A_216] : memref<5120x128xf32, #tpu.memory_space<vmem_shared>> -> memref<5120x128xf32, #tpu.memory_space<vmem_shared>>
        tpu.enqueue_indirect_dma source(%arg13 : memref<128x128xf32, #tpu.memory_space<vmem>>) target(%dma_start3A_217 : memref<5120x128xf32, #tpu.memory_space<vmem_shared>>) offsets(%dma_start3A_214 : memref<128xi32, #tpu.memory_space<vmem>>) semaphore(%run_scoped3A : memref<!tpu.dma_semaphore, #tpu.memory_space<semaphore_mem>>) {add = true}
        %dma_wait3A_218 = tpu.memref_slice %arg11[%mul3A_213] : memref<20608xi32, #tpu.memory_space<vmem>> -> memref<128xi32, #tpu.memory_space<vmem>>
        %dma_wait3A_219 = arith.constant 0 : i32
        %dma_wait3A_220 = arith.constant 0 : i32
        %dma_wait3A_221 = tpu.memref_slice %arg7[%dma_wait3A_219, %dma_wait3A_220] : memref<5120x128xf32, #tpu.memory_space<vmem_shared>> -> memref<5120x128xf32, #tpu.memory_space<vmem_shared>>
        tpu.wait_indirect_dma semaphore(%run_scoped3A : memref<!tpu.dma_semaphore, #tpu.memory_space<semaphore_mem>>) src(%arg13 : memref<128x128xf32, #tpu.memory_space<vmem>>) dst(%dma_wait3A_221 : memref<5120x128xf32, #tpu.memory_space<vmem_shared>>)
        tpu.yield
      }) : () -> ()
    }
    %dma_wait3A = arith.constant 0 : i32
    %dma_wait3A_119 = tpu.memref_slice %arg10[%dma_wait3A] : memref<20608xi32, #tpu.memory_space<vmem>> -> memref<128xi32, #tpu.memory_space<vmem>>
    %dma_wait3A_120 = arith.constant 0 : i32
    %dma_wait3A_121 = arith.constant 0 : i32
    %dma_wait3A_122 = tpu.memref_slice %arg2[%dma_wait3A_120, %dma_wait3A_121] : memref<20000x128xf32, #tpu.memory_space<hbm>> -> memref<20000x128xf32, #tpu.memory_space<hbm>>
    tpu.wait_indirect_dma semaphore(%arg14 : memref<!tpu.dma_semaphore, #tpu.memory_space<semaphore_mem>>) src(%dma_wait3A_122 : memref<20000x128xf32, #tpu.memory_space<hbm>>) dst(%arg12 : memref<128x128xf32, #tpu.memory_space<vmem>>)
    %jit3A_123 = arith.constant 2 : i32
    %eq3A = arith.constant 0 : i32
    %eq3A_124 = arith.cmpi eq, %jit3A_123, %eq3A : i32
    %jit3A_125 = arith.constant 1 : i32
    %select_n3A_126 = arith.select %eq3A_124, %jit3A_125, %jit3A_123 : i32
    %rem3A_127 = arith.remsi %select_n3A, %select_n3A_126 : i32
    %ne3A_128 = arith.constant 0 : i32
    %ne3A_129 = arith.cmpi ne, %rem3A_127, %ne3A_128 : i32
    %lt3A = arith.constant 0 : i32
    %lt3A_130 = arith.cmpi slt, %rem3A_127, %lt3A : i32
    %lt3A_131 = arith.constant 0 : i32
    %lt3A_132 = arith.cmpi slt, %select_n3A_126, %lt3A_131 : i32
    %ne3A_133 = arith.xori %lt3A_130, %lt3A_132 : i1
    %and3A_134 = arith.andi %ne3A_133, %ne3A_129 : i1
    %add3A_135 = arith.addi %rem3A_127, %select_n3A_126 : i32
    %select_n3A_136 = arith.select %and3A_134, %add3A_135, %rem3A_127 : i32
    %eq3A_137 = arith.constant 1 : i32
    %eq3A_138 = arith.cmpi eq, %select_n3A_136, %eq3A_137 : i32
    %convert_element_type3A = arith.extui %eq3A_138 : i1 to i32
    %cond3A = arith.constant 0 : i32
    %cond3A_139 = arith.cmpi ne, %convert_element_type3A, %cond3A : i32
    scf.if %cond3A_139 {
      %sub3A_177 = arith.constant 1 : i32
      %sub3A_178 = arith.subi %select_n3A, %sub3A_177 : i32
      %mul3A_179 = arith.constant 128 : i32
      %mul3A_180 = arith.muli %sub3A_178, %mul3A_179 : i32
      "tpu.region"() ({
        %run_scoped3A = tpu.sem_alloc : memref<!tpu.dma_semaphore, #tpu.memory_space<semaphore_mem>>
        %dma_start3A_181 = tpu.memref_slice %arg11[%mul3A_180] : memref<20608xi32, #tpu.memory_space<vmem>> -> memref<128xi32, #tpu.memory_space<vmem>>
        %dma_start3A_182 = arith.constant 0 : i32
        %dma_start3A_183 = arith.constant 0 : i32
        %dma_start3A_184 = tpu.memref_slice %arg7[%dma_start3A_182, %dma_start3A_183] : memref<5120x128xf32, #tpu.memory_space<vmem_shared>> -> memref<5120x128xf32, #tpu.memory_space<vmem_shared>>
        tpu.enqueue_indirect_dma source(%arg12 : memref<128x128xf32, #tpu.memory_space<vmem>>) target(%dma_start3A_184 : memref<5120x128xf32, #tpu.memory_space<vmem_shared>>) offsets(%dma_start3A_181 : memref<128xi32, #tpu.memory_space<vmem>>) semaphore(%run_scoped3A : memref<!tpu.dma_semaphore, #tpu.memory_space<semaphore_mem>>) {add = true}
        %dma_wait3A_185 = tpu.memref_slice %arg11[%mul3A_180] : memref<20608xi32, #tpu.memory_space<vmem>> -> memref<128xi32, #tpu.memory_space<vmem>>
        %dma_wait3A_186 = arith.constant 0 : i32
        %dma_wait3A_187 = arith.constant 0 : i32
        %dma_wait3A_188 = tpu.memref_slice %arg7[%dma_wait3A_186, %dma_wait3A_187] : memref<5120x128xf32, #tpu.memory_space<vmem_shared>> -> memref<5120x128xf32, #tpu.memory_space<vmem_shared>>
        tpu.wait_indirect_dma semaphore(%run_scoped3A : memref<!tpu.dma_semaphore, #tpu.memory_space<semaphore_mem>>) src(%arg12 : memref<128x128xf32, #tpu.memory_space<vmem>>) dst(%dma_wait3A_188 : memref<5120x128xf32, #tpu.memory_space<vmem_shared>>)
        tpu.yield
      }) : () -> ()
    } else {
    }
    %barrier3A_140 = arith.constant 0 : index
    tpu.barrier barrier_id(%barrier3A_140)
    %mul3A_141 = arith.constant 320 : i32
    %mul3A_142 = arith.muli %arg1, %mul3A_141 : i32
    %add3A_143 = arith.constant 0 : i32
    %add3A_144 = arith.addi %mul3A_142, %add3A_143 : i32
    "tpu.region"() ({
      %run_scoped3A = tpu.sem_alloc : memref<!tpu.dma_semaphore, #tpu.memory_space<semaphore_mem>>
      %dma_start3A_177 = arith.constant 0 : i32
      %dma_start3A_178 = arith.constant 0 : i32
      %dma_start3A_179 = tpu.memref_slice %arg13[%dma_start3A_177, %dma_start3A_178] : memref<128x128xf32, #tpu.memory_space<vmem>> -> memref<128x128xf32, #tpu.memory_space<vmem>>
      %dma_start3A_180 = arith.constant 0 : i32
      %dma_start3A_181 = tpu.memref_slice %arg7[%add3A_144, %dma_start3A_180] : memref<5120x128xf32, #tpu.memory_space<vmem_shared>> -> memref<128x128xf32, #tpu.memory_space<vmem_shared>>
      %dma_start3A_182 = arith.constant 0 : i32
      %dma_start3A_183 = arith.constant 0 : i32
      %dma_start3A_184 = tpu.memref_slice %arg13[%dma_start3A_182, %dma_start3A_183] : memref<128x128xf32, #tpu.memory_space<vmem>> -> memref<128x128xf32, #tpu.memory_space<vmem>>
      %dma_start3A_185 = arith.constant 0 : i32
      %dma_start3A_186 = tpu.memref_slice %arg7[%add3A_144, %dma_start3A_185] : memref<5120x128xf32, #tpu.memory_space<vmem_shared>> -> memref<128x128xf32, #tpu.memory_space<vmem_shared>>
      tpu.enqueue_dma source(%dma_start3A_186 : memref<128x128xf32, #tpu.memory_space<vmem_shared>>) target(%dma_start3A_184 : memref<128x128xf32, #tpu.memory_space<vmem>>) target_semaphore(%run_scoped3A : memref<!tpu.dma_semaphore, #tpu.memory_space<semaphore_mem>>)
      %dma_wait3A_187 = arith.constant 0 : i32
      %dma_wait3A_188 = arith.constant 0 : i32
      %dma_wait3A_189 = tpu.memref_slice %arg13[%dma_wait3A_187, %dma_wait3A_188] : memref<128x128xf32, #tpu.memory_space<vmem>> -> memref<128x128xf32, #tpu.memory_space<vmem>>
      %dma_wait3A_190 = arith.constant 0 : i32
      %dma_wait3A_191 = tpu.memref_slice %arg7[%add3A_144, %dma_wait3A_190] : memref<5120x128xf32, #tpu.memory_space<vmem_shared>> -> memref<128x128xf32, #tpu.memory_space<vmem_shared>>
      %dma_wait3A_192 = arith.constant 0 : i32
      %dma_wait3A_193 = arith.constant 0 : i32
      %dma_wait3A_194 = tpu.memref_slice %arg13[%dma_wait3A_192, %dma_wait3A_193] : memref<128x128xf32, #tpu.memory_space<vmem>> -> memref<128x128xf32, #tpu.memory_space<vmem>>
      %dma_wait3A_195 = arith.constant 0 : i32
      %dma_wait3A_196 = tpu.memref_slice %arg7[%add3A_144, %dma_wait3A_195] : memref<5120x128xf32, #tpu.memory_space<vmem_shared>> -> memref<128x128xf32, #tpu.memory_space<vmem_shared>>
      tpu.wait_dma2 semaphore(%run_scoped3A : memref<!tpu.dma_semaphore, #tpu.memory_space<semaphore_mem>>) src(%dma_wait3A_196 : memref<128x128xf32, #tpu.memory_space<vmem_shared>>) dst(%dma_wait3A_194 : memref<128x128xf32, #tpu.memory_space<vmem>>)
      tpu.yield
    }) : () -> ()
    %mul3A_145 = arith.constant 1 : i32
    %mul3A_146 = arith.muli %arg0, %mul3A_145 : i32
    %add3A_147 = arith.constant 0 : i32
    %add3A_148 = arith.addi %mul3A_146, %add3A_147 : i32
    %mul3A_149 = arith.constant 320 : i32
    %mul3A_150 = arith.muli %arg1, %mul3A_149 : i32
    %add3A_151 = arith.constant 0 : i32
    %add3A_152 = arith.addi %mul3A_150, %add3A_151 : i32
    "tpu.region"() ({
      %run_scoped3A = tpu.sem_alloc : memref<!tpu.dma_semaphore, #tpu.memory_space<semaphore_mem>>
      %dma_start3A_177 = arith.constant 0 : i32
      %dma_start3A_178 = arith.constant 0 : i32
      %dma_start3A_179 = tpu.memref_slice %arg13[%dma_start3A_177, %dma_start3A_178] : memref<128x128xf32, #tpu.memory_space<vmem>> -> memref<128x128xf32, #tpu.memory_space<vmem>>
      %dma_start3A_180 = arith.constant 0 : i32
      %dma_start3A_181 = tpu.memref_slice %arg6[%add3A_148, %add3A_152, %dma_start3A_180] : memref<2x5120x128xf32, #tpu.memory_space<hbm>> -> memref<1x128x128xf32, #tpu.memory_space<hbm>>
      %dma_start3A_182 = tpu.memref_squeeze %dma_start3A_181 : memref<1x128x128xf32, #tpu.memory_space<hbm>> -> memref<128x128xf32, #tpu.memory_space<hbm>>
      %dma_start3A_183 = arith.constant 0 : i32
      %dma_start3A_184 = tpu.memref_slice %arg6[%add3A_148, %add3A_152, %dma_start3A_183] : memref<2x5120x128xf32, #tpu.memory_space<hbm>> -> memref<1x128x128xf32, #tpu.memory_space<hbm>>
      %dma_start3A_185 = tpu.memref_squeeze %dma_start3A_184 : memref<1x128x128xf32, #tpu.memory_space<hbm>> -> memref<128x128xf32, #tpu.memory_space<hbm>>
      %dma_start3A_186 = arith.constant 0 : i32
      %dma_start3A_187 = arith.constant 0 : i32
      %dma_start3A_188 = tpu.memref_slice %arg13[%dma_start3A_186, %dma_start3A_187] : memref<128x128xf32, #tpu.memory_space<vmem>> -> memref<128x128xf32, #tpu.memory_space<vmem>>
      tpu.enqueue_dma source(%dma_start3A_188 : memref<128x128xf32, #tpu.memory_space<vmem>>) target(%dma_start3A_185 : memref<128x128xf32, #tpu.memory_space<hbm>>) target_semaphore(%run_scoped3A : memref<!tpu.dma_semaphore, #tpu.memory_space<semaphore_mem>>)
      %dma_wait3A_189 = arith.constant 0 : i32
      %dma_wait3A_190 = arith.constant 0 : i32
      %dma_wait3A_191 = tpu.memref_slice %arg13[%dma_wait3A_189, %dma_wait3A_190] : memref<128x128xf32, #tpu.memory_space<vmem>> -> memref<128x128xf32, #tpu.memory_space<vmem>>
      %dma_wait3A_192 = arith.constant 0 : i32
      %dma_wait3A_193 = tpu.memref_slice %arg6[%add3A_148, %add3A_152, %dma_wait3A_192] : memref<2x5120x128xf32, #tpu.memory_space<hbm>> -> memref<1x128x128xf32, #tpu.memory_space<hbm>>
      %dma_wait3A_194 = tpu.memref_squeeze %dma_wait3A_193 : memref<1x128x128xf32, #tpu.memory_space<hbm>> -> memref<128x128xf32, #tpu.memory_space<hbm>>
      %dma_wait3A_195 = arith.constant 0 : i32
      %dma_wait3A_196 = tpu.memref_slice %arg6[%add3A_148, %add3A_152, %dma_wait3A_195] : memref<2x5120x128xf32, #tpu.memory_space<hbm>> -> memref<1x128x128xf32, #tpu.memory_space<hbm>>
      %dma_wait3A_197 = tpu.memref_squeeze %dma_wait3A_196 : memref<1x128x128xf32, #tpu.memory_space<hbm>> -> memref<128x128xf32, #tpu.memory_space<hbm>>
      %dma_wait3A_198 = arith.constant 0 : i32
      %dma_wait3A_199 = arith.constant 0 : i32
      %dma_wait3A_200 = tpu.memref_slice %arg13[%dma_wait3A_198, %dma_wait3A_199] : memref<128x128xf32, #tpu.memory_space<vmem>> -> memref<128x128xf32, #tpu.memory_space<vmem>>
      tpu.wait_dma2 semaphore(%run_scoped3A : memref<!tpu.dma_semaphore, #tpu.memory_space<semaphore_mem>>) src(%dma_wait3A_200 : memref<128x128xf32, #tpu.memory_space<vmem>>) dst(%dma_wait3A_197 : memref<128x128xf32, #tpu.memory_space<hbm>>)
      tpu.yield
    }) : () -> ()
    %mul3A_153 = arith.constant 320 : i32
    %mul3A_154 = arith.muli %arg1, %mul3A_153 : i32
    %add3A_155 = arith.constant 128 : i32
    %add3A_156 = arith.addi %mul3A_154, %add3A_155 : i32
    "tpu.region"() ({
      %run_scoped3A = tpu.sem_alloc : memref<!tpu.dma_semaphore, #tpu.memory_space<semaphore_mem>>
      %dma_start3A_177 = arith.constant 0 : i32
      %dma_start3A_178 = arith.constant 0 : i32
      %dma_start3A_179 = tpu.memref_slice %arg13[%dma_start3A_177, %dma_start3A_178] : memref<128x128xf32, #tpu.memory_space<vmem>> -> memref<128x128xf32, #tpu.memory_space<vmem>>
      %dma_start3A_180 = arith.constant 0 : i32
      %dma_start3A_181 = tpu.memref_slice %arg7[%add3A_156, %dma_start3A_180] : memref<5120x128xf32, #tpu.memory_space<vmem_shared>> -> memref<128x128xf32, #tpu.memory_space<vmem_shared>>
      %dma_start3A_182 = arith.constant 0 : i32
      %dma_start3A_183 = arith.constant 0 : i32
      %dma_start3A_184 = tpu.memref_slice %arg13[%dma_start3A_182, %dma_start3A_183] : memref<128x128xf32, #tpu.memory_space<vmem>> -> memref<128x128xf32, #tpu.memory_space<vmem>>
      %dma_start3A_185 = arith.constant 0 : i32
      %dma_start3A_186 = tpu.memref_slice %arg7[%add3A_156, %dma_start3A_185] : memref<5120x128xf32, #tpu.memory_space<vmem_shared>> -> memref<128x128xf32, #tpu.memory_space<vmem_shared>>
      tpu.enqueue_dma source(%dma_start3A_186 : memref<128x128xf32, #tpu.memory_space<vmem_shared>>) target(%dma_start3A_184 : memref<128x128xf32, #tpu.memory_space<vmem>>) target_semaphore(%run_scoped3A : memref<!tpu.dma_semaphore, #tpu.memory_space<semaphore_mem>>)
      %dma_wait3A_187 = arith.constant 0 : i32
      %dma_wait3A_188 = arith.constant 0 : i32
      %dma_wait3A_189 = tpu.memref_slice %arg13[%dma_wait3A_187, %dma_wait3A_188] : memref<128x128xf32, #tpu.memory_space<vmem>> -> memref<128x128xf32, #tpu.memory_space<vmem>>
      %dma_wait3A_190 = arith.constant 0 : i32
      %dma_wait3A_191 = tpu.memref_slice %arg7[%add3A_156, %dma_wait3A_190] : memref<5120x128xf32, #tpu.memory_space<vmem_shared>> -> memref<128x128xf32, #tpu.memory_space<vmem_shared>>
      %dma_wait3A_192 = arith.constant 0 : i32
      %dma_wait3A_193 = arith.constant 0 : i32
      %dma_wait3A_194 = tpu.memref_slice %arg13[%dma_wait3A_192, %dma_wait3A_193] : memref<128x128xf32, #tpu.memory_space<vmem>> -> memref<128x128xf32, #tpu.memory_space<vmem>>
      %dma_wait3A_195 = arith.constant 0 : i32
      %dma_wait3A_196 = tpu.memref_slice %arg7[%add3A_156, %dma_wait3A_195] : memref<5120x128xf32, #tpu.memory_space<vmem_shared>> -> memref<128x128xf32, #tpu.memory_space<vmem_shared>>
      tpu.wait_dma2 semaphore(%run_scoped3A : memref<!tpu.dma_semaphore, #tpu.memory_space<semaphore_mem>>) src(%dma_wait3A_196 : memref<128x128xf32, #tpu.memory_space<vmem_shared>>) dst(%dma_wait3A_194 : memref<128x128xf32, #tpu.memory_space<vmem>>)
      tpu.yield
    }) : () -> ()
    %mul3A_157 = arith.constant 1 : i32
    %mul3A_158 = arith.muli %arg0, %mul3A_157 : i32
    %add3A_159 = arith.constant 0 : i32
    %add3A_160 = arith.addi %mul3A_158, %add3A_159 : i32
    %mul3A_161 = arith.constant 320 : i32
    %mul3A_162 = arith.muli %arg1, %mul3A_161 : i32
    %add3A_163 = arith.constant 128 : i32
    %add3A_164 = arith.addi %mul3A_162, %add3A_163 : i32
    "tpu.region"() ({
      %run_scoped3A = tpu.sem_alloc : memref<!tpu.dma_semaphore, #tpu.memory_space<semaphore_mem>>
      %dma_start3A_177 = arith.constant 0 : i32
      %dma_start3A_178 = arith.constant 0 : i32
      %dma_start3A_179 = tpu.memref_slice %arg13[%dma_start3A_177, %dma_start3A_178] : memref<128x128xf32, #tpu.memory_space<vmem>> -> memref<128x128xf32, #tpu.memory_space<vmem>>
      %dma_start3A_180 = arith.constant 0 : i32
      %dma_start3A_181 = tpu.memref_slice %arg6[%add3A_160, %add3A_164, %dma_start3A_180] : memref<2x5120x128xf32, #tpu.memory_space<hbm>> -> memref<1x128x128xf32, #tpu.memory_space<hbm>>
      %dma_start3A_182 = tpu.memref_squeeze %dma_start3A_181 : memref<1x128x128xf32, #tpu.memory_space<hbm>> -> memref<128x128xf32, #tpu.memory_space<hbm>>
      %dma_start3A_183 = arith.constant 0 : i32
      %dma_start3A_184 = tpu.memref_slice %arg6[%add3A_160, %add3A_164, %dma_start3A_183] : memref<2x5120x128xf32, #tpu.memory_space<hbm>> -> memref<1x128x128xf32, #tpu.memory_space<hbm>>
      %dma_start3A_185 = tpu.memref_squeeze %dma_start3A_184 : memref<1x128x128xf32, #tpu.memory_space<hbm>> -> memref<128x128xf32, #tpu.memory_space<hbm>>
      %dma_start3A_186 = arith.constant 0 : i32
      %dma_start3A_187 = arith.constant 0 : i32
      %dma_start3A_188 = tpu.memref_slice %arg13[%dma_start3A_186, %dma_start3A_187] : memref<128x128xf32, #tpu.memory_space<vmem>> -> memref<128x128xf32, #tpu.memory_space<vmem>>
      tpu.enqueue_dma source(%dma_start3A_188 : memref<128x128xf32, #tpu.memory_space<vmem>>) target(%dma_start3A_185 : memref<128x128xf32, #tpu.memory_space<hbm>>) target_semaphore(%run_scoped3A : memref<!tpu.dma_semaphore, #tpu.memory_space<semaphore_mem>>)
      %dma_wait3A_189 = arith.constant 0 : i32
      %dma_wait3A_190 = arith.constant 0 : i32
      %dma_wait3A_191 = tpu.memref_slice %arg13[%dma_wait3A_189, %dma_wait3A_190] : memref<128x128xf32, #tpu.memory_space<vmem>> -> memref<128x128xf32, #tpu.memory_space<vmem>>
      %dma_wait3A_192 = arith.constant 0 : i32
      %dma_wait3A_193 = tpu.memref_slice %arg6[%add3A_160, %add3A_164, %dma_wait3A_192] : memref<2x5120x128xf32, #tpu.memory_space<hbm>> -> memref<1x128x128xf32, #tpu.memory_space<hbm>>
      %dma_wait3A_194 = tpu.memref_squeeze %dma_wait3A_193 : memref<1x128x128xf32, #tpu.memory_space<hbm>> -> memref<128x128xf32, #tpu.memory_space<hbm>>
      %dma_wait3A_195 = arith.constant 0 : i32
      %dma_wait3A_196 = tpu.memref_slice %arg6[%add3A_160, %add3A_164, %dma_wait3A_195] : memref<2x5120x128xf32, #tpu.memory_space<hbm>> -> memref<1x128x128xf32, #tpu.memory_space<hbm>>
      %dma_wait3A_197 = tpu.memref_squeeze %dma_wait3A_196 : memref<1x128x128xf32, #tpu.memory_space<hbm>> -> memref<128x128xf32, #tpu.memory_space<hbm>>
      %dma_wait3A_198 = arith.constant 0 : i32
      %dma_wait3A_199 = arith.constant 0 : i32
      %dma_wait3A_200 = tpu.memref_slice %arg13[%dma_wait3A_198, %dma_wait3A_199] : memref<128x128xf32, #tpu.memory_space<vmem>> -> memref<128x128xf32, #tpu.memory_space<vmem>>
      tpu.wait_dma2 semaphore(%run_scoped3A : memref<!tpu.dma_semaphore, #tpu.memory_space<semaphore_mem>>) src(%dma_wait3A_200 : memref<128x128xf32, #tpu.memory_space<vmem>>) dst(%dma_wait3A_197 : memref<128x128xf32, #tpu.memory_space<hbm>>)
      tpu.yield
    }) : () -> ()
    %mul3A_165 = arith.constant 320 : i32
    %mul3A_166 = arith.muli %arg1, %mul3A_165 : i32
    %add3A_167 = arith.constant 256 : i32
    %add3A_168 = arith.addi %mul3A_166, %add3A_167 : i32
    "tpu.region"() ({
      %run_scoped3A = tpu.sem_alloc : memref<!tpu.dma_semaphore, #tpu.memory_space<semaphore_mem>>
      %dma_start3A_177 = arith.constant 0 : i32
      %dma_start3A_178 = arith.constant 0 : i32
      %dma_start3A_179 = tpu.memref_slice %arg13[%dma_start3A_177, %dma_start3A_178] : memref<128x128xf32, #tpu.memory_space<vmem>> -> memref<64x128xf32, #tpu.memory_space<vmem>>
      %dma_start3A_180 = arith.constant 0 : i32
      %dma_start3A_181 = tpu.memref_slice %arg7[%add3A_168, %dma_start3A_180] : memref<5120x128xf32, #tpu.memory_space<vmem_shared>> -> memref<64x128xf32, #tpu.memory_space<vmem_shared>>
      %dma_start3A_182 = arith.constant 0 : i32
      %dma_start3A_183 = arith.constant 0 : i32
      %dma_start3A_184 = tpu.memref_slice %arg13[%dma_start3A_182, %dma_start3A_183] : memref<128x128xf32, #tpu.memory_space<vmem>> -> memref<64x128xf32, #tpu.memory_space<vmem>>
      %dma_start3A_185 = arith.constant 0 : i32
      %dma_start3A_186 = tpu.memref_slice %arg7[%add3A_168, %dma_start3A_185] : memref<5120x128xf32, #tpu.memory_space<vmem_shared>> -> memref<64x128xf32, #tpu.memory_space<vmem_shared>>
      tpu.enqueue_dma source(%dma_start3A_186 : memref<64x128xf32, #tpu.memory_space<vmem_shared>>) target(%dma_start3A_184 : memref<64x128xf32, #tpu.memory_space<vmem>>) target_semaphore(%run_scoped3A : memref<!tpu.dma_semaphore, #tpu.memory_space<semaphore_mem>>)
      %dma_wait3A_187 = arith.constant 0 : i32
      %dma_wait3A_188 = arith.constant 0 : i32
      %dma_wait3A_189 = tpu.memref_slice %arg13[%dma_wait3A_187, %dma_wait3A_188] : memref<128x128xf32, #tpu.memory_space<vmem>> -> memref<64x128xf32, #tpu.memory_space<vmem>>
      %dma_wait3A_190 = arith.constant 0 : i32
      %dma_wait3A_191 = tpu.memref_slice %arg7[%add3A_168, %dma_wait3A_190] : memref<5120x128xf32, #tpu.memory_space<vmem_shared>> -> memref<64x128xf32, #tpu.memory_space<vmem_shared>>
      %dma_wait3A_192 = arith.constant 0 : i32
      %dma_wait3A_193 = arith.constant 0 : i32
      %dma_wait3A_194 = tpu.memref_slice %arg13[%dma_wait3A_192, %dma_wait3A_193] : memref<128x128xf32, #tpu.memory_space<vmem>> -> memref<64x128xf32, #tpu.memory_space<vmem>>
      %dma_wait3A_195 = arith.constant 0 : i32
      %dma_wait3A_196 = tpu.memref_slice %arg7[%add3A_168, %dma_wait3A_195] : memref<5120x128xf32, #tpu.memory_space<vmem_shared>> -> memref<64x128xf32, #tpu.memory_space<vmem_shared>>
      tpu.wait_dma2 semaphore(%run_scoped3A : memref<!tpu.dma_semaphore, #tpu.memory_space<semaphore_mem>>) src(%dma_wait3A_196 : memref<64x128xf32, #tpu.memory_space<vmem_shared>>) dst(%dma_wait3A_194 : memref<64x128xf32, #tpu.memory_space<vmem>>)
      tpu.yield
    }) : () -> ()
    %mul3A_169 = arith.constant 1 : i32
    %mul3A_170 = arith.muli %arg0, %mul3A_169 : i32
    %add3A_171 = arith.constant 0 : i32
    %add3A_172 = arith.addi %mul3A_170, %add3A_171 : i32
    %mul3A_173 = arith.constant 320 : i32
    %mul3A_174 = arith.muli %arg1, %mul3A_173 : i32
    %add3A_175 = arith.constant 256 : i32
    %add3A_176 = arith.addi %mul3A_174, %add3A_175 : i32
    "tpu.region"() ({
      %run_scoped3A = tpu.sem_alloc : memref<!tpu.dma_semaphore, #tpu.memory_space<semaphore_mem>>
      %dma_start3A_177 = arith.constant 0 : i32
      %dma_start3A_178 = arith.constant 0 : i32
      %dma_start3A_179 = tpu.memref_slice %arg13[%dma_start3A_177, %dma_start3A_178] : memref<128x128xf32, #tpu.memory_space<vmem>> -> memref<64x128xf32, #tpu.memory_space<vmem>>
      %dma_start3A_180 = arith.constant 0 : i32
      %dma_start3A_181 = tpu.memref_slice %arg6[%add3A_172, %add3A_176, %dma_start3A_180] : memref<2x5120x128xf32, #tpu.memory_space<hbm>> -> memref<1x64x128xf32, #tpu.memory_space<hbm>>
      %dma_start3A_182 = tpu.memref_squeeze %dma_start3A_181 : memref<1x64x128xf32, #tpu.memory_space<hbm>> -> memref<64x128xf32, #tpu.memory_space<hbm>>
      %dma_start3A_183 = arith.constant 0 : i32
      %dma_start3A_184 = tpu.memref_slice %arg6[%add3A_172, %add3A_176, %dma_start3A_183] : memref<2x5120x128xf32, #tpu.memory_space<hbm>> -> memref<1x64x128xf32, #tpu.memory_space<hbm>>
      %dma_start3A_185 = tpu.memref_squeeze %dma_start3A_184 : memref<1x64x128xf32, #tpu.memory_space<hbm>> -> memref<64x128xf32, #tpu.memory_space<hbm>>
      %dma_start3A_186 = arith.constant 0 : i32
      %dma_start3A_187 = arith.constant 0 : i32
      %dma_start3A_188 = tpu.memref_slice %arg13[%dma_start3A_186, %dma_start3A_187] : memref<128x128xf32, #tpu.memory_space<vmem>> -> memref<64x128xf32, #tpu.memory_space<vmem>>
      tpu.enqueue_dma source(%dma_start3A_188 : memref<64x128xf32, #tpu.memory_space<vmem>>) target(%dma_start3A_185 : memref<64x128xf32, #tpu.memory_space<hbm>>) target_semaphore(%run_scoped3A : memref<!tpu.dma_semaphore, #tpu.memory_space<semaphore_mem>>)
      %dma_wait3A_189 = arith.constant 0 : i32
      %dma_wait3A_190 = arith.constant 0 : i32
      %dma_wait3A_191 = tpu.memref_slice %arg13[%dma_wait3A_189, %dma_wait3A_190] : memref<128x128xf32, #tpu.memory_space<vmem>> -> memref<64x128xf32, #tpu.memory_space<vmem>>
      %dma_wait3A_192 = arith.constant 0 : i32
      %dma_wait3A_193 = tpu.memref_slice %arg6[%add3A_172, %add3A_176, %dma_wait3A_192] : memref<2x5120x128xf32, #tpu.memory_space<hbm>> -> memref<1x64x128xf32, #tpu.memory_space<hbm>>
      %dma_wait3A_194 = tpu.memref_squeeze %dma_wait3A_193 : memref<1x64x128xf32, #tpu.memory_space<hbm>> -> memref<64x128xf32, #tpu.memory_space<hbm>>
      %dma_wait3A_195 = arith.constant 0 : i32
      %dma_wait3A_196 = tpu.memref_slice %arg6[%add3A_172, %add3A_176, %dma_wait3A_195] : memref<2x5120x128xf32, #tpu.memory_space<hbm>> -> memref<1x64x128xf32, #tpu.memory_space<hbm>>
      %dma_wait3A_197 = tpu.memref_squeeze %dma_wait3A_196 : memref<1x64x128xf32, #tpu.memory_space<hbm>> -> memref<64x128xf32, #tpu.memory_space<hbm>>
      %dma_wait3A_198 = arith.constant 0 : i32
      %dma_wait3A_199 = arith.constant 0 : i32
      %dma_wait3A_200 = tpu.memref_slice %arg13[%dma_wait3A_198, %dma_wait3A_199] : memref<128x128xf32, #tpu.memory_space<vmem>> -> memref<64x128xf32, #tpu.memory_space<vmem>>
      tpu.wait_dma2 semaphore(%run_scoped3A : memref<!tpu.dma_semaphore, #tpu.memory_space<semaphore_mem>>) src(%dma_wait3A_200 : memref<64x128xf32, #tpu.memory_space<vmem>>) dst(%dma_wait3A_197 : memref<64x128xf32, #tpu.memory_space<hbm>>)
      tpu.yield
    }) : () -> ()
    return
  }
}

#map = affine_map<(d0, d1) -> (0, 0)>
#map1 = affine_map<(d0, d1) -> (0)>
#map2 = affine_map<(d0, d1) -> (0, 0, 0)>
module attributes {stable_mosaic.version = 14 : i64} {
  func.func @_k(%arg0: i32, %arg1: i32, %arg2: memref<128x128xf32, #tpu.memory_space<hbm>>, %arg3: memref<128x128xf32, #tpu.memory_space<hbm>>, %arg4: memref<327680xi32, #tpu.memory_space<hbm>>, %arg5: memref<2x5120x128xf32, #tpu.memory_space<hbm>>, %arg6: memref<5120x128xf32, #tpu.memory_space<vmem_shared>>, %arg7: memref<4096xi32, #tpu.memory_space<vmem>>, %arg8: memref<20608xi32, #tpu.memory_space<vmem>>, %arg9: memref<128x128xf32, #tpu.memory_space<vmem>>, %arg10: memref<128x128xf32, #tpu.memory_space<vmem>>, %arg11: memref<!tpu.dma_semaphore, #tpu.memory_space<semaphore_mem>>, %arg12: memref<!tpu.dma_semaphore, #tpu.memory_space<semaphore_mem>>) attributes {dimension_semantics = [#tpu.dimension_semantics<core_parallel>, #tpu.dimension_semantics<subcore_parallel>], iteration_bounds = array<i64: 2, 16>, scalar_prefetch = 0 : i64, scratch_operands = 7 : i64, tpu.core_type = #tpu.core_type<sc_vector_subcore>, window_params = [{transform_indices = #map}, {transform_indices = #map}, {transform_indices = #map1}, {transform_indices = #map2}]} {
    %iota3A = tpu.iota {dimensions = array<i32: 0>} : vector<16xi32>
    %broadcast_in_dim3A = arith.constant 5000 : i32
    %broadcast_in_dim3A_0 = vector.broadcast %broadcast_in_dim3A : i32 to vector<16xi32>
    %add3A = vector.broadcast %arg1 : i32 to vector<16xi32>
    %add3A_1 = arith.addi %broadcast_in_dim3A_0, %add3A : vector<16xi32>
    "tpu.region"() ({
      %run_scoped3A = tpu.sem_alloc : memref<!tpu.dma_semaphore, #tpu.memory_space<semaphore_mem>>
      tpu.enqueue_dma source(%arg2 : memref<128x128xf32, #tpu.memory_space<hbm>>) target(%arg9 : memref<128x128xf32, #tpu.memory_space<vmem>>) target_semaphore(%run_scoped3A : memref<!tpu.dma_semaphore, #tpu.memory_space<semaphore_mem>>)
      tpu.wait_dma2 semaphore(%run_scoped3A : memref<!tpu.dma_semaphore, #tpu.memory_space<semaphore_mem>>) src(%arg2 : memref<128x128xf32, #tpu.memory_space<hbm>>) dst(%arg9 : memref<128x128xf32, #tpu.memory_space<vmem>>)
      tpu.yield
    }) : () -> ()
    %mul3A = arith.constant 1 : i32
    %mul3A_2 = arith.muli %arg0, %mul3A : i32
    %add3A_3 = arith.constant 0 : i32
    %add3A_4 = arith.addi %mul3A_2, %add3A_3 : i32
    %mul3A_5 = arith.constant 5000 : i32
    %mul3A_6 = arith.muli %add3A_4, %mul3A_5 : i32
    "tpu.region"() ({
      %run_scoped3A = tpu.sem_alloc : memref<!tpu.dma_semaphore, #tpu.memory_space<semaphore_mem>>
      tpu.enqueue_dma source(%arg3 : memref<128x128xf32, #tpu.memory_space<hbm>>) target(%arg10 : memref<128x128xf32, #tpu.memory_space<vmem>>) target_semaphore(%run_scoped3A : memref<!tpu.dma_semaphore, #tpu.memory_space<semaphore_mem>>)
      tpu.wait_dma2 semaphore(%run_scoped3A : memref<!tpu.dma_semaphore, #tpu.memory_space<semaphore_mem>>) src(%arg3 : memref<128x128xf32, #tpu.memory_space<hbm>>) dst(%arg10 : memref<128x128xf32, #tpu.memory_space<vmem>>)
      tpu.yield
    }) : () -> ()
    %mul3A_7 = arith.constant 320 : i32
    %mul3A_8 = arith.muli %arg1, %mul3A_7 : i32
    %add3A_9 = arith.constant 0 : i32
    %add3A_10 = arith.addi %mul3A_8, %add3A_9 : i32
    "tpu.region"() ({
      %run_scoped3A = tpu.sem_alloc : memref<!tpu.dma_semaphore, #tpu.memory_space<semaphore_mem>>
      %dma_start3A = arith.constant 0 : i32
      %dma_start3A_123 = arith.constant 0 : i32
      %dma_start3A_124 = tpu.memref_slice %arg10[%dma_start3A, %dma_start3A_123] : memref<128x128xf32, #tpu.memory_space<vmem>> -> memref<128x128xf32, #tpu.memory_space<vmem>>
      %dma_start3A_125 = arith.constant 0 : i32
      %dma_start3A_126 = tpu.memref_slice %arg6[%add3A_10, %dma_start3A_125] : memref<5120x128xf32, #tpu.memory_space<vmem_shared>> -> memref<128x128xf32, #tpu.memory_space<vmem_shared>>
      %dma_start3A_127 = arith.constant 0 : i32
      %dma_start3A_128 = tpu.memref_slice %arg6[%add3A_10, %dma_start3A_127] : memref<5120x128xf32, #tpu.memory_space<vmem_shared>> -> memref<128x128xf32, #tpu.memory_space<vmem_shared>>
      %dma_start3A_129 = arith.constant 0 : i32
      %dma_start3A_130 = arith.constant 0 : i32
      %dma_start3A_131 = tpu.memref_slice %arg10[%dma_start3A_129, %dma_start3A_130] : memref<128x128xf32, #tpu.memory_space<vmem>> -> memref<128x128xf32, #tpu.memory_space<vmem>>
      tpu.enqueue_dma source(%dma_start3A_131 : memref<128x128xf32, #tpu.memory_space<vmem>>) target(%dma_start3A_128 : memref<128x128xf32, #tpu.memory_space<vmem_shared>>) target_semaphore(%run_scoped3A : memref<!tpu.dma_semaphore, #tpu.memory_space<semaphore_mem>>)
      %dma_wait3A = arith.constant 0 : i32
      %dma_wait3A_132 = arith.constant 0 : i32
      %dma_wait3A_133 = tpu.memref_slice %arg10[%dma_wait3A, %dma_wait3A_132] : memref<128x128xf32, #tpu.memory_space<vmem>> -> memref<128x128xf32, #tpu.memory_space<vmem>>
      %dma_wait3A_134 = arith.constant 0 : i32
      %dma_wait3A_135 = tpu.memref_slice %arg6[%add3A_10, %dma_wait3A_134] : memref<5120x128xf32, #tpu.memory_space<vmem_shared>> -> memref<128x128xf32, #tpu.memory_space<vmem_shared>>
      %dma_wait3A_136 = arith.constant 0 : i32
      %dma_wait3A_137 = tpu.memref_slice %arg6[%add3A_10, %dma_wait3A_136] : memref<5120x128xf32, #tpu.memory_space<vmem_shared>> -> memref<128x128xf32, #tpu.memory_space<vmem_shared>>
      %dma_wait3A_138 = arith.constant 0 : i32
      %dma_wait3A_139 = arith.constant 0 : i32
      %dma_wait3A_140 = tpu.memref_slice %arg10[%dma_wait3A_138, %dma_wait3A_139] : memref<128x128xf32, #tpu.memory_space<vmem>> -> memref<128x128xf32, #tpu.memory_space<vmem>>
      tpu.wait_dma2 semaphore(%run_scoped3A : memref<!tpu.dma_semaphore, #tpu.memory_space<semaphore_mem>>) src(%dma_wait3A_140 : memref<128x128xf32, #tpu.memory_space<vmem>>) dst(%dma_wait3A_137 : memref<128x128xf32, #tpu.memory_space<vmem_shared>>)
      tpu.yield
    }) : () -> ()
    %mul3A_11 = arith.constant 320 : i32
    %mul3A_12 = arith.muli %arg1, %mul3A_11 : i32
    %add3A_13 = arith.constant 128 : i32
    %add3A_14 = arith.addi %mul3A_12, %add3A_13 : i32
    "tpu.region"() ({
      %run_scoped3A = tpu.sem_alloc : memref<!tpu.dma_semaphore, #tpu.memory_space<semaphore_mem>>
      %dma_start3A = arith.constant 0 : i32
      %dma_start3A_123 = arith.constant 0 : i32
      %dma_start3A_124 = tpu.memref_slice %arg10[%dma_start3A, %dma_start3A_123] : memref<128x128xf32, #tpu.memory_space<vmem>> -> memref<128x128xf32, #tpu.memory_space<vmem>>
      %dma_start3A_125 = arith.constant 0 : i32
      %dma_start3A_126 = tpu.memref_slice %arg6[%add3A_14, %dma_start3A_125] : memref<5120x128xf32, #tpu.memory_space<vmem_shared>> -> memref<128x128xf32, #tpu.memory_space<vmem_shared>>
      %dma_start3A_127 = arith.constant 0 : i32
      %dma_start3A_128 = tpu.memref_slice %arg6[%add3A_14, %dma_start3A_127] : memref<5120x128xf32, #tpu.memory_space<vmem_shared>> -> memref<128x128xf32, #tpu.memory_space<vmem_shared>>
      %dma_start3A_129 = arith.constant 0 : i32
      %dma_start3A_130 = arith.constant 0 : i32
      %dma_start3A_131 = tpu.memref_slice %arg10[%dma_start3A_129, %dma_start3A_130] : memref<128x128xf32, #tpu.memory_space<vmem>> -> memref<128x128xf32, #tpu.memory_space<vmem>>
      tpu.enqueue_dma source(%dma_start3A_131 : memref<128x128xf32, #tpu.memory_space<vmem>>) target(%dma_start3A_128 : memref<128x128xf32, #tpu.memory_space<vmem_shared>>) target_semaphore(%run_scoped3A : memref<!tpu.dma_semaphore, #tpu.memory_space<semaphore_mem>>)
      %dma_wait3A = arith.constant 0 : i32
      %dma_wait3A_132 = arith.constant 0 : i32
      %dma_wait3A_133 = tpu.memref_slice %arg10[%dma_wait3A, %dma_wait3A_132] : memref<128x128xf32, #tpu.memory_space<vmem>> -> memref<128x128xf32, #tpu.memory_space<vmem>>
      %dma_wait3A_134 = arith.constant 0 : i32
      %dma_wait3A_135 = tpu.memref_slice %arg6[%add3A_14, %dma_wait3A_134] : memref<5120x128xf32, #tpu.memory_space<vmem_shared>> -> memref<128x128xf32, #tpu.memory_space<vmem_shared>>
      %dma_wait3A_136 = arith.constant 0 : i32
      %dma_wait3A_137 = tpu.memref_slice %arg6[%add3A_14, %dma_wait3A_136] : memref<5120x128xf32, #tpu.memory_space<vmem_shared>> -> memref<128x128xf32, #tpu.memory_space<vmem_shared>>
      %dma_wait3A_138 = arith.constant 0 : i32
      %dma_wait3A_139 = arith.constant 0 : i32
      %dma_wait3A_140 = tpu.memref_slice %arg10[%dma_wait3A_138, %dma_wait3A_139] : memref<128x128xf32, #tpu.memory_space<vmem>> -> memref<128x128xf32, #tpu.memory_space<vmem>>
      tpu.wait_dma2 semaphore(%run_scoped3A : memref<!tpu.dma_semaphore, #tpu.memory_space<semaphore_mem>>) src(%dma_wait3A_140 : memref<128x128xf32, #tpu.memory_space<vmem>>) dst(%dma_wait3A_137 : memref<128x128xf32, #tpu.memory_space<vmem_shared>>)
      tpu.yield
    }) : () -> ()
    %mul3A_15 = arith.constant 320 : i32
    %mul3A_16 = arith.muli %arg1, %mul3A_15 : i32
    %add3A_17 = arith.constant 256 : i32
    %add3A_18 = arith.addi %mul3A_16, %add3A_17 : i32
    "tpu.region"() ({
      %run_scoped3A = tpu.sem_alloc : memref<!tpu.dma_semaphore, #tpu.memory_space<semaphore_mem>>
      %dma_start3A = arith.constant 0 : i32
      %dma_start3A_123 = arith.constant 0 : i32
      %dma_start3A_124 = tpu.memref_slice %arg10[%dma_start3A, %dma_start3A_123] : memref<128x128xf32, #tpu.memory_space<vmem>> -> memref<64x128xf32, #tpu.memory_space<vmem>>
      %dma_start3A_125 = arith.constant 0 : i32
      %dma_start3A_126 = tpu.memref_slice %arg6[%add3A_18, %dma_start3A_125] : memref<5120x128xf32, #tpu.memory_space<vmem_shared>> -> memref<64x128xf32, #tpu.memory_space<vmem_shared>>
      %dma_start3A_127 = arith.constant 0 : i32
      %dma_start3A_128 = tpu.memref_slice %arg6[%add3A_18, %dma_start3A_127] : memref<5120x128xf32, #tpu.memory_space<vmem_shared>> -> memref<64x128xf32, #tpu.memory_space<vmem_shared>>
      %dma_start3A_129 = arith.constant 0 : i32
      %dma_start3A_130 = arith.constant 0 : i32
      %dma_start3A_131 = tpu.memref_slice %arg10[%dma_start3A_129, %dma_start3A_130] : memref<128x128xf32, #tpu.memory_space<vmem>> -> memref<64x128xf32, #tpu.memory_space<vmem>>
      tpu.enqueue_dma source(%dma_start3A_131 : memref<64x128xf32, #tpu.memory_space<vmem>>) target(%dma_start3A_128 : memref<64x128xf32, #tpu.memory_space<vmem_shared>>) target_semaphore(%run_scoped3A : memref<!tpu.dma_semaphore, #tpu.memory_space<semaphore_mem>>)
      %dma_wait3A = arith.constant 0 : i32
      %dma_wait3A_132 = arith.constant 0 : i32
      %dma_wait3A_133 = tpu.memref_slice %arg10[%dma_wait3A, %dma_wait3A_132] : memref<128x128xf32, #tpu.memory_space<vmem>> -> memref<64x128xf32, #tpu.memory_space<vmem>>
      %dma_wait3A_134 = arith.constant 0 : i32
      %dma_wait3A_135 = tpu.memref_slice %arg6[%add3A_18, %dma_wait3A_134] : memref<5120x128xf32, #tpu.memory_space<vmem_shared>> -> memref<64x128xf32, #tpu.memory_space<vmem_shared>>
      %dma_wait3A_136 = arith.constant 0 : i32
      %dma_wait3A_137 = tpu.memref_slice %arg6[%add3A_18, %dma_wait3A_136] : memref<5120x128xf32, #tpu.memory_space<vmem_shared>> -> memref<64x128xf32, #tpu.memory_space<vmem_shared>>
      %dma_wait3A_138 = arith.constant 0 : i32
      %dma_wait3A_139 = arith.constant 0 : i32
      %dma_wait3A_140 = tpu.memref_slice %arg10[%dma_wait3A_138, %dma_wait3A_139] : memref<128x128xf32, #tpu.memory_space<vmem>> -> memref<64x128xf32, #tpu.memory_space<vmem>>
      tpu.wait_dma2 semaphore(%run_scoped3A : memref<!tpu.dma_semaphore, #tpu.memory_space<semaphore_mem>>) src(%dma_wait3A_140 : memref<64x128xf32, #tpu.memory_space<vmem>>) dst(%dma_wait3A_137 : memref<64x128xf32, #tpu.memory_space<vmem_shared>>)
      tpu.yield
    }) : () -> ()
    %barrier3A = arith.constant 0 : index
    tpu.barrier barrier_id(%barrier3A)
    %scan3A = arith.constant 0 : i32
    %scan3A_19 = arith.constant 0 : i32
    %scan3A_20 = arith.constant 5 : i32
    %scan3A_21 = arith.addi %scan3A_19, %scan3A_20 : i32
    %scan3A_22 = arith.constant 1 : i32
    %scan3A_23 = scf.for %scan3A_123 = %scan3A_19 to %scan3A_21 step %scan3A_22 iter_args(%scan3A_124 = %scan3A) -> (i32)  : i32 {
      %mul3A_125 = arith.constant 20480 : i32
      %mul3A_126 = arith.muli %arg1, %mul3A_125 : i32
      %mul3A_127 = arith.constant 4096 : i32
      %mul3A_128 = arith.muli %scan3A_123, %mul3A_127 : i32
      %add3A_129 = arith.addi %mul3A_126, %mul3A_128 : i32
      "tpu.region"() ({
        %run_scoped3A = tpu.sem_alloc : memref<!tpu.dma_semaphore, #tpu.memory_space<semaphore_mem>>
        %dma_start3A = tpu.memref_slice %arg4[%add3A_129] : memref<327680xi32, #tpu.memory_space<hbm>> -> memref<4096xi32, #tpu.memory_space<hbm>>
        %dma_start3A_136 = tpu.memref_slice %arg4[%add3A_129] : memref<327680xi32, #tpu.memory_space<hbm>> -> memref<4096xi32, #tpu.memory_space<hbm>>
        tpu.enqueue_dma source(%dma_start3A_136 : memref<4096xi32, #tpu.memory_space<hbm>>) target(%arg7 : memref<4096xi32, #tpu.memory_space<vmem>>) target_semaphore(%run_scoped3A : memref<!tpu.dma_semaphore, #tpu.memory_space<semaphore_mem>>)
        %dma_wait3A = tpu.memref_slice %arg4[%add3A_129] : memref<327680xi32, #tpu.memory_space<hbm>> -> memref<4096xi32, #tpu.memory_space<hbm>>
        %dma_wait3A_137 = tpu.memref_slice %arg4[%add3A_129] : memref<327680xi32, #tpu.memory_space<hbm>> -> memref<4096xi32, #tpu.memory_space<hbm>>
        tpu.wait_dma2 semaphore(%run_scoped3A : memref<!tpu.dma_semaphore, #tpu.memory_space<semaphore_mem>>) src(%dma_wait3A_137 : memref<4096xi32, #tpu.memory_space<hbm>>) dst(%arg7 : memref<4096xi32, #tpu.memory_space<vmem>>)
        tpu.yield
      }) : () -> ()
      %scan3A_130 = arith.constant 0 : i32
      %scan3A_131 = arith.constant 256 : i32
      %scan3A_132 = arith.addi %scan3A_130, %scan3A_131 : i32
      %scan3A_133 = arith.constant 1 : i32
      %scan3A_134 = scf.for %scan3A_136 = %scan3A_130 to %scan3A_132 step %scan3A_133 iter_args(%scan3A_137 = %scan3A_124) -> (i32)  : i32 {
        %mul3A_138 = arith.constant 16 : i32
        %mul3A_139 = arith.muli %scan3A_136, %mul3A_138 : i32
        %get3A = arith.index_cast %mul3A_139 : i32 to index
        %get3A_140 = tpu.vector_load %arg7[%get3A] {strides = array<i32>} : memref<4096xi32, #tpu.memory_space<vmem>>, vector<16xi32>,
        %sub3A_141 = vector.broadcast %mul3A_6 : i32 to vector<16xi32>
        %sub3A_142 = arith.subi %get3A_140, %sub3A_141 : vector<16xi32>
        %ge3A = arith.constant 0 : i32
        %ge3A_143 = vector.broadcast %ge3A : i32 to vector<16xi32>
        %ge3A_144 = arith.cmpi sge, %sub3A_142, %ge3A_143 : vector<16xi32>
        %lt3A = arith.constant 5000 : i32
        %lt3A_145 = vector.broadcast %lt3A : i32 to vector<16xi32>
        %lt3A_146 = arith.cmpi slt, %sub3A_142, %lt3A_145 : vector<16xi32>
        %and3A_147 = arith.andi %ge3A_144, %lt3A_146 : vector<16xi1>
        %jit3A_148 = arith.constant 1 : i32
        %jit3A_149 = arith.constant 0 : i32
        %broadcast_in_dim3A_150 = vector.broadcast %jit3A_148 : i32 to vector<16xi32>
        %broadcast_in_dim3A_151 = vector.broadcast %jit3A_149 : i32 to vector<16xi32>
        %select_n3A_152 = arith.select %and3A_147, %broadcast_in_dim3A_150, %broadcast_in_dim3A_151 : vector<16xi1>, vector<16xi32>
        %broadcast_in_dim3A_153 = arith.constant true
        %broadcast_in_dim3A_154 = vector.broadcast %broadcast_in_dim3A_153 : i1 to vector<16xi1>
        %masked_cumsum3A = tpu.scan <sum>, %select_n3A_152 masked %broadcast_in_dim3A_154 : vector<16xi32>, vector<16xi1> -> vector<16xi32>
        %add3A_155 = vector.broadcast %scan3A_137 : i32 to vector<16xi32>
        %add3A_156 = arith.addi %add3A_155, %masked_cumsum3A : vector<16xi32>
        %sub3A_157 = arith.constant 1 : i32
        %sub3A_158 = vector.broadcast %sub3A_157 : i32 to vector<16xi32>
        %sub3A_159 = arith.subi %add3A_156, %sub3A_158 : vector<16xi32>
        tpu.vector_store_idx %arg8[%sub3A_159], %sub3A_142 masked %and3A_147 : memref<20608xi32, #tpu.memory_space<vmem>>[vector<16xi32>], vector<16xi32>, vector<16xi1>
        %reduce_sum3A = arith.constant true
        %reduce_sum3A_160 = vector.broadcast %reduce_sum3A : i1 to vector<16xi1>
        %reduce_sum3A_161 = tpu.scan <sum>, %select_n3A_152 masked %reduce_sum3A_160 : vector<16xi32>, vector<16xi1> -> vector<16xi32>
        %reduce_sum3A_162 = vector.extract %reduce_sum3A_161[15] : i32 from vector<16xi32>
        %add3A_163 = arith.addi %scan3A_137, %reduce_sum3A_162 : i32
        scf.yield %add3A_163 : i32
      }
      %scan3A_135 = arith.constant 256 : i32
      scf.yield %scan3A_134 : i32
    }
    %scan3A_24 = arith.constant 5 : i32
    %add3A_25 = arith.constant 0 : i32
    %add3A_26 = arith.addi %scan3A_23, %add3A_25 : i32
    %add3A_27 = vector.broadcast %add3A_26 : i32 to vector<16xi32>
    %add3A_28 = arith.addi %add3A_27, %iota3A : vector<16xi32>
    tpu.vector_store_idx %arg8[%add3A_28], %add3A_1 : memref<20608xi32, #tpu.memory_space<vmem>>[vector<16xi32>], vector<16xi32>,
    %add3A_29 = arith.constant 16 : i32
    %add3A_30 = arith.addi %scan3A_23, %add3A_29 : i32
    %add3A_31 = vector.broadcast %add3A_30 : i32 to vector<16xi32>
    %add3A_32 = arith.addi %add3A_31, %iota3A : vector<16xi32>
    tpu.vector_store_idx %arg8[%add3A_32], %add3A_1 : memref<20608xi32, #tpu.memory_space<vmem>>[vector<16xi32>], vector<16xi32>,
    %add3A_33 = arith.constant 32 : i32
    %add3A_34 = arith.addi %scan3A_23, %add3A_33 : i32
    %add3A_35 = vector.broadcast %add3A_34 : i32 to vector<16xi32>
    %add3A_36 = arith.addi %add3A_35, %iota3A : vector<16xi32>
    tpu.vector_store_idx %arg8[%add3A_36], %add3A_1 : memref<20608xi32, #tpu.memory_space<vmem>>[vector<16xi32>], vector<16xi32>,
    %add3A_37 = arith.constant 48 : i32
    %add3A_38 = arith.addi %scan3A_23, %add3A_37 : i32
    %add3A_39 = vector.broadcast %add3A_38 : i32 to vector<16xi32>
    %add3A_40 = arith.addi %add3A_39, %iota3A : vector<16xi32>
    tpu.vector_store_idx %arg8[%add3A_40], %add3A_1 : memref<20608xi32, #tpu.memory_space<vmem>>[vector<16xi32>], vector<16xi32>,
    %add3A_41 = arith.constant 64 : i32
    %add3A_42 = arith.addi %scan3A_23, %add3A_41 : i32
    %add3A_43 = vector.broadcast %add3A_42 : i32 to vector<16xi32>
    %add3A_44 = arith.addi %add3A_43, %iota3A : vector<16xi32>
    tpu.vector_store_idx %arg8[%add3A_44], %add3A_1 : memref<20608xi32, #tpu.memory_space<vmem>>[vector<16xi32>], vector<16xi32>,
    %add3A_45 = arith.constant 80 : i32
    %add3A_46 = arith.addi %scan3A_23, %add3A_45 : i32
    %add3A_47 = vector.broadcast %add3A_46 : i32 to vector<16xi32>
    %add3A_48 = arith.addi %add3A_47, %iota3A : vector<16xi32>
    tpu.vector_store_idx %arg8[%add3A_48], %add3A_1 : memref<20608xi32, #tpu.memory_space<vmem>>[vector<16xi32>], vector<16xi32>,
    %add3A_49 = arith.constant 96 : i32
    %add3A_50 = arith.addi %scan3A_23, %add3A_49 : i32
    %add3A_51 = vector.broadcast %add3A_50 : i32 to vector<16xi32>
    %add3A_52 = arith.addi %add3A_51, %iota3A : vector<16xi32>
    tpu.vector_store_idx %arg8[%add3A_52], %add3A_1 : memref<20608xi32, #tpu.memory_space<vmem>>[vector<16xi32>], vector<16xi32>,
    %add3A_53 = arith.constant 112 : i32
    %add3A_54 = arith.addi %scan3A_23, %add3A_53 : i32
    %add3A_55 = vector.broadcast %add3A_54 : i32 to vector<16xi32>
    %add3A_56 = arith.addi %add3A_55, %iota3A : vector<16xi32>
    tpu.vector_store_idx %arg8[%add3A_56], %add3A_1 : memref<20608xi32, #tpu.memory_space<vmem>>[vector<16xi32>], vector<16xi32>,
    %add3A_57 = arith.constant 128 : i32
    %add3A_58 = arith.addi %scan3A_23, %add3A_57 : i32
    %sub3A = arith.constant 1 : i32
    %sub3A_59 = arith.subi %add3A_58, %sub3A : i32
    %jit3A = arith.constant 128 : i32
    %div3A = arith.divsi %sub3A_59, %jit3A : i32
    %sign3A = arith.constant 0 : i32
    %sign3A_60 = arith.cmpi sgt, %sub3A_59, %sign3A : i32
    %sign3A_61 = arith.extui %sign3A_60 : i1 to i32
    %sign3A_62 = arith.constant 0 : i32
    %sign3A_63 = arith.cmpi slt, %sub3A_59, %sign3A_62 : i32
    %sign3A_64 = arith.extui %sign3A_63 : i1 to i32
    %sign3A_65 = arith.subi %sign3A_61, %sign3A_64 : i32
    %sign3A_66 = arith.constant 0 : i32
    %sign3A_67 = arith.cmpi sgt, %jit3A, %sign3A_66 : i32
    %sign3A_68 = arith.extui %sign3A_67 : i1 to i32
    %sign3A_69 = arith.constant 0 : i32
    %sign3A_70 = arith.cmpi slt, %jit3A, %sign3A_69 : i32
    %sign3A_71 = arith.extui %sign3A_70 : i1 to i32
    %sign3A_72 = arith.subi %sign3A_68, %sign3A_71 : i32
    %ne3A = arith.cmpi ne, %sign3A_65, %sign3A_72 : i32
    %rem3A = arith.remsi %sub3A_59, %jit3A : i32
    %ne3A_73 = arith.constant 0 : i32
    %ne3A_74 = arith.cmpi ne, %rem3A, %ne3A_73 : i32
    %and3A = arith.andi %ne3A, %ne3A_74 : i1
    %sub3A_75 = arith.constant 1 : i32
    %sub3A_76 = arith.subi %div3A, %sub3A_75 : i32
    %select_n3A = arith.select %and3A, %sub3A_76, %div3A : i32
    %while3A = arith.constant 0 : i32
    %while3A_77 = arith.constant 0 : i32
    %while3A_78 = arith.subi %select_n3A, %while3A_77 : i32
    %while3A_79 = arith.addi %while3A_77, %while3A_78 : i32
    %while3A_80 = arith.constant 1 : i32
    %while3A_81 = arith.divsi %while3A_78, %while3A_80 : i32
    %while3A_82 = arith.muli %while3A_81, %while3A_80 : i32
    %while3A_83 = arith.addi %while3A_77, %while3A_82 : i32
    %while3A_84 = arith.constant 1 : i32
    scf.for %while3A_123 = %while3A_77 to %while3A_83 step %while3A_84  : i32 {
      %mul3A_124 = arith.constant 128 : i32
      %mul3A_125 = arith.muli %while3A_123, %mul3A_124 : i32
      "tpu.region"() ({
        %run_scoped3A = tpu.sem_alloc : memref<!tpu.dma_semaphore, #tpu.memory_space<semaphore_mem>>
        %dma_start3A = tpu.memref_slice %arg8[%mul3A_125] : memref<20608xi32, #tpu.memory_space<vmem>> -> memref<128xi32, #tpu.memory_space<vmem>>
        %dma_start3A_126 = arith.constant 0 : i32
        %dma_start3A_127 = arith.constant 0 : i32
        %dma_start3A_128 = tpu.memref_slice %arg6[%dma_start3A_126, %dma_start3A_127] : memref<5120x128xf32, #tpu.memory_space<vmem_shared>> -> memref<5120x128xf32, #tpu.memory_space<vmem_shared>>
        tpu.enqueue_indirect_dma source(%arg9 : memref<128x128xf32, #tpu.memory_space<vmem>>) target(%dma_start3A_128 : memref<5120x128xf32, #tpu.memory_space<vmem_shared>>) offsets(%dma_start3A : memref<128xi32, #tpu.memory_space<vmem>>) semaphore(%run_scoped3A : memref<!tpu.dma_semaphore, #tpu.memory_space<semaphore_mem>>) {add = true}
        %dma_wait3A = tpu.memref_slice %arg8[%mul3A_125] : memref<20608xi32, #tpu.memory_space<vmem>> -> memref<128xi32, #tpu.memory_space<vmem>>
        %dma_wait3A_129 = arith.constant 0 : i32
        %dma_wait3A_130 = arith.constant 0 : i32
        %dma_wait3A_131 = tpu.memref_slice %arg6[%dma_wait3A_129, %dma_wait3A_130] : memref<5120x128xf32, #tpu.memory_space<vmem_shared>> -> memref<5120x128xf32, #tpu.memory_space<vmem_shared>>
        tpu.wait_indirect_dma semaphore(%run_scoped3A : memref<!tpu.dma_semaphore, #tpu.memory_space<semaphore_mem>>) src(%arg9 : memref<128x128xf32, #tpu.memory_space<vmem>>) dst(%dma_wait3A_131 : memref<5120x128xf32, #tpu.memory_space<vmem_shared>>)
        tpu.yield
      }) : () -> ()
    }
    %while3A_85 = arith.constant 1 : i32
    scf.for %while3A_123 = %while3A_83 to %while3A_79 step %while3A_85  : i32 {
      %mul3A_124 = arith.constant 128 : i32
      %mul3A_125 = arith.muli %while3A_123, %mul3A_124 : i32
      "tpu.region"() ({
        %run_scoped3A = tpu.sem_alloc : memref<!tpu.dma_semaphore, #tpu.memory_space<semaphore_mem>>
        %dma_start3A = tpu.memref_slice %arg8[%mul3A_125] : memref<20608xi32, #tpu.memory_space<vmem>> -> memref<128xi32, #tpu.memory_space<vmem>>
        %dma_start3A_126 = arith.constant 0 : i32
        %dma_start3A_127 = arith.constant 0 : i32
        %dma_start3A_128 = tpu.memref_slice %arg6[%dma_start3A_126, %dma_start3A_127] : memref<5120x128xf32, #tpu.memory_space<vmem_shared>> -> memref<5120x128xf32, #tpu.memory_space<vmem_shared>>
        tpu.enqueue_indirect_dma source(%arg9 : memref<128x128xf32, #tpu.memory_space<vmem>>) target(%dma_start3A_128 : memref<5120x128xf32, #tpu.memory_space<vmem_shared>>) offsets(%dma_start3A : memref<128xi32, #tpu.memory_space<vmem>>) semaphore(%run_scoped3A : memref<!tpu.dma_semaphore, #tpu.memory_space<semaphore_mem>>) {add = true}
        %dma_wait3A = tpu.memref_slice %arg8[%mul3A_125] : memref<20608xi32, #tpu.memory_space<vmem>> -> memref<128xi32, #tpu.memory_space<vmem>>
        %dma_wait3A_129 = arith.constant 0 : i32
        %dma_wait3A_130 = arith.constant 0 : i32
        %dma_wait3A_131 = tpu.memref_slice %arg6[%dma_wait3A_129, %dma_wait3A_130] : memref<5120x128xf32, #tpu.memory_space<vmem_shared>> -> memref<5120x128xf32, #tpu.memory_space<vmem_shared>>
        tpu.wait_indirect_dma semaphore(%run_scoped3A : memref<!tpu.dma_semaphore, #tpu.memory_space<semaphore_mem>>) src(%arg9 : memref<128x128xf32, #tpu.memory_space<vmem>>) dst(%dma_wait3A_131 : memref<5120x128xf32, #tpu.memory_space<vmem_shared>>)
        tpu.yield
      }) : () -> ()
    }
    %barrier3A_86 = arith.constant 0 : index
    tpu.barrier barrier_id(%barrier3A_86)
    %mul3A_87 = arith.constant 320 : i32
    %mul3A_88 = arith.muli %arg1, %mul3A_87 : i32
    %add3A_89 = arith.constant 0 : i32
    %add3A_90 = arith.addi %mul3A_88, %add3A_89 : i32
    "tpu.region"() ({
      %run_scoped3A = tpu.sem_alloc : memref<!tpu.dma_semaphore, #tpu.memory_space<semaphore_mem>>
      %dma_start3A = arith.constant 0 : i32
      %dma_start3A_123 = arith.constant 0 : i32
      %dma_start3A_124 = tpu.memref_slice %arg10[%dma_start3A, %dma_start3A_123] : memref<128x128xf32, #tpu.memory_space<vmem>> -> memref<128x128xf32, #tpu.memory_space<vmem>>
      %dma_start3A_125 = arith.constant 0 : i32
      %dma_start3A_126 = tpu.memref_slice %arg6[%add3A_90, %dma_start3A_125] : memref<5120x128xf32, #tpu.memory_space<vmem_shared>> -> memref<128x128xf32, #tpu.memory_space<vmem_shared>>
      %dma_start3A_127 = arith.constant 0 : i32
      %dma_start3A_128 = arith.constant 0 : i32
      %dma_start3A_129 = tpu.memref_slice %arg10[%dma_start3A_127, %dma_start3A_128] : memref<128x128xf32, #tpu.memory_space<vmem>> -> memref<128x128xf32, #tpu.memory_space<vmem>>
      %dma_start3A_130 = arith.constant 0 : i32
      %dma_start3A_131 = tpu.memref_slice %arg6[%add3A_90, %dma_start3A_130] : memref<5120x128xf32, #tpu.memory_space<vmem_shared>> -> memref<128x128xf32, #tpu.memory_space<vmem_shared>>
      tpu.enqueue_dma source(%dma_start3A_131 : memref<128x128xf32, #tpu.memory_space<vmem_shared>>) target(%dma_start3A_129 : memref<128x128xf32, #tpu.memory_space<vmem>>) target_semaphore(%run_scoped3A : memref<!tpu.dma_semaphore, #tpu.memory_space<semaphore_mem>>)
      %dma_wait3A = arith.constant 0 : i32
      %dma_wait3A_132 = arith.constant 0 : i32
      %dma_wait3A_133 = tpu.memref_slice %arg10[%dma_wait3A, %dma_wait3A_132] : memref<128x128xf32, #tpu.memory_space<vmem>> -> memref<128x128xf32, #tpu.memory_space<vmem>>
      %dma_wait3A_134 = arith.constant 0 : i32
      %dma_wait3A_135 = tpu.memref_slice %arg6[%add3A_90, %dma_wait3A_134] : memref<5120x128xf32, #tpu.memory_space<vmem_shared>> -> memref<128x128xf32, #tpu.memory_space<vmem_shared>>
      %dma_wait3A_136 = arith.constant 0 : i32
      %dma_wait3A_137 = arith.constant 0 : i32
      %dma_wait3A_138 = tpu.memref_slice %arg10[%dma_wait3A_136, %dma_wait3A_137] : memref<128x128xf32, #tpu.memory_space<vmem>> -> memref<128x128xf32, #tpu.memory_space<vmem>>
      %dma_wait3A_139 = arith.constant 0 : i32
      %dma_wait3A_140 = tpu.memref_slice %arg6[%add3A_90, %dma_wait3A_139] : memref<5120x128xf32, #tpu.memory_space<vmem_shared>> -> memref<128x128xf32, #tpu.memory_space<vmem_shared>>
      tpu.wait_dma2 semaphore(%run_scoped3A : memref<!tpu.dma_semaphore, #tpu.memory_space<semaphore_mem>>) src(%dma_wait3A_140 : memref<128x128xf32, #tpu.memory_space<vmem_shared>>) dst(%dma_wait3A_138 : memref<128x128xf32, #tpu.memory_space<vmem>>)
      tpu.yield
    }) : () -> ()
    %mul3A_91 = arith.constant 1 : i32
    %mul3A_92 = arith.muli %arg0, %mul3A_91 : i32
    %add3A_93 = arith.constant 0 : i32
    %add3A_94 = arith.addi %mul3A_92, %add3A_93 : i32
    %mul3A_95 = arith.constant 320 : i32
    %mul3A_96 = arith.muli %arg1, %mul3A_95 : i32
    %add3A_97 = arith.constant 0 : i32
    %add3A_98 = arith.addi %mul3A_96, %add3A_97 : i32
    "tpu.region"() ({
      %run_scoped3A = tpu.sem_alloc : memref<!tpu.dma_semaphore, #tpu.memory_space<semaphore_mem>>
      %dma_start3A = arith.constant 0 : i32
      %dma_start3A_123 = arith.constant 0 : i32
      %dma_start3A_124 = tpu.memref_slice %arg10[%dma_start3A, %dma_start3A_123] : memref<128x128xf32, #tpu.memory_space<vmem>> -> memref<128x128xf32, #tpu.memory_space<vmem>>
      %dma_start3A_125 = arith.constant 0 : i32
      %dma_start3A_126 = tpu.memref_slice %arg5[%add3A_94, %add3A_98, %dma_start3A_125] : memref<2x5120x128xf32, #tpu.memory_space<hbm>> -> memref<1x128x128xf32, #tpu.memory_space<hbm>>
      %dma_start3A_127 = tpu.memref_squeeze %dma_start3A_126 : memref<1x128x128xf32, #tpu.memory_space<hbm>> -> memref<128x128xf32, #tpu.memory_space<hbm>>
      %dma_start3A_128 = arith.constant 0 : i32
      %dma_start3A_129 = tpu.memref_slice %arg5[%add3A_94, %add3A_98, %dma_start3A_128] : memref<2x5120x128xf32, #tpu.memory_space<hbm>> -> memref<1x128x128xf32, #tpu.memory_space<hbm>>
      %dma_start3A_130 = tpu.memref_squeeze %dma_start3A_129 : memref<1x128x128xf32, #tpu.memory_space<hbm>> -> memref<128x128xf32, #tpu.memory_space<hbm>>
      %dma_start3A_131 = arith.constant 0 : i32
      %dma_start3A_132 = arith.constant 0 : i32
      %dma_start3A_133 = tpu.memref_slice %arg10[%dma_start3A_131, %dma_start3A_132] : memref<128x128xf32, #tpu.memory_space<vmem>> -> memref<128x128xf32, #tpu.memory_space<vmem>>
      tpu.enqueue_dma source(%dma_start3A_133 : memref<128x128xf32, #tpu.memory_space<vmem>>) target(%dma_start3A_130 : memref<128x128xf32, #tpu.memory_space<hbm>>) target_semaphore(%run_scoped3A : memref<!tpu.dma_semaphore, #tpu.memory_space<semaphore_mem>>)
      %dma_wait3A = arith.constant 0 : i32
      %dma_wait3A_134 = arith.constant 0 : i32
      %dma_wait3A_135 = tpu.memref_slice %arg10[%dma_wait3A, %dma_wait3A_134] : memref<128x128xf32, #tpu.memory_space<vmem>> -> memref<128x128xf32, #tpu.memory_space<vmem>>
      %dma_wait3A_136 = arith.constant 0 : i32
      %dma_wait3A_137 = tpu.memref_slice %arg5[%add3A_94, %add3A_98, %dma_wait3A_136] : memref<2x5120x128xf32, #tpu.memory_space<hbm>> -> memref<1x128x128xf32, #tpu.memory_space<hbm>>
      %dma_wait3A_138 = tpu.memref_squeeze %dma_wait3A_137 : memref<1x128x128xf32, #tpu.memory_space<hbm>> -> memref<128x128xf32, #tpu.memory_space<hbm>>
      %dma_wait3A_139 = arith.constant 0 : i32
      %dma_wait3A_140 = tpu.memref_slice %arg5[%add3A_94, %add3A_98, %dma_wait3A_139] : memref<2x5120x128xf32, #tpu.memory_space<hbm>> -> memref<1x128x128xf32, #tpu.memory_space<hbm>>
      %dma_wait3A_141 = tpu.memref_squeeze %dma_wait3A_140 : memref<1x128x128xf32, #tpu.memory_space<hbm>> -> memref<128x128xf32, #tpu.memory_space<hbm>>
      %dma_wait3A_142 = arith.constant 0 : i32
      %dma_wait3A_143 = arith.constant 0 : i32
      %dma_wait3A_144 = tpu.memref_slice %arg10[%dma_wait3A_142, %dma_wait3A_143] : memref<128x128xf32, #tpu.memory_space<vmem>> -> memref<128x128xf32, #tpu.memory_space<vmem>>
      tpu.wait_dma2 semaphore(%run_scoped3A : memref<!tpu.dma_semaphore, #tpu.memory_space<semaphore_mem>>) src(%dma_wait3A_144 : memref<128x128xf32, #tpu.memory_space<vmem>>) dst(%dma_wait3A_141 : memref<128x128xf32, #tpu.memory_space<hbm>>)
      tpu.yield
    }) : () -> ()
    %mul3A_99 = arith.constant 320 : i32
    %mul3A_100 = arith.muli %arg1, %mul3A_99 : i32
    %add3A_101 = arith.constant 128 : i32
    %add3A_102 = arith.addi %mul3A_100, %add3A_101 : i32
    "tpu.region"() ({
      %run_scoped3A = tpu.sem_alloc : memref<!tpu.dma_semaphore, #tpu.memory_space<semaphore_mem>>
      %dma_start3A = arith.constant 0 : i32
      %dma_start3A_123 = arith.constant 0 : i32
      %dma_start3A_124 = tpu.memref_slice %arg10[%dma_start3A, %dma_start3A_123] : memref<128x128xf32, #tpu.memory_space<vmem>> -> memref<128x128xf32, #tpu.memory_space<vmem>>
      %dma_start3A_125 = arith.constant 0 : i32
      %dma_start3A_126 = tpu.memref_slice %arg6[%add3A_102, %dma_start3A_125] : memref<5120x128xf32, #tpu.memory_space<vmem_shared>> -> memref<128x128xf32, #tpu.memory_space<vmem_shared>>
      %dma_start3A_127 = arith.constant 0 : i32
      %dma_start3A_128 = arith.constant 0 : i32
      %dma_start3A_129 = tpu.memref_slice %arg10[%dma_start3A_127, %dma_start3A_128] : memref<128x128xf32, #tpu.memory_space<vmem>> -> memref<128x128xf32, #tpu.memory_space<vmem>>
      %dma_start3A_130 = arith.constant 0 : i32
      %dma_start3A_131 = tpu.memref_slice %arg6[%add3A_102, %dma_start3A_130] : memref<5120x128xf32, #tpu.memory_space<vmem_shared>> -> memref<128x128xf32, #tpu.memory_space<vmem_shared>>
      tpu.enqueue_dma source(%dma_start3A_131 : memref<128x128xf32, #tpu.memory_space<vmem_shared>>) target(%dma_start3A_129 : memref<128x128xf32, #tpu.memory_space<vmem>>) target_semaphore(%run_scoped3A : memref<!tpu.dma_semaphore, #tpu.memory_space<semaphore_mem>>)
      %dma_wait3A = arith.constant 0 : i32
      %dma_wait3A_132 = arith.constant 0 : i32
      %dma_wait3A_133 = tpu.memref_slice %arg10[%dma_wait3A, %dma_wait3A_132] : memref<128x128xf32, #tpu.memory_space<vmem>> -> memref<128x128xf32, #tpu.memory_space<vmem>>
      %dma_wait3A_134 = arith.constant 0 : i32
      %dma_wait3A_135 = tpu.memref_slice %arg6[%add3A_102, %dma_wait3A_134] : memref<5120x128xf32, #tpu.memory_space<vmem_shared>> -> memref<128x128xf32, #tpu.memory_space<vmem_shared>>
      %dma_wait3A_136 = arith.constant 0 : i32
      %dma_wait3A_137 = arith.constant 0 : i32
      %dma_wait3A_138 = tpu.memref_slice %arg10[%dma_wait3A_136, %dma_wait3A_137] : memref<128x128xf32, #tpu.memory_space<vmem>> -> memref<128x128xf32, #tpu.memory_space<vmem>>
      %dma_wait3A_139 = arith.constant 0 : i32
      %dma_wait3A_140 = tpu.memref_slice %arg6[%add3A_102, %dma_wait3A_139] : memref<5120x128xf32, #tpu.memory_space<vmem_shared>> -> memref<128x128xf32, #tpu.memory_space<vmem_shared>>
      tpu.wait_dma2 semaphore(%run_scoped3A : memref<!tpu.dma_semaphore, #tpu.memory_space<semaphore_mem>>) src(%dma_wait3A_140 : memref<128x128xf32, #tpu.memory_space<vmem_shared>>) dst(%dma_wait3A_138 : memref<128x128xf32, #tpu.memory_space<vmem>>)
      tpu.yield
    }) : () -> ()
    %mul3A_103 = arith.constant 1 : i32
    %mul3A_104 = arith.muli %arg0, %mul3A_103 : i32
    %add3A_105 = arith.constant 0 : i32
    %add3A_106 = arith.addi %mul3A_104, %add3A_105 : i32
    %mul3A_107 = arith.constant 320 : i32
    %mul3A_108 = arith.muli %arg1, %mul3A_107 : i32
    %add3A_109 = arith.constant 128 : i32
    %add3A_110 = arith.addi %mul3A_108, %add3A_109 : i32
    "tpu.region"() ({
      %run_scoped3A = tpu.sem_alloc : memref<!tpu.dma_semaphore, #tpu.memory_space<semaphore_mem>>
      %dma_start3A = arith.constant 0 : i32
      %dma_start3A_123 = arith.constant 0 : i32
      %dma_start3A_124 = tpu.memref_slice %arg10[%dma_start3A, %dma_start3A_123] : memref<128x128xf32, #tpu.memory_space<vmem>> -> memref<128x128xf32, #tpu.memory_space<vmem>>
      %dma_start3A_125 = arith.constant 0 : i32
      %dma_start3A_126 = tpu.memref_slice %arg5[%add3A_106, %add3A_110, %dma_start3A_125] : memref<2x5120x128xf32, #tpu.memory_space<hbm>> -> memref<1x128x128xf32, #tpu.memory_space<hbm>>
      %dma_start3A_127 = tpu.memref_squeeze %dma_start3A_126 : memref<1x128x128xf32, #tpu.memory_space<hbm>> -> memref<128x128xf32, #tpu.memory_space<hbm>>
      %dma_start3A_128 = arith.constant 0 : i32
      %dma_start3A_129 = tpu.memref_slice %arg5[%add3A_106, %add3A_110, %dma_start3A_128] : memref<2x5120x128xf32, #tpu.memory_space<hbm>> -> memref<1x128x128xf32, #tpu.memory_space<hbm>>
      %dma_start3A_130 = tpu.memref_squeeze %dma_start3A_129 : memref<1x128x128xf32, #tpu.memory_space<hbm>> -> memref<128x128xf32, #tpu.memory_space<hbm>>
      %dma_start3A_131 = arith.constant 0 : i32
      %dma_start3A_132 = arith.constant 0 : i32
      %dma_start3A_133 = tpu.memref_slice %arg10[%dma_start3A_131, %dma_start3A_132] : memref<128x128xf32, #tpu.memory_space<vmem>> -> memref<128x128xf32, #tpu.memory_space<vmem>>
      tpu.enqueue_dma source(%dma_start3A_133 : memref<128x128xf32, #tpu.memory_space<vmem>>) target(%dma_start3A_130 : memref<128x128xf32, #tpu.memory_space<hbm>>) target_semaphore(%run_scoped3A : memref<!tpu.dma_semaphore, #tpu.memory_space<semaphore_mem>>)
      %dma_wait3A = arith.constant 0 : i32
      %dma_wait3A_134 = arith.constant 0 : i32
      %dma_wait3A_135 = tpu.memref_slice %arg10[%dma_wait3A, %dma_wait3A_134] : memref<128x128xf32, #tpu.memory_space<vmem>> -> memref<128x128xf32, #tpu.memory_space<vmem>>
      %dma_wait3A_136 = arith.constant 0 : i32
      %dma_wait3A_137 = tpu.memref_slice %arg5[%add3A_106, %add3A_110, %dma_wait3A_136] : memref<2x5120x128xf32, #tpu.memory_space<hbm>> -> memref<1x128x128xf32, #tpu.memory_space<hbm>>
      %dma_wait3A_138 = tpu.memref_squeeze %dma_wait3A_137 : memref<1x128x128xf32, #tpu.memory_space<hbm>> -> memref<128x128xf32, #tpu.memory_space<hbm>>
      %dma_wait3A_139 = arith.constant 0 : i32
      %dma_wait3A_140 = tpu.memref_slice %arg5[%add3A_106, %add3A_110, %dma_wait3A_139] : memref<2x5120x128xf32, #tpu.memory_space<hbm>> -> memref<1x128x128xf32, #tpu.memory_space<hbm>>
      %dma_wait3A_141 = tpu.memref_squeeze %dma_wait3A_140 : memref<1x128x128xf32, #tpu.memory_space<hbm>> -> memref<128x128xf32, #tpu.memory_space<hbm>>
      %dma_wait3A_142 = arith.constant 0 : i32
      %dma_wait3A_143 = arith.constant 0 : i32
      %dma_wait3A_144 = tpu.memref_slice %arg10[%dma_wait3A_142, %dma_wait3A_143] : memref<128x128xf32, #tpu.memory_space<vmem>> -> memref<128x128xf32, #tpu.memory_space<vmem>>
      tpu.wait_dma2 semaphore(%run_scoped3A : memref<!tpu.dma_semaphore, #tpu.memory_space<semaphore_mem>>) src(%dma_wait3A_144 : memref<128x128xf32, #tpu.memory_space<vmem>>) dst(%dma_wait3A_141 : memref<128x128xf32, #tpu.memory_space<hbm>>)
      tpu.yield
    }) : () -> ()
    %mul3A_111 = arith.constant 320 : i32
    %mul3A_112 = arith.muli %arg1, %mul3A_111 : i32
    %add3A_113 = arith.constant 256 : i32
    %add3A_114 = arith.addi %mul3A_112, %add3A_113 : i32
    "tpu.region"() ({
      %run_scoped3A = tpu.sem_alloc : memref<!tpu.dma_semaphore, #tpu.memory_space<semaphore_mem>>
      %dma_start3A = arith.constant 0 : i32
      %dma_start3A_123 = arith.constant 0 : i32
      %dma_start3A_124 = tpu.memref_slice %arg10[%dma_start3A, %dma_start3A_123] : memref<128x128xf32, #tpu.memory_space<vmem>> -> memref<64x128xf32, #tpu.memory_space<vmem>>
      %dma_start3A_125 = arith.constant 0 : i32
      %dma_start3A_126 = tpu.memref_slice %arg6[%add3A_114, %dma_start3A_125] : memref<5120x128xf32, #tpu.memory_space<vmem_shared>> -> memref<64x128xf32, #tpu.memory_space<vmem_shared>>
      %dma_start3A_127 = arith.constant 0 : i32
      %dma_start3A_128 = arith.constant 0 : i32
      %dma_start3A_129 = tpu.memref_slice %arg10[%dma_start3A_127, %dma_start3A_128] : memref<128x128xf32, #tpu.memory_space<vmem>> -> memref<64x128xf32, #tpu.memory_space<vmem>>
      %dma_start3A_130 = arith.constant 0 : i32
      %dma_start3A_131 = tpu.memref_slice %arg6[%add3A_114, %dma_start3A_130] : memref<5120x128xf32, #tpu.memory_space<vmem_shared>> -> memref<64x128xf32, #tpu.memory_space<vmem_shared>>
      tpu.enqueue_dma source(%dma_start3A_131 : memref<64x128xf32, #tpu.memory_space<vmem_shared>>) target(%dma_start3A_129 : memref<64x128xf32, #tpu.memory_space<vmem>>) target_semaphore(%run_scoped3A : memref<!tpu.dma_semaphore, #tpu.memory_space<semaphore_mem>>)
      %dma_wait3A = arith.constant 0 : i32
      %dma_wait3A_132 = arith.constant 0 : i32
      %dma_wait3A_133 = tpu.memref_slice %arg10[%dma_wait3A, %dma_wait3A_132] : memref<128x128xf32, #tpu.memory_space<vmem>> -> memref<64x128xf32, #tpu.memory_space<vmem>>
      %dma_wait3A_134 = arith.constant 0 : i32
      %dma_wait3A_135 = tpu.memref_slice %arg6[%add3A_114, %dma_wait3A_134] : memref<5120x128xf32, #tpu.memory_space<vmem_shared>> -> memref<64x128xf32, #tpu.memory_space<vmem_shared>>
      %dma_wait3A_136 = arith.constant 0 : i32
      %dma_wait3A_137 = arith.constant 0 : i32
      %dma_wait3A_138 = tpu.memref_slice %arg10[%dma_wait3A_136, %dma_wait3A_137] : memref<128x128xf32, #tpu.memory_space<vmem>> -> memref<64x128xf32, #tpu.memory_space<vmem>>
      %dma_wait3A_139 = arith.constant 0 : i32
      %dma_wait3A_140 = tpu.memref_slice %arg6[%add3A_114, %dma_wait3A_139] : memref<5120x128xf32, #tpu.memory_space<vmem_shared>> -> memref<64x128xf32, #tpu.memory_space<vmem_shared>>
      tpu.wait_dma2 semaphore(%run_scoped3A : memref<!tpu.dma_semaphore, #tpu.memory_space<semaphore_mem>>) src(%dma_wait3A_140 : memref<64x128xf32, #tpu.memory_space<vmem_shared>>) dst(%dma_wait3A_138 : memref<64x128xf32, #tpu.memory_space<vmem>>)
      tpu.yield
    }) : () -> ()
    %mul3A_115 = arith.constant 1 : i32
    %mul3A_116 = arith.muli %arg0, %mul3A_115 : i32
    %add3A_117 = arith.constant 0 : i32
    %add3A_118 = arith.addi %mul3A_116, %add3A_117 : i32
    %mul3A_119 = arith.constant 320 : i32
    %mul3A_120 = arith.muli %arg1, %mul3A_119 : i32
    %add3A_121 = arith.constant 256 : i32
    %add3A_122 = arith.addi %mul3A_120, %add3A_121 : i32
    "tpu.region"() ({
      %run_scoped3A = tpu.sem_alloc : memref<!tpu.dma_semaphore, #tpu.memory_space<semaphore_mem>>
      %dma_start3A = arith.constant 0 : i32
      %dma_start3A_123 = arith.constant 0 : i32
      %dma_start3A_124 = tpu.memref_slice %arg10[%dma_start3A, %dma_start3A_123] : memref<128x128xf32, #tpu.memory_space<vmem>> -> memref<64x128xf32, #tpu.memory_space<vmem>>
      %dma_start3A_125 = arith.constant 0 : i32
      %dma_start3A_126 = tpu.memref_slice %arg5[%add3A_118, %add3A_122, %dma_start3A_125] : memref<2x5120x128xf32, #tpu.memory_space<hbm>> -> memref<1x64x128xf32, #tpu.memory_space<hbm>>
      %dma_start3A_127 = tpu.memref_squeeze %dma_start3A_126 : memref<1x64x128xf32, #tpu.memory_space<hbm>> -> memref<64x128xf32, #tpu.memory_space<hbm>>
      %dma_start3A_128 = arith.constant 0 : i32
      %dma_start3A_129 = tpu.memref_slice %arg5[%add3A_118, %add3A_122, %dma_start3A_128] : memref<2x5120x128xf32, #tpu.memory_space<hbm>> -> memref<1x64x128xf32, #tpu.memory_space<hbm>>
      %dma_start3A_130 = tpu.memref_squeeze %dma_start3A_129 : memref<1x64x128xf32, #tpu.memory_space<hbm>> -> memref<64x128xf32, #tpu.memory_space<hbm>>
      %dma_start3A_131 = arith.constant 0 : i32
      %dma_start3A_132 = arith.constant 0 : i32
      %dma_start3A_133 = tpu.memref_slice %arg10[%dma_start3A_131, %dma_start3A_132] : memref<128x128xf32, #tpu.memory_space<vmem>> -> memref<64x128xf32, #tpu.memory_space<vmem>>
      tpu.enqueue_dma source(%dma_start3A_133 : memref<64x128xf32, #tpu.memory_space<vmem>>) target(%dma_start3A_130 : memref<64x128xf32, #tpu.memory_space<hbm>>) target_semaphore(%run_scoped3A : memref<!tpu.dma_semaphore, #tpu.memory_space<semaphore_mem>>)
      %dma_wait3A = arith.constant 0 : i32
      %dma_wait3A_134 = arith.constant 0 : i32
      %dma_wait3A_135 = tpu.memref_slice %arg10[%dma_wait3A, %dma_wait3A_134] : memref<128x128xf32, #tpu.memory_space<vmem>> -> memref<64x128xf32, #tpu.memory_space<vmem>>
      %dma_wait3A_136 = arith.constant 0 : i32
      %dma_wait3A_137 = tpu.memref_slice %arg5[%add3A_118, %add3A_122, %dma_wait3A_136] : memref<2x5120x128xf32, #tpu.memory_space<hbm>> -> memref<1x64x128xf32, #tpu.memory_space<hbm>>
      %dma_wait3A_138 = tpu.memref_squeeze %dma_wait3A_137 : memref<1x64x128xf32, #tpu.memory_space<hbm>> -> memref<64x128xf32, #tpu.memory_space<hbm>>
      %dma_wait3A_139 = arith.constant 0 : i32
      %dma_wait3A_140 = tpu.memref_slice %arg5[%add3A_118, %add3A_122, %dma_wait3A_139] : memref<2x5120x128xf32, #tpu.memory_space<hbm>> -> memref<1x64x128xf32, #tpu.memory_space<hbm>>
      %dma_wait3A_141 = tpu.memref_squeeze %dma_wait3A_140 : memref<1x64x128xf32, #tpu.memory_space<hbm>> -> memref<64x128xf32, #tpu.memory_space<hbm>>
      %dma_wait3A_142 = arith.constant 0 : i32
      %dma_wait3A_143 = arith.constant 0 : i32
      %dma_wait3A_144 = tpu.memref_slice %arg10[%dma_wait3A_142, %dma_wait3A_143] : memref<128x128xf32, #tpu.memory_space<vmem>> -> memref<64x128xf32, #tpu.memory_space<vmem>>
      tpu.wait_dma2 semaphore(%run_scoped3A : memref<!tpu.dma_semaphore, #tpu.memory_space<semaphore_mem>>) src(%dma_wait3A_144 : memref<64x128xf32, #tpu.memory_space<vmem>>) dst(%dma_wait3A_141 : memref<64x128xf32, #tpu.memory_space<hbm>>)
      tpu.yield
    }) : () -> ()
    return
  }
}

#map = affine_map<(d0, d1) -> (0, 0)>
#map1 = affine_map<(d0, d1) -> (0)>
#map2 = affine_map<(d0, d1) -> (0, 0, 0)>
module attributes {stable_mosaic.version = 14 : i64} {
  func.func @_k(%arg0: i32, %arg1: i32, %arg2: memref<10000x128xf32, #tpu.memory_space<hbm>>, %arg3: memref<327680xi32, #tpu.memory_space<hbm>>, %arg4: memref<327680xi32, #tpu.memory_space<hbm>>, %arg5: memref<128x128xf32, #tpu.memory_space<hbm>>, %arg6: memref<4x5120x128xf32, #tpu.memory_space<hbm>>, %arg7: memref<5120x128xf32, #tpu.memory_space<vmem_shared>>, %arg8: memref<4096xi32, #tpu.memory_space<vmem>>, %arg9: memref<4096xi32, #tpu.memory_space<vmem>>, %arg10: memref<20608xi32, #tpu.memory_space<vmem>>, %arg11: memref<20608xi32, #tpu.memory_space<vmem>>, %arg12: memref<128x128xf32, #tpu.memory_space<vmem>>, %arg13: memref<128x128xf32, #tpu.memory_space<vmem>>, %arg14: memref<!tpu.dma_semaphore, #tpu.memory_space<semaphore_mem>>, %arg15: memref<!tpu.dma_semaphore, #tpu.memory_space<semaphore_mem>>) attributes {dimension_semantics = [#tpu.dimension_semantics<core_parallel>, #tpu.dimension_semantics<subcore_parallel>], iteration_bounds = array<i64: 2, 16>, scalar_prefetch = 0 : i64, scratch_operands = 9 : i64, tpu.core_type = #tpu.core_type<sc_vector_subcore>, window_params = [{transform_indices = #map}, {transform_indices = #map1}, {transform_indices = #map1}, {transform_indices = #map}, {transform_indices = #map2}]} {
    %iota3A = tpu.iota {dimensions = array<i32: 0>} : vector<16xi32>
    %broadcast_in_dim3A = arith.constant 5000 : i32
    %broadcast_in_dim3A_0 = vector.broadcast %broadcast_in_dim3A : i32 to vector<16xi32>
    %add3A = vector.broadcast %arg1 : i32 to vector<16xi32>
    %add3A_1 = arith.addi %broadcast_in_dim3A_0, %add3A : vector<16xi32>
    %mul3A = arith.constant 2 : i32
    %mul3A_2 = arith.muli %arg0, %mul3A : i32
    %add3A_3 = arith.constant 0 : i32
    %add3A_4 = arith.addi %mul3A_2, %add3A_3 : i32
    %mul3A_5 = arith.constant 5000 : i32
    %mul3A_6 = arith.muli %add3A_4, %mul3A_5 : i32
    "tpu.region"() ({
      %run_scoped3A = tpu.sem_alloc : memref<!tpu.dma_semaphore, #tpu.memory_space<semaphore_mem>>
      tpu.enqueue_dma source(%arg5 : memref<128x128xf32, #tpu.memory_space<hbm>>) target(%arg13 : memref<128x128xf32, #tpu.memory_space<vmem>>) target_semaphore(%run_scoped3A : memref<!tpu.dma_semaphore, #tpu.memory_space<semaphore_mem>>)
      tpu.wait_dma2 semaphore(%run_scoped3A : memref<!tpu.dma_semaphore, #tpu.memory_space<semaphore_mem>>) src(%arg5 : memref<128x128xf32, #tpu.memory_space<hbm>>) dst(%arg13 : memref<128x128xf32, #tpu.memory_space<vmem>>)
      tpu.yield
    }) : () -> ()
    %mul3A_7 = arith.constant 320 : i32
    %mul3A_8 = arith.muli %arg1, %mul3A_7 : i32
    %add3A_9 = arith.constant 0 : i32
    %add3A_10 = arith.addi %mul3A_8, %add3A_9 : i32
    "tpu.region"() ({
      %run_scoped3A = tpu.sem_alloc : memref<!tpu.dma_semaphore, #tpu.memory_space<semaphore_mem>>
      %dma_start3A_373 = arith.constant 0 : i32
      %dma_start3A_374 = arith.constant 0 : i32
      %dma_start3A_375 = tpu.memref_slice %arg13[%dma_start3A_373, %dma_start3A_374] : memref<128x128xf32, #tpu.memory_space<vmem>> -> memref<128x128xf32, #tpu.memory_space<vmem>>
      %dma_start3A_376 = arith.constant 0 : i32
      %dma_start3A_377 = tpu.memref_slice %arg7[%add3A_10, %dma_start3A_376] : memref<5120x128xf32, #tpu.memory_space<vmem_shared>> -> memref<128x128xf32, #tpu.memory_space<vmem_shared>>
      %dma_start3A_378 = arith.constant 0 : i32
      %dma_start3A_379 = tpu.memref_slice %arg7[%add3A_10, %dma_start3A_378] : memref<5120x128xf32, #tpu.memory_space<vmem_shared>> -> memref<128x128xf32, #tpu.memory_space<vmem_shared>>
      %dma_start3A_380 = arith.constant 0 : i32
      %dma_start3A_381 = arith.constant 0 : i32
      %dma_start3A_382 = tpu.memref_slice %arg13[%dma_start3A_380, %dma_start3A_381] : memref<128x128xf32, #tpu.memory_space<vmem>> -> memref<128x128xf32, #tpu.memory_space<vmem>>
      tpu.enqueue_dma source(%dma_start3A_382 : memref<128x128xf32, #tpu.memory_space<vmem>>) target(%dma_start3A_379 : memref<128x128xf32, #tpu.memory_space<vmem_shared>>) target_semaphore(%run_scoped3A : memref<!tpu.dma_semaphore, #tpu.memory_space<semaphore_mem>>)
      %dma_wait3A_383 = arith.constant 0 : i32
      %dma_wait3A_384 = arith.constant 0 : i32
      %dma_wait3A_385 = tpu.memref_slice %arg13[%dma_wait3A_383, %dma_wait3A_384] : memref<128x128xf32, #tpu.memory_space<vmem>> -> memref<128x128xf32, #tpu.memory_space<vmem>>
      %dma_wait3A_386 = arith.constant 0 : i32
      %dma_wait3A_387 = tpu.memref_slice %arg7[%add3A_10, %dma_wait3A_386] : memref<5120x128xf32, #tpu.memory_space<vmem_shared>> -> memref<128x128xf32, #tpu.memory_space<vmem_shared>>
      %dma_wait3A_388 = arith.constant 0 : i32
      %dma_wait3A_389 = tpu.memref_slice %arg7[%add3A_10, %dma_wait3A_388] : memref<5120x128xf32, #tpu.memory_space<vmem_shared>> -> memref<128x128xf32, #tpu.memory_space<vmem_shared>>
      %dma_wait3A_390 = arith.constant 0 : i32
      %dma_wait3A_391 = arith.constant 0 : i32
      %dma_wait3A_392 = tpu.memref_slice %arg13[%dma_wait3A_390, %dma_wait3A_391] : memref<128x128xf32, #tpu.memory_space<vmem>> -> memref<128x128xf32, #tpu.memory_space<vmem>>
      tpu.wait_dma2 semaphore(%run_scoped3A : memref<!tpu.dma_semaphore, #tpu.memory_space<semaphore_mem>>) src(%dma_wait3A_392 : memref<128x128xf32, #tpu.memory_space<vmem>>) dst(%dma_wait3A_389 : memref<128x128xf32, #tpu.memory_space<vmem_shared>>)
      tpu.yield
    }) : () -> ()
    %mul3A_11 = arith.constant 320 : i32
    %mul3A_12 = arith.muli %arg1, %mul3A_11 : i32
    %add3A_13 = arith.constant 128 : i32
    %add3A_14 = arith.addi %mul3A_12, %add3A_13 : i32
    "tpu.region"() ({
      %run_scoped3A = tpu.sem_alloc : memref<!tpu.dma_semaphore, #tpu.memory_space<semaphore_mem>>
      %dma_start3A_373 = arith.constant 0 : i32
      %dma_start3A_374 = arith.constant 0 : i32
      %dma_start3A_375 = tpu.memref_slice %arg13[%dma_start3A_373, %dma_start3A_374] : memref<128x128xf32, #tpu.memory_space<vmem>> -> memref<128x128xf32, #tpu.memory_space<vmem>>
      %dma_start3A_376 = arith.constant 0 : i32
      %dma_start3A_377 = tpu.memref_slice %arg7[%add3A_14, %dma_start3A_376] : memref<5120x128xf32, #tpu.memory_space<vmem_shared>> -> memref<128x128xf32, #tpu.memory_space<vmem_shared>>
      %dma_start3A_378 = arith.constant 0 : i32
      %dma_start3A_379 = tpu.memref_slice %arg7[%add3A_14, %dma_start3A_378] : memref<5120x128xf32, #tpu.memory_space<vmem_shared>> -> memref<128x128xf32, #tpu.memory_space<vmem_shared>>
      %dma_start3A_380 = arith.constant 0 : i32
      %dma_start3A_381 = arith.constant 0 : i32
      %dma_start3A_382 = tpu.memref_slice %arg13[%dma_start3A_380, %dma_start3A_381] : memref<128x128xf32, #tpu.memory_space<vmem>> -> memref<128x128xf32, #tpu.memory_space<vmem>>
      tpu.enqueue_dma source(%dma_start3A_382 : memref<128x128xf32, #tpu.memory_space<vmem>>) target(%dma_start3A_379 : memref<128x128xf32, #tpu.memory_space<vmem_shared>>) target_semaphore(%run_scoped3A : memref<!tpu.dma_semaphore, #tpu.memory_space<semaphore_mem>>)
      %dma_wait3A_383 = arith.constant 0 : i32
      %dma_wait3A_384 = arith.constant 0 : i32
      %dma_wait3A_385 = tpu.memref_slice %arg13[%dma_wait3A_383, %dma_wait3A_384] : memref<128x128xf32, #tpu.memory_space<vmem>> -> memref<128x128xf32, #tpu.memory_space<vmem>>
      %dma_wait3A_386 = arith.constant 0 : i32
      %dma_wait3A_387 = tpu.memref_slice %arg7[%add3A_14, %dma_wait3A_386] : memref<5120x128xf32, #tpu.memory_space<vmem_shared>> -> memref<128x128xf32, #tpu.memory_space<vmem_shared>>
      %dma_wait3A_388 = arith.constant 0 : i32
      %dma_wait3A_389 = tpu.memref_slice %arg7[%add3A_14, %dma_wait3A_388] : memref<5120x128xf32, #tpu.memory_space<vmem_shared>> -> memref<128x128xf32, #tpu.memory_space<vmem_shared>>
      %dma_wait3A_390 = arith.constant 0 : i32
      %dma_wait3A_391 = arith.constant 0 : i32
      %dma_wait3A_392 = tpu.memref_slice %arg13[%dma_wait3A_390, %dma_wait3A_391] : memref<128x128xf32, #tpu.memory_space<vmem>> -> memref<128x128xf32, #tpu.memory_space<vmem>>
      tpu.wait_dma2 semaphore(%run_scoped3A : memref<!tpu.dma_semaphore, #tpu.memory_space<semaphore_mem>>) src(%dma_wait3A_392 : memref<128x128xf32, #tpu.memory_space<vmem>>) dst(%dma_wait3A_389 : memref<128x128xf32, #tpu.memory_space<vmem_shared>>)
      tpu.yield
    }) : () -> ()
    %mul3A_15 = arith.constant 320 : i32
    %mul3A_16 = arith.muli %arg1, %mul3A_15 : i32
    %add3A_17 = arith.constant 256 : i32
    %add3A_18 = arith.addi %mul3A_16, %add3A_17 : i32
    "tpu.region"() ({
      %run_scoped3A = tpu.sem_alloc : memref<!tpu.dma_semaphore, #tpu.memory_space<semaphore_mem>>
      %dma_start3A_373 = arith.constant 0 : i32
      %dma_start3A_374 = arith.constant 0 : i32
      %dma_start3A_375 = tpu.memref_slice %arg13[%dma_start3A_373, %dma_start3A_374] : memref<128x128xf32, #tpu.memory_space<vmem>> -> memref<64x128xf32, #tpu.memory_space<vmem>>
      %dma_start3A_376 = arith.constant 0 : i32
      %dma_start3A_377 = tpu.memref_slice %arg7[%add3A_18, %dma_start3A_376] : memref<5120x128xf32, #tpu.memory_space<vmem_shared>> -> memref<64x128xf32, #tpu.memory_space<vmem_shared>>
      %dma_start3A_378 = arith.constant 0 : i32
      %dma_start3A_379 = tpu.memref_slice %arg7[%add3A_18, %dma_start3A_378] : memref<5120x128xf32, #tpu.memory_space<vmem_shared>> -> memref<64x128xf32, #tpu.memory_space<vmem_shared>>
      %dma_start3A_380 = arith.constant 0 : i32
      %dma_start3A_381 = arith.constant 0 : i32
      %dma_start3A_382 = tpu.memref_slice %arg13[%dma_start3A_380, %dma_start3A_381] : memref<128x128xf32, #tpu.memory_space<vmem>> -> memref<64x128xf32, #tpu.memory_space<vmem>>
      tpu.enqueue_dma source(%dma_start3A_382 : memref<64x128xf32, #tpu.memory_space<vmem>>) target(%dma_start3A_379 : memref<64x128xf32, #tpu.memory_space<vmem_shared>>) target_semaphore(%run_scoped3A : memref<!tpu.dma_semaphore, #tpu.memory_space<semaphore_mem>>)
      %dma_wait3A_383 = arith.constant 0 : i32
      %dma_wait3A_384 = arith.constant 0 : i32
      %dma_wait3A_385 = tpu.memref_slice %arg13[%dma_wait3A_383, %dma_wait3A_384] : memref<128x128xf32, #tpu.memory_space<vmem>> -> memref<64x128xf32, #tpu.memory_space<vmem>>
      %dma_wait3A_386 = arith.constant 0 : i32
      %dma_wait3A_387 = tpu.memref_slice %arg7[%add3A_18, %dma_wait3A_386] : memref<5120x128xf32, #tpu.memory_space<vmem_shared>> -> memref<64x128xf32, #tpu.memory_space<vmem_shared>>
      %dma_wait3A_388 = arith.constant 0 : i32
      %dma_wait3A_389 = tpu.memref_slice %arg7[%add3A_18, %dma_wait3A_388] : memref<5120x128xf32, #tpu.memory_space<vmem_shared>> -> memref<64x128xf32, #tpu.memory_space<vmem_shared>>
      %dma_wait3A_390 = arith.constant 0 : i32
      %dma_wait3A_391 = arith.constant 0 : i32
      %dma_wait3A_392 = tpu.memref_slice %arg13[%dma_wait3A_390, %dma_wait3A_391] : memref<128x128xf32, #tpu.memory_space<vmem>> -> memref<64x128xf32, #tpu.memory_space<vmem>>
      tpu.wait_dma2 semaphore(%run_scoped3A : memref<!tpu.dma_semaphore, #tpu.memory_space<semaphore_mem>>) src(%dma_wait3A_392 : memref<64x128xf32, #tpu.memory_space<vmem>>) dst(%dma_wait3A_389 : memref<64x128xf32, #tpu.memory_space<vmem_shared>>)
      tpu.yield
    }) : () -> ()
    %barrier3A = arith.constant 0 : index
    tpu.barrier barrier_id(%barrier3A)
    %scan3A = arith.constant 0 : i32
    %scan3A_19 = arith.constant 0 : i32
    %scan3A_20 = arith.constant 5 : i32
    %scan3A_21 = arith.addi %scan3A_19, %scan3A_20 : i32
    %scan3A_22 = arith.constant 1 : i32
    %scan3A_23 = scf.for %scan3A_373 = %scan3A_19 to %scan3A_21 step %scan3A_22 iter_args(%scan3A_374 = %scan3A) -> (i32)  : i32 {
      %mul3A_375 = arith.constant 20480 : i32
      %mul3A_376 = arith.muli %arg1, %mul3A_375 : i32
      %mul3A_377 = arith.constant 4096 : i32
      %mul3A_378 = arith.muli %scan3A_373, %mul3A_377 : i32
      %add3A_379 = arith.addi %mul3A_376, %mul3A_378 : i32
      "tpu.region"() ({
        %run_scoped3A = tpu.sem_alloc : memref<!tpu.dma_semaphore, #tpu.memory_space<semaphore_mem>>
        %dma_start3A_386 = tpu.memref_slice %arg4[%add3A_379] : memref<327680xi32, #tpu.memory_space<hbm>> -> memref<4096xi32, #tpu.memory_space<hbm>>
        %dma_start3A_387 = tpu.memref_slice %arg4[%add3A_379] : memref<327680xi32, #tpu.memory_space<hbm>> -> memref<4096xi32, #tpu.memory_space<hbm>>
        tpu.enqueue_dma source(%dma_start3A_387 : memref<4096xi32, #tpu.memory_space<hbm>>) target(%arg8 : memref<4096xi32, #tpu.memory_space<vmem>>) target_semaphore(%run_scoped3A : memref<!tpu.dma_semaphore, #tpu.memory_space<semaphore_mem>>)
        %dma_wait3A_388 = tpu.memref_slice %arg4[%add3A_379] : memref<327680xi32, #tpu.memory_space<hbm>> -> memref<4096xi32, #tpu.memory_space<hbm>>
        %dma_wait3A_389 = tpu.memref_slice %arg4[%add3A_379] : memref<327680xi32, #tpu.memory_space<hbm>> -> memref<4096xi32, #tpu.memory_space<hbm>>
        tpu.wait_dma2 semaphore(%run_scoped3A : memref<!tpu.dma_semaphore, #tpu.memory_space<semaphore_mem>>) src(%dma_wait3A_389 : memref<4096xi32, #tpu.memory_space<hbm>>) dst(%arg8 : memref<4096xi32, #tpu.memory_space<vmem>>)
        tpu.yield
      }) : () -> ()
      "tpu.region"() ({
        %run_scoped3A = tpu.sem_alloc : memref<!tpu.dma_semaphore, #tpu.memory_space<semaphore_mem>>
        %dma_start3A_386 = tpu.memref_slice %arg3[%add3A_379] : memref<327680xi32, #tpu.memory_space<hbm>> -> memref<4096xi32, #tpu.memory_space<hbm>>
        %dma_start3A_387 = tpu.memref_slice %arg3[%add3A_379] : memref<327680xi32, #tpu.memory_space<hbm>> -> memref<4096xi32, #tpu.memory_space<hbm>>
        tpu.enqueue_dma source(%dma_start3A_387 : memref<4096xi32, #tpu.memory_space<hbm>>) target(%arg9 : memref<4096xi32, #tpu.memory_space<vmem>>) target_semaphore(%run_scoped3A : memref<!tpu.dma_semaphore, #tpu.memory_space<semaphore_mem>>)
        %dma_wait3A_388 = tpu.memref_slice %arg3[%add3A_379] : memref<327680xi32, #tpu.memory_space<hbm>> -> memref<4096xi32, #tpu.memory_space<hbm>>
        %dma_wait3A_389 = tpu.memref_slice %arg3[%add3A_379] : memref<327680xi32, #tpu.memory_space<hbm>> -> memref<4096xi32, #tpu.memory_space<hbm>>
        tpu.wait_dma2 semaphore(%run_scoped3A : memref<!tpu.dma_semaphore, #tpu.memory_space<semaphore_mem>>) src(%dma_wait3A_389 : memref<4096xi32, #tpu.memory_space<hbm>>) dst(%arg9 : memref<4096xi32, #tpu.memory_space<vmem>>)
        tpu.yield
      }) : () -> ()
      %scan3A_380 = arith.constant 0 : i32
      %scan3A_381 = arith.constant 256 : i32
      %scan3A_382 = arith.addi %scan3A_380, %scan3A_381 : i32
      %scan3A_383 = arith.constant 1 : i32
      %scan3A_384 = scf.for %scan3A_386 = %scan3A_380 to %scan3A_382 step %scan3A_383 iter_args(%scan3A_387 = %scan3A_374) -> (i32)  : i32 {
        %mul3A_388 = arith.constant 16 : i32
        %mul3A_389 = arith.muli %scan3A_386, %mul3A_388 : i32
        %get3A = arith.index_cast %mul3A_389 : i32 to index
        %get3A_390 = tpu.vector_load %arg8[%get3A] {strides = array<i32>} : memref<4096xi32, #tpu.memory_space<vmem>>, vector<16xi32>,
        %sub3A_391 = vector.broadcast %mul3A_6 : i32 to vector<16xi32>
        %sub3A_392 = arith.subi %get3A_390, %sub3A_391 : vector<16xi32>
        %ge3A = arith.constant 0 : i32
        %ge3A_393 = vector.broadcast %ge3A : i32 to vector<16xi32>
        %ge3A_394 = arith.cmpi sge, %sub3A_392, %ge3A_393 : vector<16xi32>
        %lt3A_395 = arith.constant 5000 : i32
        %lt3A_396 = vector.broadcast %lt3A_395 : i32 to vector<16xi32>
        %lt3A_397 = arith.cmpi slt, %sub3A_392, %lt3A_396 : vector<16xi32>
        %and3A_398 = arith.andi %ge3A_394, %lt3A_397 : vector<16xi1>
        %jit3A_399 = arith.constant 1 : i32
        %jit3A_400 = arith.constant 0 : i32
        %broadcast_in_dim3A_401 = vector.broadcast %jit3A_399 : i32 to vector<16xi32>
        %broadcast_in_dim3A_402 = vector.broadcast %jit3A_400 : i32 to vector<16xi32>
        %select_n3A_403 = arith.select %and3A_398, %broadcast_in_dim3A_401, %broadcast_in_dim3A_402 : vector<16xi1>, vector<16xi32>
        %broadcast_in_dim3A_404 = arith.constant true
        %broadcast_in_dim3A_405 = vector.broadcast %broadcast_in_dim3A_404 : i1 to vector<16xi1>
        %masked_cumsum3A = tpu.scan <sum>, %select_n3A_403 masked %broadcast_in_dim3A_405 : vector<16xi32>, vector<16xi1> -> vector<16xi32>
        %add3A_406 = vector.broadcast %scan3A_387 : i32 to vector<16xi32>
        %add3A_407 = arith.addi %add3A_406, %masked_cumsum3A : vector<16xi32>
        %sub3A_408 = arith.constant 1 : i32
        %sub3A_409 = vector.broadcast %sub3A_408 : i32 to vector<16xi32>
        %sub3A_410 = arith.subi %add3A_407, %sub3A_409 : vector<16xi32>
        tpu.vector_store_idx %arg11[%sub3A_410], %sub3A_392 masked %and3A_398 : memref<20608xi32, #tpu.memory_space<vmem>>[vector<16xi32>], vector<16xi32>, vector<16xi1>
        %mul3A_411 = arith.constant 16 : i32
        %mul3A_412 = arith.muli %scan3A_386, %mul3A_411 : i32
        %get3A_413 = arith.index_cast %mul3A_412 : i32 to index
        %get3A_414 = tpu.vector_load %arg9[%get3A_413] {strides = array<i32>} : memref<4096xi32, #tpu.memory_space<vmem>>, vector<16xi32>,
        tpu.vector_store_idx %arg10[%sub3A_410], %get3A_414 masked %and3A_398 : memref<20608xi32, #tpu.memory_space<vmem>>[vector<16xi32>], vector<16xi32>, vector<16xi1>
        %reduce_sum3A = arith.constant true
        %reduce_sum3A_415 = vector.broadcast %reduce_sum3A : i1 to vector<16xi1>
        %reduce_sum3A_416 = tpu.scan <sum>, %select_n3A_403 masked %reduce_sum3A_415 : vector<16xi32>, vector<16xi1> -> vector<16xi32>
        %reduce_sum3A_417 = vector.extract %reduce_sum3A_416[15] : i32 from vector<16xi32>
        %add3A_418 = arith.addi %scan3A_387, %reduce_sum3A_417 : i32
        scf.yield %add3A_418 : i32
      }
      %scan3A_385 = arith.constant 256 : i32
      scf.yield %scan3A_384 : i32
    }
    %scan3A_24 = arith.constant 5 : i32
    %add3A_25 = arith.constant 0 : i32
    %add3A_26 = arith.addi %scan3A_23, %add3A_25 : i32
    %add3A_27 = vector.broadcast %add3A_26 : i32 to vector<16xi32>
    %add3A_28 = arith.addi %add3A_27, %iota3A : vector<16xi32>
    tpu.vector_store_idx %arg11[%add3A_28], %add3A_1 : memref<20608xi32, #tpu.memory_space<vmem>>[vector<16xi32>], vector<16xi32>,
    tpu.vector_store_idx %arg10[%add3A_28], %iota3A : memref<20608xi32, #tpu.memory_space<vmem>>[vector<16xi32>], vector<16xi32>,
    %add3A_29 = arith.constant 16 : i32
    %add3A_30 = arith.addi %scan3A_23, %add3A_29 : i32
    %add3A_31 = vector.broadcast %add3A_30 : i32 to vector<16xi32>
    %add3A_32 = arith.addi %add3A_31, %iota3A : vector<16xi32>
    tpu.vector_store_idx %arg11[%add3A_32], %add3A_1 : memref<20608xi32, #tpu.memory_space<vmem>>[vector<16xi32>], vector<16xi32>,
    tpu.vector_store_idx %arg10[%add3A_32], %iota3A : memref<20608xi32, #tpu.memory_space<vmem>>[vector<16xi32>], vector<16xi32>,
    %add3A_33 = arith.constant 32 : i32
    %add3A_34 = arith.addi %scan3A_23, %add3A_33 : i32
    %add3A_35 = vector.broadcast %add3A_34 : i32 to vector<16xi32>
    %add3A_36 = arith.addi %add3A_35, %iota3A : vector<16xi32>
    tpu.vector_store_idx %arg11[%add3A_36], %add3A_1 : memref<20608xi32, #tpu.memory_space<vmem>>[vector<16xi32>], vector<16xi32>,
    tpu.vector_store_idx %arg10[%add3A_36], %iota3A : memref<20608xi32, #tpu.memory_space<vmem>>[vector<16xi32>], vector<16xi32>,
    %add3A_37 = arith.constant 48 : i32
    %add3A_38 = arith.addi %scan3A_23, %add3A_37 : i32
    %add3A_39 = vector.broadcast %add3A_38 : i32 to vector<16xi32>
    %add3A_40 = arith.addi %add3A_39, %iota3A : vector<16xi32>
    tpu.vector_store_idx %arg11[%add3A_40], %add3A_1 : memref<20608xi32, #tpu.memory_space<vmem>>[vector<16xi32>], vector<16xi32>,
    tpu.vector_store_idx %arg10[%add3A_40], %iota3A : memref<20608xi32, #tpu.memory_space<vmem>>[vector<16xi32>], vector<16xi32>,
    %add3A_41 = arith.constant 64 : i32
    %add3A_42 = arith.addi %scan3A_23, %add3A_41 : i32
    %add3A_43 = vector.broadcast %add3A_42 : i32 to vector<16xi32>
    %add3A_44 = arith.addi %add3A_43, %iota3A : vector<16xi32>
    tpu.vector_store_idx %arg11[%add3A_44], %add3A_1 : memref<20608xi32, #tpu.memory_space<vmem>>[vector<16xi32>], vector<16xi32>,
    tpu.vector_store_idx %arg10[%add3A_44], %iota3A : memref<20608xi32, #tpu.memory_space<vmem>>[vector<16xi32>], vector<16xi32>,
    %add3A_45 = arith.constant 80 : i32
    %add3A_46 = arith.addi %scan3A_23, %add3A_45 : i32
    %add3A_47 = vector.broadcast %add3A_46 : i32 to vector<16xi32>
    %add3A_48 = arith.addi %add3A_47, %iota3A : vector<16xi32>
    tpu.vector_store_idx %arg11[%add3A_48], %add3A_1 : memref<20608xi32, #tpu.memory_space<vmem>>[vector<16xi32>], vector<16xi32>,
    tpu.vector_store_idx %arg10[%add3A_48], %iota3A : memref<20608xi32, #tpu.memory_space<vmem>>[vector<16xi32>], vector<16xi32>,
    %add3A_49 = arith.constant 96 : i32
    %add3A_50 = arith.addi %scan3A_23, %add3A_49 : i32
    %add3A_51 = vector.broadcast %add3A_50 : i32 to vector<16xi32>
    %add3A_52 = arith.addi %add3A_51, %iota3A : vector<16xi32>
    tpu.vector_store_idx %arg11[%add3A_52], %add3A_1 : memref<20608xi32, #tpu.memory_space<vmem>>[vector<16xi32>], vector<16xi32>,
    tpu.vector_store_idx %arg10[%add3A_52], %iota3A : memref<20608xi32, #tpu.memory_space<vmem>>[vector<16xi32>], vector<16xi32>,
    %add3A_53 = arith.constant 112 : i32
    %add3A_54 = arith.addi %scan3A_23, %add3A_53 : i32
    %add3A_55 = vector.broadcast %add3A_54 : i32 to vector<16xi32>
    %add3A_56 = arith.addi %add3A_55, %iota3A : vector<16xi32>
    tpu.vector_store_idx %arg11[%add3A_56], %add3A_1 : memref<20608xi32, #tpu.memory_space<vmem>>[vector<16xi32>], vector<16xi32>,
    tpu.vector_store_idx %arg10[%add3A_56], %iota3A : memref<20608xi32, #tpu.memory_space<vmem>>[vector<16xi32>], vector<16xi32>,
    %add3A_57 = arith.constant 128 : i32
    %add3A_58 = arith.addi %scan3A_23, %add3A_57 : i32
    %sub3A = arith.constant 1 : i32
    %sub3A_59 = arith.subi %add3A_58, %sub3A : i32
    %jit3A = arith.constant 128 : i32
    %div3A = arith.divsi %sub3A_59, %jit3A : i32
    %sign3A = arith.constant 0 : i32
    %sign3A_60 = arith.cmpi sgt, %sub3A_59, %sign3A : i32
    %sign3A_61 = arith.extui %sign3A_60 : i1 to i32
    %sign3A_62 = arith.constant 0 : i32
    %sign3A_63 = arith.cmpi slt, %sub3A_59, %sign3A_62 : i32
    %sign3A_64 = arith.extui %sign3A_63 : i1 to i32
    %sign3A_65 = arith.subi %sign3A_61, %sign3A_64 : i32
    %sign3A_66 = arith.constant 0 : i32
    %sign3A_67 = arith.cmpi sgt, %jit3A, %sign3A_66 : i32
    %sign3A_68 = arith.extui %sign3A_67 : i1 to i32
    %sign3A_69 = arith.constant 0 : i32
    %sign3A_70 = arith.cmpi slt, %jit3A, %sign3A_69 : i32
    %sign3A_71 = arith.extui %sign3A_70 : i1 to i32
    %sign3A_72 = arith.subi %sign3A_68, %sign3A_71 : i32
    %ne3A = arith.cmpi ne, %sign3A_65, %sign3A_72 : i32
    %rem3A = arith.remsi %sub3A_59, %jit3A : i32
    %ne3A_73 = arith.constant 0 : i32
    %ne3A_74 = arith.cmpi ne, %rem3A, %ne3A_73 : i32
    %and3A = arith.andi %ne3A, %ne3A_74 : i1
    %sub3A_75 = arith.constant 1 : i32
    %sub3A_76 = arith.subi %div3A, %sub3A_75 : i32
    %select_n3A = arith.select %and3A, %sub3A_76, %div3A : i32
    %sub3A_77 = arith.constant 1 : i32
    %sub3A_78 = arith.subi %select_n3A, %sub3A_77 : i32
    %max3A = arith.constant 0 : i32
    %max3A_79 = arith.maxsi %sub3A_78, %max3A : i32
    %min3A = arith.constant 0 : i32
    %min3A_80 = arith.minsi %min3A, %max3A_79 : i32
    %mul3A_81 = arith.constant 128 : i32
    %mul3A_82 = arith.muli %min3A_80, %mul3A_81 : i32
    %dma_start3A = tpu.memref_slice %arg10[%mul3A_82] : memref<20608xi32, #tpu.memory_space<vmem>> -> memref<128xi32, #tpu.memory_space<vmem>>
    %dma_start3A_83 = arith.constant 0 : i32
    %dma_start3A_84 = arith.constant 0 : i32
    %dma_start3A_85 = tpu.memref_slice %arg2[%dma_start3A_83, %dma_start3A_84] : memref<10000x128xf32, #tpu.memory_space<hbm>> -> memref<10000x128xf32, #tpu.memory_space<hbm>>
    tpu.enqueue_indirect_dma source(%dma_start3A_85 : memref<10000x128xf32, #tpu.memory_space<hbm>>) target(%arg12 : memref<128x128xf32, #tpu.memory_space<vmem>>) offsets(%dma_start3A : memref<128xi32, #tpu.memory_space<vmem>>) semaphore(%arg14 : memref<!tpu.dma_semaphore, #tpu.memory_space<semaphore_mem>>)
    %jit3A_86 = arith.constant 2 : i32
    %div3A_87 = arith.divsi %select_n3A, %jit3A_86 : i32
    %sign3A_88 = arith.constant 0 : i32
    %sign3A_89 = arith.cmpi sgt, %select_n3A, %sign3A_88 : i32
    %sign3A_90 = arith.extui %sign3A_89 : i1 to i32
    %sign3A_91 = arith.constant 0 : i32
    %sign3A_92 = arith.cmpi slt, %select_n3A, %sign3A_91 : i32
    %sign3A_93 = arith.extui %sign3A_92 : i1 to i32
    %sign3A_94 = arith.subi %sign3A_90, %sign3A_93 : i32
    %sign3A_95 = arith.constant 0 : i32
    %sign3A_96 = arith.cmpi sgt, %jit3A_86, %sign3A_95 : i32
    %sign3A_97 = arith.extui %sign3A_96 : i1 to i32
    %sign3A_98 = arith.constant 0 : i32
    %sign3A_99 = arith.cmpi slt, %jit3A_86, %sign3A_98 : i32
    %sign3A_100 = arith.extui %sign3A_99 : i1 to i32
    %sign3A_101 = arith.subi %sign3A_97, %sign3A_100 : i32
    %ne3A_102 = arith.cmpi ne, %sign3A_94, %sign3A_101 : i32
    %rem3A_103 = arith.remsi %select_n3A, %jit3A_86 : i32
    %ne3A_104 = arith.constant 0 : i32
    %ne3A_105 = arith.cmpi ne, %rem3A_103, %ne3A_104 : i32
    %and3A_106 = arith.andi %ne3A_102, %ne3A_105 : i1
    %sub3A_107 = arith.constant 1 : i32
    %sub3A_108 = arith.subi %div3A_87, %sub3A_107 : i32
    %select_n3A_109 = arith.select %and3A_106, %sub3A_108, %div3A_87 : i32
    %while3A = arith.constant 0 : i32
    %while3A_110 = arith.constant 0 : i32
    %while3A_111 = arith.subi %select_n3A_109, %while3A_110 : i32
    %while3A_112 = arith.addi %while3A_110, %while3A_111 : i32
    %while3A_113 = arith.constant 1 : i32
    %while3A_114 = arith.divsi %while3A_111, %while3A_113 : i32
    %while3A_115 = arith.muli %while3A_114, %while3A_113 : i32
    %while3A_116 = arith.addi %while3A_110, %while3A_115 : i32
    %while3A_117 = arith.constant 1 : i32
    scf.for %while3A_373 = %while3A_110 to %while3A_116 step %while3A_117  : i32 {
      %mul3A_374 = arith.constant 2 : i32
      %mul3A_375 = arith.muli %while3A_373, %mul3A_374 : i32
      %dma_wait3A_376 = arith.constant 0 : i32
      %dma_wait3A_377 = tpu.memref_slice %arg10[%dma_wait3A_376] : memref<20608xi32, #tpu.memory_space<vmem>> -> memref<128xi32, #tpu.memory_space<vmem>>
      %dma_wait3A_378 = arith.constant 0 : i32
      %dma_wait3A_379 = arith.constant 0 : i32
      %dma_wait3A_380 = tpu.memref_slice %arg2[%dma_wait3A_378, %dma_wait3A_379] : memref<10000x128xf32, #tpu.memory_space<hbm>> -> memref<10000x128xf32, #tpu.memory_space<hbm>>
      tpu.wait_indirect_dma semaphore(%arg14 : memref<!tpu.dma_semaphore, #tpu.memory_space<semaphore_mem>>) src(%dma_wait3A_380 : memref<10000x128xf32, #tpu.memory_space<hbm>>) dst(%arg12 : memref<128x128xf32, #tpu.memory_space<vmem>>)
      %add3A_381 = arith.constant 1 : i32
      %add3A_382 = arith.addi %mul3A_375, %add3A_381 : i32
      %min3A_383 = arith.minsi %add3A_382, %max3A_79 : i32
      %mul3A_384 = arith.constant 128 : i32
      %mul3A_385 = arith.muli %min3A_383, %mul3A_384 : i32
      %dma_start3A_386 = tpu.memref_slice %arg10[%mul3A_385] : memref<20608xi32, #tpu.memory_space<vmem>> -> memref<128xi32, #tpu.memory_space<vmem>>
      %dma_start3A_387 = arith.constant 0 : i32
      %dma_start3A_388 = arith.constant 0 : i32
      %dma_start3A_389 = tpu.memref_slice %arg2[%dma_start3A_387, %dma_start3A_388] : memref<10000x128xf32, #tpu.memory_space<hbm>> -> memref<10000x128xf32, #tpu.memory_space<hbm>>
      tpu.enqueue_indirect_dma source(%dma_start3A_389 : memref<10000x128xf32, #tpu.memory_space<hbm>>) target(%arg13 : memref<128x128xf32, #tpu.memory_space<vmem>>) offsets(%dma_start3A_386 : memref<128xi32, #tpu.memory_space<vmem>>) semaphore(%arg15 : memref<!tpu.dma_semaphore, #tpu.memory_space<semaphore_mem>>)
      %mul3A_390 = arith.constant 128 : i32
      %mul3A_391 = arith.muli %mul3A_375, %mul3A_390 : i32
      "tpu.region"() ({
        %run_scoped3A = tpu.sem_alloc : memref<!tpu.dma_semaphore, #tpu.memory_space<semaphore_mem>>
        %dma_start3A_410 = tpu.memref_slice %arg11[%mul3A_391] : memref<20608xi32, #tpu.memory_space<vmem>> -> memref<128xi32, #tpu.memory_space<vmem>>
        %dma_start3A_411 = arith.constant 0 : i32
        %dma_start3A_412 = arith.constant 0 : i32
        %dma_start3A_413 = tpu.memref_slice %arg7[%dma_start3A_411, %dma_start3A_412] : memref<5120x128xf32, #tpu.memory_space<vmem_shared>> -> memref<5120x128xf32, #tpu.memory_space<vmem_shared>>
        tpu.enqueue_indirect_dma source(%arg12 : memref<128x128xf32, #tpu.memory_space<vmem>>) target(%dma_start3A_413 : memref<5120x128xf32, #tpu.memory_space<vmem_shared>>) offsets(%dma_start3A_410 : memref<128xi32, #tpu.memory_space<vmem>>) semaphore(%run_scoped3A : memref<!tpu.dma_semaphore, #tpu.memory_space<semaphore_mem>>) {add = true}
        %dma_wait3A_414 = tpu.memref_slice %arg11[%mul3A_391] : memref<20608xi32, #tpu.memory_space<vmem>> -> memref<128xi32, #tpu.memory_space<vmem>>
        %dma_wait3A_415 = arith.constant 0 : i32
        %dma_wait3A_416 = arith.constant 0 : i32
        %dma_wait3A_417 = tpu.memref_slice %arg7[%dma_wait3A_415, %dma_wait3A_416] : memref<5120x128xf32, #tpu.memory_space<vmem_shared>> -> memref<5120x128xf32, #tpu.memory_space<vmem_shared>>
        tpu.wait_indirect_dma semaphore(%run_scoped3A : memref<!tpu.dma_semaphore, #tpu.memory_space<semaphore_mem>>) src(%arg12 : memref<128x128xf32, #tpu.memory_space<vmem>>) dst(%dma_wait3A_417 : memref<5120x128xf32, #tpu.memory_space<vmem_shared>>)
        tpu.yield
      }) : () -> ()
      %dma_wait3A_392 = arith.constant 0 : i32
      %dma_wait3A_393 = tpu.memref_slice %arg10[%dma_wait3A_392] : memref<20608xi32, #tpu.memory_space<vmem>> -> memref<128xi32, #tpu.memory_space<vmem>>
      %dma_wait3A_394 = arith.constant 0 : i32
      %dma_wait3A_395 = arith.constant 0 : i32
      %dma_wait3A_396 = tpu.memref_slice %arg2[%dma_wait3A_394, %dma_wait3A_395] : memref<10000x128xf32, #tpu.memory_space<hbm>> -> memref<10000x128xf32, #tpu.memory_space<hbm>>
      tpu.wait_indirect_dma semaphore(%arg15 : memref<!tpu.dma_semaphore, #tpu.memory_space<semaphore_mem>>) src(%dma_wait3A_396 : memref<10000x128xf32, #tpu.memory_space<hbm>>) dst(%arg13 : memref<128x128xf32, #tpu.memory_space<vmem>>)
      %add3A_397 = arith.constant 2 : i32
      %add3A_398 = arith.addi %mul3A_375, %add3A_397 : i32
      %min3A_399 = arith.minsi %add3A_398, %max3A_79 : i32
      %mul3A_400 = arith.constant 128 : i32
      %mul3A_401 = arith.muli %min3A_399, %mul3A_400 : i32
      %dma_start3A_402 = tpu.memref_slice %arg10[%mul3A_401] : memref<20608xi32, #tpu.memory_space<vmem>> -> memref<128xi32, #tpu.memory_space<vmem>>
      %dma_start3A_403 = arith.constant 0 : i32
      %dma_start3A_404 = arith.constant 0 : i32
      %dma_start3A_405 = tpu.memref_slice %arg2[%dma_start3A_403, %dma_start3A_404] : memref<10000x128xf32, #tpu.memory_space<hbm>> -> memref<10000x128xf32, #tpu.memory_space<hbm>>
      tpu.enqueue_indirect_dma source(%dma_start3A_405 : memref<10000x128xf32, #tpu.memory_space<hbm>>) target(%arg12 : memref<128x128xf32, #tpu.memory_space<vmem>>) offsets(%dma_start3A_402 : memref<128xi32, #tpu.memory_space<vmem>>) semaphore(%arg14 : memref<!tpu.dma_semaphore, #tpu.memory_space<semaphore_mem>>)
      %add3A_406 = arith.constant 1 : i32
      %add3A_407 = arith.addi %mul3A_375, %add3A_406 : i32
      %mul3A_408 = arith.constant 128 : i32
      %mul3A_409 = arith.muli %add3A_407, %mul3A_408 : i32
      "tpu.region"() ({
        %run_scoped3A = tpu.sem_alloc : memref<!tpu.dma_semaphore, #tpu.memory_space<semaphore_mem>>
        %dma_start3A_410 = tpu.memref_slice %arg11[%mul3A_409] : memref<20608xi32, #tpu.memory_space<vmem>> -> memref<128xi32, #tpu.memory_space<vmem>>
        %dma_start3A_411 = arith.constant 0 : i32
        %dma_start3A_412 = arith.constant 0 : i32
        %dma_start3A_413 = tpu.memref_slice %arg7[%dma_start3A_411, %dma_start3A_412] : memref<5120x128xf32, #tpu.memory_space<vmem_shared>> -> memref<5120x128xf32, #tpu.memory_space<vmem_shared>>
        tpu.enqueue_indirect_dma source(%arg13 : memref<128x128xf32, #tpu.memory_space<vmem>>) target(%dma_start3A_413 : memref<5120x128xf32, #tpu.memory_space<vmem_shared>>) offsets(%dma_start3A_410 : memref<128xi32, #tpu.memory_space<vmem>>) semaphore(%run_scoped3A : memref<!tpu.dma_semaphore, #tpu.memory_space<semaphore_mem>>) {add = true}
        %dma_wait3A_414 = tpu.memref_slice %arg11[%mul3A_409] : memref<20608xi32, #tpu.memory_space<vmem>> -> memref<128xi32, #tpu.memory_space<vmem>>
        %dma_wait3A_415 = arith.constant 0 : i32
        %dma_wait3A_416 = arith.constant 0 : i32
        %dma_wait3A_417 = tpu.memref_slice %arg7[%dma_wait3A_415, %dma_wait3A_416] : memref<5120x128xf32, #tpu.memory_space<vmem_shared>> -> memref<5120x128xf32, #tpu.memory_space<vmem_shared>>
        tpu.wait_indirect_dma semaphore(%run_scoped3A : memref<!tpu.dma_semaphore, #tpu.memory_space<semaphore_mem>>) src(%arg13 : memref<128x128xf32, #tpu.memory_space<vmem>>) dst(%dma_wait3A_417 : memref<5120x128xf32, #tpu.memory_space<vmem_shared>>)
        tpu.yield
      }) : () -> ()
    }
    %while3A_118 = arith.constant 1 : i32
    scf.for %while3A_373 = %while3A_116 to %while3A_112 step %while3A_118  : i32 {
      %mul3A_374 = arith.constant 2 : i32
      %mul3A_375 = arith.muli %while3A_373, %mul3A_374 : i32
      %dma_wait3A_376 = arith.constant 0 : i32
      %dma_wait3A_377 = tpu.memref_slice %arg10[%dma_wait3A_376] : memref<20608xi32, #tpu.memory_space<vmem>> -> memref<128xi32, #tpu.memory_space<vmem>>
      %dma_wait3A_378 = arith.constant 0 : i32
      %dma_wait3A_379 = arith.constant 0 : i32
      %dma_wait3A_380 = tpu.memref_slice %arg2[%dma_wait3A_378, %dma_wait3A_379] : memref<10000x128xf32, #tpu.memory_space<hbm>> -> memref<10000x128xf32, #tpu.memory_space<hbm>>
      tpu.wait_indirect_dma semaphore(%arg14 : memref<!tpu.dma_semaphore, #tpu.memory_space<semaphore_mem>>) src(%dma_wait3A_380 : memref<10000x128xf32, #tpu.memory_space<hbm>>) dst(%arg12 : memref<128x128xf32, #tpu.memory_space<vmem>>)
      %add3A_381 = arith.constant 1 : i32
      %add3A_382 = arith.addi %mul3A_375, %add3A_381 : i32
      %min3A_383 = arith.minsi %add3A_382, %max3A_79 : i32
      %mul3A_384 = arith.constant 128 : i32
      %mul3A_385 = arith.muli %min3A_383, %mul3A_384 : i32
      %dma_start3A_386 = tpu.memref_slice %arg10[%mul3A_385] : memref<20608xi32, #tpu.memory_space<vmem>> -> memref<128xi32, #tpu.memory_space<vmem>>
      %dma_start3A_387 = arith.constant 0 : i32
      %dma_start3A_388 = arith.constant 0 : i32
      %dma_start3A_389 = tpu.memref_slice %arg2[%dma_start3A_387, %dma_start3A_388] : memref<10000x128xf32, #tpu.memory_space<hbm>> -> memref<10000x128xf32, #tpu.memory_space<hbm>>
      tpu.enqueue_indirect_dma source(%dma_start3A_389 : memref<10000x128xf32, #tpu.memory_space<hbm>>) target(%arg13 : memref<128x128xf32, #tpu.memory_space<vmem>>) offsets(%dma_start3A_386 : memref<128xi32, #tpu.memory_space<vmem>>) semaphore(%arg15 : memref<!tpu.dma_semaphore, #tpu.memory_space<semaphore_mem>>)
      %mul3A_390 = arith.constant 128 : i32
      %mul3A_391 = arith.muli %mul3A_375, %mul3A_390 : i32
      "tpu.region"() ({
        %run_scoped3A = tpu.sem_alloc : memref<!tpu.dma_semaphore, #tpu.memory_space<semaphore_mem>>
        %dma_start3A_410 = tpu.memref_slice %arg11[%mul3A_391] : memref<20608xi32, #tpu.memory_space<vmem>> -> memref<128xi32, #tpu.memory_space<vmem>>
        %dma_start3A_411 = arith.constant 0 : i32
        %dma_start3A_412 = arith.constant 0 : i32
        %dma_start3A_413 = tpu.memref_slice %arg7[%dma_start3A_411, %dma_start3A_412] : memref<5120x128xf32, #tpu.memory_space<vmem_shared>> -> memref<5120x128xf32, #tpu.memory_space<vmem_shared>>
        tpu.enqueue_indirect_dma source(%arg12 : memref<128x128xf32, #tpu.memory_space<vmem>>) target(%dma_start3A_413 : memref<5120x128xf32, #tpu.memory_space<vmem_shared>>) offsets(%dma_start3A_410 : memref<128xi32, #tpu.memory_space<vmem>>) semaphore(%run_scoped3A : memref<!tpu.dma_semaphore, #tpu.memory_space<semaphore_mem>>) {add = true}
        %dma_wait3A_414 = tpu.memref_slice %arg11[%mul3A_391] : memref<20608xi32, #tpu.memory_space<vmem>> -> memref<128xi32, #tpu.memory_space<vmem>>
        %dma_wait3A_415 = arith.constant 0 : i32
        %dma_wait3A_416 = arith.constant 0 : i32
        %dma_wait3A_417 = tpu.memref_slice %arg7[%dma_wait3A_415, %dma_wait3A_416] : memref<5120x128xf32, #tpu.memory_space<vmem_shared>> -> memref<5120x128xf32, #tpu.memory_space<vmem_shared>>
        tpu.wait_indirect_dma semaphore(%run_scoped3A : memref<!tpu.dma_semaphore, #tpu.memory_space<semaphore_mem>>) src(%arg12 : memref<128x128xf32, #tpu.memory_space<vmem>>) dst(%dma_wait3A_417 : memref<5120x128xf32, #tpu.memory_space<vmem_shared>>)
        tpu.yield
      }) : () -> ()
      %dma_wait3A_392 = arith.constant 0 : i32
      %dma_wait3A_393 = tpu.memref_slice %arg10[%dma_wait3A_392] : memref<20608xi32, #tpu.memory_space<vmem>> -> memref<128xi32, #tpu.memory_space<vmem>>
      %dma_wait3A_394 = arith.constant 0 : i32
      %dma_wait3A_395 = arith.constant 0 : i32
      %dma_wait3A_396 = tpu.memref_slice %arg2[%dma_wait3A_394, %dma_wait3A_395] : memref<10000x128xf32, #tpu.memory_space<hbm>> -> memref<10000x128xf32, #tpu.memory_space<hbm>>
      tpu.wait_indirect_dma semaphore(%arg15 : memref<!tpu.dma_semaphore, #tpu.memory_space<semaphore_mem>>) src(%dma_wait3A_396 : memref<10000x128xf32, #tpu.memory_space<hbm>>) dst(%arg13 : memref<128x128xf32, #tpu.memory_space<vmem>>)
      %add3A_397 = arith.constant 2 : i32
      %add3A_398 = arith.addi %mul3A_375, %add3A_397 : i32
      %min3A_399 = arith.minsi %add3A_398, %max3A_79 : i32
      %mul3A_400 = arith.constant 128 : i32
      %mul3A_401 = arith.muli %min3A_399, %mul3A_400 : i32
      %dma_start3A_402 = tpu.memref_slice %arg10[%mul3A_401] : memref<20608xi32, #tpu.memory_space<vmem>> -> memref<128xi32, #tpu.memory_space<vmem>>
      %dma_start3A_403 = arith.constant 0 : i32
      %dma_start3A_404 = arith.constant 0 : i32
      %dma_start3A_405 = tpu.memref_slice %arg2[%dma_start3A_403, %dma_start3A_404] : memref<10000x128xf32, #tpu.memory_space<hbm>> -> memref<10000x128xf32, #tpu.memory_space<hbm>>
      tpu.enqueue_indirect_dma source(%dma_start3A_405 : memref<10000x128xf32, #tpu.memory_space<hbm>>) target(%arg12 : memref<128x128xf32, #tpu.memory_space<vmem>>) offsets(%dma_start3A_402 : memref<128xi32, #tpu.memory_space<vmem>>) semaphore(%arg14 : memref<!tpu.dma_semaphore, #tpu.memory_space<semaphore_mem>>)
      %add3A_406 = arith.constant 1 : i32
      %add3A_407 = arith.addi %mul3A_375, %add3A_406 : i32
      %mul3A_408 = arith.constant 128 : i32
      %mul3A_409 = arith.muli %add3A_407, %mul3A_408 : i32
      "tpu.region"() ({
        %run_scoped3A = tpu.sem_alloc : memref<!tpu.dma_semaphore, #tpu.memory_space<semaphore_mem>>
        %dma_start3A_410 = tpu.memref_slice %arg11[%mul3A_409] : memref<20608xi32, #tpu.memory_space<vmem>> -> memref<128xi32, #tpu.memory_space<vmem>>
        %dma_start3A_411 = arith.constant 0 : i32
        %dma_start3A_412 = arith.constant 0 : i32
        %dma_start3A_413 = tpu.memref_slice %arg7[%dma_start3A_411, %dma_start3A_412] : memref<5120x128xf32, #tpu.memory_space<vmem_shared>> -> memref<5120x128xf32, #tpu.memory_space<vmem_shared>>
        tpu.enqueue_indirect_dma source(%arg13 : memref<128x128xf32, #tpu.memory_space<vmem>>) target(%dma_start3A_413 : memref<5120x128xf32, #tpu.memory_space<vmem_shared>>) offsets(%dma_start3A_410 : memref<128xi32, #tpu.memory_space<vmem>>) semaphore(%run_scoped3A : memref<!tpu.dma_semaphore, #tpu.memory_space<semaphore_mem>>) {add = true}
        %dma_wait3A_414 = tpu.memref_slice %arg11[%mul3A_409] : memref<20608xi32, #tpu.memory_space<vmem>> -> memref<128xi32, #tpu.memory_space<vmem>>
        %dma_wait3A_415 = arith.constant 0 : i32
        %dma_wait3A_416 = arith.constant 0 : i32
        %dma_wait3A_417 = tpu.memref_slice %arg7[%dma_wait3A_415, %dma_wait3A_416] : memref<5120x128xf32, #tpu.memory_space<vmem_shared>> -> memref<5120x128xf32, #tpu.memory_space<vmem_shared>>
        tpu.wait_indirect_dma semaphore(%run_scoped3A : memref<!tpu.dma_semaphore, #tpu.memory_space<semaphore_mem>>) src(%arg13 : memref<128x128xf32, #tpu.memory_space<vmem>>) dst(%dma_wait3A_417 : memref<5120x128xf32, #tpu.memory_space<vmem_shared>>)
        tpu.yield
      }) : () -> ()
    }
    %dma_wait3A = arith.constant 0 : i32
    %dma_wait3A_119 = tpu.memref_slice %arg10[%dma_wait3A] : memref<20608xi32, #tpu.memory_space<vmem>> -> memref<128xi32, #tpu.memory_space<vmem>>
    %dma_wait3A_120 = arith.constant 0 : i32
    %dma_wait3A_121 = arith.constant 0 : i32
    %dma_wait3A_122 = tpu.memref_slice %arg2[%dma_wait3A_120, %dma_wait3A_121] : memref<10000x128xf32, #tpu.memory_space<hbm>> -> memref<10000x128xf32, #tpu.memory_space<hbm>>
    tpu.wait_indirect_dma semaphore(%arg14 : memref<!tpu.dma_semaphore, #tpu.memory_space<semaphore_mem>>) src(%dma_wait3A_122 : memref<10000x128xf32, #tpu.memory_space<hbm>>) dst(%arg12 : memref<128x128xf32, #tpu.memory_space<vmem>>)
    %jit3A_123 = arith.constant 2 : i32
    %eq3A = arith.constant 0 : i32
    %eq3A_124 = arith.cmpi eq, %jit3A_123, %eq3A : i32
    %jit3A_125 = arith.constant 1 : i32
    %select_n3A_126 = arith.select %eq3A_124, %jit3A_125, %jit3A_123 : i32
    %rem3A_127 = arith.remsi %select_n3A, %select_n3A_126 : i32
    %ne3A_128 = arith.constant 0 : i32
    %ne3A_129 = arith.cmpi ne, %rem3A_127, %ne3A_128 : i32
    %lt3A = arith.constant 0 : i32
    %lt3A_130 = arith.cmpi slt, %rem3A_127, %lt3A : i32
    %lt3A_131 = arith.constant 0 : i32
    %lt3A_132 = arith.cmpi slt, %select_n3A_126, %lt3A_131 : i32
    %ne3A_133 = arith.xori %lt3A_130, %lt3A_132 : i1
    %and3A_134 = arith.andi %ne3A_133, %ne3A_129 : i1
    %add3A_135 = arith.addi %rem3A_127, %select_n3A_126 : i32
    %select_n3A_136 = arith.select %and3A_134, %add3A_135, %rem3A_127 : i32
    %eq3A_137 = arith.constant 1 : i32
    %eq3A_138 = arith.cmpi eq, %select_n3A_136, %eq3A_137 : i32
    %convert_element_type3A = arith.extui %eq3A_138 : i1 to i32
    %cond3A = arith.constant 0 : i32
    %cond3A_139 = arith.cmpi ne, %convert_element_type3A, %cond3A : i32
    scf.if %cond3A_139 {
      %sub3A_373 = arith.constant 1 : i32
      %sub3A_374 = arith.subi %select_n3A, %sub3A_373 : i32
      %mul3A_375 = arith.constant 128 : i32
      %mul3A_376 = arith.muli %sub3A_374, %mul3A_375 : i32
      "tpu.region"() ({
        %run_scoped3A = tpu.sem_alloc : memref<!tpu.dma_semaphore, #tpu.memory_space<semaphore_mem>>
        %dma_start3A_377 = tpu.memref_slice %arg11[%mul3A_376] : memref<20608xi32, #tpu.memory_space<vmem>> -> memref<128xi32, #tpu.memory_space<vmem>>
        %dma_start3A_378 = arith.constant 0 : i32
        %dma_start3A_379 = arith.constant 0 : i32
        %dma_start3A_380 = tpu.memref_slice %arg7[%dma_start3A_378, %dma_start3A_379] : memref<5120x128xf32, #tpu.memory_space<vmem_shared>> -> memref<5120x128xf32, #tpu.memory_space<vmem_shared>>
        tpu.enqueue_indirect_dma source(%arg12 : memref<128x128xf32, #tpu.memory_space<vmem>>) target(%dma_start3A_380 : memref<5120x128xf32, #tpu.memory_space<vmem_shared>>) offsets(%dma_start3A_377 : memref<128xi32, #tpu.memory_space<vmem>>) semaphore(%run_scoped3A : memref<!tpu.dma_semaphore, #tpu.memory_space<semaphore_mem>>) {add = true}
        %dma_wait3A_381 = tpu.memref_slice %arg11[%mul3A_376] : memref<20608xi32, #tpu.memory_space<vmem>> -> memref<128xi32, #tpu.memory_space<vmem>>
        %dma_wait3A_382 = arith.constant 0 : i32
        %dma_wait3A_383 = arith.constant 0 : i32
        %dma_wait3A_384 = tpu.memref_slice %arg7[%dma_wait3A_382, %dma_wait3A_383] : memref<5120x128xf32, #tpu.memory_space<vmem_shared>> -> memref<5120x128xf32, #tpu.memory_space<vmem_shared>>
        tpu.wait_indirect_dma semaphore(%run_scoped3A : memref<!tpu.dma_semaphore, #tpu.memory_space<semaphore_mem>>) src(%arg12 : memref<128x128xf32, #tpu.memory_space<vmem>>) dst(%dma_wait3A_384 : memref<5120x128xf32, #tpu.memory_space<vmem_shared>>)
        tpu.yield
      }) : () -> ()
    } else {
    }
    %barrier3A_140 = arith.constant 0 : index
    tpu.barrier barrier_id(%barrier3A_140)
    %mul3A_141 = arith.constant 320 : i32
    %mul3A_142 = arith.muli %arg1, %mul3A_141 : i32
    %add3A_143 = arith.constant 0 : i32
    %add3A_144 = arith.addi %mul3A_142, %add3A_143 : i32
    "tpu.region"() ({
      %run_scoped3A = tpu.sem_alloc : memref<!tpu.dma_semaphore, #tpu.memory_space<semaphore_mem>>
      %dma_start3A_373 = arith.constant 0 : i32
      %dma_start3A_374 = arith.constant 0 : i32
      %dma_start3A_375 = tpu.memref_slice %arg13[%dma_start3A_373, %dma_start3A_374] : memref<128x128xf32, #tpu.memory_space<vmem>> -> memref<128x128xf32, #tpu.memory_space<vmem>>
      %dma_start3A_376 = arith.constant 0 : i32
      %dma_start3A_377 = tpu.memref_slice %arg7[%add3A_144, %dma_start3A_376] : memref<5120x128xf32, #tpu.memory_space<vmem_shared>> -> memref<128x128xf32, #tpu.memory_space<vmem_shared>>
      %dma_start3A_378 = arith.constant 0 : i32
      %dma_start3A_379 = arith.constant 0 : i32
      %dma_start3A_380 = tpu.memref_slice %arg13[%dma_start3A_378, %dma_start3A_379] : memref<128x128xf32, #tpu.memory_space<vmem>> -> memref<128x128xf32, #tpu.memory_space<vmem>>
      %dma_start3A_381 = arith.constant 0 : i32
      %dma_start3A_382 = tpu.memref_slice %arg7[%add3A_144, %dma_start3A_381] : memref<5120x128xf32, #tpu.memory_space<vmem_shared>> -> memref<128x128xf32, #tpu.memory_space<vmem_shared>>
      tpu.enqueue_dma source(%dma_start3A_382 : memref<128x128xf32, #tpu.memory_space<vmem_shared>>) target(%dma_start3A_380 : memref<128x128xf32, #tpu.memory_space<vmem>>) target_semaphore(%run_scoped3A : memref<!tpu.dma_semaphore, #tpu.memory_space<semaphore_mem>>)
      %dma_wait3A_383 = arith.constant 0 : i32
      %dma_wait3A_384 = arith.constant 0 : i32
      %dma_wait3A_385 = tpu.memref_slice %arg13[%dma_wait3A_383, %dma_wait3A_384] : memref<128x128xf32, #tpu.memory_space<vmem>> -> memref<128x128xf32, #tpu.memory_space<vmem>>
      %dma_wait3A_386 = arith.constant 0 : i32
      %dma_wait3A_387 = tpu.memref_slice %arg7[%add3A_144, %dma_wait3A_386] : memref<5120x128xf32, #tpu.memory_space<vmem_shared>> -> memref<128x128xf32, #tpu.memory_space<vmem_shared>>
      %dma_wait3A_388 = arith.constant 0 : i32
      %dma_wait3A_389 = arith.constant 0 : i32
      %dma_wait3A_390 = tpu.memref_slice %arg13[%dma_wait3A_388, %dma_wait3A_389] : memref<128x128xf32, #tpu.memory_space<vmem>> -> memref<128x128xf32, #tpu.memory_space<vmem>>
      %dma_wait3A_391 = arith.constant 0 : i32
      %dma_wait3A_392 = tpu.memref_slice %arg7[%add3A_144, %dma_wait3A_391] : memref<5120x128xf32, #tpu.memory_space<vmem_shared>> -> memref<128x128xf32, #tpu.memory_space<vmem_shared>>
      tpu.wait_dma2 semaphore(%run_scoped3A : memref<!tpu.dma_semaphore, #tpu.memory_space<semaphore_mem>>) src(%dma_wait3A_392 : memref<128x128xf32, #tpu.memory_space<vmem_shared>>) dst(%dma_wait3A_390 : memref<128x128xf32, #tpu.memory_space<vmem>>)
      tpu.yield
    }) : () -> ()
    %mul3A_145 = arith.constant 2 : i32
    %mul3A_146 = arith.muli %arg0, %mul3A_145 : i32
    %add3A_147 = arith.constant 0 : i32
    %add3A_148 = arith.addi %mul3A_146, %add3A_147 : i32
    %mul3A_149 = arith.constant 320 : i32
    %mul3A_150 = arith.muli %arg1, %mul3A_149 : i32
    %add3A_151 = arith.constant 0 : i32
    %add3A_152 = arith.addi %mul3A_150, %add3A_151 : i32
    "tpu.region"() ({
      %run_scoped3A = tpu.sem_alloc : memref<!tpu.dma_semaphore, #tpu.memory_space<semaphore_mem>>
      %dma_start3A_373 = arith.constant 0 : i32
      %dma_start3A_374 = arith.constant 0 : i32
      %dma_start3A_375 = tpu.memref_slice %arg13[%dma_start3A_373, %dma_start3A_374] : memref<128x128xf32, #tpu.memory_space<vmem>> -> memref<128x128xf32, #tpu.memory_space<vmem>>
      %dma_start3A_376 = arith.constant 0 : i32
      %dma_start3A_377 = tpu.memref_slice %arg6[%add3A_148, %add3A_152, %dma_start3A_376] : memref<4x5120x128xf32, #tpu.memory_space<hbm>> -> memref<1x128x128xf32, #tpu.memory_space<hbm>>
      %dma_start3A_378 = tpu.memref_squeeze %dma_start3A_377 : memref<1x128x128xf32, #tpu.memory_space<hbm>> -> memref<128x128xf32, #tpu.memory_space<hbm>>
      %dma_start3A_379 = arith.constant 0 : i32
      %dma_start3A_380 = tpu.memref_slice %arg6[%add3A_148, %add3A_152, %dma_start3A_379] : memref<4x5120x128xf32, #tpu.memory_space<hbm>> -> memref<1x128x128xf32, #tpu.memory_space<hbm>>
      %dma_start3A_381 = tpu.memref_squeeze %dma_start3A_380 : memref<1x128x128xf32, #tpu.memory_space<hbm>> -> memref<128x128xf32, #tpu.memory_space<hbm>>
      %dma_start3A_382 = arith.constant 0 : i32
      %dma_start3A_383 = arith.constant 0 : i32
      %dma_start3A_384 = tpu.memref_slice %arg13[%dma_start3A_382, %dma_start3A_383] : memref<128x128xf32, #tpu.memory_space<vmem>> -> memref<128x128xf32, #tpu.memory_space<vmem>>
      tpu.enqueue_dma source(%dma_start3A_384 : memref<128x128xf32, #tpu.memory_space<vmem>>) target(%dma_start3A_381 : memref<128x128xf32, #tpu.memory_space<hbm>>) target_semaphore(%run_scoped3A : memref<!tpu.dma_semaphore, #tpu.memory_space<semaphore_mem>>)
      %dma_wait3A_385 = arith.constant 0 : i32
      %dma_wait3A_386 = arith.constant 0 : i32
      %dma_wait3A_387 = tpu.memref_slice %arg13[%dma_wait3A_385, %dma_wait3A_386] : memref<128x128xf32, #tpu.memory_space<vmem>> -> memref<128x128xf32, #tpu.memory_space<vmem>>
      %dma_wait3A_388 = arith.constant 0 : i32
      %dma_wait3A_389 = tpu.memref_slice %arg6[%add3A_148, %add3A_152, %dma_wait3A_388] : memref<4x5120x128xf32, #tpu.memory_space<hbm>> -> memref<1x128x128xf32, #tpu.memory_space<hbm>>
      %dma_wait3A_390 = tpu.memref_squeeze %dma_wait3A_389 : memref<1x128x128xf32, #tpu.memory_space<hbm>> -> memref<128x128xf32, #tpu.memory_space<hbm>>
      %dma_wait3A_391 = arith.constant 0 : i32
      %dma_wait3A_392 = tpu.memref_slice %arg6[%add3A_148, %add3A_152, %dma_wait3A_391] : memref<4x5120x128xf32, #tpu.memory_space<hbm>> -> memref<1x128x128xf32, #tpu.memory_space<hbm>>
      %dma_wait3A_393 = tpu.memref_squeeze %dma_wait3A_392 : memref<1x128x128xf32, #tpu.memory_space<hbm>> -> memref<128x128xf32, #tpu.memory_space<hbm>>
      %dma_wait3A_394 = arith.constant 0 : i32
      %dma_wait3A_395 = arith.constant 0 : i32
      %dma_wait3A_396 = tpu.memref_slice %arg13[%dma_wait3A_394, %dma_wait3A_395] : memref<128x128xf32, #tpu.memory_space<vmem>> -> memref<128x128xf32, #tpu.memory_space<vmem>>
      tpu.wait_dma2 semaphore(%run_scoped3A : memref<!tpu.dma_semaphore, #tpu.memory_space<semaphore_mem>>) src(%dma_wait3A_396 : memref<128x128xf32, #tpu.memory_space<vmem>>) dst(%dma_wait3A_393 : memref<128x128xf32, #tpu.memory_space<hbm>>)
      tpu.yield
    }) : () -> ()
    %mul3A_153 = arith.constant 320 : i32
    %mul3A_154 = arith.muli %arg1, %mul3A_153 : i32
    %add3A_155 = arith.constant 128 : i32
    %add3A_156 = arith.addi %mul3A_154, %add3A_155 : i32
    "tpu.region"() ({
      %run_scoped3A = tpu.sem_alloc : memref<!tpu.dma_semaphore, #tpu.memory_space<semaphore_mem>>
      %dma_start3A_373 = arith.constant 0 : i32
      %dma_start3A_374 = arith.constant 0 : i32
      %dma_start3A_375 = tpu.memref_slice %arg13[%dma_start3A_373, %dma_start3A_374] : memref<128x128xf32, #tpu.memory_space<vmem>> -> memref<128x128xf32, #tpu.memory_space<vmem>>
      %dma_start3A_376 = arith.constant 0 : i32
      %dma_start3A_377 = tpu.memref_slice %arg7[%add3A_156, %dma_start3A_376] : memref<5120x128xf32, #tpu.memory_space<vmem_shared>> -> memref<128x128xf32, #tpu.memory_space<vmem_shared>>
      %dma_start3A_378 = arith.constant 0 : i32
      %dma_start3A_379 = arith.constant 0 : i32
      %dma_start3A_380 = tpu.memref_slice %arg13[%dma_start3A_378, %dma_start3A_379] : memref<128x128xf32, #tpu.memory_space<vmem>> -> memref<128x128xf32, #tpu.memory_space<vmem>>
      %dma_start3A_381 = arith.constant 0 : i32
      %dma_start3A_382 = tpu.memref_slice %arg7[%add3A_156, %dma_start3A_381] : memref<5120x128xf32, #tpu.memory_space<vmem_shared>> -> memref<128x128xf32, #tpu.memory_space<vmem_shared>>
      tpu.enqueue_dma source(%dma_start3A_382 : memref<128x128xf32, #tpu.memory_space<vmem_shared>>) target(%dma_start3A_380 : memref<128x128xf32, #tpu.memory_space<vmem>>) target_semaphore(%run_scoped3A : memref<!tpu.dma_semaphore, #tpu.memory_space<semaphore_mem>>)
      %dma_wait3A_383 = arith.constant 0 : i32
      %dma_wait3A_384 = arith.constant 0 : i32
      %dma_wait3A_385 = tpu.memref_slice %arg13[%dma_wait3A_383, %dma_wait3A_384] : memref<128x128xf32, #tpu.memory_space<vmem>> -> memref<128x128xf32, #tpu.memory_space<vmem>>
      %dma_wait3A_386 = arith.constant 0 : i32
      %dma_wait3A_387 = tpu.memref_slice %arg7[%add3A_156, %dma_wait3A_386] : memref<5120x128xf32, #tpu.memory_space<vmem_shared>> -> memref<128x128xf32, #tpu.memory_space<vmem_shared>>
      %dma_wait3A_388 = arith.constant 0 : i32
      %dma_wait3A_389 = arith.constant 0 : i32
      %dma_wait3A_390 = tpu.memref_slice %arg13[%dma_wait3A_388, %dma_wait3A_389] : memref<128x128xf32, #tpu.memory_space<vmem>> -> memref<128x128xf32, #tpu.memory_space<vmem>>
      %dma_wait3A_391 = arith.constant 0 : i32
      %dma_wait3A_392 = tpu.memref_slice %arg7[%add3A_156, %dma_wait3A_391] : memref<5120x128xf32, #tpu.memory_space<vmem_shared>> -> memref<128x128xf32, #tpu.memory_space<vmem_shared>>
      tpu.wait_dma2 semaphore(%run_scoped3A : memref<!tpu.dma_semaphore, #tpu.memory_space<semaphore_mem>>) src(%dma_wait3A_392 : memref<128x128xf32, #tpu.memory_space<vmem_shared>>) dst(%dma_wait3A_390 : memref<128x128xf32, #tpu.memory_space<vmem>>)
      tpu.yield
    }) : () -> ()
    %mul3A_157 = arith.constant 2 : i32
    %mul3A_158 = arith.muli %arg0, %mul3A_157 : i32
    %add3A_159 = arith.constant 0 : i32
    %add3A_160 = arith.addi %mul3A_158, %add3A_159 : i32
    %mul3A_161 = arith.constant 320 : i32
    %mul3A_162 = arith.muli %arg1, %mul3A_161 : i32
    %add3A_163 = arith.constant 128 : i32
    %add3A_164 = arith.addi %mul3A_162, %add3A_163 : i32
    "tpu.region"() ({
      %run_scoped3A = tpu.sem_alloc : memref<!tpu.dma_semaphore, #tpu.memory_space<semaphore_mem>>
      %dma_start3A_373 = arith.constant 0 : i32
      %dma_start3A_374 = arith.constant 0 : i32
      %dma_start3A_375 = tpu.memref_slice %arg13[%dma_start3A_373, %dma_start3A_374] : memref<128x128xf32, #tpu.memory_space<vmem>> -> memref<128x128xf32, #tpu.memory_space<vmem>>
      %dma_start3A_376 = arith.constant 0 : i32
      %dma_start3A_377 = tpu.memref_slice %arg6[%add3A_160, %add3A_164, %dma_start3A_376] : memref<4x5120x128xf32, #tpu.memory_space<hbm>> -> memref<1x128x128xf32, #tpu.memory_space<hbm>>
      %dma_start3A_378 = tpu.memref_squeeze %dma_start3A_377 : memref<1x128x128xf32, #tpu.memory_space<hbm>> -> memref<128x128xf32, #tpu.memory_space<hbm>>
      %dma_start3A_379 = arith.constant 0 : i32
      %dma_start3A_380 = tpu.memref_slice %arg6[%add3A_160, %add3A_164, %dma_start3A_379] : memref<4x5120x128xf32, #tpu.memory_space<hbm>> -> memref<1x128x128xf32, #tpu.memory_space<hbm>>
      %dma_start3A_381 = tpu.memref_squeeze %dma_start3A_380 : memref<1x128x128xf32, #tpu.memory_space<hbm>> -> memref<128x128xf32, #tpu.memory_space<hbm>>
      %dma_start3A_382 = arith.constant 0 : i32
      %dma_start3A_383 = arith.constant 0 : i32
      %dma_start3A_384 = tpu.memref_slice %arg13[%dma_start3A_382, %dma_start3A_383] : memref<128x128xf32, #tpu.memory_space<vmem>> -> memref<128x128xf32, #tpu.memory_space<vmem>>
      tpu.enqueue_dma source(%dma_start3A_384 : memref<128x128xf32, #tpu.memory_space<vmem>>) target(%dma_start3A_381 : memref<128x128xf32, #tpu.memory_space<hbm>>) target_semaphore(%run_scoped3A : memref<!tpu.dma_semaphore, #tpu.memory_space<semaphore_mem>>)
      %dma_wait3A_385 = arith.constant 0 : i32
      %dma_wait3A_386 = arith.constant 0 : i32
      %dma_wait3A_387 = tpu.memref_slice %arg13[%dma_wait3A_385, %dma_wait3A_386] : memref<128x128xf32, #tpu.memory_space<vmem>> -> memref<128x128xf32, #tpu.memory_space<vmem>>
      %dma_wait3A_388 = arith.constant 0 : i32
      %dma_wait3A_389 = tpu.memref_slice %arg6[%add3A_160, %add3A_164, %dma_wait3A_388] : memref<4x5120x128xf32, #tpu.memory_space<hbm>> -> memref<1x128x128xf32, #tpu.memory_space<hbm>>
      %dma_wait3A_390 = tpu.memref_squeeze %dma_wait3A_389 : memref<1x128x128xf32, #tpu.memory_space<hbm>> -> memref<128x128xf32, #tpu.memory_space<hbm>>
      %dma_wait3A_391 = arith.constant 0 : i32
      %dma_wait3A_392 = tpu.memref_slice %arg6[%add3A_160, %add3A_164, %dma_wait3A_391] : memref<4x5120x128xf32, #tpu.memory_space<hbm>> -> memref<1x128x128xf32, #tpu.memory_space<hbm>>
      %dma_wait3A_393 = tpu.memref_squeeze %dma_wait3A_392 : memref<1x128x128xf32, #tpu.memory_space<hbm>> -> memref<128x128xf32, #tpu.memory_space<hbm>>
      %dma_wait3A_394 = arith.constant 0 : i32
      %dma_wait3A_395 = arith.constant 0 : i32
      %dma_wait3A_396 = tpu.memref_slice %arg13[%dma_wait3A_394, %dma_wait3A_395] : memref<128x128xf32, #tpu.memory_space<vmem>> -> memref<128x128xf32, #tpu.memory_space<vmem>>
      tpu.wait_dma2 semaphore(%run_scoped3A : memref<!tpu.dma_semaphore, #tpu.memory_space<semaphore_mem>>) src(%dma_wait3A_396 : memref<128x128xf32, #tpu.memory_space<vmem>>) dst(%dma_wait3A_393 : memref<128x128xf32, #tpu.memory_space<hbm>>)
      tpu.yield
    }) : () -> ()
    %mul3A_165 = arith.constant 320 : i32
    %mul3A_166 = arith.muli %arg1, %mul3A_165 : i32
    %add3A_167 = arith.constant 256 : i32
    %add3A_168 = arith.addi %mul3A_166, %add3A_167 : i32
    "tpu.region"() ({
      %run_scoped3A = tpu.sem_alloc : memref<!tpu.dma_semaphore, #tpu.memory_space<semaphore_mem>>
      %dma_start3A_373 = arith.constant 0 : i32
      %dma_start3A_374 = arith.constant 0 : i32
      %dma_start3A_375 = tpu.memref_slice %arg13[%dma_start3A_373, %dma_start3A_374] : memref<128x128xf32, #tpu.memory_space<vmem>> -> memref<64x128xf32, #tpu.memory_space<vmem>>
      %dma_start3A_376 = arith.constant 0 : i32
      %dma_start3A_377 = tpu.memref_slice %arg7[%add3A_168, %dma_start3A_376] : memref<5120x128xf32, #tpu.memory_space<vmem_shared>> -> memref<64x128xf32, #tpu.memory_space<vmem_shared>>
      %dma_start3A_378 = arith.constant 0 : i32
      %dma_start3A_379 = arith.constant 0 : i32
      %dma_start3A_380 = tpu.memref_slice %arg13[%dma_start3A_378, %dma_start3A_379] : memref<128x128xf32, #tpu.memory_space<vmem>> -> memref<64x128xf32, #tpu.memory_space<vmem>>
      %dma_start3A_381 = arith.constant 0 : i32
      %dma_start3A_382 = tpu.memref_slice %arg7[%add3A_168, %dma_start3A_381] : memref<5120x128xf32, #tpu.memory_space<vmem_shared>> -> memref<64x128xf32, #tpu.memory_space<vmem_shared>>
      tpu.enqueue_dma source(%dma_start3A_382 : memref<64x128xf32, #tpu.memory_space<vmem_shared>>) target(%dma_start3A_380 : memref<64x128xf32, #tpu.memory_space<vmem>>) target_semaphore(%run_scoped3A : memref<!tpu.dma_semaphore, #tpu.memory_space<semaphore_mem>>)
      %dma_wait3A_383 = arith.constant 0 : i32
      %dma_wait3A_384 = arith.constant 0 : i32
      %dma_wait3A_385 = tpu.memref_slice %arg13[%dma_wait3A_383, %dma_wait3A_384] : memref<128x128xf32, #tpu.memory_space<vmem>> -> memref<64x128xf32, #tpu.memory_space<vmem>>
      %dma_wait3A_386 = arith.constant 0 : i32
      %dma_wait3A_387 = tpu.memref_slice %arg7[%add3A_168, %dma_wait3A_386] : memref<5120x128xf32, #tpu.memory_space<vmem_shared>> -> memref<64x128xf32, #tpu.memory_space<vmem_shared>>
      %dma_wait3A_388 = arith.constant 0 : i32
      %dma_wait3A_389 = arith.constant 0 : i32
      %dma_wait3A_390 = tpu.memref_slice %arg13[%dma_wait3A_388, %dma_wait3A_389] : memref<128x128xf32, #tpu.memory_space<vmem>> -> memref<64x128xf32, #tpu.memory_space<vmem>>
      %dma_wait3A_391 = arith.constant 0 : i32
      %dma_wait3A_392 = tpu.memref_slice %arg7[%add3A_168, %dma_wait3A_391] : memref<5120x128xf32, #tpu.memory_space<vmem_shared>> -> memref<64x128xf32, #tpu.memory_space<vmem_shared>>
      tpu.wait_dma2 semaphore(%run_scoped3A : memref<!tpu.dma_semaphore, #tpu.memory_space<semaphore_mem>>) src(%dma_wait3A_392 : memref<64x128xf32, #tpu.memory_space<vmem_shared>>) dst(%dma_wait3A_390 : memref<64x128xf32, #tpu.memory_space<vmem>>)
      tpu.yield
    }) : () -> ()
    %mul3A_169 = arith.constant 2 : i32
    %mul3A_170 = arith.muli %arg0, %mul3A_169 : i32
    %add3A_171 = arith.constant 0 : i32
    %add3A_172 = arith.addi %mul3A_170, %add3A_171 : i32
    %mul3A_173 = arith.constant 320 : i32
    %mul3A_174 = arith.muli %arg1, %mul3A_173 : i32
    %add3A_175 = arith.constant 256 : i32
    %add3A_176 = arith.addi %mul3A_174, %add3A_175 : i32
    "tpu.region"() ({
      %run_scoped3A = tpu.sem_alloc : memref<!tpu.dma_semaphore, #tpu.memory_space<semaphore_mem>>
      %dma_start3A_373 = arith.constant 0 : i32
      %dma_start3A_374 = arith.constant 0 : i32
      %dma_start3A_375 = tpu.memref_slice %arg13[%dma_start3A_373, %dma_start3A_374] : memref<128x128xf32, #tpu.memory_space<vmem>> -> memref<64x128xf32, #tpu.memory_space<vmem>>
      %dma_start3A_376 = arith.constant 0 : i32
      %dma_start3A_377 = tpu.memref_slice %arg6[%add3A_172, %add3A_176, %dma_start3A_376] : memref<4x5120x128xf32, #tpu.memory_space<hbm>> -> memref<1x64x128xf32, #tpu.memory_space<hbm>>
      %dma_start3A_378 = tpu.memref_squeeze %dma_start3A_377 : memref<1x64x128xf32, #tpu.memory_space<hbm>> -> memref<64x128xf32, #tpu.memory_space<hbm>>
      %dma_start3A_379 = arith.constant 0 : i32
      %dma_start3A_380 = tpu.memref_slice %arg6[%add3A_172, %add3A_176, %dma_start3A_379] : memref<4x5120x128xf32, #tpu.memory_space<hbm>> -> memref<1x64x128xf32, #tpu.memory_space<hbm>>
      %dma_start3A_381 = tpu.memref_squeeze %dma_start3A_380 : memref<1x64x128xf32, #tpu.memory_space<hbm>> -> memref<64x128xf32, #tpu.memory_space<hbm>>
      %dma_start3A_382 = arith.constant 0 : i32
      %dma_start3A_383 = arith.constant 0 : i32
      %dma_start3A_384 = tpu.memref_slice %arg13[%dma_start3A_382, %dma_start3A_383] : memref<128x128xf32, #tpu.memory_space<vmem>> -> memref<64x128xf32, #tpu.memory_space<vmem>>
      tpu.enqueue_dma source(%dma_start3A_384 : memref<64x128xf32, #tpu.memory_space<vmem>>) target(%dma_start3A_381 : memref<64x128xf32, #tpu.memory_space<hbm>>) target_semaphore(%run_scoped3A : memref<!tpu.dma_semaphore, #tpu.memory_space<semaphore_mem>>)
      %dma_wait3A_385 = arith.constant 0 : i32
      %dma_wait3A_386 = arith.constant 0 : i32
      %dma_wait3A_387 = tpu.memref_slice %arg13[%dma_wait3A_385, %dma_wait3A_386] : memref<128x128xf32, #tpu.memory_space<vmem>> -> memref<64x128xf32, #tpu.memory_space<vmem>>
      %dma_wait3A_388 = arith.constant 0 : i32
      %dma_wait3A_389 = tpu.memref_slice %arg6[%add3A_172, %add3A_176, %dma_wait3A_388] : memref<4x5120x128xf32, #tpu.memory_space<hbm>> -> memref<1x64x128xf32, #tpu.memory_space<hbm>>
      %dma_wait3A_390 = tpu.memref_squeeze %dma_wait3A_389 : memref<1x64x128xf32, #tpu.memory_space<hbm>> -> memref<64x128xf32, #tpu.memory_space<hbm>>
      %dma_wait3A_391 = arith.constant 0 : i32
      %dma_wait3A_392 = tpu.memref_slice %arg6[%add3A_172, %add3A_176, %dma_wait3A_391] : memref<4x5120x128xf32, #tpu.memory_space<hbm>> -> memref<1x64x128xf32, #tpu.memory_space<hbm>>
      %dma_wait3A_393 = tpu.memref_squeeze %dma_wait3A_392 : memref<1x64x128xf32, #tpu.memory_space<hbm>> -> memref<64x128xf32, #tpu.memory_space<hbm>>
      %dma_wait3A_394 = arith.constant 0 : i32
      %dma_wait3A_395 = arith.constant 0 : i32
      %dma_wait3A_396 = tpu.memref_slice %arg13[%dma_wait3A_394, %dma_wait3A_395] : memref<128x128xf32, #tpu.memory_space<vmem>> -> memref<64x128xf32, #tpu.memory_space<vmem>>
      tpu.wait_dma2 semaphore(%run_scoped3A : memref<!tpu.dma_semaphore, #tpu.memory_space<semaphore_mem>>) src(%dma_wait3A_396 : memref<64x128xf32, #tpu.memory_space<vmem>>) dst(%dma_wait3A_393 : memref<64x128xf32, #tpu.memory_space<hbm>>)
      tpu.yield
    }) : () -> ()
    %barrier3A_177 = arith.constant 0 : index
    tpu.barrier barrier_id(%barrier3A_177)
    %mul3A_178 = arith.constant 2 : i32
    %mul3A_179 = arith.muli %arg0, %mul3A_178 : i32
    %add3A_180 = arith.constant 1 : i32
    %add3A_181 = arith.addi %mul3A_179, %add3A_180 : i32
    %mul3A_182 = arith.constant 5000 : i32
    %mul3A_183 = arith.muli %add3A_181, %mul3A_182 : i32
    "tpu.region"() ({
      %run_scoped3A = tpu.sem_alloc : memref<!tpu.dma_semaphore, #tpu.memory_space<semaphore_mem>>
      tpu.enqueue_dma source(%arg5 : memref<128x128xf32, #tpu.memory_space<hbm>>) target(%arg13 : memref<128x128xf32, #tpu.memory_space<vmem>>) target_semaphore(%run_scoped3A : memref<!tpu.dma_semaphore, #tpu.memory_space<semaphore_mem>>)
      tpu.wait_dma2 semaphore(%run_scoped3A : memref<!tpu.dma_semaphore, #tpu.memory_space<semaphore_mem>>) src(%arg5 : memref<128x128xf32, #tpu.memory_space<hbm>>) dst(%arg13 : memref<128x128xf32, #tpu.memory_space<vmem>>)
      tpu.yield
    }) : () -> ()
    %mul3A_184 = arith.constant 320 : i32
    %mul3A_185 = arith.muli %arg1, %mul3A_184 : i32
    %add3A_186 = arith.constant 0 : i32
    %add3A_187 = arith.addi %mul3A_185, %add3A_186 : i32
    "tpu.region"() ({
      %run_scoped3A = tpu.sem_alloc : memref<!tpu.dma_semaphore, #tpu.memory_space<semaphore_mem>>
      %dma_start3A_373 = arith.constant 0 : i32
      %dma_start3A_374 = arith.constant 0 : i32
      %dma_start3A_375 = tpu.memref_slice %arg13[%dma_start3A_373, %dma_start3A_374] : memref<128x128xf32, #tpu.memory_space<vmem>> -> memref<128x128xf32, #tpu.memory_space<vmem>>
      %dma_start3A_376 = arith.constant 0 : i32
      %dma_start3A_377 = tpu.memref_slice %arg7[%add3A_187, %dma_start3A_376] : memref<5120x128xf32, #tpu.memory_space<vmem_shared>> -> memref<128x128xf32, #tpu.memory_space<vmem_shared>>
      %dma_start3A_378 = arith.constant 0 : i32
      %dma_start3A_379 = tpu.memref_slice %arg7[%add3A_187, %dma_start3A_378] : memref<5120x128xf32, #tpu.memory_space<vmem_shared>> -> memref<128x128xf32, #tpu.memory_space<vmem_shared>>
      %dma_start3A_380 = arith.constant 0 : i32
      %dma_start3A_381 = arith.constant 0 : i32
      %dma_start3A_382 = tpu.memref_slice %arg13[%dma_start3A_380, %dma_start3A_381] : memref<128x128xf32, #tpu.memory_space<vmem>> -> memref<128x128xf32, #tpu.memory_space<vmem>>
      tpu.enqueue_dma source(%dma_start3A_382 : memref<128x128xf32, #tpu.memory_space<vmem>>) target(%dma_start3A_379 : memref<128x128xf32, #tpu.memory_space<vmem_shared>>) target_semaphore(%run_scoped3A : memref<!tpu.dma_semaphore, #tpu.memory_space<semaphore_mem>>)
      %dma_wait3A_383 = arith.constant 0 : i32
      %dma_wait3A_384 = arith.constant 0 : i32
      %dma_wait3A_385 = tpu.memref_slice %arg13[%dma_wait3A_383, %dma_wait3A_384] : memref<128x128xf32, #tpu.memory_space<vmem>> -> memref<128x128xf32, #tpu.memory_space<vmem>>
      %dma_wait3A_386 = arith.constant 0 : i32
      %dma_wait3A_387 = tpu.memref_slice %arg7[%add3A_187, %dma_wait3A_386] : memref<5120x128xf32, #tpu.memory_space<vmem_shared>> -> memref<128x128xf32, #tpu.memory_space<vmem_shared>>
      %dma_wait3A_388 = arith.constant 0 : i32
      %dma_wait3A_389 = tpu.memref_slice %arg7[%add3A_187, %dma_wait3A_388] : memref<5120x128xf32, #tpu.memory_space<vmem_shared>> -> memref<128x128xf32, #tpu.memory_space<vmem_shared>>
      %dma_wait3A_390 = arith.constant 0 : i32
      %dma_wait3A_391 = arith.constant 0 : i32
      %dma_wait3A_392 = tpu.memref_slice %arg13[%dma_wait3A_390, %dma_wait3A_391] : memref<128x128xf32, #tpu.memory_space<vmem>> -> memref<128x128xf32, #tpu.memory_space<vmem>>
      tpu.wait_dma2 semaphore(%run_scoped3A : memref<!tpu.dma_semaphore, #tpu.memory_space<semaphore_mem>>) src(%dma_wait3A_392 : memref<128x128xf32, #tpu.memory_space<vmem>>) dst(%dma_wait3A_389 : memref<128x128xf32, #tpu.memory_space<vmem_shared>>)
      tpu.yield
    }) : () -> ()
    %mul3A_188 = arith.constant 320 : i32
    %mul3A_189 = arith.muli %arg1, %mul3A_188 : i32
    %add3A_190 = arith.constant 128 : i32
    %add3A_191 = arith.addi %mul3A_189, %add3A_190 : i32
    "tpu.region"() ({
      %run_scoped3A = tpu.sem_alloc : memref<!tpu.dma_semaphore, #tpu.memory_space<semaphore_mem>>
      %dma_start3A_373 = arith.constant 0 : i32
      %dma_start3A_374 = arith.constant 0 : i32
      %dma_start3A_375 = tpu.memref_slice %arg13[%dma_start3A_373, %dma_start3A_374] : memref<128x128xf32, #tpu.memory_space<vmem>> -> memref<128x128xf32, #tpu.memory_space<vmem>>
      %dma_start3A_376 = arith.constant 0 : i32
      %dma_start3A_377 = tpu.memref_slice %arg7[%add3A_191, %dma_start3A_376] : memref<5120x128xf32, #tpu.memory_space<vmem_shared>> -> memref<128x128xf32, #tpu.memory_space<vmem_shared>>
      %dma_start3A_378 = arith.constant 0 : i32
      %dma_start3A_379 = tpu.memref_slice %arg7[%add3A_191, %dma_start3A_378] : memref<5120x128xf32, #tpu.memory_space<vmem_shared>> -> memref<128x128xf32, #tpu.memory_space<vmem_shared>>
      %dma_start3A_380 = arith.constant 0 : i32
      %dma_start3A_381 = arith.constant 0 : i32
      %dma_start3A_382 = tpu.memref_slice %arg13[%dma_start3A_380, %dma_start3A_381] : memref<128x128xf32, #tpu.memory_space<vmem>> -> memref<128x128xf32, #tpu.memory_space<vmem>>
      tpu.enqueue_dma source(%dma_start3A_382 : memref<128x128xf32, #tpu.memory_space<vmem>>) target(%dma_start3A_379 : memref<128x128xf32, #tpu.memory_space<vmem_shared>>) target_semaphore(%run_scoped3A : memref<!tpu.dma_semaphore, #tpu.memory_space<semaphore_mem>>)
      %dma_wait3A_383 = arith.constant 0 : i32
      %dma_wait3A_384 = arith.constant 0 : i32
      %dma_wait3A_385 = tpu.memref_slice %arg13[%dma_wait3A_383, %dma_wait3A_384] : memref<128x128xf32, #tpu.memory_space<vmem>> -> memref<128x128xf32, #tpu.memory_space<vmem>>
      %dma_wait3A_386 = arith.constant 0 : i32
      %dma_wait3A_387 = tpu.memref_slice %arg7[%add3A_191, %dma_wait3A_386] : memref<5120x128xf32, #tpu.memory_space<vmem_shared>> -> memref<128x128xf32, #tpu.memory_space<vmem_shared>>
      %dma_wait3A_388 = arith.constant 0 : i32
      %dma_wait3A_389 = tpu.memref_slice %arg7[%add3A_191, %dma_wait3A_388] : memref<5120x128xf32, #tpu.memory_space<vmem_shared>> -> memref<128x128xf32, #tpu.memory_space<vmem_shared>>
      %dma_wait3A_390 = arith.constant 0 : i32
      %dma_wait3A_391 = arith.constant 0 : i32
      %dma_wait3A_392 = tpu.memref_slice %arg13[%dma_wait3A_390, %dma_wait3A_391] : memref<128x128xf32, #tpu.memory_space<vmem>> -> memref<128x128xf32, #tpu.memory_space<vmem>>
      tpu.wait_dma2 semaphore(%run_scoped3A : memref<!tpu.dma_semaphore, #tpu.memory_space<semaphore_mem>>) src(%dma_wait3A_392 : memref<128x128xf32, #tpu.memory_space<vmem>>) dst(%dma_wait3A_389 : memref<128x128xf32, #tpu.memory_space<vmem_shared>>)
      tpu.yield
    }) : () -> ()
    %mul3A_192 = arith.constant 320 : i32
    %mul3A_193 = arith.muli %arg1, %mul3A_192 : i32
    %add3A_194 = arith.constant 256 : i32
    %add3A_195 = arith.addi %mul3A_193, %add3A_194 : i32
    "tpu.region"() ({
      %run_scoped3A = tpu.sem_alloc : memref<!tpu.dma_semaphore, #tpu.memory_space<semaphore_mem>>
      %dma_start3A_373 = arith.constant 0 : i32
      %dma_start3A_374 = arith.constant 0 : i32
      %dma_start3A_375 = tpu.memref_slice %arg13[%dma_start3A_373, %dma_start3A_374] : memref<128x128xf32, #tpu.memory_space<vmem>> -> memref<64x128xf32, #tpu.memory_space<vmem>>
      %dma_start3A_376 = arith.constant 0 : i32
      %dma_start3A_377 = tpu.memref_slice %arg7[%add3A_195, %dma_start3A_376] : memref<5120x128xf32, #tpu.memory_space<vmem_shared>> -> memref<64x128xf32, #tpu.memory_space<vmem_shared>>
      %dma_start3A_378 = arith.constant 0 : i32
      %dma_start3A_379 = tpu.memref_slice %arg7[%add3A_195, %dma_start3A_378] : memref<5120x128xf32, #tpu.memory_space<vmem_shared>> -> memref<64x128xf32, #tpu.memory_space<vmem_shared>>
      %dma_start3A_380 = arith.constant 0 : i32
      %dma_start3A_381 = arith.constant 0 : i32
      %dma_start3A_382 = tpu.memref_slice %arg13[%dma_start3A_380, %dma_start3A_381] : memref<128x128xf32, #tpu.memory_space<vmem>> -> memref<64x128xf32, #tpu.memory_space<vmem>>
      tpu.enqueue_dma source(%dma_start3A_382 : memref<64x128xf32, #tpu.memory_space<vmem>>) target(%dma_start3A_379 : memref<64x128xf32, #tpu.memory_space<vmem_shared>>) target_semaphore(%run_scoped3A : memref<!tpu.dma_semaphore, #tpu.memory_space<semaphore_mem>>)
      %dma_wait3A_383 = arith.constant 0 : i32
      %dma_wait3A_384 = arith.constant 0 : i32
      %dma_wait3A_385 = tpu.memref_slice %arg13[%dma_wait3A_383, %dma_wait3A_384] : memref<128x128xf32, #tpu.memory_space<vmem>> -> memref<64x128xf32, #tpu.memory_space<vmem>>
      %dma_wait3A_386 = arith.constant 0 : i32
      %dma_wait3A_387 = tpu.memref_slice %arg7[%add3A_195, %dma_wait3A_386] : memref<5120x128xf32, #tpu.memory_space<vmem_shared>> -> memref<64x128xf32, #tpu.memory_space<vmem_shared>>
      %dma_wait3A_388 = arith.constant 0 : i32
      %dma_wait3A_389 = tpu.memref_slice %arg7[%add3A_195, %dma_wait3A_388] : memref<5120x128xf32, #tpu.memory_space<vmem_shared>> -> memref<64x128xf32, #tpu.memory_space<vmem_shared>>
      %dma_wait3A_390 = arith.constant 0 : i32
      %dma_wait3A_391 = arith.constant 0 : i32
      %dma_wait3A_392 = tpu.memref_slice %arg13[%dma_wait3A_390, %dma_wait3A_391] : memref<128x128xf32, #tpu.memory_space<vmem>> -> memref<64x128xf32, #tpu.memory_space<vmem>>
      tpu.wait_dma2 semaphore(%run_scoped3A : memref<!tpu.dma_semaphore, #tpu.memory_space<semaphore_mem>>) src(%dma_wait3A_392 : memref<64x128xf32, #tpu.memory_space<vmem>>) dst(%dma_wait3A_389 : memref<64x128xf32, #tpu.memory_space<vmem_shared>>)
      tpu.yield
    }) : () -> ()
    %barrier3A_196 = arith.constant 0 : index
    tpu.barrier barrier_id(%barrier3A_196)
    %scan3A_197 = arith.constant 0 : i32
    %scan3A_198 = arith.constant 0 : i32
    %scan3A_199 = arith.constant 5 : i32
    %scan3A_200 = arith.addi %scan3A_198, %scan3A_199 : i32
    %scan3A_201 = arith.constant 1 : i32
    %scan3A_202 = scf.for %scan3A_373 = %scan3A_198 to %scan3A_200 step %scan3A_201 iter_args(%scan3A_374 = %scan3A_197) -> (i32)  : i32 {
      %mul3A_375 = arith.constant 20480 : i32
      %mul3A_376 = arith.muli %arg1, %mul3A_375 : i32
      %mul3A_377 = arith.constant 4096 : i32
      %mul3A_378 = arith.muli %scan3A_373, %mul3A_377 : i32
      %add3A_379 = arith.addi %mul3A_376, %mul3A_378 : i32
      "tpu.region"() ({
        %run_scoped3A = tpu.sem_alloc : memref<!tpu.dma_semaphore, #tpu.memory_space<semaphore_mem>>
        %dma_start3A_386 = tpu.memref_slice %arg4[%add3A_379] : memref<327680xi32, #tpu.memory_space<hbm>> -> memref<4096xi32, #tpu.memory_space<hbm>>
        %dma_start3A_387 = tpu.memref_slice %arg4[%add3A_379] : memref<327680xi32, #tpu.memory_space<hbm>> -> memref<4096xi32, #tpu.memory_space<hbm>>
        tpu.enqueue_dma source(%dma_start3A_387 : memref<4096xi32, #tpu.memory_space<hbm>>) target(%arg8 : memref<4096xi32, #tpu.memory_space<vmem>>) target_semaphore(%run_scoped3A : memref<!tpu.dma_semaphore, #tpu.memory_space<semaphore_mem>>)
        %dma_wait3A_388 = tpu.memref_slice %arg4[%add3A_379] : memref<327680xi32, #tpu.memory_space<hbm>> -> memref<4096xi32, #tpu.memory_space<hbm>>
        %dma_wait3A_389 = tpu.memref_slice %arg4[%add3A_379] : memref<327680xi32, #tpu.memory_space<hbm>> -> memref<4096xi32, #tpu.memory_space<hbm>>
        tpu.wait_dma2 semaphore(%run_scoped3A : memref<!tpu.dma_semaphore, #tpu.memory_space<semaphore_mem>>) src(%dma_wait3A_389 : memref<4096xi32, #tpu.memory_space<hbm>>) dst(%arg8 : memref<4096xi32, #tpu.memory_space<vmem>>)
        tpu.yield
      }) : () -> ()
      "tpu.region"() ({
        %run_scoped3A = tpu.sem_alloc : memref<!tpu.dma_semaphore, #tpu.memory_space<semaphore_mem>>
        %dma_start3A_386 = tpu.memref_slice %arg3[%add3A_379] : memref<327680xi32, #tpu.memory_space<hbm>> -> memref<4096xi32, #tpu.memory_space<hbm>>
        %dma_start3A_387 = tpu.memref_slice %arg3[%add3A_379] : memref<327680xi32, #tpu.memory_space<hbm>> -> memref<4096xi32, #tpu.memory_space<hbm>>
        tpu.enqueue_dma source(%dma_start3A_387 : memref<4096xi32, #tpu.memory_space<hbm>>) target(%arg9 : memref<4096xi32, #tpu.memory_space<vmem>>) target_semaphore(%run_scoped3A : memref<!tpu.dma_semaphore, #tpu.memory_space<semaphore_mem>>)
        %dma_wait3A_388 = tpu.memref_slice %arg3[%add3A_379] : memref<327680xi32, #tpu.memory_space<hbm>> -> memref<4096xi32, #tpu.memory_space<hbm>>
        %dma_wait3A_389 = tpu.memref_slice %arg3[%add3A_379] : memref<327680xi32, #tpu.memory_space<hbm>> -> memref<4096xi32, #tpu.memory_space<hbm>>
        tpu.wait_dma2 semaphore(%run_scoped3A : memref<!tpu.dma_semaphore, #tpu.memory_space<semaphore_mem>>) src(%dma_wait3A_389 : memref<4096xi32, #tpu.memory_space<hbm>>) dst(%arg9 : memref<4096xi32, #tpu.memory_space<vmem>>)
        tpu.yield
      }) : () -> ()
      %scan3A_380 = arith.constant 0 : i32
      %scan3A_381 = arith.constant 256 : i32
      %scan3A_382 = arith.addi %scan3A_380, %scan3A_381 : i32
      %scan3A_383 = arith.constant 1 : i32
      %scan3A_384 = scf.for %scan3A_386 = %scan3A_380 to %scan3A_382 step %scan3A_383 iter_args(%scan3A_387 = %scan3A_374) -> (i32)  : i32 {
        %mul3A_388 = arith.constant 16 : i32
        %mul3A_389 = arith.muli %scan3A_386, %mul3A_388 : i32
        %get3A = arith.index_cast %mul3A_389 : i32 to index
        %get3A_390 = tpu.vector_load %arg8[%get3A] {strides = array<i32>} : memref<4096xi32, #tpu.memory_space<vmem>>, vector<16xi32>,
        %sub3A_391 = vector.broadcast %mul3A_183 : i32 to vector<16xi32>
        %sub3A_392 = arith.subi %get3A_390, %sub3A_391 : vector<16xi32>
        %ge3A = arith.constant 0 : i32
        %ge3A_393 = vector.broadcast %ge3A : i32 to vector<16xi32>
        %ge3A_394 = arith.cmpi sge, %sub3A_392, %ge3A_393 : vector<16xi32>
        %lt3A_395 = arith.constant 5000 : i32
        %lt3A_396 = vector.broadcast %lt3A_395 : i32 to vector<16xi32>
        %lt3A_397 = arith.cmpi slt, %sub3A_392, %lt3A_396 : vector<16xi32>
        %and3A_398 = arith.andi %ge3A_394, %lt3A_397 : vector<16xi1>
        %jit3A_399 = arith.constant 1 : i32
        %jit3A_400 = arith.constant 0 : i32
        %broadcast_in_dim3A_401 = vector.broadcast %jit3A_399 : i32 to vector<16xi32>
        %broadcast_in_dim3A_402 = vector.broadcast %jit3A_400 : i32 to vector<16xi32>
        %select_n3A_403 = arith.select %and3A_398, %broadcast_in_dim3A_401, %broadcast_in_dim3A_402 : vector<16xi1>, vector<16xi32>
        %broadcast_in_dim3A_404 = arith.constant true
        %broadcast_in_dim3A_405 = vector.broadcast %broadcast_in_dim3A_404 : i1 to vector<16xi1>
        %masked_cumsum3A = tpu.scan <sum>, %select_n3A_403 masked %broadcast_in_dim3A_405 : vector<16xi32>, vector<16xi1> -> vector<16xi32>
        %add3A_406 = vector.broadcast %scan3A_387 : i32 to vector<16xi32>
        %add3A_407 = arith.addi %add3A_406, %masked_cumsum3A : vector<16xi32>
        %sub3A_408 = arith.constant 1 : i32
        %sub3A_409 = vector.broadcast %sub3A_408 : i32 to vector<16xi32>
        %sub3A_410 = arith.subi %add3A_407, %sub3A_409 : vector<16xi32>
        tpu.vector_store_idx %arg11[%sub3A_410], %sub3A_392 masked %and3A_398 : memref<20608xi32, #tpu.memory_space<vmem>>[vector<16xi32>], vector<16xi32>, vector<16xi1>
        %mul3A_411 = arith.constant 16 : i32
        %mul3A_412 = arith.muli %scan3A_386, %mul3A_411 : i32
        %get3A_413 = arith.index_cast %mul3A_412 : i32 to index
        %get3A_414 = tpu.vector_load %arg9[%get3A_413] {strides = array<i32>} : memref<4096xi32, #tpu.memory_space<vmem>>, vector<16xi32>,
        tpu.vector_store_idx %arg10[%sub3A_410], %get3A_414 masked %and3A_398 : memref<20608xi32, #tpu.memory_space<vmem>>[vector<16xi32>], vector<16xi32>, vector<16xi1>
        %reduce_sum3A = arith.constant true
        %reduce_sum3A_415 = vector.broadcast %reduce_sum3A : i1 to vector<16xi1>
        %reduce_sum3A_416 = tpu.scan <sum>, %select_n3A_403 masked %reduce_sum3A_415 : vector<16xi32>, vector<16xi1> -> vector<16xi32>
        %reduce_sum3A_417 = vector.extract %reduce_sum3A_416[15] : i32 from vector<16xi32>
        %add3A_418 = arith.addi %scan3A_387, %reduce_sum3A_417 : i32
        scf.yield %add3A_418 : i32
      }
      %scan3A_385 = arith.constant 256 : i32
      scf.yield %scan3A_384 : i32
    }
    %scan3A_203 = arith.constant 5 : i32
    %add3A_204 = arith.constant 0 : i32
    %add3A_205 = arith.addi %scan3A_202, %add3A_204 : i32
    %add3A_206 = vector.broadcast %add3A_205 : i32 to vector<16xi32>
    %add3A_207 = arith.addi %add3A_206, %iota3A : vector<16xi32>
    tpu.vector_store_idx %arg11[%add3A_207], %add3A_1 : memref<20608xi32, #tpu.memory_space<vmem>>[vector<16xi32>], vector<16xi32>,
    tpu.vector_store_idx %arg10[%add3A_207], %iota3A : memref<20608xi32, #tpu.memory_space<vmem>>[vector<16xi32>], vector<16xi32>,
    %add3A_208 = arith.constant 16 : i32
    %add3A_209 = arith.addi %scan3A_202, %add3A_208 : i32
    %add3A_210 = vector.broadcast %add3A_209 : i32 to vector<16xi32>
    %add3A_211 = arith.addi %add3A_210, %iota3A : vector<16xi32>
    tpu.vector_store_idx %arg11[%add3A_211], %add3A_1 : memref<20608xi32, #tpu.memory_space<vmem>>[vector<16xi32>], vector<16xi32>,
    tpu.vector_store_idx %arg10[%add3A_211], %iota3A : memref<20608xi32, #tpu.memory_space<vmem>>[vector<16xi32>], vector<16xi32>,
    %add3A_212 = arith.constant 32 : i32
    %add3A_213 = arith.addi %scan3A_202, %add3A_212 : i32
    %add3A_214 = vector.broadcast %add3A_213 : i32 to vector<16xi32>
    %add3A_215 = arith.addi %add3A_214, %iota3A : vector<16xi32>
    tpu.vector_store_idx %arg11[%add3A_215], %add3A_1 : memref<20608xi32, #tpu.memory_space<vmem>>[vector<16xi32>], vector<16xi32>,
    tpu.vector_store_idx %arg10[%add3A_215], %iota3A : memref<20608xi32, #tpu.memory_space<vmem>>[vector<16xi32>], vector<16xi32>,
    %add3A_216 = arith.constant 48 : i32
    %add3A_217 = arith.addi %scan3A_202, %add3A_216 : i32
    %add3A_218 = vector.broadcast %add3A_217 : i32 to vector<16xi32>
    %add3A_219 = arith.addi %add3A_218, %iota3A : vector<16xi32>
    tpu.vector_store_idx %arg11[%add3A_219], %add3A_1 : memref<20608xi32, #tpu.memory_space<vmem>>[vector<16xi32>], vector<16xi32>,
    tpu.vector_store_idx %arg10[%add3A_219], %iota3A : memref<20608xi32, #tpu.memory_space<vmem>>[vector<16xi32>], vector<16xi32>,
    %add3A_220 = arith.constant 64 : i32
    %add3A_221 = arith.addi %scan3A_202, %add3A_220 : i32
    %add3A_222 = vector.broadcast %add3A_221 : i32 to vector<16xi32>
    %add3A_223 = arith.addi %add3A_222, %iota3A : vector<16xi32>
    tpu.vector_store_idx %arg11[%add3A_223], %add3A_1 : memref<20608xi32, #tpu.memory_space<vmem>>[vector<16xi32>], vector<16xi32>,
    tpu.vector_store_idx %arg10[%add3A_223], %iota3A : memref<20608xi32, #tpu.memory_space<vmem>>[vector<16xi32>], vector<16xi32>,
    %add3A_224 = arith.constant 80 : i32
    %add3A_225 = arith.addi %scan3A_202, %add3A_224 : i32
    %add3A_226 = vector.broadcast %add3A_225 : i32 to vector<16xi32>
    %add3A_227 = arith.addi %add3A_226, %iota3A : vector<16xi32>
    tpu.vector_store_idx %arg11[%add3A_227], %add3A_1 : memref<20608xi32, #tpu.memory_space<vmem>>[vector<16xi32>], vector<16xi32>,
    tpu.vector_store_idx %arg10[%add3A_227], %iota3A : memref<20608xi32, #tpu.memory_space<vmem>>[vector<16xi32>], vector<16xi32>,
    %add3A_228 = arith.constant 96 : i32
    %add3A_229 = arith.addi %scan3A_202, %add3A_228 : i32
    %add3A_230 = vector.broadcast %add3A_229 : i32 to vector<16xi32>
    %add3A_231 = arith.addi %add3A_230, %iota3A : vector<16xi32>
    tpu.vector_store_idx %arg11[%add3A_231], %add3A_1 : memref<20608xi32, #tpu.memory_space<vmem>>[vector<16xi32>], vector<16xi32>,
    tpu.vector_store_idx %arg10[%add3A_231], %iota3A : memref<20608xi32, #tpu.memory_space<vmem>>[vector<16xi32>], vector<16xi32>,
    %add3A_232 = arith.constant 112 : i32
    %add3A_233 = arith.addi %scan3A_202, %add3A_232 : i32
    %add3A_234 = vector.broadcast %add3A_233 : i32 to vector<16xi32>
    %add3A_235 = arith.addi %add3A_234, %iota3A : vector<16xi32>
    tpu.vector_store_idx %arg11[%add3A_235], %add3A_1 : memref<20608xi32, #tpu.memory_space<vmem>>[vector<16xi32>], vector<16xi32>,
    tpu.vector_store_idx %arg10[%add3A_235], %iota3A : memref<20608xi32, #tpu.memory_space<vmem>>[vector<16xi32>], vector<16xi32>,
    %add3A_236 = arith.constant 128 : i32
    %add3A_237 = arith.addi %scan3A_202, %add3A_236 : i32
    %sub3A_238 = arith.constant 1 : i32
    %sub3A_239 = arith.subi %add3A_237, %sub3A_238 : i32
    %jit3A_240 = arith.constant 128 : i32
    %div3A_241 = arith.divsi %sub3A_239, %jit3A_240 : i32
    %sign3A_242 = arith.constant 0 : i32
    %sign3A_243 = arith.cmpi sgt, %sub3A_239, %sign3A_242 : i32
    %sign3A_244 = arith.extui %sign3A_243 : i1 to i32
    %sign3A_245 = arith.constant 0 : i32
    %sign3A_246 = arith.cmpi slt, %sub3A_239, %sign3A_245 : i32
    %sign3A_247 = arith.extui %sign3A_246 : i1 to i32
    %sign3A_248 = arith.subi %sign3A_244, %sign3A_247 : i32
    %sign3A_249 = arith.constant 0 : i32
    %sign3A_250 = arith.cmpi sgt, %jit3A_240, %sign3A_249 : i32
    %sign3A_251 = arith.extui %sign3A_250 : i1 to i32
    %sign3A_252 = arith.constant 0 : i32
    %sign3A_253 = arith.cmpi slt, %jit3A_240, %sign3A_252 : i32
    %sign3A_254 = arith.extui %sign3A_253 : i1 to i32
    %sign3A_255 = arith.subi %sign3A_251, %sign3A_254 : i32
    %ne3A_256 = arith.cmpi ne, %sign3A_248, %sign3A_255 : i32
    %rem3A_257 = arith.remsi %sub3A_239, %jit3A_240 : i32
    %ne3A_258 = arith.constant 0 : i32
    %ne3A_259 = arith.cmpi ne, %rem3A_257, %ne3A_258 : i32
    %and3A_260 = arith.andi %ne3A_256, %ne3A_259 : i1
    %sub3A_261 = arith.constant 1 : i32
    %sub3A_262 = arith.subi %div3A_241, %sub3A_261 : i32
    %select_n3A_263 = arith.select %and3A_260, %sub3A_262, %div3A_241 : i32
    %sub3A_264 = arith.constant 1 : i32
    %sub3A_265 = arith.subi %select_n3A_263, %sub3A_264 : i32
    %max3A_266 = arith.constant 0 : i32
    %max3A_267 = arith.maxsi %sub3A_265, %max3A_266 : i32
    %min3A_268 = arith.constant 0 : i32
    %min3A_269 = arith.minsi %min3A_268, %max3A_267 : i32
    %mul3A_270 = arith.constant 128 : i32
    %mul3A_271 = arith.muli %min3A_269, %mul3A_270 : i32
    %dma_start3A_272 = tpu.memref_slice %arg10[%mul3A_271] : memref<20608xi32, #tpu.memory_space<vmem>> -> memref<128xi32, #tpu.memory_space<vmem>>
    %dma_start3A_273 = arith.constant 0 : i32
    %dma_start3A_274 = arith.constant 0 : i32
    %dma_start3A_275 = tpu.memref_slice %arg2[%dma_start3A_273, %dma_start3A_274] : memref<10000x128xf32, #tpu.memory_space<hbm>> -> memref<10000x128xf32, #tpu.memory_space<hbm>>
    tpu.enqueue_indirect_dma source(%dma_start3A_275 : memref<10000x128xf32, #tpu.memory_space<hbm>>) target(%arg12 : memref<128x128xf32, #tpu.memory_space<vmem>>) offsets(%dma_start3A_272 : memref<128xi32, #tpu.memory_space<vmem>>) semaphore(%arg14 : memref<!tpu.dma_semaphore, #tpu.memory_space<semaphore_mem>>)
    %jit3A_276 = arith.constant 2 : i32
    %div3A_277 = arith.divsi %select_n3A_263, %jit3A_276 : i32
    %sign3A_278 = arith.constant 0 : i32
    %sign3A_279 = arith.cmpi sgt, %select_n3A_263, %sign3A_278 : i32
    %sign3A_280 = arith.extui %sign3A_279 : i1 to i32
    %sign3A_281 = arith.constant 0 : i32
    %sign3A_282 = arith.cmpi slt, %select_n3A_263, %sign3A_281 : i32
    %sign3A_283 = arith.extui %sign3A_282 : i1 to i32
    %sign3A_284 = arith.subi %sign3A_280, %sign3A_283 : i32
    %sign3A_285 = arith.constant 0 : i32
    %sign3A_286 = arith.cmpi sgt, %jit3A_276, %sign3A_285 : i32
    %sign3A_287 = arith.extui %sign3A_286 : i1 to i32
    %sign3A_288 = arith.constant 0 : i32
    %sign3A_289 = arith.cmpi slt, %jit3A_276, %sign3A_288 : i32
    %sign3A_290 = arith.extui %sign3A_289 : i1 to i32
    %sign3A_291 = arith.subi %sign3A_287, %sign3A_290 : i32
    %ne3A_292 = arith.cmpi ne, %sign3A_284, %sign3A_291 : i32
    %rem3A_293 = arith.remsi %select_n3A_263, %jit3A_276 : i32
    %ne3A_294 = arith.constant 0 : i32
    %ne3A_295 = arith.cmpi ne, %rem3A_293, %ne3A_294 : i32
    %and3A_296 = arith.andi %ne3A_292, %ne3A_295 : i1
    %sub3A_297 = arith.constant 1 : i32
    %sub3A_298 = arith.subi %div3A_277, %sub3A_297 : i32
    %select_n3A_299 = arith.select %and3A_296, %sub3A_298, %div3A_277 : i32
    %while3A_300 = arith.constant 0 : i32
    %while3A_301 = arith.constant 0 : i32
    %while3A_302 = arith.subi %select_n3A_299, %while3A_301 : i32
    %while3A_303 = arith.addi %while3A_301, %while3A_302 : i32
    %while3A_304 = arith.constant 1 : i32
    %while3A_305 = arith.divsi %while3A_302, %while3A_304 : i32
    %while3A_306 = arith.muli %while3A_305, %while3A_304 : i32
    %while3A_307 = arith.addi %while3A_301, %while3A_306 : i32
    %while3A_308 = arith.constant 1 : i32
    scf.for %while3A_373 = %while3A_301 to %while3A_307 step %while3A_308  : i32 {
      %mul3A_374 = arith.constant 2 : i32
      %mul3A_375 = arith.muli %while3A_373, %mul3A_374 : i32
      %dma_wait3A_376 = arith.constant 0 : i32
      %dma_wait3A_377 = tpu.memref_slice %arg10[%dma_wait3A_376] : memref<20608xi32, #tpu.memory_space<vmem>> -> memref<128xi32, #tpu.memory_space<vmem>>
      %dma_wait3A_378 = arith.constant 0 : i32
      %dma_wait3A_379 = arith.constant 0 : i32
      %dma_wait3A_380 = tpu.memref_slice %arg2[%dma_wait3A_378, %dma_wait3A_379] : memref<10000x128xf32, #tpu.memory_space<hbm>> -> memref<10000x128xf32, #tpu.memory_space<hbm>>
      tpu.wait_indirect_dma semaphore(%arg14 : memref<!tpu.dma_semaphore, #tpu.memory_space<semaphore_mem>>) src(%dma_wait3A_380 : memref<10000x128xf32, #tpu.memory_space<hbm>>) dst(%arg12 : memref<128x128xf32, #tpu.memory_space<vmem>>)
      %add3A_381 = arith.constant 1 : i32
      %add3A_382 = arith.addi %mul3A_375, %add3A_381 : i32
      %min3A_383 = arith.minsi %add3A_382, %max3A_267 : i32
      %mul3A_384 = arith.constant 128 : i32
      %mul3A_385 = arith.muli %min3A_383, %mul3A_384 : i32
      %dma_start3A_386 = tpu.memref_slice %arg10[%mul3A_385] : memref<20608xi32, #tpu.memory_space<vmem>> -> memref<128xi32, #tpu.memory_space<vmem>>
      %dma_start3A_387 = arith.constant 0 : i32
      %dma_start3A_388 = arith.constant 0 : i32
      %dma_start3A_389 = tpu.memref_slice %arg2[%dma_start3A_387, %dma_start3A_388] : memref<10000x128xf32, #tpu.memory_space<hbm>> -> memref<10000x128xf32, #tpu.memory_space<hbm>>
      tpu.enqueue_indirect_dma source(%dma_start3A_389 : memref<10000x128xf32, #tpu.memory_space<hbm>>) target(%arg13 : memref<128x128xf32, #tpu.memory_space<vmem>>) offsets(%dma_start3A_386 : memref<128xi32, #tpu.memory_space<vmem>>) semaphore(%arg15 : memref<!tpu.dma_semaphore, #tpu.memory_space<semaphore_mem>>)
      %mul3A_390 = arith.constant 128 : i32
      %mul3A_391 = arith.muli %mul3A_375, %mul3A_390 : i32
      "tpu.region"() ({
        %run_scoped3A = tpu.sem_alloc : memref<!tpu.dma_semaphore, #tpu.memory_space<semaphore_mem>>
        %dma_start3A_410 = tpu.memref_slice %arg11[%mul3A_391] : memref<20608xi32, #tpu.memory_space<vmem>> -> memref<128xi32, #tpu.memory_space<vmem>>
        %dma_start3A_411 = arith.constant 0 : i32
        %dma_start3A_412 = arith.constant 0 : i32
        %dma_start3A_413 = tpu.memref_slice %arg7[%dma_start3A_411, %dma_start3A_412] : memref<5120x128xf32, #tpu.memory_space<vmem_shared>> -> memref<5120x128xf32, #tpu.memory_space<vmem_shared>>
        tpu.enqueue_indirect_dma source(%arg12 : memref<128x128xf32, #tpu.memory_space<vmem>>) target(%dma_start3A_413 : memref<5120x128xf32, #tpu.memory_space<vmem_shared>>) offsets(%dma_start3A_410 : memref<128xi32, #tpu.memory_space<vmem>>) semaphore(%run_scoped3A : memref<!tpu.dma_semaphore, #tpu.memory_space<semaphore_mem>>) {add = true}
        %dma_wait3A_414 = tpu.memref_slice %arg11[%mul3A_391] : memref<20608xi32, #tpu.memory_space<vmem>> -> memref<128xi32, #tpu.memory_space<vmem>>
        %dma_wait3A_415 = arith.constant 0 : i32
        %dma_wait3A_416 = arith.constant 0 : i32
        %dma_wait3A_417 = tpu.memref_slice %arg7[%dma_wait3A_415, %dma_wait3A_416] : memref<5120x128xf32, #tpu.memory_space<vmem_shared>> -> memref<5120x128xf32, #tpu.memory_space<vmem_shared>>
        tpu.wait_indirect_dma semaphore(%run_scoped3A : memref<!tpu.dma_semaphore, #tpu.memory_space<semaphore_mem>>) src(%arg12 : memref<128x128xf32, #tpu.memory_space<vmem>>) dst(%dma_wait3A_417 : memref<5120x128xf32, #tpu.memory_space<vmem_shared>>)
        tpu.yield
      }) : () -> ()
      %dma_wait3A_392 = arith.constant 0 : i32
      %dma_wait3A_393 = tpu.memref_slice %arg10[%dma_wait3A_392] : memref<20608xi32, #tpu.memory_space<vmem>> -> memref<128xi32, #tpu.memory_space<vmem>>
      %dma_wait3A_394 = arith.constant 0 : i32
      %dma_wait3A_395 = arith.constant 0 : i32
      %dma_wait3A_396 = tpu.memref_slice %arg2[%dma_wait3A_394, %dma_wait3A_395] : memref<10000x128xf32, #tpu.memory_space<hbm>> -> memref<10000x128xf32, #tpu.memory_space<hbm>>
      tpu.wait_indirect_dma semaphore(%arg15 : memref<!tpu.dma_semaphore, #tpu.memory_space<semaphore_mem>>) src(%dma_wait3A_396 : memref<10000x128xf32, #tpu.memory_space<hbm>>) dst(%arg13 : memref<128x128xf32, #tpu.memory_space<vmem>>)
      %add3A_397 = arith.constant 2 : i32
      %add3A_398 = arith.addi %mul3A_375, %add3A_397 : i32
      %min3A_399 = arith.minsi %add3A_398, %max3A_267 : i32
      %mul3A_400 = arith.constant 128 : i32
      %mul3A_401 = arith.muli %min3A_399, %mul3A_400 : i32
      %dma_start3A_402 = tpu.memref_slice %arg10[%mul3A_401] : memref<20608xi32, #tpu.memory_space<vmem>> -> memref<128xi32, #tpu.memory_space<vmem>>
      %dma_start3A_403 = arith.constant 0 : i32
      %dma_start3A_404 = arith.constant 0 : i32
      %dma_start3A_405 = tpu.memref_slice %arg2[%dma_start3A_403, %dma_start3A_404] : memref<10000x128xf32, #tpu.memory_space<hbm>> -> memref<10000x128xf32, #tpu.memory_space<hbm>>
      tpu.enqueue_indirect_dma source(%dma_start3A_405 : memref<10000x128xf32, #tpu.memory_space<hbm>>) target(%arg12 : memref<128x128xf32, #tpu.memory_space<vmem>>) offsets(%dma_start3A_402 : memref<128xi32, #tpu.memory_space<vmem>>) semaphore(%arg14 : memref<!tpu.dma_semaphore, #tpu.memory_space<semaphore_mem>>)
      %add3A_406 = arith.constant 1 : i32
      %add3A_407 = arith.addi %mul3A_375, %add3A_406 : i32
      %mul3A_408 = arith.constant 128 : i32
      %mul3A_409 = arith.muli %add3A_407, %mul3A_408 : i32
      "tpu.region"() ({
        %run_scoped3A = tpu.sem_alloc : memref<!tpu.dma_semaphore, #tpu.memory_space<semaphore_mem>>
        %dma_start3A_410 = tpu.memref_slice %arg11[%mul3A_409] : memref<20608xi32, #tpu.memory_space<vmem>> -> memref<128xi32, #tpu.memory_space<vmem>>
        %dma_start3A_411 = arith.constant 0 : i32
        %dma_start3A_412 = arith.constant 0 : i32
        %dma_start3A_413 = tpu.memref_slice %arg7[%dma_start3A_411, %dma_start3A_412] : memref<5120x128xf32, #tpu.memory_space<vmem_shared>> -> memref<5120x128xf32, #tpu.memory_space<vmem_shared>>
        tpu.enqueue_indirect_dma source(%arg13 : memref<128x128xf32, #tpu.memory_space<vmem>>) target(%dma_start3A_413 : memref<5120x128xf32, #tpu.memory_space<vmem_shared>>) offsets(%dma_start3A_410 : memref<128xi32, #tpu.memory_space<vmem>>) semaphore(%run_scoped3A : memref<!tpu.dma_semaphore, #tpu.memory_space<semaphore_mem>>) {add = true}
        %dma_wait3A_414 = tpu.memref_slice %arg11[%mul3A_409] : memref<20608xi32, #tpu.memory_space<vmem>> -> memref<128xi32, #tpu.memory_space<vmem>>
        %dma_wait3A_415 = arith.constant 0 : i32
        %dma_wait3A_416 = arith.constant 0 : i32
        %dma_wait3A_417 = tpu.memref_slice %arg7[%dma_wait3A_415, %dma_wait3A_416] : memref<5120x128xf32, #tpu.memory_space<vmem_shared>> -> memref<5120x128xf32, #tpu.memory_space<vmem_shared>>
        tpu.wait_indirect_dma semaphore(%run_scoped3A : memref<!tpu.dma_semaphore, #tpu.memory_space<semaphore_mem>>) src(%arg13 : memref<128x128xf32, #tpu.memory_space<vmem>>) dst(%dma_wait3A_417 : memref<5120x128xf32, #tpu.memory_space<vmem_shared>>)
        tpu.yield
      }) : () -> ()
    }
    %while3A_309 = arith.constant 1 : i32
    scf.for %while3A_373 = %while3A_307 to %while3A_303 step %while3A_309  : i32 {
      %mul3A_374 = arith.constant 2 : i32
      %mul3A_375 = arith.muli %while3A_373, %mul3A_374 : i32
      %dma_wait3A_376 = arith.constant 0 : i32
      %dma_wait3A_377 = tpu.memref_slice %arg10[%dma_wait3A_376] : memref<20608xi32, #tpu.memory_space<vmem>> -> memref<128xi32, #tpu.memory_space<vmem>>
      %dma_wait3A_378 = arith.constant 0 : i32
      %dma_wait3A_379 = arith.constant 0 : i32
      %dma_wait3A_380 = tpu.memref_slice %arg2[%dma_wait3A_378, %dma_wait3A_379] : memref<10000x128xf32, #tpu.memory_space<hbm>> -> memref<10000x128xf32, #tpu.memory_space<hbm>>
      tpu.wait_indirect_dma semaphore(%arg14 : memref<!tpu.dma_semaphore, #tpu.memory_space<semaphore_mem>>) src(%dma_wait3A_380 : memref<10000x128xf32, #tpu.memory_space<hbm>>) dst(%arg12 : memref<128x128xf32, #tpu.memory_space<vmem>>)
      %add3A_381 = arith.constant 1 : i32
      %add3A_382 = arith.addi %mul3A_375, %add3A_381 : i32
      %min3A_383 = arith.minsi %add3A_382, %max3A_267 : i32
      %mul3A_384 = arith.constant 128 : i32
      %mul3A_385 = arith.muli %min3A_383, %mul3A_384 : i32
      %dma_start3A_386 = tpu.memref_slice %arg10[%mul3A_385] : memref<20608xi32, #tpu.memory_space<vmem>> -> memref<128xi32, #tpu.memory_space<vmem>>
      %dma_start3A_387 = arith.constant 0 : i32
      %dma_start3A_388 = arith.constant 0 : i32
      %dma_start3A_389 = tpu.memref_slice %arg2[%dma_start3A_387, %dma_start3A_388] : memref<10000x128xf32, #tpu.memory_space<hbm>> -> memref<10000x128xf32, #tpu.memory_space<hbm>>
      tpu.enqueue_indirect_dma source(%dma_start3A_389 : memref<10000x128xf32, #tpu.memory_space<hbm>>) target(%arg13 : memref<128x128xf32, #tpu.memory_space<vmem>>) offsets(%dma_start3A_386 : memref<128xi32, #tpu.memory_space<vmem>>) semaphore(%arg15 : memref<!tpu.dma_semaphore, #tpu.memory_space<semaphore_mem>>)
      %mul3A_390 = arith.constant 128 : i32
      %mul3A_391 = arith.muli %mul3A_375, %mul3A_390 : i32
      "tpu.region"() ({
        %run_scoped3A = tpu.sem_alloc : memref<!tpu.dma_semaphore, #tpu.memory_space<semaphore_mem>>
        %dma_start3A_410 = tpu.memref_slice %arg11[%mul3A_391] : memref<20608xi32, #tpu.memory_space<vmem>> -> memref<128xi32, #tpu.memory_space<vmem>>
        %dma_start3A_411 = arith.constant 0 : i32
        %dma_start3A_412 = arith.constant 0 : i32
        %dma_start3A_413 = tpu.memref_slice %arg7[%dma_start3A_411, %dma_start3A_412] : memref<5120x128xf32, #tpu.memory_space<vmem_shared>> -> memref<5120x128xf32, #tpu.memory_space<vmem_shared>>
        tpu.enqueue_indirect_dma source(%arg12 : memref<128x128xf32, #tpu.memory_space<vmem>>) target(%dma_start3A_413 : memref<5120x128xf32, #tpu.memory_space<vmem_shared>>) offsets(%dma_start3A_410 : memref<128xi32, #tpu.memory_space<vmem>>) semaphore(%run_scoped3A : memref<!tpu.dma_semaphore, #tpu.memory_space<semaphore_mem>>) {add = true}
        %dma_wait3A_414 = tpu.memref_slice %arg11[%mul3A_391] : memref<20608xi32, #tpu.memory_space<vmem>> -> memref<128xi32, #tpu.memory_space<vmem>>
        %dma_wait3A_415 = arith.constant 0 : i32
        %dma_wait3A_416 = arith.constant 0 : i32
        %dma_wait3A_417 = tpu.memref_slice %arg7[%dma_wait3A_415, %dma_wait3A_416] : memref<5120x128xf32, #tpu.memory_space<vmem_shared>> -> memref<5120x128xf32, #tpu.memory_space<vmem_shared>>
        tpu.wait_indirect_dma semaphore(%run_scoped3A : memref<!tpu.dma_semaphore, #tpu.memory_space<semaphore_mem>>) src(%arg12 : memref<128x128xf32, #tpu.memory_space<vmem>>) dst(%dma_wait3A_417 : memref<5120x128xf32, #tpu.memory_space<vmem_shared>>)
        tpu.yield
      }) : () -> ()
      %dma_wait3A_392 = arith.constant 0 : i32
      %dma_wait3A_393 = tpu.memref_slice %arg10[%dma_wait3A_392] : memref<20608xi32, #tpu.memory_space<vmem>> -> memref<128xi32, #tpu.memory_space<vmem>>
      %dma_wait3A_394 = arith.constant 0 : i32
      %dma_wait3A_395 = arith.constant 0 : i32
      %dma_wait3A_396 = tpu.memref_slice %arg2[%dma_wait3A_394, %dma_wait3A_395] : memref<10000x128xf32, #tpu.memory_space<hbm>> -> memref<10000x128xf32, #tpu.memory_space<hbm>>
      tpu.wait_indirect_dma semaphore(%arg15 : memref<!tpu.dma_semaphore, #tpu.memory_space<semaphore_mem>>) src(%dma_wait3A_396 : memref<10000x128xf32, #tpu.memory_space<hbm>>) dst(%arg13 : memref<128x128xf32, #tpu.memory_space<vmem>>)
      %add3A_397 = arith.constant 2 : i32
      %add3A_398 = arith.addi %mul3A_375, %add3A_397 : i32
      %min3A_399 = arith.minsi %add3A_398, %max3A_267 : i32
      %mul3A_400 = arith.constant 128 : i32
      %mul3A_401 = arith.muli %min3A_399, %mul3A_400 : i32
      %dma_start3A_402 = tpu.memref_slice %arg10[%mul3A_401] : memref<20608xi32, #tpu.memory_space<vmem>> -> memref<128xi32, #tpu.memory_space<vmem>>
      %dma_start3A_403 = arith.constant 0 : i32
      %dma_start3A_404 = arith.constant 0 : i32
      %dma_start3A_405 = tpu.memref_slice %arg2[%dma_start3A_403, %dma_start3A_404] : memref<10000x128xf32, #tpu.memory_space<hbm>> -> memref<10000x128xf32, #tpu.memory_space<hbm>>
      tpu.enqueue_indirect_dma source(%dma_start3A_405 : memref<10000x128xf32, #tpu.memory_space<hbm>>) target(%arg12 : memref<128x128xf32, #tpu.memory_space<vmem>>) offsets(%dma_start3A_402 : memref<128xi32, #tpu.memory_space<vmem>>) semaphore(%arg14 : memref<!tpu.dma_semaphore, #tpu.memory_space<semaphore_mem>>)
      %add3A_406 = arith.constant 1 : i32
      %add3A_407 = arith.addi %mul3A_375, %add3A_406 : i32
      %mul3A_408 = arith.constant 128 : i32
      %mul3A_409 = arith.muli %add3A_407, %mul3A_408 : i32
      "tpu.region"() ({
        %run_scoped3A = tpu.sem_alloc : memref<!tpu.dma_semaphore, #tpu.memory_space<semaphore_mem>>
        %dma_start3A_410 = tpu.memref_slice %arg11[%mul3A_409] : memref<20608xi32, #tpu.memory_space<vmem>> -> memref<128xi32, #tpu.memory_space<vmem>>
        %dma_start3A_411 = arith.constant 0 : i32
        %dma_start3A_412 = arith.constant 0 : i32
        %dma_start3A_413 = tpu.memref_slice %arg7[%dma_start3A_411, %dma_start3A_412] : memref<5120x128xf32, #tpu.memory_space<vmem_shared>> -> memref<5120x128xf32, #tpu.memory_space<vmem_shared>>
        tpu.enqueue_indirect_dma source(%arg13 : memref<128x128xf32, #tpu.memory_space<vmem>>) target(%dma_start3A_413 : memref<5120x128xf32, #tpu.memory_space<vmem_shared>>) offsets(%dma_start3A_410 : memref<128xi32, #tpu.memory_space<vmem>>) semaphore(%run_scoped3A : memref<!tpu.dma_semaphore, #tpu.memory_space<semaphore_mem>>) {add = true}
        %dma_wait3A_414 = tpu.memref_slice %arg11[%mul3A_409] : memref<20608xi32, #tpu.memory_space<vmem>> -> memref<128xi32, #tpu.memory_space<vmem>>
        %dma_wait3A_415 = arith.constant 0 : i32
        %dma_wait3A_416 = arith.constant 0 : i32
        %dma_wait3A_417 = tpu.memref_slice %arg7[%dma_wait3A_415, %dma_wait3A_416] : memref<5120x128xf32, #tpu.memory_space<vmem_shared>> -> memref<5120x128xf32, #tpu.memory_space<vmem_shared>>
        tpu.wait_indirect_dma semaphore(%run_scoped3A : memref<!tpu.dma_semaphore, #tpu.memory_space<semaphore_mem>>) src(%arg13 : memref<128x128xf32, #tpu.memory_space<vmem>>) dst(%dma_wait3A_417 : memref<5120x128xf32, #tpu.memory_space<vmem_shared>>)
        tpu.yield
      }) : () -> ()
    }
    %dma_wait3A_310 = arith.constant 0 : i32
    %dma_wait3A_311 = tpu.memref_slice %arg10[%dma_wait3A_310] : memref<20608xi32, #tpu.memory_space<vmem>> -> memref<128xi32, #tpu.memory_space<vmem>>
    %dma_wait3A_312 = arith.constant 0 : i32
    %dma_wait3A_313 = arith.constant 0 : i32
    %dma_wait3A_314 = tpu.memref_slice %arg2[%dma_wait3A_312, %dma_wait3A_313] : memref<10000x128xf32, #tpu.memory_space<hbm>> -> memref<10000x128xf32, #tpu.memory_space<hbm>>
    tpu.wait_indirect_dma semaphore(%arg14 : memref<!tpu.dma_semaphore, #tpu.memory_space<semaphore_mem>>) src(%dma_wait3A_314 : memref<10000x128xf32, #tpu.memory_space<hbm>>) dst(%arg12 : memref<128x128xf32, #tpu.memory_space<vmem>>)
    %jit3A_315 = arith.constant 2 : i32
    %eq3A_316 = arith.constant 0 : i32
    %eq3A_317 = arith.cmpi eq, %jit3A_315, %eq3A_316 : i32
    %jit3A_318 = arith.constant 1 : i32
    %select_n3A_319 = arith.select %eq3A_317, %jit3A_318, %jit3A_315 : i32
    %rem3A_320 = arith.remsi %select_n3A_263, %select_n3A_319 : i32
    %ne3A_321 = arith.constant 0 : i32
    %ne3A_322 = arith.cmpi ne, %rem3A_320, %ne3A_321 : i32
    %lt3A_323 = arith.constant 0 : i32
    %lt3A_324 = arith.cmpi slt, %rem3A_320, %lt3A_323 : i32
    %lt3A_325 = arith.constant 0 : i32
    %lt3A_326 = arith.cmpi slt, %select_n3A_319, %lt3A_325 : i32
    %ne3A_327 = arith.xori %lt3A_324, %lt3A_326 : i1
    %and3A_328 = arith.andi %ne3A_327, %ne3A_322 : i1
    %add3A_329 = arith.addi %rem3A_320, %select_n3A_319 : i32
    %select_n3A_330 = arith.select %and3A_328, %add3A_329, %rem3A_320 : i32
    %eq3A_331 = arith.constant 1 : i32
    %eq3A_332 = arith.cmpi eq, %select_n3A_330, %eq3A_331 : i32
    %convert_element_type3A_333 = arith.extui %eq3A_332 : i1 to i32
    %cond3A_334 = arith.constant 0 : i32
    %cond3A_335 = arith.cmpi ne, %convert_element_type3A_333, %cond3A_334 : i32
    scf.if %cond3A_335 {
      %sub3A_373 = arith.constant 1 : i32
      %sub3A_374 = arith.subi %select_n3A_263, %sub3A_373 : i32
      %mul3A_375 = arith.constant 128 : i32
      %mul3A_376 = arith.muli %sub3A_374, %mul3A_375 : i32
      "tpu.region"() ({
        %run_scoped3A = tpu.sem_alloc : memref<!tpu.dma_semaphore, #tpu.memory_space<semaphore_mem>>
        %dma_start3A_377 = tpu.memref_slice %arg11[%mul3A_376] : memref<20608xi32, #tpu.memory_space<vmem>> -> memref<128xi32, #tpu.memory_space<vmem>>
        %dma_start3A_378 = arith.constant 0 : i32
        %dma_start3A_379 = arith.constant 0 : i32
        %dma_start3A_380 = tpu.memref_slice %arg7[%dma_start3A_378, %dma_start3A_379] : memref<5120x128xf32, #tpu.memory_space<vmem_shared>> -> memref<5120x128xf32, #tpu.memory_space<vmem_shared>>
        tpu.enqueue_indirect_dma source(%arg12 : memref<128x128xf32, #tpu.memory_space<vmem>>) target(%dma_start3A_380 : memref<5120x128xf32, #tpu.memory_space<vmem_shared>>) offsets(%dma_start3A_377 : memref<128xi32, #tpu.memory_space<vmem>>) semaphore(%run_scoped3A : memref<!tpu.dma_semaphore, #tpu.memory_space<semaphore_mem>>) {add = true}
        %dma_wait3A_381 = tpu.memref_slice %arg11[%mul3A_376] : memref<20608xi32, #tpu.memory_space<vmem>> -> memref<128xi32, #tpu.memory_space<vmem>>
        %dma_wait3A_382 = arith.constant 0 : i32
        %dma_wait3A_383 = arith.constant 0 : i32
        %dma_wait3A_384 = tpu.memref_slice %arg7[%dma_wait3A_382, %dma_wait3A_383] : memref<5120x128xf32, #tpu.memory_space<vmem_shared>> -> memref<5120x128xf32, #tpu.memory_space<vmem_shared>>
        tpu.wait_indirect_dma semaphore(%run_scoped3A : memref<!tpu.dma_semaphore, #tpu.memory_space<semaphore_mem>>) src(%arg12 : memref<128x128xf32, #tpu.memory_space<vmem>>) dst(%dma_wait3A_384 : memref<5120x128xf32, #tpu.memory_space<vmem_shared>>)
        tpu.yield
      }) : () -> ()
    } else {
    }
    %barrier3A_336 = arith.constant 0 : index
    tpu.barrier barrier_id(%barrier3A_336)
    %mul3A_337 = arith.constant 320 : i32
    %mul3A_338 = arith.muli %arg1, %mul3A_337 : i32
    %add3A_339 = arith.constant 0 : i32
    %add3A_340 = arith.addi %mul3A_338, %add3A_339 : i32
    "tpu.region"() ({
      %run_scoped3A = tpu.sem_alloc : memref<!tpu.dma_semaphore, #tpu.memory_space<semaphore_mem>>
      %dma_start3A_373 = arith.constant 0 : i32
      %dma_start3A_374 = arith.constant 0 : i32
      %dma_start3A_375 = tpu.memref_slice %arg13[%dma_start3A_373, %dma_start3A_374] : memref<128x128xf32, #tpu.memory_space<vmem>> -> memref<128x128xf32, #tpu.memory_space<vmem>>
      %dma_start3A_376 = arith.constant 0 : i32
      %dma_start3A_377 = tpu.memref_slice %arg7[%add3A_340, %dma_start3A_376] : memref<5120x128xf32, #tpu.memory_space<vmem_shared>> -> memref<128x128xf32, #tpu.memory_space<vmem_shared>>
      %dma_start3A_378 = arith.constant 0 : i32
      %dma_start3A_379 = arith.constant 0 : i32
      %dma_start3A_380 = tpu.memref_slice %arg13[%dma_start3A_378, %dma_start3A_379] : memref<128x128xf32, #tpu.memory_space<vmem>> -> memref<128x128xf32, #tpu.memory_space<vmem>>
      %dma_start3A_381 = arith.constant 0 : i32
      %dma_start3A_382 = tpu.memref_slice %arg7[%add3A_340, %dma_start3A_381] : memref<5120x128xf32, #tpu.memory_space<vmem_shared>> -> memref<128x128xf32, #tpu.memory_space<vmem_shared>>
      tpu.enqueue_dma source(%dma_start3A_382 : memref<128x128xf32, #tpu.memory_space<vmem_shared>>) target(%dma_start3A_380 : memref<128x128xf32, #tpu.memory_space<vmem>>) target_semaphore(%run_scoped3A : memref<!tpu.dma_semaphore, #tpu.memory_space<semaphore_mem>>)
      %dma_wait3A_383 = arith.constant 0 : i32
      %dma_wait3A_384 = arith.constant 0 : i32
      %dma_wait3A_385 = tpu.memref_slice %arg13[%dma_wait3A_383, %dma_wait3A_384] : memref<128x128xf32, #tpu.memory_space<vmem>> -> memref<128x128xf32, #tpu.memory_space<vmem>>
      %dma_wait3A_386 = arith.constant 0 : i32
      %dma_wait3A_387 = tpu.memref_slice %arg7[%add3A_340, %dma_wait3A_386] : memref<5120x128xf32, #tpu.memory_space<vmem_shared>> -> memref<128x128xf32, #tpu.memory_space<vmem_shared>>
      %dma_wait3A_388 = arith.constant 0 : i32
      %dma_wait3A_389 = arith.constant 0 : i32
      %dma_wait3A_390 = tpu.memref_slice %arg13[%dma_wait3A_388, %dma_wait3A_389] : memref<128x128xf32, #tpu.memory_space<vmem>> -> memref<128x128xf32, #tpu.memory_space<vmem>>
      %dma_wait3A_391 = arith.constant 0 : i32
      %dma_wait3A_392 = tpu.memref_slice %arg7[%add3A_340, %dma_wait3A_391] : memref<5120x128xf32, #tpu.memory_space<vmem_shared>> -> memref<128x128xf32, #tpu.memory_space<vmem_shared>>
      tpu.wait_dma2 semaphore(%run_scoped3A : memref<!tpu.dma_semaphore, #tpu.memory_space<semaphore_mem>>) src(%dma_wait3A_392 : memref<128x128xf32, #tpu.memory_space<vmem_shared>>) dst(%dma_wait3A_390 : memref<128x128xf32, #tpu.memory_space<vmem>>)
      tpu.yield
    }) : () -> ()
    %mul3A_341 = arith.constant 2 : i32
    %mul3A_342 = arith.muli %arg0, %mul3A_341 : i32
    %add3A_343 = arith.constant 1 : i32
    %add3A_344 = arith.addi %mul3A_342, %add3A_343 : i32
    %mul3A_345 = arith.constant 320 : i32
    %mul3A_346 = arith.muli %arg1, %mul3A_345 : i32
    %add3A_347 = arith.constant 0 : i32
    %add3A_348 = arith.addi %mul3A_346, %add3A_347 : i32
    "tpu.region"() ({
      %run_scoped3A = tpu.sem_alloc : memref<!tpu.dma_semaphore, #tpu.memory_space<semaphore_mem>>
      %dma_start3A_373 = arith.constant 0 : i32
      %dma_start3A_374 = arith.constant 0 : i32
      %dma_start3A_375 = tpu.memref_slice %arg13[%dma_start3A_373, %dma_start3A_374] : memref<128x128xf32, #tpu.memory_space<vmem>> -> memref<128x128xf32, #tpu.memory_space<vmem>>
      %dma_start3A_376 = arith.constant 0 : i32
      %dma_start3A_377 = tpu.memref_slice %arg6[%add3A_344, %add3A_348, %dma_start3A_376] : memref<4x5120x128xf32, #tpu.memory_space<hbm>> -> memref<1x128x128xf32, #tpu.memory_space<hbm>>
      %dma_start3A_378 = tpu.memref_squeeze %dma_start3A_377 : memref<1x128x128xf32, #tpu.memory_space<hbm>> -> memref<128x128xf32, #tpu.memory_space<hbm>>
      %dma_start3A_379 = arith.constant 0 : i32
      %dma_start3A_380 = tpu.memref_slice %arg6[%add3A_344, %add3A_348, %dma_start3A_379] : memref<4x5120x128xf32, #tpu.memory_space<hbm>> -> memref<1x128x128xf32, #tpu.memory_space<hbm>>
      %dma_start3A_381 = tpu.memref_squeeze %dma_start3A_380 : memref<1x128x128xf32, #tpu.memory_space<hbm>> -> memref<128x128xf32, #tpu.memory_space<hbm>>
      %dma_start3A_382 = arith.constant 0 : i32
      %dma_start3A_383 = arith.constant 0 : i32
      %dma_start3A_384 = tpu.memref_slice %arg13[%dma_start3A_382, %dma_start3A_383] : memref<128x128xf32, #tpu.memory_space<vmem>> -> memref<128x128xf32, #tpu.memory_space<vmem>>
      tpu.enqueue_dma source(%dma_start3A_384 : memref<128x128xf32, #tpu.memory_space<vmem>>) target(%dma_start3A_381 : memref<128x128xf32, #tpu.memory_space<hbm>>) target_semaphore(%run_scoped3A : memref<!tpu.dma_semaphore, #tpu.memory_space<semaphore_mem>>)
      %dma_wait3A_385 = arith.constant 0 : i32
      %dma_wait3A_386 = arith.constant 0 : i32
      %dma_wait3A_387 = tpu.memref_slice %arg13[%dma_wait3A_385, %dma_wait3A_386] : memref<128x128xf32, #tpu.memory_space<vmem>> -> memref<128x128xf32, #tpu.memory_space<vmem>>
      %dma_wait3A_388 = arith.constant 0 : i32
      %dma_wait3A_389 = tpu.memref_slice %arg6[%add3A_344, %add3A_348, %dma_wait3A_388] : memref<4x5120x128xf32, #tpu.memory_space<hbm>> -> memref<1x128x128xf32, #tpu.memory_space<hbm>>
      %dma_wait3A_390 = tpu.memref_squeeze %dma_wait3A_389 : memref<1x128x128xf32, #tpu.memory_space<hbm>> -> memref<128x128xf32, #tpu.memory_space<hbm>>
      %dma_wait3A_391 = arith.constant 0 : i32
      %dma_wait3A_392 = tpu.memref_slice %arg6[%add3A_344, %add3A_348, %dma_wait3A_391] : memref<4x5120x128xf32, #tpu.memory_space<hbm>> -> memref<1x128x128xf32, #tpu.memory_space<hbm>>
      %dma_wait3A_393 = tpu.memref_squeeze %dma_wait3A_392 : memref<1x128x128xf32, #tpu.memory_space<hbm>> -> memref<128x128xf32, #tpu.memory_space<hbm>>
      %dma_wait3A_394 = arith.constant 0 : i32
      %dma_wait3A_395 = arith.constant 0 : i32
      %dma_wait3A_396 = tpu.memref_slice %arg13[%dma_wait3A_394, %dma_wait3A_395] : memref<128x128xf32, #tpu.memory_space<vmem>> -> memref<128x128xf32, #tpu.memory_space<vmem>>
      tpu.wait_dma2 semaphore(%run_scoped3A : memref<!tpu.dma_semaphore, #tpu.memory_space<semaphore_mem>>) src(%dma_wait3A_396 : memref<128x128xf32, #tpu.memory_space<vmem>>) dst(%dma_wait3A_393 : memref<128x128xf32, #tpu.memory_space<hbm>>)
      tpu.yield
    }) : () -> ()
    %mul3A_349 = arith.constant 320 : i32
    %mul3A_350 = arith.muli %arg1, %mul3A_349 : i32
    %add3A_351 = arith.constant 128 : i32
    %add3A_352 = arith.addi %mul3A_350, %add3A_351 : i32
    "tpu.region"() ({
      %run_scoped3A = tpu.sem_alloc : memref<!tpu.dma_semaphore, #tpu.memory_space<semaphore_mem>>
      %dma_start3A_373 = arith.constant 0 : i32
      %dma_start3A_374 = arith.constant 0 : i32
      %dma_start3A_375 = tpu.memref_slice %arg13[%dma_start3A_373, %dma_start3A_374] : memref<128x128xf32, #tpu.memory_space<vmem>> -> memref<128x128xf32, #tpu.memory_space<vmem>>
      %dma_start3A_376 = arith.constant 0 : i32
      %dma_start3A_377 = tpu.memref_slice %arg7[%add3A_352, %dma_start3A_376] : memref<5120x128xf32, #tpu.memory_space<vmem_shared>> -> memref<128x128xf32, #tpu.memory_space<vmem_shared>>
      %dma_start3A_378 = arith.constant 0 : i32
      %dma_start3A_379 = arith.constant 0 : i32
      %dma_start3A_380 = tpu.memref_slice %arg13[%dma_start3A_378, %dma_start3A_379] : memref<128x128xf32, #tpu.memory_space<vmem>> -> memref<128x128xf32, #tpu.memory_space<vmem>>
      %dma_start3A_381 = arith.constant 0 : i32
      %dma_start3A_382 = tpu.memref_slice %arg7[%add3A_352, %dma_start3A_381] : memref<5120x128xf32, #tpu.memory_space<vmem_shared>> -> memref<128x128xf32, #tpu.memory_space<vmem_shared>>
      tpu.enqueue_dma source(%dma_start3A_382 : memref<128x128xf32, #tpu.memory_space<vmem_shared>>) target(%dma_start3A_380 : memref<128x128xf32, #tpu.memory_space<vmem>>) target_semaphore(%run_scoped3A : memref<!tpu.dma_semaphore, #tpu.memory_space<semaphore_mem>>)
      %dma_wait3A_383 = arith.constant 0 : i32
      %dma_wait3A_384 = arith.constant 0 : i32
      %dma_wait3A_385 = tpu.memref_slice %arg13[%dma_wait3A_383, %dma_wait3A_384] : memref<128x128xf32, #tpu.memory_space<vmem>> -> memref<128x128xf32, #tpu.memory_space<vmem>>
      %dma_wait3A_386 = arith.constant 0 : i32
      %dma_wait3A_387 = tpu.memref_slice %arg7[%add3A_352, %dma_wait3A_386] : memref<5120x128xf32, #tpu.memory_space<vmem_shared>> -> memref<128x128xf32, #tpu.memory_space<vmem_shared>>
      %dma_wait3A_388 = arith.constant 0 : i32
      %dma_wait3A_389 = arith.constant 0 : i32
      %dma_wait3A_390 = tpu.memref_slice %arg13[%dma_wait3A_388, %dma_wait3A_389] : memref<128x128xf32, #tpu.memory_space<vmem>> -> memref<128x128xf32, #tpu.memory_space<vmem>>
      %dma_wait3A_391 = arith.constant 0 : i32
      %dma_wait3A_392 = tpu.memref_slice %arg7[%add3A_352, %dma_wait3A_391] : memref<5120x128xf32, #tpu.memory_space<vmem_shared>> -> memref<128x128xf32, #tpu.memory_space<vmem_shared>>
      tpu.wait_dma2 semaphore(%run_scoped3A : memref<!tpu.dma_semaphore, #tpu.memory_space<semaphore_mem>>) src(%dma_wait3A_392 : memref<128x128xf32, #tpu.memory_space<vmem_shared>>) dst(%dma_wait3A_390 : memref<128x128xf32, #tpu.memory_space<vmem>>)
      tpu.yield
    }) : () -> ()
    %mul3A_353 = arith.constant 2 : i32
    %mul3A_354 = arith.muli %arg0, %mul3A_353 : i32
    %add3A_355 = arith.constant 1 : i32
    %add3A_356 = arith.addi %mul3A_354, %add3A_355 : i32
    %mul3A_357 = arith.constant 320 : i32
    %mul3A_358 = arith.muli %arg1, %mul3A_357 : i32
    %add3A_359 = arith.constant 128 : i32
    %add3A_360 = arith.addi %mul3A_358, %add3A_359 : i32
    "tpu.region"() ({
      %run_scoped3A = tpu.sem_alloc : memref<!tpu.dma_semaphore, #tpu.memory_space<semaphore_mem>>
      %dma_start3A_373 = arith.constant 0 : i32
      %dma_start3A_374 = arith.constant 0 : i32
      %dma_start3A_375 = tpu.memref_slice %arg13[%dma_start3A_373, %dma_start3A_374] : memref<128x128xf32, #tpu.memory_space<vmem>> -> memref<128x128xf32, #tpu.memory_space<vmem>>
      %dma_start3A_376 = arith.constant 0 : i32
      %dma_start3A_377 = tpu.memref_slice %arg6[%add3A_356, %add3A_360, %dma_start3A_376] : memref<4x5120x128xf32, #tpu.memory_space<hbm>> -> memref<1x128x128xf32, #tpu.memory_space<hbm>>
      %dma_start3A_378 = tpu.memref_squeeze %dma_start3A_377 : memref<1x128x128xf32, #tpu.memory_space<hbm>> -> memref<128x128xf32, #tpu.memory_space<hbm>>
      %dma_start3A_379 = arith.constant 0 : i32
      %dma_start3A_380 = tpu.memref_slice %arg6[%add3A_356, %add3A_360, %dma_start3A_379] : memref<4x5120x128xf32, #tpu.memory_space<hbm>> -> memref<1x128x128xf32, #tpu.memory_space<hbm>>
      %dma_start3A_381 = tpu.memref_squeeze %dma_start3A_380 : memref<1x128x128xf32, #tpu.memory_space<hbm>> -> memref<128x128xf32, #tpu.memory_space<hbm>>
      %dma_start3A_382 = arith.constant 0 : i32
      %dma_start3A_383 = arith.constant 0 : i32
      %dma_start3A_384 = tpu.memref_slice %arg13[%dma_start3A_382, %dma_start3A_383] : memref<128x128xf32, #tpu.memory_space<vmem>> -> memref<128x128xf32, #tpu.memory_space<vmem>>
      tpu.enqueue_dma source(%dma_start3A_384 : memref<128x128xf32, #tpu.memory_space<vmem>>) target(%dma_start3A_381 : memref<128x128xf32, #tpu.memory_space<hbm>>) target_semaphore(%run_scoped3A : memref<!tpu.dma_semaphore, #tpu.memory_space<semaphore_mem>>)
      %dma_wait3A_385 = arith.constant 0 : i32
      %dma_wait3A_386 = arith.constant 0 : i32
      %dma_wait3A_387 = tpu.memref_slice %arg13[%dma_wait3A_385, %dma_wait3A_386] : memref<128x128xf32, #tpu.memory_space<vmem>> -> memref<128x128xf32, #tpu.memory_space<vmem>>
      %dma_wait3A_388 = arith.constant 0 : i32
      %dma_wait3A_389 = tpu.memref_slice %arg6[%add3A_356, %add3A_360, %dma_wait3A_388] : memref<4x5120x128xf32, #tpu.memory_space<hbm>> -> memref<1x128x128xf32, #tpu.memory_space<hbm>>
      %dma_wait3A_390 = tpu.memref_squeeze %dma_wait3A_389 : memref<1x128x128xf32, #tpu.memory_space<hbm>> -> memref<128x128xf32, #tpu.memory_space<hbm>>
      %dma_wait3A_391 = arith.constant 0 : i32
      %dma_wait3A_392 = tpu.memref_slice %arg6[%add3A_356, %add3A_360, %dma_wait3A_391] : memref<4x5120x128xf32, #tpu.memory_space<hbm>> -> memref<1x128x128xf32, #tpu.memory_space<hbm>>
      %dma_wait3A_393 = tpu.memref_squeeze %dma_wait3A_392 : memref<1x128x128xf32, #tpu.memory_space<hbm>> -> memref<128x128xf32, #tpu.memory_space<hbm>>
      %dma_wait3A_394 = arith.constant 0 : i32
      %dma_wait3A_395 = arith.constant 0 : i32
      %dma_wait3A_396 = tpu.memref_slice %arg13[%dma_wait3A_394, %dma_wait3A_395] : memref<128x128xf32, #tpu.memory_space<vmem>> -> memref<128x128xf32, #tpu.memory_space<vmem>>
      tpu.wait_dma2 semaphore(%run_scoped3A : memref<!tpu.dma_semaphore, #tpu.memory_space<semaphore_mem>>) src(%dma_wait3A_396 : memref<128x128xf32, #tpu.memory_space<vmem>>) dst(%dma_wait3A_393 : memref<128x128xf32, #tpu.memory_space<hbm>>)
      tpu.yield
    }) : () -> ()
    %mul3A_361 = arith.constant 320 : i32
    %mul3A_362 = arith.muli %arg1, %mul3A_361 : i32
    %add3A_363 = arith.constant 256 : i32
    %add3A_364 = arith.addi %mul3A_362, %add3A_363 : i32
    "tpu.region"() ({
      %run_scoped3A = tpu.sem_alloc : memref<!tpu.dma_semaphore, #tpu.memory_space<semaphore_mem>>
      %dma_start3A_373 = arith.constant 0 : i32
      %dma_start3A_374 = arith.constant 0 : i32
      %dma_start3A_375 = tpu.memref_slice %arg13[%dma_start3A_373, %dma_start3A_374] : memref<128x128xf32, #tpu.memory_space<vmem>> -> memref<64x128xf32, #tpu.memory_space<vmem>>
      %dma_start3A_376 = arith.constant 0 : i32
      %dma_start3A_377 = tpu.memref_slice %arg7[%add3A_364, %dma_start3A_376] : memref<5120x128xf32, #tpu.memory_space<vmem_shared>> -> memref<64x128xf32, #tpu.memory_space<vmem_shared>>
      %dma_start3A_378 = arith.constant 0 : i32
      %dma_start3A_379 = arith.constant 0 : i32
      %dma_start3A_380 = tpu.memref_slice %arg13[%dma_start3A_378, %dma_start3A_379] : memref<128x128xf32, #tpu.memory_space<vmem>> -> memref<64x128xf32, #tpu.memory_space<vmem>>
      %dma_start3A_381 = arith.constant 0 : i32
      %dma_start3A_382 = tpu.memref_slice %arg7[%add3A_364, %dma_start3A_381] : memref<5120x128xf32, #tpu.memory_space<vmem_shared>> -> memref<64x128xf32, #tpu.memory_space<vmem_shared>>
      tpu.enqueue_dma source(%dma_start3A_382 : memref<64x128xf32, #tpu.memory_space<vmem_shared>>) target(%dma_start3A_380 : memref<64x128xf32, #tpu.memory_space<vmem>>) target_semaphore(%run_scoped3A : memref<!tpu.dma_semaphore, #tpu.memory_space<semaphore_mem>>)
      %dma_wait3A_383 = arith.constant 0 : i32
      %dma_wait3A_384 = arith.constant 0 : i32
      %dma_wait3A_385 = tpu.memref_slice %arg13[%dma_wait3A_383, %dma_wait3A_384] : memref<128x128xf32, #tpu.memory_space<vmem>> -> memref<64x128xf32, #tpu.memory_space<vmem>>
      %dma_wait3A_386 = arith.constant 0 : i32
      %dma_wait3A_387 = tpu.memref_slice %arg7[%add3A_364, %dma_wait3A_386] : memref<5120x128xf32, #tpu.memory_space<vmem_shared>> -> memref<64x128xf32, #tpu.memory_space<vmem_shared>>
      %dma_wait3A_388 = arith.constant 0 : i32
      %dma_wait3A_389 = arith.constant 0 : i32
      %dma_wait3A_390 = tpu.memref_slice %arg13[%dma_wait3A_388, %dma_wait3A_389] : memref<128x128xf32, #tpu.memory_space<vmem>> -> memref<64x128xf32, #tpu.memory_space<vmem>>
      %dma_wait3A_391 = arith.constant 0 : i32
      %dma_wait3A_392 = tpu.memref_slice %arg7[%add3A_364, %dma_wait3A_391] : memref<5120x128xf32, #tpu.memory_space<vmem_shared>> -> memref<64x128xf32, #tpu.memory_space<vmem_shared>>
      tpu.wait_dma2 semaphore(%run_scoped3A : memref<!tpu.dma_semaphore, #tpu.memory_space<semaphore_mem>>) src(%dma_wait3A_392 : memref<64x128xf32, #tpu.memory_space<vmem_shared>>) dst(%dma_wait3A_390 : memref<64x128xf32, #tpu.memory_space<vmem>>)
      tpu.yield
    }) : () -> ()
    %mul3A_365 = arith.constant 2 : i32
    %mul3A_366 = arith.muli %arg0, %mul3A_365 : i32
    %add3A_367 = arith.constant 1 : i32
    %add3A_368 = arith.addi %mul3A_366, %add3A_367 : i32
    %mul3A_369 = arith.constant 320 : i32
    %mul3A_370 = arith.muli %arg1, %mul3A_369 : i32
    %add3A_371 = arith.constant 256 : i32
    %add3A_372 = arith.addi %mul3A_370, %add3A_371 : i32
    "tpu.region"() ({
      %run_scoped3A = tpu.sem_alloc : memref<!tpu.dma_semaphore, #tpu.memory_space<semaphore_mem>>
      %dma_start3A_373 = arith.constant 0 : i32
      %dma_start3A_374 = arith.constant 0 : i32
      %dma_start3A_375 = tpu.memref_slice %arg13[%dma_start3A_373, %dma_start3A_374] : memref<128x128xf32, #tpu.memory_space<vmem>> -> memref<64x128xf32, #tpu.memory_space<vmem>>
      %dma_start3A_376 = arith.constant 0 : i32
      %dma_start3A_377 = tpu.memref_slice %arg6[%add3A_368, %add3A_372, %dma_start3A_376] : memref<4x5120x128xf32, #tpu.memory_space<hbm>> -> memref<1x64x128xf32, #tpu.memory_space<hbm>>
      %dma_start3A_378 = tpu.memref_squeeze %dma_start3A_377 : memref<1x64x128xf32, #tpu.memory_space<hbm>> -> memref<64x128xf32, #tpu.memory_space<hbm>>
      %dma_start3A_379 = arith.constant 0 : i32
      %dma_start3A_380 = tpu.memref_slice %arg6[%add3A_368, %add3A_372, %dma_start3A_379] : memref<4x5120x128xf32, #tpu.memory_space<hbm>> -> memref<1x64x128xf32, #tpu.memory_space<hbm>>
      %dma_start3A_381 = tpu.memref_squeeze %dma_start3A_380 : memref<1x64x128xf32, #tpu.memory_space<hbm>> -> memref<64x128xf32, #tpu.memory_space<hbm>>
      %dma_start3A_382 = arith.constant 0 : i32
      %dma_start3A_383 = arith.constant 0 : i32
      %dma_start3A_384 = tpu.memref_slice %arg13[%dma_start3A_382, %dma_start3A_383] : memref<128x128xf32, #tpu.memory_space<vmem>> -> memref<64x128xf32, #tpu.memory_space<vmem>>
      tpu.enqueue_dma source(%dma_start3A_384 : memref<64x128xf32, #tpu.memory_space<vmem>>) target(%dma_start3A_381 : memref<64x128xf32, #tpu.memory_space<hbm>>) target_semaphore(%run_scoped3A : memref<!tpu.dma_semaphore, #tpu.memory_space<semaphore_mem>>)
      %dma_wait3A_385 = arith.constant 0 : i32
      %dma_wait3A_386 = arith.constant 0 : i32
      %dma_wait3A_387 = tpu.memref_slice %arg13[%dma_wait3A_385, %dma_wait3A_386] : memref<128x128xf32, #tpu.memory_space<vmem>> -> memref<64x128xf32, #tpu.memory_space<vmem>>
      %dma_wait3A_388 = arith.constant 0 : i32
      %dma_wait3A_389 = tpu.memref_slice %arg6[%add3A_368, %add3A_372, %dma_wait3A_388] : memref<4x5120x128xf32, #tpu.memory_space<hbm>> -> memref<1x64x128xf32, #tpu.memory_space<hbm>>
      %dma_wait3A_390 = tpu.memref_squeeze %dma_wait3A_389 : memref<1x64x128xf32, #tpu.memory_space<hbm>> -> memref<64x128xf32, #tpu.memory_space<hbm>>
      %dma_wait3A_391 = arith.constant 0 : i32
      %dma_wait3A_392 = tpu.memref_slice %arg6[%add3A_368, %add3A_372, %dma_wait3A_391] : memref<4x5120x128xf32, #tpu.memory_space<hbm>> -> memref<1x64x128xf32, #tpu.memory_space<hbm>>
      %dma_wait3A_393 = tpu.memref_squeeze %dma_wait3A_392 : memref<1x64x128xf32, #tpu.memory_space<hbm>> -> memref<64x128xf32, #tpu.memory_space<hbm>>
      %dma_wait3A_394 = arith.constant 0 : i32
      %dma_wait3A_395 = arith.constant 0 : i32
      %dma_wait3A_396 = tpu.memref_slice %arg13[%dma_wait3A_394, %dma_wait3A_395] : memref<128x128xf32, #tpu.memory_space<vmem>> -> memref<64x128xf32, #tpu.memory_space<vmem>>
      tpu.wait_dma2 semaphore(%run_scoped3A : memref<!tpu.dma_semaphore, #tpu.memory_space<semaphore_mem>>) src(%dma_wait3A_396 : memref<64x128xf32, #tpu.memory_space<vmem>>) dst(%dma_wait3A_393 : memref<64x128xf32, #tpu.memory_space<hbm>>)
      tpu.yield
    }) : () -> ()
    return
  }
}

#map = affine_map<(d0, d1) -> (0, 0)>
#map1 = affine_map<(d0, d1) -> (0)>
#map2 = affine_map<(d0, d1) -> (0, 0, 0)>
module attributes {stable_mosaic.version = 14 : i64} {
  func.func @_k(%arg0: i32, %arg1: i32, %arg2: memref<128x128xf32, #tpu.memory_space<hbm>>, %arg3: memref<128x128xf32, #tpu.memory_space<hbm>>, %arg4: memref<327680xi32, #tpu.memory_space<hbm>>, %arg5: memref<4x5120x128xf32, #tpu.memory_space<hbm>>, %arg6: memref<5120x128xf32, #tpu.memory_space<vmem_shared>>, %arg7: memref<4096xi32, #tpu.memory_space<vmem>>, %arg8: memref<20608xi32, #tpu.memory_space<vmem>>, %arg9: memref<128x128xf32, #tpu.memory_space<vmem>>, %arg10: memref<128x128xf32, #tpu.memory_space<vmem>>, %arg11: memref<!tpu.dma_semaphore, #tpu.memory_space<semaphore_mem>>, %arg12: memref<!tpu.dma_semaphore, #tpu.memory_space<semaphore_mem>>) attributes {dimension_semantics = [#tpu.dimension_semantics<core_parallel>, #tpu.dimension_semantics<subcore_parallel>], iteration_bounds = array<i64: 2, 16>, scalar_prefetch = 0 : i64, scratch_operands = 7 : i64, tpu.core_type = #tpu.core_type<sc_vector_subcore>, window_params = [{transform_indices = #map}, {transform_indices = #map}, {transform_indices = #map1}, {transform_indices = #map2}]} {
    %iota3A = tpu.iota {dimensions = array<i32: 0>} : vector<16xi32>
    %broadcast_in_dim3A = arith.constant 5000 : i32
    %broadcast_in_dim3A_0 = vector.broadcast %broadcast_in_dim3A : i32 to vector<16xi32>
    %add3A = vector.broadcast %arg1 : i32 to vector<16xi32>
    %add3A_1 = arith.addi %broadcast_in_dim3A_0, %add3A : vector<16xi32>
    "tpu.region"() ({
      %run_scoped3A = tpu.sem_alloc : memref<!tpu.dma_semaphore, #tpu.memory_space<semaphore_mem>>
      tpu.enqueue_dma source(%arg2 : memref<128x128xf32, #tpu.memory_space<hbm>>) target(%arg9 : memref<128x128xf32, #tpu.memory_space<vmem>>) target_semaphore(%run_scoped3A : memref<!tpu.dma_semaphore, #tpu.memory_space<semaphore_mem>>)
      tpu.wait_dma2 semaphore(%run_scoped3A : memref<!tpu.dma_semaphore, #tpu.memory_space<semaphore_mem>>) src(%arg2 : memref<128x128xf32, #tpu.memory_space<hbm>>) dst(%arg9 : memref<128x128xf32, #tpu.memory_space<vmem>>)
      tpu.yield
    }) : () -> ()
    %mul3A = arith.constant 2 : i32
    %mul3A_2 = arith.muli %arg0, %mul3A : i32
    %add3A_3 = arith.constant 0 : i32
    %add3A_4 = arith.addi %mul3A_2, %add3A_3 : i32
    %mul3A_5 = arith.constant 5000 : i32
    %mul3A_6 = arith.muli %add3A_4, %mul3A_5 : i32
    "tpu.region"() ({
      %run_scoped3A = tpu.sem_alloc : memref<!tpu.dma_semaphore, #tpu.memory_space<semaphore_mem>>
      tpu.enqueue_dma source(%arg3 : memref<128x128xf32, #tpu.memory_space<hbm>>) target(%arg10 : memref<128x128xf32, #tpu.memory_space<vmem>>) target_semaphore(%run_scoped3A : memref<!tpu.dma_semaphore, #tpu.memory_space<semaphore_mem>>)
      tpu.wait_dma2 semaphore(%run_scoped3A : memref<!tpu.dma_semaphore, #tpu.memory_space<semaphore_mem>>) src(%arg3 : memref<128x128xf32, #tpu.memory_space<hbm>>) dst(%arg10 : memref<128x128xf32, #tpu.memory_space<vmem>>)
      tpu.yield
    }) : () -> ()
    %mul3A_7 = arith.constant 320 : i32
    %mul3A_8 = arith.muli %arg1, %mul3A_7 : i32
    %add3A_9 = arith.constant 0 : i32
    %add3A_10 = arith.addi %mul3A_8, %add3A_9 : i32
    "tpu.region"() ({
      %run_scoped3A = tpu.sem_alloc : memref<!tpu.dma_semaphore, #tpu.memory_space<semaphore_mem>>
      %dma_start3A = arith.constant 0 : i32
      %dma_start3A_257 = arith.constant 0 : i32
      %dma_start3A_258 = tpu.memref_slice %arg10[%dma_start3A, %dma_start3A_257] : memref<128x128xf32, #tpu.memory_space<vmem>> -> memref<128x128xf32, #tpu.memory_space<vmem>>
      %dma_start3A_259 = arith.constant 0 : i32
      %dma_start3A_260 = tpu.memref_slice %arg6[%add3A_10, %dma_start3A_259] : memref<5120x128xf32, #tpu.memory_space<vmem_shared>> -> memref<128x128xf32, #tpu.memory_space<vmem_shared>>
      %dma_start3A_261 = arith.constant 0 : i32
      %dma_start3A_262 = tpu.memref_slice %arg6[%add3A_10, %dma_start3A_261] : memref<5120x128xf32, #tpu.memory_space<vmem_shared>> -> memref<128x128xf32, #tpu.memory_space<vmem_shared>>
      %dma_start3A_263 = arith.constant 0 : i32
      %dma_start3A_264 = arith.constant 0 : i32
      %dma_start3A_265 = tpu.memref_slice %arg10[%dma_start3A_263, %dma_start3A_264] : memref<128x128xf32, #tpu.memory_space<vmem>> -> memref<128x128xf32, #tpu.memory_space<vmem>>
      tpu.enqueue_dma source(%dma_start3A_265 : memref<128x128xf32, #tpu.memory_space<vmem>>) target(%dma_start3A_262 : memref<128x128xf32, #tpu.memory_space<vmem_shared>>) target_semaphore(%run_scoped3A : memref<!tpu.dma_semaphore, #tpu.memory_space<semaphore_mem>>)
      %dma_wait3A = arith.constant 0 : i32
      %dma_wait3A_266 = arith.constant 0 : i32
      %dma_wait3A_267 = tpu.memref_slice %arg10[%dma_wait3A, %dma_wait3A_266] : memref<128x128xf32, #tpu.memory_space<vmem>> -> memref<128x128xf32, #tpu.memory_space<vmem>>
      %dma_wait3A_268 = arith.constant 0 : i32
      %dma_wait3A_269 = tpu.memref_slice %arg6[%add3A_10, %dma_wait3A_268] : memref<5120x128xf32, #tpu.memory_space<vmem_shared>> -> memref<128x128xf32, #tpu.memory_space<vmem_shared>>
      %dma_wait3A_270 = arith.constant 0 : i32
      %dma_wait3A_271 = tpu.memref_slice %arg6[%add3A_10, %dma_wait3A_270] : memref<5120x128xf32, #tpu.memory_space<vmem_shared>> -> memref<128x128xf32, #tpu.memory_space<vmem_shared>>
      %dma_wait3A_272 = arith.constant 0 : i32
      %dma_wait3A_273 = arith.constant 0 : i32
      %dma_wait3A_274 = tpu.memref_slice %arg10[%dma_wait3A_272, %dma_wait3A_273] : memref<128x128xf32, #tpu.memory_space<vmem>> -> memref<128x128xf32, #tpu.memory_space<vmem>>
      tpu.wait_dma2 semaphore(%run_scoped3A : memref<!tpu.dma_semaphore, #tpu.memory_space<semaphore_mem>>) src(%dma_wait3A_274 : memref<128x128xf32, #tpu.memory_space<vmem>>) dst(%dma_wait3A_271 : memref<128x128xf32, #tpu.memory_space<vmem_shared>>)
      tpu.yield
    }) : () -> ()
    %mul3A_11 = arith.constant 320 : i32
    %mul3A_12 = arith.muli %arg1, %mul3A_11 : i32
    %add3A_13 = arith.constant 128 : i32
    %add3A_14 = arith.addi %mul3A_12, %add3A_13 : i32
    "tpu.region"() ({
      %run_scoped3A = tpu.sem_alloc : memref<!tpu.dma_semaphore, #tpu.memory_space<semaphore_mem>>
      %dma_start3A = arith.constant 0 : i32
      %dma_start3A_257 = arith.constant 0 : i32
      %dma_start3A_258 = tpu.memref_slice %arg10[%dma_start3A, %dma_start3A_257] : memref<128x128xf32, #tpu.memory_space<vmem>> -> memref<128x128xf32, #tpu.memory_space<vmem>>
      %dma_start3A_259 = arith.constant 0 : i32
      %dma_start3A_260 = tpu.memref_slice %arg6[%add3A_14, %dma_start3A_259] : memref<5120x128xf32, #tpu.memory_space<vmem_shared>> -> memref<128x128xf32, #tpu.memory_space<vmem_shared>>
      %dma_start3A_261 = arith.constant 0 : i32
      %dma_start3A_262 = tpu.memref_slice %arg6[%add3A_14, %dma_start3A_261] : memref<5120x128xf32, #tpu.memory_space<vmem_shared>> -> memref<128x128xf32, #tpu.memory_space<vmem_shared>>
      %dma_start3A_263 = arith.constant 0 : i32
      %dma_start3A_264 = arith.constant 0 : i32
      %dma_start3A_265 = tpu.memref_slice %arg10[%dma_start3A_263, %dma_start3A_264] : memref<128x128xf32, #tpu.memory_space<vmem>> -> memref<128x128xf32, #tpu.memory_space<vmem>>
      tpu.enqueue_dma source(%dma_start3A_265 : memref<128x128xf32, #tpu.memory_space<vmem>>) target(%dma_start3A_262 : memref<128x128xf32, #tpu.memory_space<vmem_shared>>) target_semaphore(%run_scoped3A : memref<!tpu.dma_semaphore, #tpu.memory_space<semaphore_mem>>)
      %dma_wait3A = arith.constant 0 : i32
      %dma_wait3A_266 = arith.constant 0 : i32
      %dma_wait3A_267 = tpu.memref_slice %arg10[%dma_wait3A, %dma_wait3A_266] : memref<128x128xf32, #tpu.memory_space<vmem>> -> memref<128x128xf32, #tpu.memory_space<vmem>>
      %dma_wait3A_268 = arith.constant 0 : i32
      %dma_wait3A_269 = tpu.memref_slice %arg6[%add3A_14, %dma_wait3A_268] : memref<5120x128xf32, #tpu.memory_space<vmem_shared>> -> memref<128x128xf32, #tpu.memory_space<vmem_shared>>
      %dma_wait3A_270 = arith.constant 0 : i32
      %dma_wait3A_271 = tpu.memref_slice %arg6[%add3A_14, %dma_wait3A_270] : memref<5120x128xf32, #tpu.memory_space<vmem_shared>> -> memref<128x128xf32, #tpu.memory_space<vmem_shared>>
      %dma_wait3A_272 = arith.constant 0 : i32
      %dma_wait3A_273 = arith.constant 0 : i32
      %dma_wait3A_274 = tpu.memref_slice %arg10[%dma_wait3A_272, %dma_wait3A_273] : memref<128x128xf32, #tpu.memory_space<vmem>> -> memref<128x128xf32, #tpu.memory_space<vmem>>
      tpu.wait_dma2 semaphore(%run_scoped3A : memref<!tpu.dma_semaphore, #tpu.memory_space<semaphore_mem>>) src(%dma_wait3A_274 : memref<128x128xf32, #tpu.memory_space<vmem>>) dst(%dma_wait3A_271 : memref<128x128xf32, #tpu.memory_space<vmem_shared>>)
      tpu.yield
    }) : () -> ()
    %mul3A_15 = arith.constant 320 : i32
    %mul3A_16 = arith.muli %arg1, %mul3A_15 : i32
    %add3A_17 = arith.constant 256 : i32
    %add3A_18 = arith.addi %mul3A_16, %add3A_17 : i32
    "tpu.region"() ({
      %run_scoped3A = tpu.sem_alloc : memref<!tpu.dma_semaphore, #tpu.memory_space<semaphore_mem>>
      %dma_start3A = arith.constant 0 : i32
      %dma_start3A_257 = arith.constant 0 : i32
      %dma_start3A_258 = tpu.memref_slice %arg10[%dma_start3A, %dma_start3A_257] : memref<128x128xf32, #tpu.memory_space<vmem>> -> memref<64x128xf32, #tpu.memory_space<vmem>>
      %dma_start3A_259 = arith.constant 0 : i32
      %dma_start3A_260 = tpu.memref_slice %arg6[%add3A_18, %dma_start3A_259] : memref<5120x128xf32, #tpu.memory_space<vmem_shared>> -> memref<64x128xf32, #tpu.memory_space<vmem_shared>>
      %dma_start3A_261 = arith.constant 0 : i32
      %dma_start3A_262 = tpu.memref_slice %arg6[%add3A_18, %dma_start3A_261] : memref<5120x128xf32, #tpu.memory_space<vmem_shared>> -> memref<64x128xf32, #tpu.memory_space<vmem_shared>>
      %dma_start3A_263 = arith.constant 0 : i32
      %dma_start3A_264 = arith.constant 0 : i32
      %dma_start3A_265 = tpu.memref_slice %arg10[%dma_start3A_263, %dma_start3A_264] : memref<128x128xf32, #tpu.memory_space<vmem>> -> memref<64x128xf32, #tpu.memory_space<vmem>>
      tpu.enqueue_dma source(%dma_start3A_265 : memref<64x128xf32, #tpu.memory_space<vmem>>) target(%dma_start3A_262 : memref<64x128xf32, #tpu.memory_space<vmem_shared>>) target_semaphore(%run_scoped3A : memref<!tpu.dma_semaphore, #tpu.memory_space<semaphore_mem>>)
      %dma_wait3A = arith.constant 0 : i32
      %dma_wait3A_266 = arith.constant 0 : i32
      %dma_wait3A_267 = tpu.memref_slice %arg10[%dma_wait3A, %dma_wait3A_266] : memref<128x128xf32, #tpu.memory_space<vmem>> -> memref<64x128xf32, #tpu.memory_space<vmem>>
      %dma_wait3A_268 = arith.constant 0 : i32
      %dma_wait3A_269 = tpu.memref_slice %arg6[%add3A_18, %dma_wait3A_268] : memref<5120x128xf32, #tpu.memory_space<vmem_shared>> -> memref<64x128xf32, #tpu.memory_space<vmem_shared>>
      %dma_wait3A_270 = arith.constant 0 : i32
      %dma_wait3A_271 = tpu.memref_slice %arg6[%add3A_18, %dma_wait3A_270] : memref<5120x128xf32, #tpu.memory_space<vmem_shared>> -> memref<64x128xf32, #tpu.memory_space<vmem_shared>>
      %dma_wait3A_272 = arith.constant 0 : i32
      %dma_wait3A_273 = arith.constant 0 : i32
      %dma_wait3A_274 = tpu.memref_slice %arg10[%dma_wait3A_272, %dma_wait3A_273] : memref<128x128xf32, #tpu.memory_space<vmem>> -> memref<64x128xf32, #tpu.memory_space<vmem>>
      tpu.wait_dma2 semaphore(%run_scoped3A : memref<!tpu.dma_semaphore, #tpu.memory_space<semaphore_mem>>) src(%dma_wait3A_274 : memref<64x128xf32, #tpu.memory_space<vmem>>) dst(%dma_wait3A_271 : memref<64x128xf32, #tpu.memory_space<vmem_shared>>)
      tpu.yield
    }) : () -> ()
    %barrier3A = arith.constant 0 : index
    tpu.barrier barrier_id(%barrier3A)
    %scan3A = arith.constant 0 : i32
    %scan3A_19 = arith.constant 0 : i32
    %scan3A_20 = arith.constant 5 : i32
    %scan3A_21 = arith.addi %scan3A_19, %scan3A_20 : i32
    %scan3A_22 = arith.constant 1 : i32
    %scan3A_23 = scf.for %scan3A_257 = %scan3A_19 to %scan3A_21 step %scan3A_22 iter_args(%scan3A_258 = %scan3A) -> (i32)  : i32 {
      %mul3A_259 = arith.constant 20480 : i32
      %mul3A_260 = arith.muli %arg1, %mul3A_259 : i32
      %mul3A_261 = arith.constant 4096 : i32
      %mul3A_262 = arith.muli %scan3A_257, %mul3A_261 : i32
      %add3A_263 = arith.addi %mul3A_260, %mul3A_262 : i32
      "tpu.region"() ({
        %run_scoped3A = tpu.sem_alloc : memref<!tpu.dma_semaphore, #tpu.memory_space<semaphore_mem>>
        %dma_start3A = tpu.memref_slice %arg4[%add3A_263] : memref<327680xi32, #tpu.memory_space<hbm>> -> memref<4096xi32, #tpu.memory_space<hbm>>
        %dma_start3A_270 = tpu.memref_slice %arg4[%add3A_263] : memref<327680xi32, #tpu.memory_space<hbm>> -> memref<4096xi32, #tpu.memory_space<hbm>>
        tpu.enqueue_dma source(%dma_start3A_270 : memref<4096xi32, #tpu.memory_space<hbm>>) target(%arg7 : memref<4096xi32, #tpu.memory_space<vmem>>) target_semaphore(%run_scoped3A : memref<!tpu.dma_semaphore, #tpu.memory_space<semaphore_mem>>)
        %dma_wait3A = tpu.memref_slice %arg4[%add3A_263] : memref<327680xi32, #tpu.memory_space<hbm>> -> memref<4096xi32, #tpu.memory_space<hbm>>
        %dma_wait3A_271 = tpu.memref_slice %arg4[%add3A_263] : memref<327680xi32, #tpu.memory_space<hbm>> -> memref<4096xi32, #tpu.memory_space<hbm>>
        tpu.wait_dma2 semaphore(%run_scoped3A : memref<!tpu.dma_semaphore, #tpu.memory_space<semaphore_mem>>) src(%dma_wait3A_271 : memref<4096xi32, #tpu.memory_space<hbm>>) dst(%arg7 : memref<4096xi32, #tpu.memory_space<vmem>>)
        tpu.yield
      }) : () -> ()
      %scan3A_264 = arith.constant 0 : i32
      %scan3A_265 = arith.constant 256 : i32
      %scan3A_266 = arith.addi %scan3A_264, %scan3A_265 : i32
      %scan3A_267 = arith.constant 1 : i32
      %scan3A_268 = scf.for %scan3A_270 = %scan3A_264 to %scan3A_266 step %scan3A_267 iter_args(%scan3A_271 = %scan3A_258) -> (i32)  : i32 {
        %mul3A_272 = arith.constant 16 : i32
        %mul3A_273 = arith.muli %scan3A_270, %mul3A_272 : i32
        %get3A = arith.index_cast %mul3A_273 : i32 to index
        %get3A_274 = tpu.vector_load %arg7[%get3A] {strides = array<i32>} : memref<4096xi32, #tpu.memory_space<vmem>>, vector<16xi32>,
        %sub3A_275 = vector.broadcast %mul3A_6 : i32 to vector<16xi32>
        %sub3A_276 = arith.subi %get3A_274, %sub3A_275 : vector<16xi32>
        %ge3A = arith.constant 0 : i32
        %ge3A_277 = vector.broadcast %ge3A : i32 to vector<16xi32>
        %ge3A_278 = arith.cmpi sge, %sub3A_276, %ge3A_277 : vector<16xi32>
        %lt3A = arith.constant 5000 : i32
        %lt3A_279 = vector.broadcast %lt3A : i32 to vector<16xi32>
        %lt3A_280 = arith.cmpi slt, %sub3A_276, %lt3A_279 : vector<16xi32>
        %and3A_281 = arith.andi %ge3A_278, %lt3A_280 : vector<16xi1>
        %jit3A_282 = arith.constant 1 : i32
        %jit3A_283 = arith.constant 0 : i32
        %broadcast_in_dim3A_284 = vector.broadcast %jit3A_282 : i32 to vector<16xi32>
        %broadcast_in_dim3A_285 = vector.broadcast %jit3A_283 : i32 to vector<16xi32>
        %select_n3A_286 = arith.select %and3A_281, %broadcast_in_dim3A_284, %broadcast_in_dim3A_285 : vector<16xi1>, vector<16xi32>
        %broadcast_in_dim3A_287 = arith.constant true
        %broadcast_in_dim3A_288 = vector.broadcast %broadcast_in_dim3A_287 : i1 to vector<16xi1>
        %masked_cumsum3A = tpu.scan <sum>, %select_n3A_286 masked %broadcast_in_dim3A_288 : vector<16xi32>, vector<16xi1> -> vector<16xi32>
        %add3A_289 = vector.broadcast %scan3A_271 : i32 to vector<16xi32>
        %add3A_290 = arith.addi %add3A_289, %masked_cumsum3A : vector<16xi32>
        %sub3A_291 = arith.constant 1 : i32
        %sub3A_292 = vector.broadcast %sub3A_291 : i32 to vector<16xi32>
        %sub3A_293 = arith.subi %add3A_290, %sub3A_292 : vector<16xi32>
        tpu.vector_store_idx %arg8[%sub3A_293], %sub3A_276 masked %and3A_281 : memref<20608xi32, #tpu.memory_space<vmem>>[vector<16xi32>], vector<16xi32>, vector<16xi1>
        %reduce_sum3A = arith.constant true
        %reduce_sum3A_294 = vector.broadcast %reduce_sum3A : i1 to vector<16xi1>
        %reduce_sum3A_295 = tpu.scan <sum>, %select_n3A_286 masked %reduce_sum3A_294 : vector<16xi32>, vector<16xi1> -> vector<16xi32>
        %reduce_sum3A_296 = vector.extract %reduce_sum3A_295[15] : i32 from vector<16xi32>
        %add3A_297 = arith.addi %scan3A_271, %reduce_sum3A_296 : i32
        scf.yield %add3A_297 : i32
      }
      %scan3A_269 = arith.constant 256 : i32
      scf.yield %scan3A_268 : i32
    }
    %scan3A_24 = arith.constant 5 : i32
    %add3A_25 = arith.constant 0 : i32
    %add3A_26 = arith.addi %scan3A_23, %add3A_25 : i32
    %add3A_27 = vector.broadcast %add3A_26 : i32 to vector<16xi32>
    %add3A_28 = arith.addi %add3A_27, %iota3A : vector<16xi32>
    tpu.vector_store_idx %arg8[%add3A_28], %add3A_1 : memref<20608xi32, #tpu.memory_space<vmem>>[vector<16xi32>], vector<16xi32>,
    %add3A_29 = arith.constant 16 : i32
    %add3A_30 = arith.addi %scan3A_23, %add3A_29 : i32
    %add3A_31 = vector.broadcast %add3A_30 : i32 to vector<16xi32>
    %add3A_32 = arith.addi %add3A_31, %iota3A : vector<16xi32>
    tpu.vector_store_idx %arg8[%add3A_32], %add3A_1 : memref<20608xi32, #tpu.memory_space<vmem>>[vector<16xi32>], vector<16xi32>,
    %add3A_33 = arith.constant 32 : i32
    %add3A_34 = arith.addi %scan3A_23, %add3A_33 : i32
    %add3A_35 = vector.broadcast %add3A_34 : i32 to vector<16xi32>
    %add3A_36 = arith.addi %add3A_35, %iota3A : vector<16xi32>
    tpu.vector_store_idx %arg8[%add3A_36], %add3A_1 : memref<20608xi32, #tpu.memory_space<vmem>>[vector<16xi32>], vector<16xi32>,
    %add3A_37 = arith.constant 48 : i32
    %add3A_38 = arith.addi %scan3A_23, %add3A_37 : i32
    %add3A_39 = vector.broadcast %add3A_38 : i32 to vector<16xi32>
    %add3A_40 = arith.addi %add3A_39, %iota3A : vector<16xi32>
    tpu.vector_store_idx %arg8[%add3A_40], %add3A_1 : memref<20608xi32, #tpu.memory_space<vmem>>[vector<16xi32>], vector<16xi32>,
    %add3A_41 = arith.constant 64 : i32
    %add3A_42 = arith.addi %scan3A_23, %add3A_41 : i32
    %add3A_43 = vector.broadcast %add3A_42 : i32 to vector<16xi32>
    %add3A_44 = arith.addi %add3A_43, %iota3A : vector<16xi32>
    tpu.vector_store_idx %arg8[%add3A_44], %add3A_1 : memref<20608xi32, #tpu.memory_space<vmem>>[vector<16xi32>], vector<16xi32>,
    %add3A_45 = arith.constant 80 : i32
    %add3A_46 = arith.addi %scan3A_23, %add3A_45 : i32
    %add3A_47 = vector.broadcast %add3A_46 : i32 to vector<16xi32>
    %add3A_48 = arith.addi %add3A_47, %iota3A : vector<16xi32>
    tpu.vector_store_idx %arg8[%add3A_48], %add3A_1 : memref<20608xi32, #tpu.memory_space<vmem>>[vector<16xi32>], vector<16xi32>,
    %add3A_49 = arith.constant 96 : i32
    %add3A_50 = arith.addi %scan3A_23, %add3A_49 : i32
    %add3A_51 = vector.broadcast %add3A_50 : i32 to vector<16xi32>
    %add3A_52 = arith.addi %add3A_51, %iota3A : vector<16xi32>
    tpu.vector_store_idx %arg8[%add3A_52], %add3A_1 : memref<20608xi32, #tpu.memory_space<vmem>>[vector<16xi32>], vector<16xi32>,
    %add3A_53 = arith.constant 112 : i32
    %add3A_54 = arith.addi %scan3A_23, %add3A_53 : i32
    %add3A_55 = vector.broadcast %add3A_54 : i32 to vector<16xi32>
    %add3A_56 = arith.addi %add3A_55, %iota3A : vector<16xi32>
    tpu.vector_store_idx %arg8[%add3A_56], %add3A_1 : memref<20608xi32, #tpu.memory_space<vmem>>[vector<16xi32>], vector<16xi32>,
    %add3A_57 = arith.constant 128 : i32
    %add3A_58 = arith.addi %scan3A_23, %add3A_57 : i32
    %sub3A = arith.constant 1 : i32
    %sub3A_59 = arith.subi %add3A_58, %sub3A : i32
    %jit3A = arith.constant 128 : i32
    %div3A = arith.divsi %sub3A_59, %jit3A : i32
    %sign3A = arith.constant 0 : i32
    %sign3A_60 = arith.cmpi sgt, %sub3A_59, %sign3A : i32
    %sign3A_61 = arith.extui %sign3A_60 : i1 to i32
    %sign3A_62 = arith.constant 0 : i32
    %sign3A_63 = arith.cmpi slt, %sub3A_59, %sign3A_62 : i32
    %sign3A_64 = arith.extui %sign3A_63 : i1 to i32
    %sign3A_65 = arith.subi %sign3A_61, %sign3A_64 : i32
    %sign3A_66 = arith.constant 0 : i32
    %sign3A_67 = arith.cmpi sgt, %jit3A, %sign3A_66 : i32
    %sign3A_68 = arith.extui %sign3A_67 : i1 to i32
    %sign3A_69 = arith.constant 0 : i32
    %sign3A_70 = arith.cmpi slt, %jit3A, %sign3A_69 : i32
    %sign3A_71 = arith.extui %sign3A_70 : i1 to i32
    %sign3A_72 = arith.subi %sign3A_68, %sign3A_71 : i32
    %ne3A = arith.cmpi ne, %sign3A_65, %sign3A_72 : i32
    %rem3A = arith.remsi %sub3A_59, %jit3A : i32
    %ne3A_73 = arith.constant 0 : i32
    %ne3A_74 = arith.cmpi ne, %rem3A, %ne3A_73 : i32
    %and3A = arith.andi %ne3A, %ne3A_74 : i1
    %sub3A_75 = arith.constant 1 : i32
    %sub3A_76 = arith.subi %div3A, %sub3A_75 : i32
    %select_n3A = arith.select %and3A, %sub3A_76, %div3A : i32
    %while3A = arith.constant 0 : i32
    %while3A_77 = arith.constant 0 : i32
    %while3A_78 = arith.subi %select_n3A, %while3A_77 : i32
    %while3A_79 = arith.addi %while3A_77, %while3A_78 : i32
    %while3A_80 = arith.constant 1 : i32
    %while3A_81 = arith.divsi %while3A_78, %while3A_80 : i32
    %while3A_82 = arith.muli %while3A_81, %while3A_80 : i32
    %while3A_83 = arith.addi %while3A_77, %while3A_82 : i32
    %while3A_84 = arith.constant 1 : i32
    scf.for %while3A_257 = %while3A_77 to %while3A_83 step %while3A_84  : i32 {
      %mul3A_258 = arith.constant 128 : i32
      %mul3A_259 = arith.muli %while3A_257, %mul3A_258 : i32
      "tpu.region"() ({
        %run_scoped3A = tpu.sem_alloc : memref<!tpu.dma_semaphore, #tpu.memory_space<semaphore_mem>>
        %dma_start3A = tpu.memref_slice %arg8[%mul3A_259] : memref<20608xi32, #tpu.memory_space<vmem>> -> memref<128xi32, #tpu.memory_space<vmem>>
        %dma_start3A_260 = arith.constant 0 : i32
        %dma_start3A_261 = arith.constant 0 : i32
        %dma_start3A_262 = tpu.memref_slice %arg6[%dma_start3A_260, %dma_start3A_261] : memref<5120x128xf32, #tpu.memory_space<vmem_shared>> -> memref<5120x128xf32, #tpu.memory_space<vmem_shared>>
        tpu.enqueue_indirect_dma source(%arg9 : memref<128x128xf32, #tpu.memory_space<vmem>>) target(%dma_start3A_262 : memref<5120x128xf32, #tpu.memory_space<vmem_shared>>) offsets(%dma_start3A : memref<128xi32, #tpu.memory_space<vmem>>) semaphore(%run_scoped3A : memref<!tpu.dma_semaphore, #tpu.memory_space<semaphore_mem>>) {add = true}
        %dma_wait3A = tpu.memref_slice %arg8[%mul3A_259] : memref<20608xi32, #tpu.memory_space<vmem>> -> memref<128xi32, #tpu.memory_space<vmem>>
        %dma_wait3A_263 = arith.constant 0 : i32
        %dma_wait3A_264 = arith.constant 0 : i32
        %dma_wait3A_265 = tpu.memref_slice %arg6[%dma_wait3A_263, %dma_wait3A_264] : memref<5120x128xf32, #tpu.memory_space<vmem_shared>> -> memref<5120x128xf32, #tpu.memory_space<vmem_shared>>
        tpu.wait_indirect_dma semaphore(%run_scoped3A : memref<!tpu.dma_semaphore, #tpu.memory_space<semaphore_mem>>) src(%arg9 : memref<128x128xf32, #tpu.memory_space<vmem>>) dst(%dma_wait3A_265 : memref<5120x128xf32, #tpu.memory_space<vmem_shared>>)
        tpu.yield
      }) : () -> ()
    }
    %while3A_85 = arith.constant 1 : i32
    scf.for %while3A_257 = %while3A_83 to %while3A_79 step %while3A_85  : i32 {
      %mul3A_258 = arith.constant 128 : i32
      %mul3A_259 = arith.muli %while3A_257, %mul3A_258 : i32
      "tpu.region"() ({
        %run_scoped3A = tpu.sem_alloc : memref<!tpu.dma_semaphore, #tpu.memory_space<semaphore_mem>>
        %dma_start3A = tpu.memref_slice %arg8[%mul3A_259] : memref<20608xi32, #tpu.memory_space<vmem>> -> memref<128xi32, #tpu.memory_space<vmem>>
        %dma_start3A_260 = arith.constant 0 : i32
        %dma_start3A_261 = arith.constant 0 : i32
        %dma_start3A_262 = tpu.memref_slice %arg6[%dma_start3A_260, %dma_start3A_261] : memref<5120x128xf32, #tpu.memory_space<vmem_shared>> -> memref<5120x128xf32, #tpu.memory_space<vmem_shared>>
        tpu.enqueue_indirect_dma source(%arg9 : memref<128x128xf32, #tpu.memory_space<vmem>>) target(%dma_start3A_262 : memref<5120x128xf32, #tpu.memory_space<vmem_shared>>) offsets(%dma_start3A : memref<128xi32, #tpu.memory_space<vmem>>) semaphore(%run_scoped3A : memref<!tpu.dma_semaphore, #tpu.memory_space<semaphore_mem>>) {add = true}
        %dma_wait3A = tpu.memref_slice %arg8[%mul3A_259] : memref<20608xi32, #tpu.memory_space<vmem>> -> memref<128xi32, #tpu.memory_space<vmem>>
        %dma_wait3A_263 = arith.constant 0 : i32
        %dma_wait3A_264 = arith.constant 0 : i32
        %dma_wait3A_265 = tpu.memref_slice %arg6[%dma_wait3A_263, %dma_wait3A_264] : memref<5120x128xf32, #tpu.memory_space<vmem_shared>> -> memref<5120x128xf32, #tpu.memory_space<vmem_shared>>
        tpu.wait_indirect_dma semaphore(%run_scoped3A : memref<!tpu.dma_semaphore, #tpu.memory_space<semaphore_mem>>) src(%arg9 : memref<128x128xf32, #tpu.memory_space<vmem>>) dst(%dma_wait3A_265 : memref<5120x128xf32, #tpu.memory_space<vmem_shared>>)
        tpu.yield
      }) : () -> ()
    }
    %barrier3A_86 = arith.constant 0 : index
    tpu.barrier barrier_id(%barrier3A_86)
    %mul3A_87 = arith.constant 320 : i32
    %mul3A_88 = arith.muli %arg1, %mul3A_87 : i32
    %add3A_89 = arith.constant 0 : i32
    %add3A_90 = arith.addi %mul3A_88, %add3A_89 : i32
    "tpu.region"() ({
      %run_scoped3A = tpu.sem_alloc : memref<!tpu.dma_semaphore, #tpu.memory_space<semaphore_mem>>
      %dma_start3A = arith.constant 0 : i32
      %dma_start3A_257 = arith.constant 0 : i32
      %dma_start3A_258 = tpu.memref_slice %arg10[%dma_start3A, %dma_start3A_257] : memref<128x128xf32, #tpu.memory_space<vmem>> -> memref<128x128xf32, #tpu.memory_space<vmem>>
      %dma_start3A_259 = arith.constant 0 : i32
      %dma_start3A_260 = tpu.memref_slice %arg6[%add3A_90, %dma_start3A_259] : memref<5120x128xf32, #tpu.memory_space<vmem_shared>> -> memref<128x128xf32, #tpu.memory_space<vmem_shared>>
      %dma_start3A_261 = arith.constant 0 : i32
      %dma_start3A_262 = arith.constant 0 : i32
      %dma_start3A_263 = tpu.memref_slice %arg10[%dma_start3A_261, %dma_start3A_262] : memref<128x128xf32, #tpu.memory_space<vmem>> -> memref<128x128xf32, #tpu.memory_space<vmem>>
      %dma_start3A_264 = arith.constant 0 : i32
      %dma_start3A_265 = tpu.memref_slice %arg6[%add3A_90, %dma_start3A_264] : memref<5120x128xf32, #tpu.memory_space<vmem_shared>> -> memref<128x128xf32, #tpu.memory_space<vmem_shared>>
      tpu.enqueue_dma source(%dma_start3A_265 : memref<128x128xf32, #tpu.memory_space<vmem_shared>>) target(%dma_start3A_263 : memref<128x128xf32, #tpu.memory_space<vmem>>) target_semaphore(%run_scoped3A : memref<!tpu.dma_semaphore, #tpu.memory_space<semaphore_mem>>)
      %dma_wait3A = arith.constant 0 : i32
      %dma_wait3A_266 = arith.constant 0 : i32
      %dma_wait3A_267 = tpu.memref_slice %arg10[%dma_wait3A, %dma_wait3A_266] : memref<128x128xf32, #tpu.memory_space<vmem>> -> memref<128x128xf32, #tpu.memory_space<vmem>>
      %dma_wait3A_268 = arith.constant 0 : i32
      %dma_wait3A_269 = tpu.memref_slice %arg6[%add3A_90, %dma_wait3A_268] : memref<5120x128xf32, #tpu.memory_space<vmem_shared>> -> memref<128x128xf32, #tpu.memory_space<vmem_shared>>
      %dma_wait3A_270 = arith.constant 0 : i32
      %dma_wait3A_271 = arith.constant 0 : i32
      %dma_wait3A_272 = tpu.memref_slice %arg10[%dma_wait3A_270, %dma_wait3A_271] : memref<128x128xf32, #tpu.memory_space<vmem>> -> memref<128x128xf32, #tpu.memory_space<vmem>>
      %dma_wait3A_273 = arith.constant 0 : i32
      %dma_wait3A_274 = tpu.memref_slice %arg6[%add3A_90, %dma_wait3A_273] : memref<5120x128xf32, #tpu.memory_space<vmem_shared>> -> memref<128x128xf32, #tpu.memory_space<vmem_shared>>
      tpu.wait_dma2 semaphore(%run_scoped3A : memref<!tpu.dma_semaphore, #tpu.memory_space<semaphore_mem>>) src(%dma_wait3A_274 : memref<128x128xf32, #tpu.memory_space<vmem_shared>>) dst(%dma_wait3A_272 : memref<128x128xf32, #tpu.memory_space<vmem>>)
      tpu.yield
    }) : () -> ()
    %mul3A_91 = arith.constant 2 : i32
    %mul3A_92 = arith.muli %arg0, %mul3A_91 : i32
    %add3A_93 = arith.constant 0 : i32
    %add3A_94 = arith.addi %mul3A_92, %add3A_93 : i32
    %mul3A_95 = arith.constant 320 : i32
    %mul3A_96 = arith.muli %arg1, %mul3A_95 : i32
    %add3A_97 = arith.constant 0 : i32
    %add3A_98 = arith.addi %mul3A_96, %add3A_97 : i32
    "tpu.region"() ({
      %run_scoped3A = tpu.sem_alloc : memref<!tpu.dma_semaphore, #tpu.memory_space<semaphore_mem>>
      %dma_start3A = arith.constant 0 : i32
      %dma_start3A_257 = arith.constant 0 : i32
      %dma_start3A_258 = tpu.memref_slice %arg10[%dma_start3A, %dma_start3A_257] : memref<128x128xf32, #tpu.memory_space<vmem>> -> memref<128x128xf32, #tpu.memory_space<vmem>>
      %dma_start3A_259 = arith.constant 0 : i32
      %dma_start3A_260 = tpu.memref_slice %arg5[%add3A_94, %add3A_98, %dma_start3A_259] : memref<4x5120x128xf32, #tpu.memory_space<hbm>> -> memref<1x128x128xf32, #tpu.memory_space<hbm>>
      %dma_start3A_261 = tpu.memref_squeeze %dma_start3A_260 : memref<1x128x128xf32, #tpu.memory_space<hbm>> -> memref<128x128xf32, #tpu.memory_space<hbm>>
      %dma_start3A_262 = arith.constant 0 : i32
      %dma_start3A_263 = tpu.memref_slice %arg5[%add3A_94, %add3A_98, %dma_start3A_262] : memref<4x5120x128xf32, #tpu.memory_space<hbm>> -> memref<1x128x128xf32, #tpu.memory_space<hbm>>
      %dma_start3A_264 = tpu.memref_squeeze %dma_start3A_263 : memref<1x128x128xf32, #tpu.memory_space<hbm>> -> memref<128x128xf32, #tpu.memory_space<hbm>>
      %dma_start3A_265 = arith.constant 0 : i32
      %dma_start3A_266 = arith.constant 0 : i32
      %dma_start3A_267 = tpu.memref_slice %arg10[%dma_start3A_265, %dma_start3A_266] : memref<128x128xf32, #tpu.memory_space<vmem>> -> memref<128x128xf32, #tpu.memory_space<vmem>>
      tpu.enqueue_dma source(%dma_start3A_267 : memref<128x128xf32, #tpu.memory_space<vmem>>) target(%dma_start3A_264 : memref<128x128xf32, #tpu.memory_space<hbm>>) target_semaphore(%run_scoped3A : memref<!tpu.dma_semaphore, #tpu.memory_space<semaphore_mem>>)
      %dma_wait3A = arith.constant 0 : i32
      %dma_wait3A_268 = arith.constant 0 : i32
      %dma_wait3A_269 = tpu.memref_slice %arg10[%dma_wait3A, %dma_wait3A_268] : memref<128x128xf32, #tpu.memory_space<vmem>> -> memref<128x128xf32, #tpu.memory_space<vmem>>
      %dma_wait3A_270 = arith.constant 0 : i32
      %dma_wait3A_271 = tpu.memref_slice %arg5[%add3A_94, %add3A_98, %dma_wait3A_270] : memref<4x5120x128xf32, #tpu.memory_space<hbm>> -> memref<1x128x128xf32, #tpu.memory_space<hbm>>
      %dma_wait3A_272 = tpu.memref_squeeze %dma_wait3A_271 : memref<1x128x128xf32, #tpu.memory_space<hbm>> -> memref<128x128xf32, #tpu.memory_space<hbm>>
      %dma_wait3A_273 = arith.constant 0 : i32
      %dma_wait3A_274 = tpu.memref_slice %arg5[%add3A_94, %add3A_98, %dma_wait3A_273] : memref<4x5120x128xf32, #tpu.memory_space<hbm>> -> memref<1x128x128xf32, #tpu.memory_space<hbm>>
      %dma_wait3A_275 = tpu.memref_squeeze %dma_wait3A_274 : memref<1x128x128xf32, #tpu.memory_space<hbm>> -> memref<128x128xf32, #tpu.memory_space<hbm>>
      %dma_wait3A_276 = arith.constant 0 : i32
      %dma_wait3A_277 = arith.constant 0 : i32
      %dma_wait3A_278 = tpu.memref_slice %arg10[%dma_wait3A_276, %dma_wait3A_277] : memref<128x128xf32, #tpu.memory_space<vmem>> -> memref<128x128xf32, #tpu.memory_space<vmem>>
      tpu.wait_dma2 semaphore(%run_scoped3A : memref<!tpu.dma_semaphore, #tpu.memory_space<semaphore_mem>>) src(%dma_wait3A_278 : memref<128x128xf32, #tpu.memory_space<vmem>>) dst(%dma_wait3A_275 : memref<128x128xf32, #tpu.memory_space<hbm>>)
      tpu.yield
    }) : () -> ()
    %mul3A_99 = arith.constant 320 : i32
    %mul3A_100 = arith.muli %arg1, %mul3A_99 : i32
    %add3A_101 = arith.constant 128 : i32
    %add3A_102 = arith.addi %mul3A_100, %add3A_101 : i32
    "tpu.region"() ({
      %run_scoped3A = tpu.sem_alloc : memref<!tpu.dma_semaphore, #tpu.memory_space<semaphore_mem>>
      %dma_start3A = arith.constant 0 : i32
      %dma_start3A_257 = arith.constant 0 : i32
      %dma_start3A_258 = tpu.memref_slice %arg10[%dma_start3A, %dma_start3A_257] : memref<128x128xf32, #tpu.memory_space<vmem>> -> memref<128x128xf32, #tpu.memory_space<vmem>>
      %dma_start3A_259 = arith.constant 0 : i32
      %dma_start3A_260 = tpu.memref_slice %arg6[%add3A_102, %dma_start3A_259] : memref<5120x128xf32, #tpu.memory_space<vmem_shared>> -> memref<128x128xf32, #tpu.memory_space<vmem_shared>>
      %dma_start3A_261 = arith.constant 0 : i32
      %dma_start3A_262 = arith.constant 0 : i32
      %dma_start3A_263 = tpu.memref_slice %arg10[%dma_start3A_261, %dma_start3A_262] : memref<128x128xf32, #tpu.memory_space<vmem>> -> memref<128x128xf32, #tpu.memory_space<vmem>>
      %dma_start3A_264 = arith.constant 0 : i32
      %dma_start3A_265 = tpu.memref_slice %arg6[%add3A_102, %dma_start3A_264] : memref<5120x128xf32, #tpu.memory_space<vmem_shared>> -> memref<128x128xf32, #tpu.memory_space<vmem_shared>>
      tpu.enqueue_dma source(%dma_start3A_265 : memref<128x128xf32, #tpu.memory_space<vmem_shared>>) target(%dma_start3A_263 : memref<128x128xf32, #tpu.memory_space<vmem>>) target_semaphore(%run_scoped3A : memref<!tpu.dma_semaphore, #tpu.memory_space<semaphore_mem>>)
      %dma_wait3A = arith.constant 0 : i32
      %dma_wait3A_266 = arith.constant 0 : i32
      %dma_wait3A_267 = tpu.memref_slice %arg10[%dma_wait3A, %dma_wait3A_266] : memref<128x128xf32, #tpu.memory_space<vmem>> -> memref<128x128xf32, #tpu.memory_space<vmem>>
      %dma_wait3A_268 = arith.constant 0 : i32
      %dma_wait3A_269 = tpu.memref_slice %arg6[%add3A_102, %dma_wait3A_268] : memref<5120x128xf32, #tpu.memory_space<vmem_shared>> -> memref<128x128xf32, #tpu.memory_space<vmem_shared>>
      %dma_wait3A_270 = arith.constant 0 : i32
      %dma_wait3A_271 = arith.constant 0 : i32
      %dma_wait3A_272 = tpu.memref_slice %arg10[%dma_wait3A_270, %dma_wait3A_271] : memref<128x128xf32, #tpu.memory_space<vmem>> -> memref<128x128xf32, #tpu.memory_space<vmem>>
      %dma_wait3A_273 = arith.constant 0 : i32
      %dma_wait3A_274 = tpu.memref_slice %arg6[%add3A_102, %dma_wait3A_273] : memref<5120x128xf32, #tpu.memory_space<vmem_shared>> -> memref<128x128xf32, #tpu.memory_space<vmem_shared>>
      tpu.wait_dma2 semaphore(%run_scoped3A : memref<!tpu.dma_semaphore, #tpu.memory_space<semaphore_mem>>) src(%dma_wait3A_274 : memref<128x128xf32, #tpu.memory_space<vmem_shared>>) dst(%dma_wait3A_272 : memref<128x128xf32, #tpu.memory_space<vmem>>)
      tpu.yield
    }) : () -> ()
    %mul3A_103 = arith.constant 2 : i32
    %mul3A_104 = arith.muli %arg0, %mul3A_103 : i32
    %add3A_105 = arith.constant 0 : i32
    %add3A_106 = arith.addi %mul3A_104, %add3A_105 : i32
    %mul3A_107 = arith.constant 320 : i32
    %mul3A_108 = arith.muli %arg1, %mul3A_107 : i32
    %add3A_109 = arith.constant 128 : i32
    %add3A_110 = arith.addi %mul3A_108, %add3A_109 : i32
    "tpu.region"() ({
      %run_scoped3A = tpu.sem_alloc : memref<!tpu.dma_semaphore, #tpu.memory_space<semaphore_mem>>
      %dma_start3A = arith.constant 0 : i32
      %dma_start3A_257 = arith.constant 0 : i32
      %dma_start3A_258 = tpu.memref_slice %arg10[%dma_start3A, %dma_start3A_257] : memref<128x128xf32, #tpu.memory_space<vmem>> -> memref<128x128xf32, #tpu.memory_space<vmem>>
      %dma_start3A_259 = arith.constant 0 : i32
      %dma_start3A_260 = tpu.memref_slice %arg5[%add3A_106, %add3A_110, %dma_start3A_259] : memref<4x5120x128xf32, #tpu.memory_space<hbm>> -> memref<1x128x128xf32, #tpu.memory_space<hbm>>
      %dma_start3A_261 = tpu.memref_squeeze %dma_start3A_260 : memref<1x128x128xf32, #tpu.memory_space<hbm>> -> memref<128x128xf32, #tpu.memory_space<hbm>>
      %dma_start3A_262 = arith.constant 0 : i32
      %dma_start3A_263 = tpu.memref_slice %arg5[%add3A_106, %add3A_110, %dma_start3A_262] : memref<4x5120x128xf32, #tpu.memory_space<hbm>> -> memref<1x128x128xf32, #tpu.memory_space<hbm>>
      %dma_start3A_264 = tpu.memref_squeeze %dma_start3A_263 : memref<1x128x128xf32, #tpu.memory_space<hbm>> -> memref<128x128xf32, #tpu.memory_space<hbm>>
      %dma_start3A_265 = arith.constant 0 : i32
      %dma_start3A_266 = arith.constant 0 : i32
      %dma_start3A_267 = tpu.memref_slice %arg10[%dma_start3A_265, %dma_start3A_266] : memref<128x128xf32, #tpu.memory_space<vmem>> -> memref<128x128xf32, #tpu.memory_space<vmem>>
      tpu.enqueue_dma source(%dma_start3A_267 : memref<128x128xf32, #tpu.memory_space<vmem>>) target(%dma_start3A_264 : memref<128x128xf32, #tpu.memory_space<hbm>>) target_semaphore(%run_scoped3A : memref<!tpu.dma_semaphore, #tpu.memory_space<semaphore_mem>>)
      %dma_wait3A = arith.constant 0 : i32
      %dma_wait3A_268 = arith.constant 0 : i32
      %dma_wait3A_269 = tpu.memref_slice %arg10[%dma_wait3A, %dma_wait3A_268] : memref<128x128xf32, #tpu.memory_space<vmem>> -> memref<128x128xf32, #tpu.memory_space<vmem>>
      %dma_wait3A_270 = arith.constant 0 : i32
      %dma_wait3A_271 = tpu.memref_slice %arg5[%add3A_106, %add3A_110, %dma_wait3A_270] : memref<4x5120x128xf32, #tpu.memory_space<hbm>> -> memref<1x128x128xf32, #tpu.memory_space<hbm>>
      %dma_wait3A_272 = tpu.memref_squeeze %dma_wait3A_271 : memref<1x128x128xf32, #tpu.memory_space<hbm>> -> memref<128x128xf32, #tpu.memory_space<hbm>>
      %dma_wait3A_273 = arith.constant 0 : i32
      %dma_wait3A_274 = tpu.memref_slice %arg5[%add3A_106, %add3A_110, %dma_wait3A_273] : memref<4x5120x128xf32, #tpu.memory_space<hbm>> -> memref<1x128x128xf32, #tpu.memory_space<hbm>>
      %dma_wait3A_275 = tpu.memref_squeeze %dma_wait3A_274 : memref<1x128x128xf32, #tpu.memory_space<hbm>> -> memref<128x128xf32, #tpu.memory_space<hbm>>
      %dma_wait3A_276 = arith.constant 0 : i32
      %dma_wait3A_277 = arith.constant 0 : i32
      %dma_wait3A_278 = tpu.memref_slice %arg10[%dma_wait3A_276, %dma_wait3A_277] : memref<128x128xf32, #tpu.memory_space<vmem>> -> memref<128x128xf32, #tpu.memory_space<vmem>>
      tpu.wait_dma2 semaphore(%run_scoped3A : memref<!tpu.dma_semaphore, #tpu.memory_space<semaphore_mem>>) src(%dma_wait3A_278 : memref<128x128xf32, #tpu.memory_space<vmem>>) dst(%dma_wait3A_275 : memref<128x128xf32, #tpu.memory_space<hbm>>)
      tpu.yield
    }) : () -> ()
    %mul3A_111 = arith.constant 320 : i32
    %mul3A_112 = arith.muli %arg1, %mul3A_111 : i32
    %add3A_113 = arith.constant 256 : i32
    %add3A_114 = arith.addi %mul3A_112, %add3A_113 : i32
    "tpu.region"() ({
      %run_scoped3A = tpu.sem_alloc : memref<!tpu.dma_semaphore, #tpu.memory_space<semaphore_mem>>
      %dma_start3A = arith.constant 0 : i32
      %dma_start3A_257 = arith.constant 0 : i32
      %dma_start3A_258 = tpu.memref_slice %arg10[%dma_start3A, %dma_start3A_257] : memref<128x128xf32, #tpu.memory_space<vmem>> -> memref<64x128xf32, #tpu.memory_space<vmem>>
      %dma_start3A_259 = arith.constant 0 : i32
      %dma_start3A_260 = tpu.memref_slice %arg6[%add3A_114, %dma_start3A_259] : memref<5120x128xf32, #tpu.memory_space<vmem_shared>> -> memref<64x128xf32, #tpu.memory_space<vmem_shared>>
      %dma_start3A_261 = arith.constant 0 : i32
      %dma_start3A_262 = arith.constant 0 : i32
      %dma_start3A_263 = tpu.memref_slice %arg10[%dma_start3A_261, %dma_start3A_262] : memref<128x128xf32, #tpu.memory_space<vmem>> -> memref<64x128xf32, #tpu.memory_space<vmem>>
      %dma_start3A_264 = arith.constant 0 : i32
      %dma_start3A_265 = tpu.memref_slice %arg6[%add3A_114, %dma_start3A_264] : memref<5120x128xf32, #tpu.memory_space<vmem_shared>> -> memref<64x128xf32, #tpu.memory_space<vmem_shared>>
      tpu.enqueue_dma source(%dma_start3A_265 : memref<64x128xf32, #tpu.memory_space<vmem_shared>>) target(%dma_start3A_263 : memref<64x128xf32, #tpu.memory_space<vmem>>) target_semaphore(%run_scoped3A : memref<!tpu.dma_semaphore, #tpu.memory_space<semaphore_mem>>)
      %dma_wait3A = arith.constant 0 : i32
      %dma_wait3A_266 = arith.constant 0 : i32
      %dma_wait3A_267 = tpu.memref_slice %arg10[%dma_wait3A, %dma_wait3A_266] : memref<128x128xf32, #tpu.memory_space<vmem>> -> memref<64x128xf32, #tpu.memory_space<vmem>>
      %dma_wait3A_268 = arith.constant 0 : i32
      %dma_wait3A_269 = tpu.memref_slice %arg6[%add3A_114, %dma_wait3A_268] : memref<5120x128xf32, #tpu.memory_space<vmem_shared>> -> memref<64x128xf32, #tpu.memory_space<vmem_shared>>
      %dma_wait3A_270 = arith.constant 0 : i32
      %dma_wait3A_271 = arith.constant 0 : i32
      %dma_wait3A_272 = tpu.memref_slice %arg10[%dma_wait3A_270, %dma_wait3A_271] : memref<128x128xf32, #tpu.memory_space<vmem>> -> memref<64x128xf32, #tpu.memory_space<vmem>>
      %dma_wait3A_273 = arith.constant 0 : i32
      %dma_wait3A_274 = tpu.memref_slice %arg6[%add3A_114, %dma_wait3A_273] : memref<5120x128xf32, #tpu.memory_space<vmem_shared>> -> memref<64x128xf32, #tpu.memory_space<vmem_shared>>
      tpu.wait_dma2 semaphore(%run_scoped3A : memref<!tpu.dma_semaphore, #tpu.memory_space<semaphore_mem>>) src(%dma_wait3A_274 : memref<64x128xf32, #tpu.memory_space<vmem_shared>>) dst(%dma_wait3A_272 : memref<64x128xf32, #tpu.memory_space<vmem>>)
      tpu.yield
    }) : () -> ()
    %mul3A_115 = arith.constant 2 : i32
    %mul3A_116 = arith.muli %arg0, %mul3A_115 : i32
    %add3A_117 = arith.constant 0 : i32
    %add3A_118 = arith.addi %mul3A_116, %add3A_117 : i32
    %mul3A_119 = arith.constant 320 : i32
    %mul3A_120 = arith.muli %arg1, %mul3A_119 : i32
    %add3A_121 = arith.constant 256 : i32
    %add3A_122 = arith.addi %mul3A_120, %add3A_121 : i32
    "tpu.region"() ({
      %run_scoped3A = tpu.sem_alloc : memref<!tpu.dma_semaphore, #tpu.memory_space<semaphore_mem>>
      %dma_start3A = arith.constant 0 : i32
      %dma_start3A_257 = arith.constant 0 : i32
      %dma_start3A_258 = tpu.memref_slice %arg10[%dma_start3A, %dma_start3A_257] : memref<128x128xf32, #tpu.memory_space<vmem>> -> memref<64x128xf32, #tpu.memory_space<vmem>>
      %dma_start3A_259 = arith.constant 0 : i32
      %dma_start3A_260 = tpu.memref_slice %arg5[%add3A_118, %add3A_122, %dma_start3A_259] : memref<4x5120x128xf32, #tpu.memory_space<hbm>> -> memref<1x64x128xf32, #tpu.memory_space<hbm>>
      %dma_start3A_261 = tpu.memref_squeeze %dma_start3A_260 : memref<1x64x128xf32, #tpu.memory_space<hbm>> -> memref<64x128xf32, #tpu.memory_space<hbm>>
      %dma_start3A_262 = arith.constant 0 : i32
      %dma_start3A_263 = tpu.memref_slice %arg5[%add3A_118, %add3A_122, %dma_start3A_262] : memref<4x5120x128xf32, #tpu.memory_space<hbm>> -> memref<1x64x128xf32, #tpu.memory_space<hbm>>
      %dma_start3A_264 = tpu.memref_squeeze %dma_start3A_263 : memref<1x64x128xf32, #tpu.memory_space<hbm>> -> memref<64x128xf32, #tpu.memory_space<hbm>>
      %dma_start3A_265 = arith.constant 0 : i32
      %dma_start3A_266 = arith.constant 0 : i32
      %dma_start3A_267 = tpu.memref_slice %arg10[%dma_start3A_265, %dma_start3A_266] : memref<128x128xf32, #tpu.memory_space<vmem>> -> memref<64x128xf32, #tpu.memory_space<vmem>>
      tpu.enqueue_dma source(%dma_start3A_267 : memref<64x128xf32, #tpu.memory_space<vmem>>) target(%dma_start3A_264 : memref<64x128xf32, #tpu.memory_space<hbm>>) target_semaphore(%run_scoped3A : memref<!tpu.dma_semaphore, #tpu.memory_space<semaphore_mem>>)
      %dma_wait3A = arith.constant 0 : i32
      %dma_wait3A_268 = arith.constant 0 : i32
      %dma_wait3A_269 = tpu.memref_slice %arg10[%dma_wait3A, %dma_wait3A_268] : memref<128x128xf32, #tpu.memory_space<vmem>> -> memref<64x128xf32, #tpu.memory_space<vmem>>
      %dma_wait3A_270 = arith.constant 0 : i32
      %dma_wait3A_271 = tpu.memref_slice %arg5[%add3A_118, %add3A_122, %dma_wait3A_270] : memref<4x5120x128xf32, #tpu.memory_space<hbm>> -> memref<1x64x128xf32, #tpu.memory_space<hbm>>
      %dma_wait3A_272 = tpu.memref_squeeze %dma_wait3A_271 : memref<1x64x128xf32, #tpu.memory_space<hbm>> -> memref<64x128xf32, #tpu.memory_space<hbm>>
      %dma_wait3A_273 = arith.constant 0 : i32
      %dma_wait3A_274 = tpu.memref_slice %arg5[%add3A_118, %add3A_122, %dma_wait3A_273] : memref<4x5120x128xf32, #tpu.memory_space<hbm>> -> memref<1x64x128xf32, #tpu.memory_space<hbm>>
      %dma_wait3A_275 = tpu.memref_squeeze %dma_wait3A_274 : memref<1x64x128xf32, #tpu.memory_space<hbm>> -> memref<64x128xf32, #tpu.memory_space<hbm>>
      %dma_wait3A_276 = arith.constant 0 : i32
      %dma_wait3A_277 = arith.constant 0 : i32
      %dma_wait3A_278 = tpu.memref_slice %arg10[%dma_wait3A_276, %dma_wait3A_277] : memref<128x128xf32, #tpu.memory_space<vmem>> -> memref<64x128xf32, #tpu.memory_space<vmem>>
      tpu.wait_dma2 semaphore(%run_scoped3A : memref<!tpu.dma_semaphore, #tpu.memory_space<semaphore_mem>>) src(%dma_wait3A_278 : memref<64x128xf32, #tpu.memory_space<vmem>>) dst(%dma_wait3A_275 : memref<64x128xf32, #tpu.memory_space<hbm>>)
      tpu.yield
    }) : () -> ()
    %barrier3A_123 = arith.constant 0 : index
    tpu.barrier barrier_id(%barrier3A_123)
    %mul3A_124 = arith.constant 2 : i32
    %mul3A_125 = arith.muli %arg0, %mul3A_124 : i32
    %add3A_126 = arith.constant 1 : i32
    %add3A_127 = arith.addi %mul3A_125, %add3A_126 : i32
    %mul3A_128 = arith.constant 5000 : i32
    %mul3A_129 = arith.muli %add3A_127, %mul3A_128 : i32
    "tpu.region"() ({
      %run_scoped3A = tpu.sem_alloc : memref<!tpu.dma_semaphore, #tpu.memory_space<semaphore_mem>>
      tpu.enqueue_dma source(%arg3 : memref<128x128xf32, #tpu.memory_space<hbm>>) target(%arg10 : memref<128x128xf32, #tpu.memory_space<vmem>>) target_semaphore(%run_scoped3A : memref<!tpu.dma_semaphore, #tpu.memory_space<semaphore_mem>>)
      tpu.wait_dma2 semaphore(%run_scoped3A : memref<!tpu.dma_semaphore, #tpu.memory_space<semaphore_mem>>) src(%arg3 : memref<128x128xf32, #tpu.memory_space<hbm>>) dst(%arg10 : memref<128x128xf32, #tpu.memory_space<vmem>>)
      tpu.yield
    }) : () -> ()
    %mul3A_130 = arith.constant 320 : i32
    %mul3A_131 = arith.muli %arg1, %mul3A_130 : i32
    %add3A_132 = arith.constant 0 : i32
    %add3A_133 = arith.addi %mul3A_131, %add3A_132 : i32
    "tpu.region"() ({
      %run_scoped3A = tpu.sem_alloc : memref<!tpu.dma_semaphore, #tpu.memory_space<semaphore_mem>>
      %dma_start3A = arith.constant 0 : i32
      %dma_start3A_257 = arith.constant 0 : i32
      %dma_start3A_258 = tpu.memref_slice %arg10[%dma_start3A, %dma_start3A_257] : memref<128x128xf32, #tpu.memory_space<vmem>> -> memref<128x128xf32, #tpu.memory_space<vmem>>
      %dma_start3A_259 = arith.constant 0 : i32
      %dma_start3A_260 = tpu.memref_slice %arg6[%add3A_133, %dma_start3A_259] : memref<5120x128xf32, #tpu.memory_space<vmem_shared>> -> memref<128x128xf32, #tpu.memory_space<vmem_shared>>
      %dma_start3A_261 = arith.constant 0 : i32
      %dma_start3A_262 = tpu.memref_slice %arg6[%add3A_133, %dma_start3A_261] : memref<5120x128xf32, #tpu.memory_space<vmem_shared>> -> memref<128x128xf32, #tpu.memory_space<vmem_shared>>
      %dma_start3A_263 = arith.constant 0 : i32
      %dma_start3A_264 = arith.constant 0 : i32
      %dma_start3A_265 = tpu.memref_slice %arg10[%dma_start3A_263, %dma_start3A_264] : memref<128x128xf32, #tpu.memory_space<vmem>> -> memref<128x128xf32, #tpu.memory_space<vmem>>
      tpu.enqueue_dma source(%dma_start3A_265 : memref<128x128xf32, #tpu.memory_space<vmem>>) target(%dma_start3A_262 : memref<128x128xf32, #tpu.memory_space<vmem_shared>>) target_semaphore(%run_scoped3A : memref<!tpu.dma_semaphore, #tpu.memory_space<semaphore_mem>>)
      %dma_wait3A = arith.constant 0 : i32
      %dma_wait3A_266 = arith.constant 0 : i32
      %dma_wait3A_267 = tpu.memref_slice %arg10[%dma_wait3A, %dma_wait3A_266] : memref<128x128xf32, #tpu.memory_space<vmem>> -> memref<128x128xf32, #tpu.memory_space<vmem>>
      %dma_wait3A_268 = arith.constant 0 : i32
      %dma_wait3A_269 = tpu.memref_slice %arg6[%add3A_133, %dma_wait3A_268] : memref<5120x128xf32, #tpu.memory_space<vmem_shared>> -> memref<128x128xf32, #tpu.memory_space<vmem_shared>>
      %dma_wait3A_270 = arith.constant 0 : i32
      %dma_wait3A_271 = tpu.memref_slice %arg6[%add3A_133, %dma_wait3A_270] : memref<5120x128xf32, #tpu.memory_space<vmem_shared>> -> memref<128x128xf32, #tpu.memory_space<vmem_shared>>
      %dma_wait3A_272 = arith.constant 0 : i32
      %dma_wait3A_273 = arith.constant 0 : i32
      %dma_wait3A_274 = tpu.memref_slice %arg10[%dma_wait3A_272, %dma_wait3A_273] : memref<128x128xf32, #tpu.memory_space<vmem>> -> memref<128x128xf32, #tpu.memory_space<vmem>>
      tpu.wait_dma2 semaphore(%run_scoped3A : memref<!tpu.dma_semaphore, #tpu.memory_space<semaphore_mem>>) src(%dma_wait3A_274 : memref<128x128xf32, #tpu.memory_space<vmem>>) dst(%dma_wait3A_271 : memref<128x128xf32, #tpu.memory_space<vmem_shared>>)
      tpu.yield
    }) : () -> ()
    %mul3A_134 = arith.constant 320 : i32
    %mul3A_135 = arith.muli %arg1, %mul3A_134 : i32
    %add3A_136 = arith.constant 128 : i32
    %add3A_137 = arith.addi %mul3A_135, %add3A_136 : i32
    "tpu.region"() ({
      %run_scoped3A = tpu.sem_alloc : memref<!tpu.dma_semaphore, #tpu.memory_space<semaphore_mem>>
      %dma_start3A = arith.constant 0 : i32
      %dma_start3A_257 = arith.constant 0 : i32
      %dma_start3A_258 = tpu.memref_slice %arg10[%dma_start3A, %dma_start3A_257] : memref<128x128xf32, #tpu.memory_space<vmem>> -> memref<128x128xf32, #tpu.memory_space<vmem>>
      %dma_start3A_259 = arith.constant 0 : i32
      %dma_start3A_260 = tpu.memref_slice %arg6[%add3A_137, %dma_start3A_259] : memref<5120x128xf32, #tpu.memory_space<vmem_shared>> -> memref<128x128xf32, #tpu.memory_space<vmem_shared>>
      %dma_start3A_261 = arith.constant 0 : i32
      %dma_start3A_262 = tpu.memref_slice %arg6[%add3A_137, %dma_start3A_261] : memref<5120x128xf32, #tpu.memory_space<vmem_shared>> -> memref<128x128xf32, #tpu.memory_space<vmem_shared>>
      %dma_start3A_263 = arith.constant 0 : i32
      %dma_start3A_264 = arith.constant 0 : i32
      %dma_start3A_265 = tpu.memref_slice %arg10[%dma_start3A_263, %dma_start3A_264] : memref<128x128xf32, #tpu.memory_space<vmem>> -> memref<128x128xf32, #tpu.memory_space<vmem>>
      tpu.enqueue_dma source(%dma_start3A_265 : memref<128x128xf32, #tpu.memory_space<vmem>>) target(%dma_start3A_262 : memref<128x128xf32, #tpu.memory_space<vmem_shared>>) target_semaphore(%run_scoped3A : memref<!tpu.dma_semaphore, #tpu.memory_space<semaphore_mem>>)
      %dma_wait3A = arith.constant 0 : i32
      %dma_wait3A_266 = arith.constant 0 : i32
      %dma_wait3A_267 = tpu.memref_slice %arg10[%dma_wait3A, %dma_wait3A_266] : memref<128x128xf32, #tpu.memory_space<vmem>> -> memref<128x128xf32, #tpu.memory_space<vmem>>
      %dma_wait3A_268 = arith.constant 0 : i32
      %dma_wait3A_269 = tpu.memref_slice %arg6[%add3A_137, %dma_wait3A_268] : memref<5120x128xf32, #tpu.memory_space<vmem_shared>> -> memref<128x128xf32, #tpu.memory_space<vmem_shared>>
      %dma_wait3A_270 = arith.constant 0 : i32
      %dma_wait3A_271 = tpu.memref_slice %arg6[%add3A_137, %dma_wait3A_270] : memref<5120x128xf32, #tpu.memory_space<vmem_shared>> -> memref<128x128xf32, #tpu.memory_space<vmem_shared>>
      %dma_wait3A_272 = arith.constant 0 : i32
      %dma_wait3A_273 = arith.constant 0 : i32
      %dma_wait3A_274 = tpu.memref_slice %arg10[%dma_wait3A_272, %dma_wait3A_273] : memref<128x128xf32, #tpu.memory_space<vmem>> -> memref<128x128xf32, #tpu.memory_space<vmem>>
      tpu.wait_dma2 semaphore(%run_scoped3A : memref<!tpu.dma_semaphore, #tpu.memory_space<semaphore_mem>>) src(%dma_wait3A_274 : memref<128x128xf32, #tpu.memory_space<vmem>>) dst(%dma_wait3A_271 : memref<128x128xf32, #tpu.memory_space<vmem_shared>>)
      tpu.yield
    }) : () -> ()
    %mul3A_138 = arith.constant 320 : i32
    %mul3A_139 = arith.muli %arg1, %mul3A_138 : i32
    %add3A_140 = arith.constant 256 : i32
    %add3A_141 = arith.addi %mul3A_139, %add3A_140 : i32
    "tpu.region"() ({
      %run_scoped3A = tpu.sem_alloc : memref<!tpu.dma_semaphore, #tpu.memory_space<semaphore_mem>>
      %dma_start3A = arith.constant 0 : i32
      %dma_start3A_257 = arith.constant 0 : i32
      %dma_start3A_258 = tpu.memref_slice %arg10[%dma_start3A, %dma_start3A_257] : memref<128x128xf32, #tpu.memory_space<vmem>> -> memref<64x128xf32, #tpu.memory_space<vmem>>
      %dma_start3A_259 = arith.constant 0 : i32
      %dma_start3A_260 = tpu.memref_slice %arg6[%add3A_141, %dma_start3A_259] : memref<5120x128xf32, #tpu.memory_space<vmem_shared>> -> memref<64x128xf32, #tpu.memory_space<vmem_shared>>
      %dma_start3A_261 = arith.constant 0 : i32
      %dma_start3A_262 = tpu.memref_slice %arg6[%add3A_141, %dma_start3A_261] : memref<5120x128xf32, #tpu.memory_space<vmem_shared>> -> memref<64x128xf32, #tpu.memory_space<vmem_shared>>
      %dma_start3A_263 = arith.constant 0 : i32
      %dma_start3A_264 = arith.constant 0 : i32
      %dma_start3A_265 = tpu.memref_slice %arg10[%dma_start3A_263, %dma_start3A_264] : memref<128x128xf32, #tpu.memory_space<vmem>> -> memref<64x128xf32, #tpu.memory_space<vmem>>
      tpu.enqueue_dma source(%dma_start3A_265 : memref<64x128xf32, #tpu.memory_space<vmem>>) target(%dma_start3A_262 : memref<64x128xf32, #tpu.memory_space<vmem_shared>>) target_semaphore(%run_scoped3A : memref<!tpu.dma_semaphore, #tpu.memory_space<semaphore_mem>>)
      %dma_wait3A = arith.constant 0 : i32
      %dma_wait3A_266 = arith.constant 0 : i32
      %dma_wait3A_267 = tpu.memref_slice %arg10[%dma_wait3A, %dma_wait3A_266] : memref<128x128xf32, #tpu.memory_space<vmem>> -> memref<64x128xf32, #tpu.memory_space<vmem>>
      %dma_wait3A_268 = arith.constant 0 : i32
      %dma_wait3A_269 = tpu.memref_slice %arg6[%add3A_141, %dma_wait3A_268] : memref<5120x128xf32, #tpu.memory_space<vmem_shared>> -> memref<64x128xf32, #tpu.memory_space<vmem_shared>>
      %dma_wait3A_270 = arith.constant 0 : i32
      %dma_wait3A_271 = tpu.memref_slice %arg6[%add3A_141, %dma_wait3A_270] : memref<5120x128xf32, #tpu.memory_space<vmem_shared>> -> memref<64x128xf32, #tpu.memory_space<vmem_shared>>
      %dma_wait3A_272 = arith.constant 0 : i32
      %dma_wait3A_273 = arith.constant 0 : i32
      %dma_wait3A_274 = tpu.memref_slice %arg10[%dma_wait3A_272, %dma_wait3A_273] : memref<128x128xf32, #tpu.memory_space<vmem>> -> memref<64x128xf32, #tpu.memory_space<vmem>>
      tpu.wait_dma2 semaphore(%run_scoped3A : memref<!tpu.dma_semaphore, #tpu.memory_space<semaphore_mem>>) src(%dma_wait3A_274 : memref<64x128xf32, #tpu.memory_space<vmem>>) dst(%dma_wait3A_271 : memref<64x128xf32, #tpu.memory_space<vmem_shared>>)
      tpu.yield
    }) : () -> ()
    %barrier3A_142 = arith.constant 0 : index
    tpu.barrier barrier_id(%barrier3A_142)
    %scan3A_143 = arith.constant 0 : i32
    %scan3A_144 = arith.constant 0 : i32
    %scan3A_145 = arith.constant 5 : i32
    %scan3A_146 = arith.addi %scan3A_144, %scan3A_145 : i32
    %scan3A_147 = arith.constant 1 : i32
    %scan3A_148 = scf.for %scan3A_257 = %scan3A_144 to %scan3A_146 step %scan3A_147 iter_args(%scan3A_258 = %scan3A_143) -> (i32)  : i32 {
      %mul3A_259 = arith.constant 20480 : i32
      %mul3A_260 = arith.muli %arg1, %mul3A_259 : i32
      %mul3A_261 = arith.constant 4096 : i32
      %mul3A_262 = arith.muli %scan3A_257, %mul3A_261 : i32
      %add3A_263 = arith.addi %mul3A_260, %mul3A_262 : i32
      "tpu.region"() ({
        %run_scoped3A = tpu.sem_alloc : memref<!tpu.dma_semaphore, #tpu.memory_space<semaphore_mem>>
        %dma_start3A = tpu.memref_slice %arg4[%add3A_263] : memref<327680xi32, #tpu.memory_space<hbm>> -> memref<4096xi32, #tpu.memory_space<hbm>>
        %dma_start3A_270 = tpu.memref_slice %arg4[%add3A_263] : memref<327680xi32, #tpu.memory_space<hbm>> -> memref<4096xi32, #tpu.memory_space<hbm>>
        tpu.enqueue_dma source(%dma_start3A_270 : memref<4096xi32, #tpu.memory_space<hbm>>) target(%arg7 : memref<4096xi32, #tpu.memory_space<vmem>>) target_semaphore(%run_scoped3A : memref<!tpu.dma_semaphore, #tpu.memory_space<semaphore_mem>>)
        %dma_wait3A = tpu.memref_slice %arg4[%add3A_263] : memref<327680xi32, #tpu.memory_space<hbm>> -> memref<4096xi32, #tpu.memory_space<hbm>>
        %dma_wait3A_271 = tpu.memref_slice %arg4[%add3A_263] : memref<327680xi32, #tpu.memory_space<hbm>> -> memref<4096xi32, #tpu.memory_space<hbm>>
        tpu.wait_dma2 semaphore(%run_scoped3A : memref<!tpu.dma_semaphore, #tpu.memory_space<semaphore_mem>>) src(%dma_wait3A_271 : memref<4096xi32, #tpu.memory_space<hbm>>) dst(%arg7 : memref<4096xi32, #tpu.memory_space<vmem>>)
        tpu.yield
      }) : () -> ()
      %scan3A_264 = arith.constant 0 : i32
      %scan3A_265 = arith.constant 256 : i32
      %scan3A_266 = arith.addi %scan3A_264, %scan3A_265 : i32
      %scan3A_267 = arith.constant 1 : i32
      %scan3A_268 = scf.for %scan3A_270 = %scan3A_264 to %scan3A_266 step %scan3A_267 iter_args(%scan3A_271 = %scan3A_258) -> (i32)  : i32 {
        %mul3A_272 = arith.constant 16 : i32
        %mul3A_273 = arith.muli %scan3A_270, %mul3A_272 : i32
        %get3A = arith.index_cast %mul3A_273 : i32 to index
        %get3A_274 = tpu.vector_load %arg7[%get3A] {strides = array<i32>} : memref<4096xi32, #tpu.memory_space<vmem>>, vector<16xi32>,
        %sub3A_275 = vector.broadcast %mul3A_129 : i32 to vector<16xi32>
        %sub3A_276 = arith.subi %get3A_274, %sub3A_275 : vector<16xi32>
        %ge3A = arith.constant 0 : i32
        %ge3A_277 = vector.broadcast %ge3A : i32 to vector<16xi32>
        %ge3A_278 = arith.cmpi sge, %sub3A_276, %ge3A_277 : vector<16xi32>
        %lt3A = arith.constant 5000 : i32
        %lt3A_279 = vector.broadcast %lt3A : i32 to vector<16xi32>
        %lt3A_280 = arith.cmpi slt, %sub3A_276, %lt3A_279 : vector<16xi32>
        %and3A_281 = arith.andi %ge3A_278, %lt3A_280 : vector<16xi1>
        %jit3A_282 = arith.constant 1 : i32
        %jit3A_283 = arith.constant 0 : i32
        %broadcast_in_dim3A_284 = vector.broadcast %jit3A_282 : i32 to vector<16xi32>
        %broadcast_in_dim3A_285 = vector.broadcast %jit3A_283 : i32 to vector<16xi32>
        %select_n3A_286 = arith.select %and3A_281, %broadcast_in_dim3A_284, %broadcast_in_dim3A_285 : vector<16xi1>, vector<16xi32>
        %broadcast_in_dim3A_287 = arith.constant true
        %broadcast_in_dim3A_288 = vector.broadcast %broadcast_in_dim3A_287 : i1 to vector<16xi1>
        %masked_cumsum3A = tpu.scan <sum>, %select_n3A_286 masked %broadcast_in_dim3A_288 : vector<16xi32>, vector<16xi1> -> vector<16xi32>
        %add3A_289 = vector.broadcast %scan3A_271 : i32 to vector<16xi32>
        %add3A_290 = arith.addi %add3A_289, %masked_cumsum3A : vector<16xi32>
        %sub3A_291 = arith.constant 1 : i32
        %sub3A_292 = vector.broadcast %sub3A_291 : i32 to vector<16xi32>
        %sub3A_293 = arith.subi %add3A_290, %sub3A_292 : vector<16xi32>
        tpu.vector_store_idx %arg8[%sub3A_293], %sub3A_276 masked %and3A_281 : memref<20608xi32, #tpu.memory_space<vmem>>[vector<16xi32>], vector<16xi32>, vector<16xi1>
        %reduce_sum3A = arith.constant true
        %reduce_sum3A_294 = vector.broadcast %reduce_sum3A : i1 to vector<16xi1>
        %reduce_sum3A_295 = tpu.scan <sum>, %select_n3A_286 masked %reduce_sum3A_294 : vector<16xi32>, vector<16xi1> -> vector<16xi32>
        %reduce_sum3A_296 = vector.extract %reduce_sum3A_295[15] : i32 from vector<16xi32>
        %add3A_297 = arith.addi %scan3A_271, %reduce_sum3A_296 : i32
        scf.yield %add3A_297 : i32
      }
      %scan3A_269 = arith.constant 256 : i32
      scf.yield %scan3A_268 : i32
    }
    %scan3A_149 = arith.constant 5 : i32
    %add3A_150 = arith.constant 0 : i32
    %add3A_151 = arith.addi %scan3A_148, %add3A_150 : i32
    %add3A_152 = vector.broadcast %add3A_151 : i32 to vector<16xi32>
    %add3A_153 = arith.addi %add3A_152, %iota3A : vector<16xi32>
    tpu.vector_store_idx %arg8[%add3A_153], %add3A_1 : memref<20608xi32, #tpu.memory_space<vmem>>[vector<16xi32>], vector<16xi32>,
    %add3A_154 = arith.constant 16 : i32
    %add3A_155 = arith.addi %scan3A_148, %add3A_154 : i32
    %add3A_156 = vector.broadcast %add3A_155 : i32 to vector<16xi32>
    %add3A_157 = arith.addi %add3A_156, %iota3A : vector<16xi32>
    tpu.vector_store_idx %arg8[%add3A_157], %add3A_1 : memref<20608xi32, #tpu.memory_space<vmem>>[vector<16xi32>], vector<16xi32>,
    %add3A_158 = arith.constant 32 : i32
    %add3A_159 = arith.addi %scan3A_148, %add3A_158 : i32
    %add3A_160 = vector.broadcast %add3A_159 : i32 to vector<16xi32>
    %add3A_161 = arith.addi %add3A_160, %iota3A : vector<16xi32>
    tpu.vector_store_idx %arg8[%add3A_161], %add3A_1 : memref<20608xi32, #tpu.memory_space<vmem>>[vector<16xi32>], vector<16xi32>,
    %add3A_162 = arith.constant 48 : i32
    %add3A_163 = arith.addi %scan3A_148, %add3A_162 : i32
    %add3A_164 = vector.broadcast %add3A_163 : i32 to vector<16xi32>
    %add3A_165 = arith.addi %add3A_164, %iota3A : vector<16xi32>
    tpu.vector_store_idx %arg8[%add3A_165], %add3A_1 : memref<20608xi32, #tpu.memory_space<vmem>>[vector<16xi32>], vector<16xi32>,
    %add3A_166 = arith.constant 64 : i32
    %add3A_167 = arith.addi %scan3A_148, %add3A_166 : i32
    %add3A_168 = vector.broadcast %add3A_167 : i32 to vector<16xi32>
    %add3A_169 = arith.addi %add3A_168, %iota3A : vector<16xi32>
    tpu.vector_store_idx %arg8[%add3A_169], %add3A_1 : memref<20608xi32, #tpu.memory_space<vmem>>[vector<16xi32>], vector<16xi32>,
    %add3A_170 = arith.constant 80 : i32
    %add3A_171 = arith.addi %scan3A_148, %add3A_170 : i32
    %add3A_172 = vector.broadcast %add3A_171 : i32 to vector<16xi32>
    %add3A_173 = arith.addi %add3A_172, %iota3A : vector<16xi32>
    tpu.vector_store_idx %arg8[%add3A_173], %add3A_1 : memref<20608xi32, #tpu.memory_space<vmem>>[vector<16xi32>], vector<16xi32>,
    %add3A_174 = arith.constant 96 : i32
    %add3A_175 = arith.addi %scan3A_148, %add3A_174 : i32
    %add3A_176 = vector.broadcast %add3A_175 : i32 to vector<16xi32>
    %add3A_177 = arith.addi %add3A_176, %iota3A : vector<16xi32>
    tpu.vector_store_idx %arg8[%add3A_177], %add3A_1 : memref<20608xi32, #tpu.memory_space<vmem>>[vector<16xi32>], vector<16xi32>,
    %add3A_178 = arith.constant 112 : i32
    %add3A_179 = arith.addi %scan3A_148, %add3A_178 : i32
    %add3A_180 = vector.broadcast %add3A_179 : i32 to vector<16xi32>
    %add3A_181 = arith.addi %add3A_180, %iota3A : vector<16xi32>
    tpu.vector_store_idx %arg8[%add3A_181], %add3A_1 : memref<20608xi32, #tpu.memory_space<vmem>>[vector<16xi32>], vector<16xi32>,
    %add3A_182 = arith.constant 128 : i32
    %add3A_183 = arith.addi %scan3A_148, %add3A_182 : i32
    %sub3A_184 = arith.constant 1 : i32
    %sub3A_185 = arith.subi %add3A_183, %sub3A_184 : i32
    %jit3A_186 = arith.constant 128 : i32
    %div3A_187 = arith.divsi %sub3A_185, %jit3A_186 : i32
    %sign3A_188 = arith.constant 0 : i32
    %sign3A_189 = arith.cmpi sgt, %sub3A_185, %sign3A_188 : i32
    %sign3A_190 = arith.extui %sign3A_189 : i1 to i32
    %sign3A_191 = arith.constant 0 : i32
    %sign3A_192 = arith.cmpi slt, %sub3A_185, %sign3A_191 : i32
    %sign3A_193 = arith.extui %sign3A_192 : i1 to i32
    %sign3A_194 = arith.subi %sign3A_190, %sign3A_193 : i32
    %sign3A_195 = arith.constant 0 : i32
    %sign3A_196 = arith.cmpi sgt, %jit3A_186, %sign3A_195 : i32
    %sign3A_197 = arith.extui %sign3A_196 : i1 to i32
    %sign3A_198 = arith.constant 0 : i32
    %sign3A_199 = arith.cmpi slt, %jit3A_186, %sign3A_198 : i32
    %sign3A_200 = arith.extui %sign3A_199 : i1 to i32
    %sign3A_201 = arith.subi %sign3A_197, %sign3A_200 : i32
    %ne3A_202 = arith.cmpi ne, %sign3A_194, %sign3A_201 : i32
    %rem3A_203 = arith.remsi %sub3A_185, %jit3A_186 : i32
    %ne3A_204 = arith.constant 0 : i32
    %ne3A_205 = arith.cmpi ne, %rem3A_203, %ne3A_204 : i32
    %and3A_206 = arith.andi %ne3A_202, %ne3A_205 : i1
    %sub3A_207 = arith.constant 1 : i32
    %sub3A_208 = arith.subi %div3A_187, %sub3A_207 : i32
    %select_n3A_209 = arith.select %and3A_206, %sub3A_208, %div3A_187 : i32
    %while3A_210 = arith.constant 0 : i32
    %while3A_211 = arith.constant 0 : i32
    %while3A_212 = arith.subi %select_n3A_209, %while3A_211 : i32
    %while3A_213 = arith.addi %while3A_211, %while3A_212 : i32
    %while3A_214 = arith.constant 1 : i32
    %while3A_215 = arith.divsi %while3A_212, %while3A_214 : i32
    %while3A_216 = arith.muli %while3A_215, %while3A_214 : i32
    %while3A_217 = arith.addi %while3A_211, %while3A_216 : i32
    %while3A_218 = arith.constant 1 : i32
    scf.for %while3A_257 = %while3A_211 to %while3A_217 step %while3A_218  : i32 {
      %mul3A_258 = arith.constant 128 : i32
      %mul3A_259 = arith.muli %while3A_257, %mul3A_258 : i32
      "tpu.region"() ({
        %run_scoped3A = tpu.sem_alloc : memref<!tpu.dma_semaphore, #tpu.memory_space<semaphore_mem>>
        %dma_start3A = tpu.memref_slice %arg8[%mul3A_259] : memref<20608xi32, #tpu.memory_space<vmem>> -> memref<128xi32, #tpu.memory_space<vmem>>
        %dma_start3A_260 = arith.constant 0 : i32
        %dma_start3A_261 = arith.constant 0 : i32
        %dma_start3A_262 = tpu.memref_slice %arg6[%dma_start3A_260, %dma_start3A_261] : memref<5120x128xf32, #tpu.memory_space<vmem_shared>> -> memref<5120x128xf32, #tpu.memory_space<vmem_shared>>
        tpu.enqueue_indirect_dma source(%arg9 : memref<128x128xf32, #tpu.memory_space<vmem>>) target(%dma_start3A_262 : memref<5120x128xf32, #tpu.memory_space<vmem_shared>>) offsets(%dma_start3A : memref<128xi32, #tpu.memory_space<vmem>>) semaphore(%run_scoped3A : memref<!tpu.dma_semaphore, #tpu.memory_space<semaphore_mem>>) {add = true}
        %dma_wait3A = tpu.memref_slice %arg8[%mul3A_259] : memref<20608xi32, #tpu.memory_space<vmem>> -> memref<128xi32, #tpu.memory_space<vmem>>
        %dma_wait3A_263 = arith.constant 0 : i32
        %dma_wait3A_264 = arith.constant 0 : i32
        %dma_wait3A_265 = tpu.memref_slice %arg6[%dma_wait3A_263, %dma_wait3A_264] : memref<5120x128xf32, #tpu.memory_space<vmem_shared>> -> memref<5120x128xf32, #tpu.memory_space<vmem_shared>>
        tpu.wait_indirect_dma semaphore(%run_scoped3A : memref<!tpu.dma_semaphore, #tpu.memory_space<semaphore_mem>>) src(%arg9 : memref<128x128xf32, #tpu.memory_space<vmem>>) dst(%dma_wait3A_265 : memref<5120x128xf32, #tpu.memory_space<vmem_shared>>)
        tpu.yield
      }) : () -> ()
    }
    %while3A_219 = arith.constant 1 : i32
    scf.for %while3A_257 = %while3A_217 to %while3A_213 step %while3A_219  : i32 {
      %mul3A_258 = arith.constant 128 : i32
      %mul3A_259 = arith.muli %while3A_257, %mul3A_258 : i32
      "tpu.region"() ({
        %run_scoped3A = tpu.sem_alloc : memref<!tpu.dma_semaphore, #tpu.memory_space<semaphore_mem>>
        %dma_start3A = tpu.memref_slice %arg8[%mul3A_259] : memref<20608xi32, #tpu.memory_space<vmem>> -> memref<128xi32, #tpu.memory_space<vmem>>
        %dma_start3A_260 = arith.constant 0 : i32
        %dma_start3A_261 = arith.constant 0 : i32
        %dma_start3A_262 = tpu.memref_slice %arg6[%dma_start3A_260, %dma_start3A_261] : memref<5120x128xf32, #tpu.memory_space<vmem_shared>> -> memref<5120x128xf32, #tpu.memory_space<vmem_shared>>
        tpu.enqueue_indirect_dma source(%arg9 : memref<128x128xf32, #tpu.memory_space<vmem>>) target(%dma_start3A_262 : memref<5120x128xf32, #tpu.memory_space<vmem_shared>>) offsets(%dma_start3A : memref<128xi32, #tpu.memory_space<vmem>>) semaphore(%run_scoped3A : memref<!tpu.dma_semaphore, #tpu.memory_space<semaphore_mem>>) {add = true}
        %dma_wait3A = tpu.memref_slice %arg8[%mul3A_259] : memref<20608xi32, #tpu.memory_space<vmem>> -> memref<128xi32, #tpu.memory_space<vmem>>
        %dma_wait3A_263 = arith.constant 0 : i32
        %dma_wait3A_264 = arith.constant 0 : i32
        %dma_wait3A_265 = tpu.memref_slice %arg6[%dma_wait3A_263, %dma_wait3A_264] : memref<5120x128xf32, #tpu.memory_space<vmem_shared>> -> memref<5120x128xf32, #tpu.memory_space<vmem_shared>>
        tpu.wait_indirect_dma semaphore(%run_scoped3A : memref<!tpu.dma_semaphore, #tpu.memory_space<semaphore_mem>>) src(%arg9 : memref<128x128xf32, #tpu.memory_space<vmem>>) dst(%dma_wait3A_265 : memref<5120x128xf32, #tpu.memory_space<vmem_shared>>)
        tpu.yield
      }) : () -> ()
    }
    %barrier3A_220 = arith.constant 0 : index
    tpu.barrier barrier_id(%barrier3A_220)
    %mul3A_221 = arith.constant 320 : i32
    %mul3A_222 = arith.muli %arg1, %mul3A_221 : i32
    %add3A_223 = arith.constant 0 : i32
    %add3A_224 = arith.addi %mul3A_222, %add3A_223 : i32
    "tpu.region"() ({
      %run_scoped3A = tpu.sem_alloc : memref<!tpu.dma_semaphore, #tpu.memory_space<semaphore_mem>>
      %dma_start3A = arith.constant 0 : i32
      %dma_start3A_257 = arith.constant 0 : i32
      %dma_start3A_258 = tpu.memref_slice %arg10[%dma_start3A, %dma_start3A_257] : memref<128x128xf32, #tpu.memory_space<vmem>> -> memref<128x128xf32, #tpu.memory_space<vmem>>
      %dma_start3A_259 = arith.constant 0 : i32
      %dma_start3A_260 = tpu.memref_slice %arg6[%add3A_224, %dma_start3A_259] : memref<5120x128xf32, #tpu.memory_space<vmem_shared>> -> memref<128x128xf32, #tpu.memory_space<vmem_shared>>
      %dma_start3A_261 = arith.constant 0 : i32
      %dma_start3A_262 = arith.constant 0 : i32
      %dma_start3A_263 = tpu.memref_slice %arg10[%dma_start3A_261, %dma_start3A_262] : memref<128x128xf32, #tpu.memory_space<vmem>> -> memref<128x128xf32, #tpu.memory_space<vmem>>
      %dma_start3A_264 = arith.constant 0 : i32
      %dma_start3A_265 = tpu.memref_slice %arg6[%add3A_224, %dma_start3A_264] : memref<5120x128xf32, #tpu.memory_space<vmem_shared>> -> memref<128x128xf32, #tpu.memory_space<vmem_shared>>
      tpu.enqueue_dma source(%dma_start3A_265 : memref<128x128xf32, #tpu.memory_space<vmem_shared>>) target(%dma_start3A_263 : memref<128x128xf32, #tpu.memory_space<vmem>>) target_semaphore(%run_scoped3A : memref<!tpu.dma_semaphore, #tpu.memory_space<semaphore_mem>>)
      %dma_wait3A = arith.constant 0 : i32
      %dma_wait3A_266 = arith.constant 0 : i32
      %dma_wait3A_267 = tpu.memref_slice %arg10[%dma_wait3A, %dma_wait3A_266] : memref<128x128xf32, #tpu.memory_space<vmem>> -> memref<128x128xf32, #tpu.memory_space<vmem>>
      %dma_wait3A_268 = arith.constant 0 : i32
      %dma_wait3A_269 = tpu.memref_slice %arg6[%add3A_224, %dma_wait3A_268] : memref<5120x128xf32, #tpu.memory_space<vmem_shared>> -> memref<128x128xf32, #tpu.memory_space<vmem_shared>>
      %dma_wait3A_270 = arith.constant 0 : i32
      %dma_wait3A_271 = arith.constant 0 : i32
      %dma_wait3A_272 = tpu.memref_slice %arg10[%dma_wait3A_270, %dma_wait3A_271] : memref<128x128xf32, #tpu.memory_space<vmem>> -> memref<128x128xf32, #tpu.memory_space<vmem>>
      %dma_wait3A_273 = arith.constant 0 : i32
      %dma_wait3A_274 = tpu.memref_slice %arg6[%add3A_224, %dma_wait3A_273] : memref<5120x128xf32, #tpu.memory_space<vmem_shared>> -> memref<128x128xf32, #tpu.memory_space<vmem_shared>>
      tpu.wait_dma2 semaphore(%run_scoped3A : memref<!tpu.dma_semaphore, #tpu.memory_space<semaphore_mem>>) src(%dma_wait3A_274 : memref<128x128xf32, #tpu.memory_space<vmem_shared>>) dst(%dma_wait3A_272 : memref<128x128xf32, #tpu.memory_space<vmem>>)
      tpu.yield
    }) : () -> ()
    %mul3A_225 = arith.constant 2 : i32
    %mul3A_226 = arith.muli %arg0, %mul3A_225 : i32
    %add3A_227 = arith.constant 1 : i32
    %add3A_228 = arith.addi %mul3A_226, %add3A_227 : i32
    %mul3A_229 = arith.constant 320 : i32
    %mul3A_230 = arith.muli %arg1, %mul3A_229 : i32
    %add3A_231 = arith.constant 0 : i32
    %add3A_232 = arith.addi %mul3A_230, %add3A_231 : i32
    "tpu.region"() ({
      %run_scoped3A = tpu.sem_alloc : memref<!tpu.dma_semaphore, #tpu.memory_space<semaphore_mem>>
      %dma_start3A = arith.constant 0 : i32
      %dma_start3A_257 = arith.constant 0 : i32
      %dma_start3A_258 = tpu.memref_slice %arg10[%dma_start3A, %dma_start3A_257] : memref<128x128xf32, #tpu.memory_space<vmem>> -> memref<128x128xf32, #tpu.memory_space<vmem>>
      %dma_start3A_259 = arith.constant 0 : i32
      %dma_start3A_260 = tpu.memref_slice %arg5[%add3A_228, %add3A_232, %dma_start3A_259] : memref<4x5120x128xf32, #tpu.memory_space<hbm>> -> memref<1x128x128xf32, #tpu.memory_space<hbm>>
      %dma_start3A_261 = tpu.memref_squeeze %dma_start3A_260 : memref<1x128x128xf32, #tpu.memory_space<hbm>> -> memref<128x128xf32, #tpu.memory_space<hbm>>
      %dma_start3A_262 = arith.constant 0 : i32
      %dma_start3A_263 = tpu.memref_slice %arg5[%add3A_228, %add3A_232, %dma_start3A_262] : memref<4x5120x128xf32, #tpu.memory_space<hbm>> -> memref<1x128x128xf32, #tpu.memory_space<hbm>>
      %dma_start3A_264 = tpu.memref_squeeze %dma_start3A_263 : memref<1x128x128xf32, #tpu.memory_space<hbm>> -> memref<128x128xf32, #tpu.memory_space<hbm>>
      %dma_start3A_265 = arith.constant 0 : i32
      %dma_start3A_266 = arith.constant 0 : i32
      %dma_start3A_267 = tpu.memref_slice %arg10[%dma_start3A_265, %dma_start3A_266] : memref<128x128xf32, #tpu.memory_space<vmem>> -> memref<128x128xf32, #tpu.memory_space<vmem>>
      tpu.enqueue_dma source(%dma_start3A_267 : memref<128x128xf32, #tpu.memory_space<vmem>>) target(%dma_start3A_264 : memref<128x128xf32, #tpu.memory_space<hbm>>) target_semaphore(%run_scoped3A : memref<!tpu.dma_semaphore, #tpu.memory_space<semaphore_mem>>)
      %dma_wait3A = arith.constant 0 : i32
      %dma_wait3A_268 = arith.constant 0 : i32
      %dma_wait3A_269 = tpu.memref_slice %arg10[%dma_wait3A, %dma_wait3A_268] : memref<128x128xf32, #tpu.memory_space<vmem>> -> memref<128x128xf32, #tpu.memory_space<vmem>>
      %dma_wait3A_270 = arith.constant 0 : i32
      %dma_wait3A_271 = tpu.memref_slice %arg5[%add3A_228, %add3A_232, %dma_wait3A_270] : memref<4x5120x128xf32, #tpu.memory_space<hbm>> -> memref<1x128x128xf32, #tpu.memory_space<hbm>>
      %dma_wait3A_272 = tpu.memref_squeeze %dma_wait3A_271 : memref<1x128x128xf32, #tpu.memory_space<hbm>> -> memref<128x128xf32, #tpu.memory_space<hbm>>
      %dma_wait3A_273 = arith.constant 0 : i32
      %dma_wait3A_274 = tpu.memref_slice %arg5[%add3A_228, %add3A_232, %dma_wait3A_273] : memref<4x5120x128xf32, #tpu.memory_space<hbm>> -> memref<1x128x128xf32, #tpu.memory_space<hbm>>
      %dma_wait3A_275 = tpu.memref_squeeze %dma_wait3A_274 : memref<1x128x128xf32, #tpu.memory_space<hbm>> -> memref<128x128xf32, #tpu.memory_space<hbm>>
      %dma_wait3A_276 = arith.constant 0 : i32
      %dma_wait3A_277 = arith.constant 0 : i32
      %dma_wait3A_278 = tpu.memref_slice %arg10[%dma_wait3A_276, %dma_wait3A_277] : memref<128x128xf32, #tpu.memory_space<vmem>> -> memref<128x128xf32, #tpu.memory_space<vmem>>
      tpu.wait_dma2 semaphore(%run_scoped3A : memref<!tpu.dma_semaphore, #tpu.memory_space<semaphore_mem>>) src(%dma_wait3A_278 : memref<128x128xf32, #tpu.memory_space<vmem>>) dst(%dma_wait3A_275 : memref<128x128xf32, #tpu.memory_space<hbm>>)
      tpu.yield
    }) : () -> ()
    %mul3A_233 = arith.constant 320 : i32
    %mul3A_234 = arith.muli %arg1, %mul3A_233 : i32
    %add3A_235 = arith.constant 128 : i32
    %add3A_236 = arith.addi %mul3A_234, %add3A_235 : i32
    "tpu.region"() ({
      %run_scoped3A = tpu.sem_alloc : memref<!tpu.dma_semaphore, #tpu.memory_space<semaphore_mem>>
      %dma_start3A = arith.constant 0 : i32
      %dma_start3A_257 = arith.constant 0 : i32
      %dma_start3A_258 = tpu.memref_slice %arg10[%dma_start3A, %dma_start3A_257] : memref<128x128xf32, #tpu.memory_space<vmem>> -> memref<128x128xf32, #tpu.memory_space<vmem>>
      %dma_start3A_259 = arith.constant 0 : i32
      %dma_start3A_260 = tpu.memref_slice %arg6[%add3A_236, %dma_start3A_259] : memref<5120x128xf32, #tpu.memory_space<vmem_shared>> -> memref<128x128xf32, #tpu.memory_space<vmem_shared>>
      %dma_start3A_261 = arith.constant 0 : i32
      %dma_start3A_262 = arith.constant 0 : i32
      %dma_start3A_263 = tpu.memref_slice %arg10[%dma_start3A_261, %dma_start3A_262] : memref<128x128xf32, #tpu.memory_space<vmem>> -> memref<128x128xf32, #tpu.memory_space<vmem>>
      %dma_start3A_264 = arith.constant 0 : i32
      %dma_start3A_265 = tpu.memref_slice %arg6[%add3A_236, %dma_start3A_264] : memref<5120x128xf32, #tpu.memory_space<vmem_shared>> -> memref<128x128xf32, #tpu.memory_space<vmem_shared>>
      tpu.enqueue_dma source(%dma_start3A_265 : memref<128x128xf32, #tpu.memory_space<vmem_shared>>) target(%dma_start3A_263 : memref<128x128xf32, #tpu.memory_space<vmem>>) target_semaphore(%run_scoped3A : memref<!tpu.dma_semaphore, #tpu.memory_space<semaphore_mem>>)
      %dma_wait3A = arith.constant 0 : i32
      %dma_wait3A_266 = arith.constant 0 : i32
      %dma_wait3A_267 = tpu.memref_slice %arg10[%dma_wait3A, %dma_wait3A_266] : memref<128x128xf32, #tpu.memory_space<vmem>> -> memref<128x128xf32, #tpu.memory_space<vmem>>
      %dma_wait3A_268 = arith.constant 0 : i32
      %dma_wait3A_269 = tpu.memref_slice %arg6[%add3A_236, %dma_wait3A_268] : memref<5120x128xf32, #tpu.memory_space<vmem_shared>> -> memref<128x128xf32, #tpu.memory_space<vmem_shared>>
      %dma_wait3A_270 = arith.constant 0 : i32
      %dma_wait3A_271 = arith.constant 0 : i32
      %dma_wait3A_272 = tpu.memref_slice %arg10[%dma_wait3A_270, %dma_wait3A_271] : memref<128x128xf32, #tpu.memory_space<vmem>> -> memref<128x128xf32, #tpu.memory_space<vmem>>
      %dma_wait3A_273 = arith.constant 0 : i32
      %dma_wait3A_274 = tpu.memref_slice %arg6[%add3A_236, %dma_wait3A_273] : memref<5120x128xf32, #tpu.memory_space<vmem_shared>> -> memref<128x128xf32, #tpu.memory_space<vmem_shared>>
      tpu.wait_dma2 semaphore(%run_scoped3A : memref<!tpu.dma_semaphore, #tpu.memory_space<semaphore_mem>>) src(%dma_wait3A_274 : memref<128x128xf32, #tpu.memory_space<vmem_shared>>) dst(%dma_wait3A_272 : memref<128x128xf32, #tpu.memory_space<vmem>>)
      tpu.yield
    }) : () -> ()
    %mul3A_237 = arith.constant 2 : i32
    %mul3A_238 = arith.muli %arg0, %mul3A_237 : i32
    %add3A_239 = arith.constant 1 : i32
    %add3A_240 = arith.addi %mul3A_238, %add3A_239 : i32
    %mul3A_241 = arith.constant 320 : i32
    %mul3A_242 = arith.muli %arg1, %mul3A_241 : i32
    %add3A_243 = arith.constant 128 : i32
    %add3A_244 = arith.addi %mul3A_242, %add3A_243 : i32
    "tpu.region"() ({
      %run_scoped3A = tpu.sem_alloc : memref<!tpu.dma_semaphore, #tpu.memory_space<semaphore_mem>>
      %dma_start3A = arith.constant 0 : i32
      %dma_start3A_257 = arith.constant 0 : i32
      %dma_start3A_258 = tpu.memref_slice %arg10[%dma_start3A, %dma_start3A_257] : memref<128x128xf32, #tpu.memory_space<vmem>> -> memref<128x128xf32, #tpu.memory_space<vmem>>
      %dma_start3A_259 = arith.constant 0 : i32
      %dma_start3A_260 = tpu.memref_slice %arg5[%add3A_240, %add3A_244, %dma_start3A_259] : memref<4x5120x128xf32, #tpu.memory_space<hbm>> -> memref<1x128x128xf32, #tpu.memory_space<hbm>>
      %dma_start3A_261 = tpu.memref_squeeze %dma_start3A_260 : memref<1x128x128xf32, #tpu.memory_space<hbm>> -> memref<128x128xf32, #tpu.memory_space<hbm>>
      %dma_start3A_262 = arith.constant 0 : i32
      %dma_start3A_263 = tpu.memref_slice %arg5[%add3A_240, %add3A_244, %dma_start3A_262] : memref<4x5120x128xf32, #tpu.memory_space<hbm>> -> memref<1x128x128xf32, #tpu.memory_space<hbm>>
      %dma_start3A_264 = tpu.memref_squeeze %dma_start3A_263 : memref<1x128x128xf32, #tpu.memory_space<hbm>> -> memref<128x128xf32, #tpu.memory_space<hbm>>
      %dma_start3A_265 = arith.constant 0 : i32
      %dma_start3A_266 = arith.constant 0 : i32
      %dma_start3A_267 = tpu.memref_slice %arg10[%dma_start3A_265, %dma_start3A_266] : memref<128x128xf32, #tpu.memory_space<vmem>> -> memref<128x128xf32, #tpu.memory_space<vmem>>
      tpu.enqueue_dma source(%dma_start3A_267 : memref<128x128xf32, #tpu.memory_space<vmem>>) target(%dma_start3A_264 : memref<128x128xf32, #tpu.memory_space<hbm>>) target_semaphore(%run_scoped3A : memref<!tpu.dma_semaphore, #tpu.memory_space<semaphore_mem>>)
      %dma_wait3A = arith.constant 0 : i32
      %dma_wait3A_268 = arith.constant 0 : i32
      %dma_wait3A_269 = tpu.memref_slice %arg10[%dma_wait3A, %dma_wait3A_268] : memref<128x128xf32, #tpu.memory_space<vmem>> -> memref<128x128xf32, #tpu.memory_space<vmem>>
      %dma_wait3A_270 = arith.constant 0 : i32
      %dma_wait3A_271 = tpu.memref_slice %arg5[%add3A_240, %add3A_244, %dma_wait3A_270] : memref<4x5120x128xf32, #tpu.memory_space<hbm>> -> memref<1x128x128xf32, #tpu.memory_space<hbm>>
      %dma_wait3A_272 = tpu.memref_squeeze %dma_wait3A_271 : memref<1x128x128xf32, #tpu.memory_space<hbm>> -> memref<128x128xf32, #tpu.memory_space<hbm>>
      %dma_wait3A_273 = arith.constant 0 : i32
      %dma_wait3A_274 = tpu.memref_slice %arg5[%add3A_240, %add3A_244, %dma_wait3A_273] : memref<4x5120x128xf32, #tpu.memory_space<hbm>> -> memref<1x128x128xf32, #tpu.memory_space<hbm>>
      %dma_wait3A_275 = tpu.memref_squeeze %dma_wait3A_274 : memref<1x128x128xf32, #tpu.memory_space<hbm>> -> memref<128x128xf32, #tpu.memory_space<hbm>>
      %dma_wait3A_276 = arith.constant 0 : i32
      %dma_wait3A_277 = arith.constant 0 : i32
      %dma_wait3A_278 = tpu.memref_slice %arg10[%dma_wait3A_276, %dma_wait3A_277] : memref<128x128xf32, #tpu.memory_space<vmem>> -> memref<128x128xf32, #tpu.memory_space<vmem>>
      tpu.wait_dma2 semaphore(%run_scoped3A : memref<!tpu.dma_semaphore, #tpu.memory_space<semaphore_mem>>) src(%dma_wait3A_278 : memref<128x128xf32, #tpu.memory_space<vmem>>) dst(%dma_wait3A_275 : memref<128x128xf32, #tpu.memory_space<hbm>>)
      tpu.yield
    }) : () -> ()
    %mul3A_245 = arith.constant 320 : i32
    %mul3A_246 = arith.muli %arg1, %mul3A_245 : i32
    %add3A_247 = arith.constant 256 : i32
    %add3A_248 = arith.addi %mul3A_246, %add3A_247 : i32
    "tpu.region"() ({
      %run_scoped3A = tpu.sem_alloc : memref<!tpu.dma_semaphore, #tpu.memory_space<semaphore_mem>>
      %dma_start3A = arith.constant 0 : i32
      %dma_start3A_257 = arith.constant 0 : i32
      %dma_start3A_258 = tpu.memref_slice %arg10[%dma_start3A, %dma_start3A_257] : memref<128x128xf32, #tpu.memory_space<vmem>> -> memref<64x128xf32, #tpu.memory_space<vmem>>
      %dma_start3A_259 = arith.constant 0 : i32
      %dma_start3A_260 = tpu.memref_slice %arg6[%add3A_248, %dma_start3A_259] : memref<5120x128xf32, #tpu.memory_space<vmem_shared>> -> memref<64x128xf32, #tpu.memory_space<vmem_shared>>
      %dma_start3A_261 = arith.constant 0 : i32
      %dma_start3A_262 = arith.constant 0 : i32
      %dma_start3A_263 = tpu.memref_slice %arg10[%dma_start3A_261, %dma_start3A_262] : memref<128x128xf32, #tpu.memory_space<vmem>> -> memref<64x128xf32, #tpu.memory_space<vmem>>
      %dma_start3A_264 = arith.constant 0 : i32
      %dma_start3A_265 = tpu.memref_slice %arg6[%add3A_248, %dma_start3A_264] : memref<5120x128xf32, #tpu.memory_space<vmem_shared>> -> memref<64x128xf32, #tpu.memory_space<vmem_shared>>
      tpu.enqueue_dma source(%dma_start3A_265 : memref<64x128xf32, #tpu.memory_space<vmem_shared>>) target(%dma_start3A_263 : memref<64x128xf32, #tpu.memory_space<vmem>>) target_semaphore(%run_scoped3A : memref<!tpu.dma_semaphore, #tpu.memory_space<semaphore_mem>>)
      %dma_wait3A = arith.constant 0 : i32
      %dma_wait3A_266 = arith.constant 0 : i32
      %dma_wait3A_267 = tpu.memref_slice %arg10[%dma_wait3A, %dma_wait3A_266] : memref<128x128xf32, #tpu.memory_space<vmem>> -> memref<64x128xf32, #tpu.memory_space<vmem>>
      %dma_wait3A_268 = arith.constant 0 : i32
      %dma_wait3A_269 = tpu.memref_slice %arg6[%add3A_248, %dma_wait3A_268] : memref<5120x128xf32, #tpu.memory_space<vmem_shared>> -> memref<64x128xf32, #tpu.memory_space<vmem_shared>>
      %dma_wait3A_270 = arith.constant 0 : i32
      %dma_wait3A_271 = arith.constant 0 : i32
      %dma_wait3A_272 = tpu.memref_slice %arg10[%dma_wait3A_270, %dma_wait3A_271] : memref<128x128xf32, #tpu.memory_space<vmem>> -> memref<64x128xf32, #tpu.memory_space<vmem>>
      %dma_wait3A_273 = arith.constant 0 : i32
      %dma_wait3A_274 = tpu.memref_slice %arg6[%add3A_248, %dma_wait3A_273] : memref<5120x128xf32, #tpu.memory_space<vmem_shared>> -> memref<64x128xf32, #tpu.memory_space<vmem_shared>>
      tpu.wait_dma2 semaphore(%run_scoped3A : memref<!tpu.dma_semaphore, #tpu.memory_space<semaphore_mem>>) src(%dma_wait3A_274 : memref<64x128xf32, #tpu.memory_space<vmem_shared>>) dst(%dma_wait3A_272 : memref<64x128xf32, #tpu.memory_space<vmem>>)
      tpu.yield
    }) : () -> ()
    %mul3A_249 = arith.constant 2 : i32
    %mul3A_250 = arith.muli %arg0, %mul3A_249 : i32
    %add3A_251 = arith.constant 1 : i32
    %add3A_252 = arith.addi %mul3A_250, %add3A_251 : i32
    %mul3A_253 = arith.constant 320 : i32
    %mul3A_254 = arith.muli %arg1, %mul3A_253 : i32
    %add3A_255 = arith.constant 256 : i32
    %add3A_256 = arith.addi %mul3A_254, %add3A_255 : i32
    "tpu.region"() ({
      %run_scoped3A = tpu.sem_alloc : memref<!tpu.dma_semaphore, #tpu.memory_space<semaphore_mem>>
      %dma_start3A = arith.constant 0 : i32
      %dma_start3A_257 = arith.constant 0 : i32
      %dma_start3A_258 = tpu.memref_slice %arg10[%dma_start3A, %dma_start3A_257] : memref<128x128xf32, #tpu.memory_space<vmem>> -> memref<64x128xf32, #tpu.memory_space<vmem>>
      %dma_start3A_259 = arith.constant 0 : i32
      %dma_start3A_260 = tpu.memref_slice %arg5[%add3A_252, %add3A_256, %dma_start3A_259] : memref<4x5120x128xf32, #tpu.memory_space<hbm>> -> memref<1x64x128xf32, #tpu.memory_space<hbm>>
      %dma_start3A_261 = tpu.memref_squeeze %dma_start3A_260 : memref<1x64x128xf32, #tpu.memory_space<hbm>> -> memref<64x128xf32, #tpu.memory_space<hbm>>
      %dma_start3A_262 = arith.constant 0 : i32
      %dma_start3A_263 = tpu.memref_slice %arg5[%add3A_252, %add3A_256, %dma_start3A_262] : memref<4x5120x128xf32, #tpu.memory_space<hbm>> -> memref<1x64x128xf32, #tpu.memory_space<hbm>>
      %dma_start3A_264 = tpu.memref_squeeze %dma_start3A_263 : memref<1x64x128xf32, #tpu.memory_space<hbm>> -> memref<64x128xf32, #tpu.memory_space<hbm>>
      %dma_start3A_265 = arith.constant 0 : i32
      %dma_start3A_266 = arith.constant 0 : i32
      %dma_start3A_267 = tpu.memref_slice %arg10[%dma_start3A_265, %dma_start3A_266] : memref<128x128xf32, #tpu.memory_space<vmem>> -> memref<64x128xf32, #tpu.memory_space<vmem>>
      tpu.enqueue_dma source(%dma_start3A_267 : memref<64x128xf32, #tpu.memory_space<vmem>>) target(%dma_start3A_264 : memref<64x128xf32, #tpu.memory_space<hbm>>) target_semaphore(%run_scoped3A : memref<!tpu.dma_semaphore, #tpu.memory_space<semaphore_mem>>)
      %dma_wait3A = arith.constant 0 : i32
      %dma_wait3A_268 = arith.constant 0 : i32
      %dma_wait3A_269 = tpu.memref_slice %arg10[%dma_wait3A, %dma_wait3A_268] : memref<128x128xf32, #tpu.memory_space<vmem>> -> memref<64x128xf32, #tpu.memory_space<vmem>>
      %dma_wait3A_270 = arith.constant 0 : i32
      %dma_wait3A_271 = tpu.memref_slice %arg5[%add3A_252, %add3A_256, %dma_wait3A_270] : memref<4x5120x128xf32, #tpu.memory_space<hbm>> -> memref<1x64x128xf32, #tpu.memory_space<hbm>>
      %dma_wait3A_272 = tpu.memref_squeeze %dma_wait3A_271 : memref<1x64x128xf32, #tpu.memory_space<hbm>> -> memref<64x128xf32, #tpu.memory_space<hbm>>
      %dma_wait3A_273 = arith.constant 0 : i32
      %dma_wait3A_274 = tpu.memref_slice %arg5[%add3A_252, %add3A_256, %dma_wait3A_273] : memref<4x5120x128xf32, #tpu.memory_space<hbm>> -> memref<1x64x128xf32, #tpu.memory_space<hbm>>
      %dma_wait3A_275 = tpu.memref_squeeze %dma_wait3A_274 : memref<1x64x128xf32, #tpu.memory_space<hbm>> -> memref<64x128xf32, #tpu.memory_space<hbm>>
      %dma_wait3A_276 = arith.constant 0 : i32
      %dma_wait3A_277 = arith.constant 0 : i32
      %dma_wait3A_278 = tpu.memref_slice %arg10[%dma_wait3A_276, %dma_wait3A_277] : memref<128x128xf32, #tpu.memory_space<vmem>> -> memref<64x128xf32, #tpu.memory_space<vmem>>
      tpu.wait_dma2 semaphore(%run_scoped3A : memref<!tpu.dma_semaphore, #tpu.memory_space<semaphore_mem>>) src(%dma_wait3A_278 : memref<64x128xf32, #tpu.memory_space<vmem>>) dst(%dma_wait3A_275 : memref<64x128xf32, #tpu.memory_space<hbm>>)
      tpu.yield
    }) : () -> ()
    return
  }
}

module attributes {stable_mosaic.version = 14 : i64} {
  func.func @_k1_body(%arg0: i32, %arg1: memref<200x128xf32, #tpu.memory_space<vmem>>, %arg2: memref<128x128xf32, #tpu.memory_space<vmem>>, %arg3: memref<1x200x128xf32, #tpu.memory_space<vmem>>, %arg4: memref<200x128xf32, #tpu.memory_space<vmem>>) attributes {dimension_semantics = [#tpu.dimension_semantics<arbitrary>], iteration_bounds = array<i64: 50>, scalar_prefetch = 0 : i64, scratch_operands = 0 : i64, tpu.core_type = #tpu.core_type<tc>, window_params = [{transform_indices = @transform_0, window_bounds = array<i64: 200, 128>}, {pipeline_mode = #tpu.pipeline_mode<synchronous>, transform_indices = @transform_1, window_bounds = array<i64: 128, 128>}, {transform_indices = @transform_2, window_bounds = array<i64: 1, 200, 128>}, {transform_indices = @transform_3, window_bounds = array<i64: 200, 128>}]} {
    %get3A = arith.constant 0 : index
    %get3A_0 = arith.constant 0 : index
    %get3A_1 = arith.constant 0 : index
    %get3A_2 = vector.load %arg3[%get3A, %get3A_0, %get3A_1] : memref<1x200x128xf32, #tpu.memory_space<vmem>>, vector<1x200x128xf32>
    %get3A_3 = vector.shape_cast %get3A_2 : vector<1x200x128xf32> to vector<200x128xf32>
    %slice3A = vector.extract_strided_slice %get3A_3 {offsets = [0, 0], sizes = [200, 1], strides = [1, 1]} : vector<200x128xf32> to vector<200x1xf32>
    %max3A = arith.constant 1.000000e+00 : f32
    %max3A_4 = vector.broadcast %max3A : f32 to vector<200x1xf32>
    %max3A_5 = arith.maximumf %slice3A, %max3A_4 : vector<200x1xf32>
    %rsqrt3A = math.rsqrt %max3A_5 : vector<200x1xf32>
    %get3A_6 = arith.constant 0 : index
    %get3A_7 = arith.constant 0 : index
    %get3A_8 = vector.load %arg1[%get3A_6, %get3A_7] : memref<200x128xf32, #tpu.memory_space<vmem>>, vector<200x128xf32>
    %get3A_9 = arith.constant 0 : index
    %get3A_10 = arith.constant 0 : index
    %get3A_11 = vector.load %arg2[%get3A_9, %get3A_10] : memref<128x128xf32, #tpu.memory_space<vmem>>, vector<128x128xf32>
    %dot_general3A = arith.constant dense<0.000000e+00> : vector<200x128xf32>
    %dot_general3A_12 = tpu.matmul %get3A_8, %get3A_11, %dot_general3A {dimension_numbers = #tpu.dot_dimension_numbers<[1], [0], [0], [1], [0, 0, 1, 1], [], []>, transpose_lhs_hint = false} : vector<200x128xf32>, vector<128x128xf32>, vector<200x128xf32> -> vector<200x128xf32>
    %mul3A = vector.broadcast %rsqrt3A : vector<200x1xf32> to vector<200x128xf32>
    %mul3A_13 = arith.mulf %dot_general3A_12, %mul3A : vector<200x128xf32>
    %swap3A = arith.constant 0 : index
    %swap3A_14 = arith.constant 0 : index
    %swap3A_15 = vector.load %arg4[%swap3A, %swap3A_14] : memref<200x128xf32, #tpu.memory_space<vmem>>, vector<200x128xf32>
    tpu.vector_store %arg4[%swap3A, %swap3A_14], %mul3A_13 {strides = array<i32>} : memref<200x128xf32, #tpu.memory_space<vmem>>, vector<200x128xf32>,
    return
  }
  func.func @transform_0(%arg0: i32) -> (i32, i32) {
    %c0_i32 = arith.constant 0 : i32
    %c0_i32_0 = arith.constant 0 : i32
    return %arg0, %c0_i32 : i32, i32
  }
  func.func @transform_1(%arg0: i32) -> (i32, i32) {
    %c0_i32 = arith.constant 0 : i32
    %c0_i32_0 = arith.constant 0 : i32
    %c0_i32_1 = arith.constant 0 : i32
    return %c0_i32, %c0_i32_0 : i32, i32
  }
  func.func @transform_2(%arg0: i32) -> (i32, i32, i32) {
    %jit3A = arith.constant 25 : i32
    %div3A = arith.divsi %arg0, %jit3A : i32
    %sign3A = arith.constant 0 : i32
    %sign3A_0 = arith.cmpi sgt, %arg0, %sign3A : i32
    %sign3A_1 = arith.extui %sign3A_0 : i1 to i32
    %sign3A_2 = arith.constant 0 : i32
    %sign3A_3 = arith.cmpi slt, %arg0, %sign3A_2 : i32
    %sign3A_4 = arith.extui %sign3A_3 : i1 to i32
    %sign3A_5 = arith.subi %sign3A_1, %sign3A_4 : i32
    %sign3A_6 = arith.constant 0 : i32
    %sign3A_7 = arith.cmpi sgt, %jit3A, %sign3A_6 : i32
    %sign3A_8 = arith.extui %sign3A_7 : i1 to i32
    %sign3A_9 = arith.constant 0 : i32
    %sign3A_10 = arith.cmpi slt, %jit3A, %sign3A_9 : i32
    %sign3A_11 = arith.extui %sign3A_10 : i1 to i32
    %sign3A_12 = arith.subi %sign3A_8, %sign3A_11 : i32
    %ne3A = arith.cmpi ne, %sign3A_5, %sign3A_12 : i32
    %rem3A = arith.remsi %arg0, %jit3A : i32
    %ne3A_13 = arith.constant 0 : i32
    %ne3A_14 = arith.cmpi ne, %rem3A, %ne3A_13 : i32
    %and3A = arith.andi %ne3A, %ne3A_14 : i1
    %sub3A = arith.constant 1 : i32
    %sub3A_15 = arith.subi %div3A, %sub3A : i32
    %select_n3A = arith.select %and3A, %sub3A_15, %div3A : i32
    %jit3A_16 = arith.constant 25 : i32
    %eq3A = arith.constant 0 : i32
    %eq3A_17 = arith.cmpi eq, %jit3A_16, %eq3A : i32
    %jit3A_18 = arith.constant 1 : i32
    %select_n3A_19 = arith.select %eq3A_17, %jit3A_18, %jit3A_16 : i32
    %rem3A_20 = arith.remsi %arg0, %select_n3A_19 : i32
    %ne3A_21 = arith.constant 0 : i32
    %ne3A_22 = arith.cmpi ne, %rem3A_20, %ne3A_21 : i32
    %lt3A = arith.constant 0 : i32
    %lt3A_23 = arith.cmpi slt, %rem3A_20, %lt3A : i32
    %lt3A_24 = arith.constant 0 : i32
    %lt3A_25 = arith.cmpi slt, %select_n3A_19, %lt3A_24 : i32
    %ne3A_26 = arith.xori %lt3A_23, %lt3A_25 : i1
    %and3A_27 = arith.andi %ne3A_26, %ne3A_22 : i1
    %add3A = arith.addi %rem3A_20, %select_n3A_19 : i32
    %select_n3A_28 = arith.select %and3A_27, %add3A, %rem3A_20 : i32
    %c0_i32 = arith.constant 0 : i32
    %c0_i32_29 = arith.constant 0 : i32
    return %select_n3A, %select_n3A_28, %c0_i32 : i32, i32, i32
  }
  func.func @transform_3(%arg0: i32) -> (i32, i32) {
    %c0_i32 = arith.constant 0 : i32
    %c0_i32_0 = arith.constant 0 : i32
    return %arg0, %c0_i32 : i32, i32
  }
}

module attributes {stable_mosaic.version = 14 : i64} {
  func.func @_kmid_body(%arg0: i32, %arg1: memref<1x200x128xf32, #tpu.memory_space<vmem>>, %arg2: memref<1x200x128xf32, #tpu.memory_space<vmem>>, %arg3: memref<128x128xf32, #tpu.memory_space<vmem>>, %arg4: memref<1x128xf32, #tpu.memory_space<vmem>>, %arg5: memref<200x128xf32, #tpu.memory_space<vmem>>) attributes {dimension_semantics = [#tpu.dimension_semantics<arbitrary>], iteration_bounds = array<i64: 100>, scalar_prefetch = 0 : i64, scratch_operands = 0 : i64, tpu.core_type = #tpu.core_type<tc>, window_params = [{transform_indices = @transform_0, window_bounds = array<i64: 1, 200, 128>}, {transform_indices = @transform_1, window_bounds = array<i64: 1, 200, 128>}, {pipeline_mode = #tpu.pipeline_mode<synchronous>, transform_indices = @transform_2, window_bounds = array<i64: 128, 128>}, {pipeline_mode = #tpu.pipeline_mode<synchronous>, transform_indices = @transform_3, window_bounds = array<i64: 1, 128>}, {transform_indices = @transform_4, window_bounds = array<i64: 200, 128>}]} {
    %get3A = arith.constant 0 : index
    %get3A_0 = arith.constant 0 : index
    %get3A_1 = arith.constant 0 : index
    %get3A_2 = vector.load %arg2[%get3A, %get3A_0, %get3A_1] : memref<1x200x128xf32, #tpu.memory_space<vmem>>, vector<1x200x128xf32>
    %get3A_3 = vector.shape_cast %get3A_2 : vector<1x200x128xf32> to vector<200x128xf32>
    %slice3A = vector.extract_strided_slice %get3A_3 {offsets = [0, 0], sizes = [200, 1], strides = [1, 1]} : vector<200x128xf32> to vector<200x1xf32>
    %max3A = arith.constant 1.000000e+00 : f32
    %max3A_4 = vector.broadcast %max3A : f32 to vector<200x1xf32>
    %max3A_5 = arith.maximumf %slice3A, %max3A_4 : vector<200x1xf32>
    %rsqrt3A = math.rsqrt %max3A_5 : vector<200x1xf32>
    %get3A_6 = arith.constant 0 : index
    %get3A_7 = arith.constant 0 : index
    %get3A_8 = arith.constant 0 : index
    %get3A_9 = vector.load %arg1[%get3A_6, %get3A_7, %get3A_8] : memref<1x200x128xf32, #tpu.memory_space<vmem>>, vector<1x200x128xf32>
    %get3A_10 = vector.shape_cast %get3A_9 : vector<1x200x128xf32> to vector<200x128xf32>
    %mul3A = vector.broadcast %rsqrt3A : vector<200x1xf32> to vector<200x128xf32>
    %mul3A_11 = arith.mulf %get3A_10, %mul3A : vector<200x128xf32>
    %get3A_12 = arith.constant 0 : index
    %get3A_13 = arith.constant 0 : index
    %get3A_14 = vector.load %arg4[%get3A_12, %get3A_13] : memref<1x128xf32, #tpu.memory_space<vmem>>, vector<1x128xf32>
    %add3A = vector.broadcast %get3A_14 : vector<1x128xf32> to vector<200x128xf32>
    %add3A_15 = arith.addf %mul3A_11, %add3A : vector<200x128xf32>
    %mul3A_16 = vector.broadcast %rsqrt3A : vector<200x1xf32> to vector<200x128xf32>
    %mul3A_17 = arith.mulf %add3A_15, %mul3A_16 : vector<200x128xf32>
    %get3A_18 = arith.constant 0 : index
    %get3A_19 = arith.constant 0 : index
    %get3A_20 = vector.load %arg3[%get3A_18, %get3A_19] : memref<128x128xf32, #tpu.memory_space<vmem>>, vector<128x128xf32>
    %dot_general3A = arith.constant dense<0.000000e+00> : vector<200x128xf32>
    %dot_general3A_21 = tpu.matmul %mul3A_17, %get3A_20, %dot_general3A {dimension_numbers = #tpu.dot_dimension_numbers<[1], [0], [0], [1], [0, 0, 1, 1], [], []>, transpose_lhs_hint = false} : vector<200x128xf32>, vector<128x128xf32>, vector<200x128xf32> -> vector<200x128xf32>
    %swap3A = arith.constant 0 : index
    %swap3A_22 = arith.constant 0 : index
    %swap3A_23 = vector.load %arg5[%swap3A, %swap3A_22] : memref<200x128xf32, #tpu.memory_space<vmem>>, vector<200x128xf32>
    tpu.vector_store %arg5[%swap3A, %swap3A_22], %dot_general3A_21 {strides = array<i32>} : memref<200x128xf32, #tpu.memory_space<vmem>>, vector<200x128xf32>,
    return
  }
  func.func @transform_0(%arg0: i32) -> (i32, i32, i32) {
    %jit3A = arith.constant 25 : i32
    %div3A = arith.divsi %arg0, %jit3A : i32
    %sign3A = arith.constant 0 : i32
    %sign3A_0 = arith.cmpi sgt, %arg0, %sign3A : i32
    %sign3A_1 = arith.extui %sign3A_0 : i1 to i32
    %sign3A_2 = arith.constant 0 : i32
    %sign3A_3 = arith.cmpi slt, %arg0, %sign3A_2 : i32
    %sign3A_4 = arith.extui %sign3A_3 : i1 to i32
    %sign3A_5 = arith.subi %sign3A_1, %sign3A_4 : i32
    %sign3A_6 = arith.constant 0 : i32
    %sign3A_7 = arith.cmpi sgt, %jit3A, %sign3A_6 : i32
    %sign3A_8 = arith.extui %sign3A_7 : i1 to i32
    %sign3A_9 = arith.constant 0 : i32
    %sign3A_10 = arith.cmpi slt, %jit3A, %sign3A_9 : i32
    %sign3A_11 = arith.extui %sign3A_10 : i1 to i32
    %sign3A_12 = arith.subi %sign3A_8, %sign3A_11 : i32
    %ne3A = arith.cmpi ne, %sign3A_5, %sign3A_12 : i32
    %rem3A = arith.remsi %arg0, %jit3A : i32
    %ne3A_13 = arith.constant 0 : i32
    %ne3A_14 = arith.cmpi ne, %rem3A, %ne3A_13 : i32
    %and3A = arith.andi %ne3A, %ne3A_14 : i1
    %sub3A = arith.constant 1 : i32
    %sub3A_15 = arith.subi %div3A, %sub3A : i32
    %select_n3A = arith.select %and3A, %sub3A_15, %div3A : i32
    %jit3A_16 = arith.constant 25 : i32
    %eq3A = arith.constant 0 : i32
    %eq3A_17 = arith.cmpi eq, %jit3A_16, %eq3A : i32
    %jit3A_18 = arith.constant 1 : i32
    %select_n3A_19 = arith.select %eq3A_17, %jit3A_18, %jit3A_16 : i32
    %rem3A_20 = arith.remsi %arg0, %select_n3A_19 : i32
    %ne3A_21 = arith.constant 0 : i32
    %ne3A_22 = arith.cmpi ne, %rem3A_20, %ne3A_21 : i32
    %lt3A = arith.constant 0 : i32
    %lt3A_23 = arith.cmpi slt, %rem3A_20, %lt3A : i32
    %lt3A_24 = arith.constant 0 : i32
    %lt3A_25 = arith.cmpi slt, %select_n3A_19, %lt3A_24 : i32
    %ne3A_26 = arith.xori %lt3A_23, %lt3A_25 : i1
    %and3A_27 = arith.andi %ne3A_26, %ne3A_22 : i1
    %add3A = arith.addi %rem3A_20, %select_n3A_19 : i32
    %select_n3A_28 = arith.select %and3A_27, %add3A, %rem3A_20 : i32
    %c0_i32 = arith.constant 0 : i32
    %c0_i32_29 = arith.constant 0 : i32
    return %select_n3A, %select_n3A_28, %c0_i32 : i32, i32, i32
  }
  func.func @transform_1(%arg0: i32) -> (i32, i32, i32) {
    %jit3A = arith.constant 25 : i32
    %div3A = arith.divsi %arg0, %jit3A : i32
    %sign3A = arith.constant 0 : i32
    %sign3A_0 = arith.cmpi sgt, %arg0, %sign3A : i32
    %sign3A_1 = arith.extui %sign3A_0 : i1 to i32
    %sign3A_2 = arith.constant 0 : i32
    %sign3A_3 = arith.cmpi slt, %arg0, %sign3A_2 : i32
    %sign3A_4 = arith.extui %sign3A_3 : i1 to i32
    %sign3A_5 = arith.subi %sign3A_1, %sign3A_4 : i32
    %sign3A_6 = arith.constant 0 : i32
    %sign3A_7 = arith.cmpi sgt, %jit3A, %sign3A_6 : i32
    %sign3A_8 = arith.extui %sign3A_7 : i1 to i32
    %sign3A_9 = arith.constant 0 : i32
    %sign3A_10 = arith.cmpi slt, %jit3A, %sign3A_9 : i32
    %sign3A_11 = arith.extui %sign3A_10 : i1 to i32
    %sign3A_12 = arith.subi %sign3A_8, %sign3A_11 : i32
    %ne3A = arith.cmpi ne, %sign3A_5, %sign3A_12 : i32
    %rem3A = arith.remsi %arg0, %jit3A : i32
    %ne3A_13 = arith.constant 0 : i32
    %ne3A_14 = arith.cmpi ne, %rem3A, %ne3A_13 : i32
    %and3A = arith.andi %ne3A, %ne3A_14 : i1
    %sub3A = arith.constant 1 : i32
    %sub3A_15 = arith.subi %div3A, %sub3A : i32
    %select_n3A = arith.select %and3A, %sub3A_15, %div3A : i32
    %jit3A_16 = arith.constant 25 : i32
    %eq3A = arith.constant 0 : i32
    %eq3A_17 = arith.cmpi eq, %jit3A_16, %eq3A : i32
    %jit3A_18 = arith.constant 1 : i32
    %select_n3A_19 = arith.select %eq3A_17, %jit3A_18, %jit3A_16 : i32
    %rem3A_20 = arith.remsi %arg0, %select_n3A_19 : i32
    %ne3A_21 = arith.constant 0 : i32
    %ne3A_22 = arith.cmpi ne, %rem3A_20, %ne3A_21 : i32
    %lt3A = arith.constant 0 : i32
    %lt3A_23 = arith.cmpi slt, %rem3A_20, %lt3A : i32
    %lt3A_24 = arith.constant 0 : i32
    %lt3A_25 = arith.cmpi slt, %select_n3A_19, %lt3A_24 : i32
    %ne3A_26 = arith.xori %lt3A_23, %lt3A_25 : i1
    %and3A_27 = arith.andi %ne3A_26, %ne3A_22 : i1
    %add3A = arith.addi %rem3A_20, %select_n3A_19 : i32
    %select_n3A_28 = arith.select %and3A_27, %add3A, %rem3A_20 : i32
    %c0_i32 = arith.constant 0 : i32
    %c0_i32_29 = arith.constant 0 : i32
    return %select_n3A, %select_n3A_28, %c0_i32 : i32, i32, i32
  }
  func.func @transform_2(%arg0: i32) -> (i32, i32) {
    %c0_i32 = arith.constant 0 : i32
    %c0_i32_0 = arith.constant 0 : i32
    %c0_i32_1 = arith.constant 0 : i32
    return %c0_i32, %c0_i32_0 : i32, i32
  }
  func.func @transform_3(%arg0: i32) -> (i32, i32) {
    %c0_i32 = arith.constant 0 : i32
    %c0_i32_0 = arith.constant 0 : i32
    %c0_i32_1 = arith.constant 0 : i32
    return %c0_i32, %c0_i32_0 : i32, i32
  }
  func.func @transform_4(%arg0: i32) -> (i32, i32) {
    %c0_i32 = arith.constant 0 : i32
    %c0_i32_0 = arith.constant 0 : i32
    return %arg0, %c0_i32 : i32, i32
  }
}

module attributes {stable_mosaic.version = 14 : i64} {
  func.func @_kpost_body(%arg0: i32, %arg1: memref<200x128xf32, #tpu.memory_space<vmem>>, %arg2: memref<1x200x128xf32, #tpu.memory_space<vmem>>, %arg3: memref<1x200x128xf32, #tpu.memory_space<vmem>>, %arg4: memref<1x128xf32, #tpu.memory_space<vmem>>, %arg5: memref<128x512xf32, #tpu.memory_space<vmem>>, %arg6: memref<1x512xf32, #tpu.memory_space<vmem>>, %arg7: memref<512x128xf32, #tpu.memory_space<vmem>>, %arg8: memref<1x128xf32, #tpu.memory_space<vmem>>, %arg9: memref<1x128xf32, #tpu.memory_space<vmem>>, %arg10: memref<1x128xf32, #tpu.memory_space<vmem>>, %arg11: memref<1x128xf32, #tpu.memory_space<vmem>>, %arg12: memref<1x128xf32, #tpu.memory_space<vmem>>, %arg13: memref<200x128xf32, #tpu.memory_space<vmem>>) attributes {dimension_semantics = [#tpu.dimension_semantics<arbitrary>], iteration_bounds = array<i64: 50>, scalar_prefetch = 0 : i64, scratch_operands = 0 : i64, tpu.core_type = #tpu.core_type<tc>, window_params = [{transform_indices = @transform_0, window_bounds = array<i64: 200, 128>}, {transform_indices = @transform_1, window_bounds = array<i64: 1, 200, 128>}, {transform_indices = @transform_2, window_bounds = array<i64: 1, 200, 128>}, {pipeline_mode = #tpu.pipeline_mode<synchronous>, transform_indices = @transform_3, window_bounds = array<i64: 1, 128>}, {pipeline_mode = #tpu.pipeline_mode<synchronous>, transform_indices = @transform_4, window_bounds = array<i64: 128, 512>}, {pipeline_mode = #tpu.pipeline_mode<synchronous>, transform_indices = @transform_5, window_bounds = array<i64: 1, 512>}, {pipeline_mode = #tpu.pipeline_mode<synchronous>, transform_indices = @transform_6, window_bounds = array<i64: 512, 128>}, {pipeline_mode = #tpu.pipeline_mode<synchronous>, transform_indices = @transform_7, window_bounds = array<i64: 1, 128>}, {pipeline_mode = #tpu.pipeline_mode<synchronous>, transform_indices = @transform_8, window_bounds = array<i64: 1, 128>}, {pipeline_mode = #tpu.pipeline_mode<synchronous>, transform_indices = @transform_9, window_bounds = array<i64: 1, 128>}, {pipeline_mode = #tpu.pipeline_mode<synchronous>, transform_indices = @transform_10, window_bounds = array<i64: 1, 128>}, {pipeline_mode = #tpu.pipeline_mode<synchronous>, transform_indices = @transform_11, window_bounds = array<i64: 1, 128>}, {transform_indices = @transform_12, window_bounds = array<i64: 200, 128>}]} {
    %get3A = arith.constant 0 : index
    %get3A_0 = arith.constant 0 : index
    %get3A_1 = arith.constant 0 : index
    %get3A_2 = vector.load %arg3[%get3A, %get3A_0, %get3A_1] : memref<1x200x128xf32, #tpu.memory_space<vmem>>, vector<1x200x128xf32>
    %get3A_3 = vector.shape_cast %get3A_2 : vector<1x200x128xf32> to vector<200x128xf32>
    %slice3A = vector.extract_strided_slice %get3A_3 {offsets = [0, 0], sizes = [200, 1], strides = [1, 1]} : vector<200x128xf32> to vector<200x1xf32>
    %max3A = arith.constant 1.000000e+00 : f32
    %max3A_4 = vector.broadcast %max3A : f32 to vector<200x1xf32>
    %max3A_5 = arith.maximumf %slice3A, %max3A_4 : vector<200x1xf32>
    %rsqrt3A = math.rsqrt %max3A_5 : vector<200x1xf32>
    %get3A_6 = arith.constant 0 : index
    %get3A_7 = arith.constant 0 : index
    %get3A_8 = arith.constant 0 : index
    %get3A_9 = vector.load %arg2[%get3A_6, %get3A_7, %get3A_8] : memref<1x200x128xf32, #tpu.memory_space<vmem>>, vector<1x200x128xf32>
    %get3A_10 = vector.shape_cast %get3A_9 : vector<1x200x128xf32> to vector<200x128xf32>
    %mul3A = vector.broadcast %rsqrt3A : vector<200x1xf32> to vector<200x128xf32>
    %mul3A_11 = arith.mulf %get3A_10, %mul3A : vector<200x128xf32>
    %get3A_12 = arith.constant 0 : index
    %get3A_13 = arith.constant 0 : index
    %get3A_14 = vector.load %arg4[%get3A_12, %get3A_13] : memref<1x128xf32, #tpu.memory_space<vmem>>, vector<1x128xf32>
    %add3A = vector.broadcast %get3A_14 : vector<1x128xf32> to vector<200x128xf32>
    %add3A_15 = arith.addf %mul3A_11, %add3A : vector<200x128xf32>
    %get3A_16 = arith.constant 0 : index
    %get3A_17 = arith.constant 0 : index
    %get3A_18 = vector.load %arg1[%get3A_16, %get3A_17] : memref<200x128xf32, #tpu.memory_space<vmem>>, vector<200x128xf32>
    %add3A_19 = arith.addf %get3A_18, %add3A_15 : vector<200x128xf32>
    %reduce_sum3A = arith.constant dense<0.000000e+00> : vector<200xf32>
    %reduce_sum3A_20 = vector.multi_reduction <add>, %add3A_19, %reduce_sum3A [1] : vector<200x128xf32> to vector<200xf32>
    %broadcast_in_dim3A = vector.shape_cast %reduce_sum3A_20 : vector<200xf32> to vector<200x1xf32>
    %div3A = arith.constant 1.280000e+02 : f32
    %div3A_21 = vector.broadcast %div3A : f32 to vector<200x1xf32>
    %div3A_22 = arith.divf %broadcast_in_dim3A, %div3A_21 : vector<200x1xf32>
    %sub3A = vector.broadcast %div3A_22 : vector<200x1xf32> to vector<200x128xf32>
    %sub3A_23 = arith.subf %add3A_19, %sub3A : vector<200x128xf32>
    %integer_pow3A = arith.mulf %sub3A_23, %sub3A_23 : vector<200x128xf32>
    %reduce_sum3A_24 = arith.constant dense<0.000000e+00> : vector<200xf32>
    %reduce_sum3A_25 = vector.multi_reduction <add>, %integer_pow3A, %reduce_sum3A_24 [1] : vector<200x128xf32> to vector<200xf32>
    %broadcast_in_dim3A_26 = vector.shape_cast %reduce_sum3A_25 : vector<200xf32> to vector<200x1xf32>
    %div3A_27 = arith.constant 1.280000e+02 : f32
    %div3A_28 = vector.broadcast %div3A_27 : f32 to vector<200x1xf32>
    %div3A_29 = arith.divf %broadcast_in_dim3A_26, %div3A_28 : vector<200x1xf32>
    %sub3A_30 = vector.broadcast %div3A_22 : vector<200x1xf32> to vector<200x128xf32>
    %sub3A_31 = arith.subf %add3A_19, %sub3A_30 : vector<200x128xf32>
    %add3A_32 = arith.constant 9.99999974E-6 : f32
    %add3A_33 = vector.broadcast %add3A_32 : f32 to vector<200x1xf32>
    %add3A_34 = arith.addf %div3A_29, %add3A_33 : vector<200x1xf32>
    %rsqrt3A_35 = math.rsqrt %add3A_34 : vector<200x1xf32>
    %mul3A_36 = vector.broadcast %rsqrt3A_35 : vector<200x1xf32> to vector<200x128xf32>
    %mul3A_37 = arith.mulf %sub3A_31, %mul3A_36 : vector<200x128xf32>
    %get3A_38 = arith.constant 0 : index
    %get3A_39 = arith.constant 0 : index
    %get3A_40 = vector.load %arg9[%get3A_38, %get3A_39] : memref<1x128xf32, #tpu.memory_space<vmem>>, vector<1x128xf32>
    %mul3A_41 = vector.broadcast %get3A_40 : vector<1x128xf32> to vector<200x128xf32>
    %mul3A_42 = arith.mulf %mul3A_37, %mul3A_41 : vector<200x128xf32>
    %get3A_43 = arith.constant 0 : index
    %get3A_44 = arith.constant 0 : index
    %get3A_45 = vector.load %arg10[%get3A_43, %get3A_44] : memref<1x128xf32, #tpu.memory_space<vmem>>, vector<1x128xf32>
    %add3A_46 = vector.broadcast %get3A_45 : vector<1x128xf32> to vector<200x128xf32>
    %add3A_47 = arith.addf %mul3A_42, %add3A_46 : vector<200x128xf32>
    %get3A_48 = arith.constant 0 : index
    %get3A_49 = arith.constant 0 : index
    %get3A_50 = vector.load %arg5[%get3A_48, %get3A_49] : memref<128x512xf32, #tpu.memory_space<vmem>>, vector<128x512xf32>
    %dot_general3A = arith.constant dense<0.000000e+00> : vector<200x512xf32>
    %dot_general3A_51 = tpu.matmul %add3A_47, %get3A_50, %dot_general3A {dimension_numbers = #tpu.dot_dimension_numbers<[1], [0], [0], [1], [0, 0, 1, 1], [], []>, transpose_lhs_hint = false} : vector<200x128xf32>, vector<128x512xf32>, vector<200x512xf32> -> vector<200x512xf32>
    %get3A_52 = arith.constant 0 : index
    %get3A_53 = arith.constant 0 : index
    %get3A_54 = vector.load %arg6[%get3A_52, %get3A_53] : memref<1x512xf32, #tpu.memory_space<vmem>>, vector<1x512xf32>
    %add3A_55 = vector.broadcast %get3A_54 : vector<1x512xf32> to vector<200x512xf32>
    %add3A_56 = arith.addf %dot_general3A_51, %add3A_55 : vector<200x512xf32>
    %max3A_57 = arith.constant 0.000000e+00 : f32
    %max3A_58 = vector.broadcast %max3A_57 : f32 to vector<200x512xf32>
    %max3A_59 = arith.maximumf %add3A_56, %max3A_58 : vector<200x512xf32>
    %get3A_60 = arith.constant 0 : index
    %get3A_61 = arith.constant 0 : index
    %get3A_62 = vector.load %arg7[%get3A_60, %get3A_61] : memref<512x128xf32, #tpu.memory_space<vmem>>, vector<512x128xf32>
    %dot_general3A_63 = arith.constant dense<0.000000e+00> : vector<200x128xf32>
    %dot_general3A_64 = tpu.matmul %max3A_59, %get3A_62, %dot_general3A_63 {dimension_numbers = #tpu.dot_dimension_numbers<[1], [0], [0], [1], [0, 0, 1, 1], [], []>, transpose_lhs_hint = false} : vector<200x512xf32>, vector<512x128xf32>, vector<200x128xf32> -> vector<200x128xf32>
    %get3A_65 = arith.constant 0 : index
    %get3A_66 = arith.constant 0 : index
    %get3A_67 = vector.load %arg8[%get3A_65, %get3A_66] : memref<1x128xf32, #tpu.memory_space<vmem>>, vector<1x128xf32>
    %add3A_68 = vector.broadcast %get3A_67 : vector<1x128xf32> to vector<200x128xf32>
    %add3A_69 = arith.addf %dot_general3A_64, %add3A_68 : vector<200x128xf32>
    %add3A_70 = arith.addf %add3A_47, %add3A_69 : vector<200x128xf32>
    %reduce_sum3A_71 = arith.constant dense<0.000000e+00> : vector<200xf32>
    %reduce_sum3A_72 = vector.multi_reduction <add>, %add3A_70, %reduce_sum3A_71 [1] : vector<200x128xf32> to vector<200xf32>
    %broadcast_in_dim3A_73 = vector.shape_cast %reduce_sum3A_72 : vector<200xf32> to vector<200x1xf32>
    %div3A_74 = arith.constant 1.280000e+02 : f32
    %div3A_75 = vector.broadcast %div3A_74 : f32 to vector<200x1xf32>
    %div3A_76 = arith.divf %broadcast_in_dim3A_73, %div3A_75 : vector<200x1xf32>
    %sub3A_77 = vector.broadcast %div3A_76 : vector<200x1xf32> to vector<200x128xf32>
    %sub3A_78 = arith.subf %add3A_70, %sub3A_77 : vector<200x128xf32>
    %integer_pow3A_79 = arith.mulf %sub3A_78, %sub3A_78 : vector<200x128xf32>
    %reduce_sum3A_80 = arith.constant dense<0.000000e+00> : vector<200xf32>
    %reduce_sum3A_81 = vector.multi_reduction <add>, %integer_pow3A_79, %reduce_sum3A_80 [1] : vector<200x128xf32> to vector<200xf32>
    %broadcast_in_dim3A_82 = vector.shape_cast %reduce_sum3A_81 : vector<200xf32> to vector<200x1xf32>
    %div3A_83 = arith.constant 1.280000e+02 : f32
    %div3A_84 = vector.broadcast %div3A_83 : f32 to vector<200x1xf32>
    %div3A_85 = arith.divf %broadcast_in_dim3A_82, %div3A_84 : vector<200x1xf32>
    %sub3A_86 = vector.broadcast %div3A_76 : vector<200x1xf32> to vector<200x128xf32>
    %sub3A_87 = arith.subf %add3A_70, %sub3A_86 : vector<200x128xf32>
    %add3A_88 = arith.constant 9.99999974E-6 : f32
    %add3A_89 = vector.broadcast %add3A_88 : f32 to vector<200x1xf32>
    %add3A_90 = arith.addf %div3A_85, %add3A_89 : vector<200x1xf32>
    %rsqrt3A_91 = math.rsqrt %add3A_90 : vector<200x1xf32>
    %mul3A_92 = vector.broadcast %rsqrt3A_91 : vector<200x1xf32> to vector<200x128xf32>
    %mul3A_93 = arith.mulf %sub3A_87, %mul3A_92 : vector<200x128xf32>
    %get3A_94 = arith.constant 0 : index
    %get3A_95 = arith.constant 0 : index
    %get3A_96 = vector.load %arg11[%get3A_94, %get3A_95] : memref<1x128xf32, #tpu.memory_space<vmem>>, vector<1x128xf32>
    %mul3A_97 = vector.broadcast %get3A_96 : vector<1x128xf32> to vector<200x128xf32>
    %mul3A_98 = arith.mulf %mul3A_93, %mul3A_97 : vector<200x128xf32>
    %get3A_99 = arith.constant 0 : index
    %get3A_100 = arith.constant 0 : index
    %get3A_101 = vector.load %arg12[%get3A_99, %get3A_100] : memref<1x128xf32, #tpu.memory_space<vmem>>, vector<1x128xf32>
    %add3A_102 = vector.broadcast %get3A_101 : vector<1x128xf32> to vector<200x128xf32>
    %add3A_103 = arith.addf %mul3A_98, %add3A_102 : vector<200x128xf32>
    %swap3A = arith.constant 0 : index
    %swap3A_104 = arith.constant 0 : index
    %swap3A_105 = vector.load %arg13[%swap3A, %swap3A_104] : memref<200x128xf32, #tpu.memory_space<vmem>>, vector<200x128xf32>
    tpu.vector_store %arg13[%swap3A, %swap3A_104], %add3A_103 {strides = array<i32>} : memref<200x128xf32, #tpu.memory_space<vmem>>, vector<200x128xf32>,
    return
  }
  func.func @transform_0(%arg0: i32) -> (i32, i32) {
    %c0_i32 = arith.constant 0 : i32
    %c0_i32_0 = arith.constant 0 : i32
    return %arg0, %c0_i32 : i32, i32
  }
  func.func @transform_1(%arg0: i32) -> (i32, i32, i32) {
    %jit3A = arith.constant 25 : i32
    %div3A = arith.divsi %arg0, %jit3A : i32
    %sign3A = arith.constant 0 : i32
    %sign3A_0 = arith.cmpi sgt, %arg0, %sign3A : i32
    %sign3A_1 = arith.extui %sign3A_0 : i1 to i32
    %sign3A_2 = arith.constant 0 : i32
    %sign3A_3 = arith.cmpi slt, %arg0, %sign3A_2 : i32
    %sign3A_4 = arith.extui %sign3A_3 : i1 to i32
    %sign3A_5 = arith.subi %sign3A_1, %sign3A_4 : i32
    %sign3A_6 = arith.constant 0 : i32
    %sign3A_7 = arith.cmpi sgt, %jit3A, %sign3A_6 : i32
    %sign3A_8 = arith.extui %sign3A_7 : i1 to i32
    %sign3A_9 = arith.constant 0 : i32
    %sign3A_10 = arith.cmpi slt, %jit3A, %sign3A_9 : i32
    %sign3A_11 = arith.extui %sign3A_10 : i1 to i32
    %sign3A_12 = arith.subi %sign3A_8, %sign3A_11 : i32
    %ne3A = arith.cmpi ne, %sign3A_5, %sign3A_12 : i32
    %rem3A = arith.remsi %arg0, %jit3A : i32
    %ne3A_13 = arith.constant 0 : i32
    %ne3A_14 = arith.cmpi ne, %rem3A, %ne3A_13 : i32
    %and3A = arith.andi %ne3A, %ne3A_14 : i1
    %sub3A = arith.constant 1 : i32
    %sub3A_15 = arith.subi %div3A, %sub3A : i32
    %select_n3A = arith.select %and3A, %sub3A_15, %div3A : i32
    %jit3A_16 = arith.constant 25 : i32
    %eq3A = arith.constant 0 : i32
    %eq3A_17 = arith.cmpi eq, %jit3A_16, %eq3A : i32
    %jit3A_18 = arith.constant 1 : i32
    %select_n3A_19 = arith.select %eq3A_17, %jit3A_18, %jit3A_16 : i32
    %rem3A_20 = arith.remsi %arg0, %select_n3A_19 : i32
    %ne3A_21 = arith.constant 0 : i32
    %ne3A_22 = arith.cmpi ne, %rem3A_20, %ne3A_21 : i32
    %lt3A = arith.constant 0 : i32
    %lt3A_23 = arith.cmpi slt, %rem3A_20, %lt3A : i32
    %lt3A_24 = arith.constant 0 : i32
    %lt3A_25 = arith.cmpi slt, %select_n3A_19, %lt3A_24 : i32
    %ne3A_26 = arith.xori %lt3A_23, %lt3A_25 : i1
    %and3A_27 = arith.andi %ne3A_26, %ne3A_22 : i1
    %add3A = arith.addi %rem3A_20, %select_n3A_19 : i32
    %select_n3A_28 = arith.select %and3A_27, %add3A, %rem3A_20 : i32
    %c0_i32 = arith.constant 0 : i32
    %c0_i32_29 = arith.constant 0 : i32
    return %select_n3A, %select_n3A_28, %c0_i32 : i32, i32, i32
  }
  func.func @transform_2(%arg0: i32) -> (i32, i32, i32) {
    %jit3A = arith.constant 25 : i32
    %div3A = arith.divsi %arg0, %jit3A : i32
    %sign3A = arith.constant 0 : i32
    %sign3A_0 = arith.cmpi sgt, %arg0, %sign3A : i32
    %sign3A_1 = arith.extui %sign3A_0 : i1 to i32
    %sign3A_2 = arith.constant 0 : i32
    %sign3A_3 = arith.cmpi slt, %arg0, %sign3A_2 : i32
    %sign3A_4 = arith.extui %sign3A_3 : i1 to i32
    %sign3A_5 = arith.subi %sign3A_1, %sign3A_4 : i32
    %sign3A_6 = arith.constant 0 : i32
    %sign3A_7 = arith.cmpi sgt, %jit3A, %sign3A_6 : i32
    %sign3A_8 = arith.extui %sign3A_7 : i1 to i32
    %sign3A_9 = arith.constant 0 : i32
    %sign3A_10 = arith.cmpi slt, %jit3A, %sign3A_9 : i32
    %sign3A_11 = arith.extui %sign3A_10 : i1 to i32
    %sign3A_12 = arith.subi %sign3A_8, %sign3A_11 : i32
    %ne3A = arith.cmpi ne, %sign3A_5, %sign3A_12 : i32
    %rem3A = arith.remsi %arg0, %jit3A : i32
    %ne3A_13 = arith.constant 0 : i32
    %ne3A_14 = arith.cmpi ne, %rem3A, %ne3A_13 : i32
    %and3A = arith.andi %ne3A, %ne3A_14 : i1
    %sub3A = arith.constant 1 : i32
    %sub3A_15 = arith.subi %div3A, %sub3A : i32
    %select_n3A = arith.select %and3A, %sub3A_15, %div3A : i32
    %jit3A_16 = arith.constant 25 : i32
    %eq3A = arith.constant 0 : i32
    %eq3A_17 = arith.cmpi eq, %jit3A_16, %eq3A : i32
    %jit3A_18 = arith.constant 1 : i32
    %select_n3A_19 = arith.select %eq3A_17, %jit3A_18, %jit3A_16 : i32
    %rem3A_20 = arith.remsi %arg0, %select_n3A_19 : i32
    %ne3A_21 = arith.constant 0 : i32
    %ne3A_22 = arith.cmpi ne, %rem3A_20, %ne3A_21 : i32
    %lt3A = arith.constant 0 : i32
    %lt3A_23 = arith.cmpi slt, %rem3A_20, %lt3A : i32
    %lt3A_24 = arith.constant 0 : i32
    %lt3A_25 = arith.cmpi slt, %select_n3A_19, %lt3A_24 : i32
    %ne3A_26 = arith.xori %lt3A_23, %lt3A_25 : i1
    %and3A_27 = arith.andi %ne3A_26, %ne3A_22 : i1
    %add3A = arith.addi %rem3A_20, %select_n3A_19 : i32
    %select_n3A_28 = arith.select %and3A_27, %add3A, %rem3A_20 : i32
    %c0_i32 = arith.constant 0 : i32
    %c0_i32_29 = arith.constant 0 : i32
    return %select_n3A, %select_n3A_28, %c0_i32 : i32, i32, i32
  }
  func.func @transform_3(%arg0: i32) -> (i32, i32) {
    %c0_i32 = arith.constant 0 : i32
    %c0_i32_0 = arith.constant 0 : i32
    %c0_i32_1 = arith.constant 0 : i32
    return %c0_i32, %c0_i32_0 : i32, i32
  }
  func.func @transform_4(%arg0: i32) -> (i32, i32) {
    %c0_i32 = arith.constant 0 : i32
    %c0_i32_0 = arith.constant 0 : i32
    %c0_i32_1 = arith.constant 0 : i32
    return %c0_i32, %c0_i32_0 : i32, i32
  }
  func.func @transform_5(%arg0: i32) -> (i32, i32) {
    %c0_i32 = arith.constant 0 : i32
    %c0_i32_0 = arith.constant 0 : i32
    %c0_i32_1 = arith.constant 0 : i32
    return %c0_i32, %c0_i32_0 : i32, i32
  }
  func.func @transform_6(%arg0: i32) -> (i32, i32) {
    %c0_i32 = arith.constant 0 : i32
    %c0_i32_0 = arith.constant 0 : i32
    %c0_i32_1 = arith.constant 0 : i32
    return %c0_i32, %c0_i32_0 : i32, i32
  }
  func.func @transform_7(%arg0: i32) -> (i32, i32) {
    %c0_i32 = arith.constant 0 : i32
    %c0_i32_0 = arith.constant 0 : i32
    %c0_i32_1 = arith.constant 0 : i32
    return %c0_i32, %c0_i32_0 : i32, i32
  }
  func.func @transform_8(%arg0: i32) -> (i32, i32) {
    %c0_i32 = arith.constant 0 : i32
    %c0_i32_0 = arith.constant 0 : i32
    %c0_i32_1 = arith.constant 0 : i32
    return %c0_i32, %c0_i32_0 : i32, i32
  }
  func.func @transform_9(%arg0: i32) -> (i32, i32) {
    %c0_i32 = arith.constant 0 : i32
    %c0_i32_0 = arith.constant 0 : i32
    %c0_i32_1 = arith.constant 0 : i32
    return %c0_i32, %c0_i32_0 : i32, i32
  }
  func.func @transform_10(%arg0: i32) -> (i32, i32) {
    %c0_i32 = arith.constant 0 : i32
    %c0_i32_0 = arith.constant 0 : i32
    %c0_i32_1 = arith.constant 0 : i32
    return %c0_i32, %c0_i32_0 : i32, i32
  }
  func.func @transform_11(%arg0: i32) -> (i32, i32) {
    %c0_i32 = arith.constant 0 : i32
    %c0_i32_0 = arith.constant 0 : i32
    %c0_i32_1 = arith.constant 0 : i32
    return %c0_i32, %c0_i32_0 : i32, i32
  }
  func.func @transform_12(%arg0: i32) -> (i32, i32) {
    %c0_i32 = arith.constant 0 : i32
    %c0_i32_0 = arith.constant 0 : i32
    return %arg0, %c0_i32 : i32, i32
  }
}

</mosaic_0001>

<sc_bundles>
// kernel: kernel.12.cloned.1.call-start
scs
__scs_entry_jumppad:
0x0: {  	(pc) =	sbr.rel $0x88, $3  }
0x1: {  	(tag) =	ssettag $0x0;
	lr =	simm.s32 $0x1  }
0x2: {  	[smem:$0x3F92] =	sst lr;
	_ =	strace $0xD0000000  }
0x3: {  	_ = 	snop  }
0x4: {  	_ = 	snop  }
0x5: {  	_ = 	snop  }
0x6: {  	_ = 	snop  }
0x7: {  	_ = 	snop  }
__scs_overlays_trampoline_lowered:
0x8: {  	[smem:$0x3FA1] =	sst s0  }
0x9: {  	[smem:$0x3FA2] =	sst s1  }
0xa: {  	[smem:$0x3FA3] =	sst s2  }
0xb: {  	[smem:$0x3FA4] =	sst s3  }
0xc: {  	[smem:$0x3FA5] =	sst s4  }
0xd: {  	[smem:$0x3FA6] =	sst s5  }
0xe: {  	[smem:$0x3FA7] =	sst s6  }
0xf: {  	[smem:$0x3FA8] =	sst s7  }
0x10: {  	[smem:$0x3FA9] =	sst s8  }
0x11: {  	[smem:$0x3FAA] =	sst s9;
	s0 =	simm.s32 @!p0 $0x0  }
0x12: {  	s1 =	sld [smem:$0x3F90];
	s0 =	simm.s32 @p0 $0x1  }
0x13: {  	[smem:$0x3FAB] =	sst s0;
	s0 =	simm.s32 @!p1 $0x0  }
0x14: {  	s2 =	sld [smem:$0x3F8F];
	s0 =	simm.s32 @p1 $0x1  }
0x15: {  	[smem:$0x3FAC] =	sst s0;
	s0 =	simm.s32 @!p2 $0x0  }
0x16: {  	s3 =	sld [smem:$0x3FDB];
	s0 =	simm.s32 @p2 $0x1  }
0x17: {  	s4 =	simm.s32 $0x1BF5;
	[smem:$0x3FAE] =	sst s0  }
0x18: {  	s0 =	sld [smem:$0x3F91];
	_ =	swait.ge [sflag:s4], $0x0  }
0x19: {  	s7 =	sld [smem:$0x3F92]  }
0x1a: {  	s8 =	sadd.s32 $0xFFFFE003, lr  }
0x1b: {  	s9 =	sadd.s32 $0xFFFFFEF7, lr;
	s5 =	simm.s32 $0xFFFFFFFF;
	p2 =	slt.u32 s8, $0xFFFFF086  }
0x1c: {  	p1 =	slt.u32 s9, $0xF7A;
	s5 =	simm.s32 @!p2 $0x0  }
0x1d: {  	s5 =	simm.s32 @p1 $0x1;
	p0 =	seq.s32 s7, s2  }
0x1e: {  	s7 =	smul.u32 @!p0 $0xF7A, s2;
	p2 =	seq.s32 @!p0 s5, $0x0  }
0x1f: {  	s9 =	smul.u32 $0xF7A, s1;
	s8 =	simm.s32 @!p0 $0x1BF5;
	p2 =	por !p2, p0  }
0x20: {  	[sflag:s8] =	ssyncset.s32 @!p0 $0xFFFFF086;
	s6 =	sadd.s32 @!p0 s3, s7;
	s7 =	simm.s32 @!p0 $0x108  }
0x21: {  	s3 =	sadd.s32 s3, s9;
	s6 =	sadd.s32 @!p0 $0x88, s6;
	s7 =	simm.s32 @p2 $0x1082  }
0x22: {  	[simem:s7], [sflag:s8] =	dma.local @!p0 [hbm:s6], $0xF7A  }
0x23: {  	s9 =	sor.u32 $0xD0000000, s2;
	s6 =	simm.s32 $0x108;
	_ =	swait.ge @!p0 [sflag:s8], $0x0  }
0x24: {  	s3 =	sadd.s32 $0x88, s3;
	s6 =	simm.s32 @!p1 $0x1082;
	[sflag:s4] =	ssyncset.s32 $0xFFFFF086  }
0x25: {  	[simem:s6], [sflag:s4] =	dma.local [hbm:s3], $0xF7A  }
0x26: {  	[smem:$0x3F92] =	sst s1;
	(tag) =	ssettag s2;
	_ =	strace s9  }
0x27: {  	s1 =	sld [smem:$0x3FA2]  }
0x28: {  	s2 =	sld [smem:$0x3FA3]  }
0x29: {  	s4 =	sld [smem:$0x3FA5]  }
0x2a: {  	p0 =	seq.s32 s5, $0x0;
	s5 =	sld [smem:$0x3FA6]  }
0x2b: {  	s6 =	sld [smem:$0x3FA7]  }
0x2c: {  	s7 =	sld [smem:$0x3FA8]  }
0x2d: {  	s3 =	simm.s32 $0x108;
	s8 =	sld [smem:$0x3FA9]  }
0x2e: {  	s3 =	simm.s32 @!p0 $0x1082;
	s9 =	sld [smem:$0x3FAA]  }
0x2f: {  	lr =	sadd.s32 s0, s3;
	s0 =	sld [smem:$0x3FA1]  }
0x30: {  	s3 =	sld [smem:$0x3FA4]  }
0x31: {  	[smem:$0x3FAD] =	sst s10  }
0x32: {  	s10 =	sld [smem:$0x3FAB];
	_ =	sdelay $0x3  }
0x33: {  	p0 =	seq.s32 s10, $0x1;
	s10 =	sld [smem:$0x3FAD];
	_ =	sdelay $0x3  }
0x34: {  	[smem:$0x3FAD] =	sst s10  }
0x35: {  	s10 =	sld [smem:$0x3FAC];
	_ =	sdelay $0x3  }
0x36: {  	p1 =	seq.s32 s10, $0x1;
	s10 =	sld [smem:$0x3FAD];
	_ =	sdelay $0x3  }
0x37: {  	[smem:$0x3FAD] =	sst s10  }
0x38: {  	s10 =	sld [smem:$0x3FAE]  }
0x39: {  	_ = 	snop;
	(pc) =	sbr.ind lr, $3  }
0x3a: {  	_ = 	snop  }
0x3b: {  	_ = 	snop  }
0x3c: {  	p2 =	seq.s32 s10, $0x1;
	s10 =	sld [smem:$0x3FAD]  }
0x3d: {  	_ =	shalt  }
0x3e: {  	_ =	shalt  }
0x3f: {  	_ =	shalt  }
0x40: {  	_ =	shalt  }
0x41: {  	_ =	shalt  }
0x42: {  	_ =	shalt  }
0x43: {  	_ =	shalt  }
0x44: {  	_ =	shalt  }
0x45: {  	_ =	shalt  }
0x46: {  	_ =	shalt  }
0x47: {  	_ =	shalt  }
0x48: {  	_ =	shalt  }
0x49: {  	_ =	shalt  }
0x4a: {  	_ =	shalt  }
0x4b: {  	_ =	shalt  }
0x4c: {  	_ =	shalt  }
0x4d: {  	_ =	shalt  }
0x4e: {  	_ =	shalt  }
0x4f: {  	_ =	shalt  }
0x50: {  	_ =	shalt  }
0x51: {  	_ =	shalt  }
0x52: {  	_ =	shalt  }
0x53: {  	_ =	shalt  }
0x54: {  	_ =	shalt  }
0x55: {  	_ =	shalt  }
0x56: {  	_ =	shalt  }
0x57: {  	_ =	shalt  }
0x58: {  	_ =	shalt  }
0x59: {  	_ =	shalt  }
0x5a: {  	_ =	shalt  }
0x5b: {  	_ =	shalt  }
0x5c: {  	_ =	shalt  }
0x5d: {  	_ =	shalt  }
0x5e: {  	_ =	shalt  }
0x5f: {  	_ =	shalt  }
0x60: {  	_ =	shalt  }
0x61: {  	_ =	shalt  }
0x62: {  	_ =	shalt  }
0x63: {  	_ =	shalt  }
0x64: {  	_ =	shalt  }
0x65: {  	_ =	shalt  }
0x66: {  	_ =	shalt  }
0x67: {  	_ =	shalt  }
0x68: {  	_ =	shalt  }
0x69: {  	_ =	shalt  }
0x6a: {  	_ =	shalt  }
0x6b: {  	_ =	shalt  }
0x6c: {  	_ =	shalt  }
0x6d: {  	_ =	shalt  }
0x6e: {  	_ =	shalt  }
0x6f: {  	_ =	shalt  }
0x70: {  	_ =	shalt  }
0x71: {  	_ =	shalt  }
0x72: {  	_ =	shalt  }
0x73: {  	_ =	shalt  }
0x74: {  	_ =	shalt  }
0x75: {  	_ =	shalt  }
0x76: {  	_ =	shalt  }
0x77: {  	_ =	shalt  }
0x78: {  	_ =	shalt  }
0x79: {  	_ =	shalt  }
0x7a: {  	_ =	shalt  }
0x7b: {  	_ =	shalt  }
0x7c: {  	_ =	shalt  }
0x7d: {  	_ =	shalt  }
0x7e: {  	_ =	shalt  }
0x7f: {  	_ =	shalt  }
0x80: {  	_ =	shalt  }
0x81: {  	_ =	shalt  }
0x82: {  	_ =	shalt  }
0x83: {  	_ =	shalt  }
0x84: {  	_ =	shalt  }
0x85: {  	_ =	shalt  }
0x86: {  	_ =	shalt  }
0x87: {  	_ =	shalt  }
.Lfunc_end0:
.L_simem_size_0:
called_computation.1_lowered:
.L_overlay_start_0:
0x88: {  	s2 =	sld [smem:$0x3FD9]  }
0x89: {  	s3 =	sld [smem:$0x3FFE];
	_ =	sdelay $0x1  }
0x8a: {  	s1 =	srdreg.scid  }
0x8b: {  	s0 =	sand.u32 $0x1, s1  }
0x8c: {  	s17 =	sshll.u32 s0, $0xA;
	s2 =	sadd.s32 s3, s2  }
0x8d: {  	s2 =	sadd.s32 s2, s17  }
0x8e: {  	[smem:$0x3FB9] =	sst s2  }
0x8f: {  	_ = 	snop  }
0x90: {  	(tm) =	ssettm $0x1  }
0x91: {  	s18 =	sld [smem:$0x3FFB];
	_ =	sdelay $0x3  }
0x92: {  	_ =	strace s18  }
0x93: {  	s2 =	sld [smem:$0x3FFC];
	_ =	sdelay $0x3  }
0x94: {  	_ =	strace s2  }
0x95: {  	s2 =	sld [smem:$0x3FFD];
	_ =	sdelay $0x3  }
0x96: {  	_ =	strace s2  }
0x97: {  	_ =	strace $0x8FFFFFFF  }
0x98: {  	s19 =	sld [smem:$0x3FDB];
	_ =	sdelay $0x1  }
0x99: {  	s20 =	simm.s32 $_scs_section_size  }
0x9a: {  	s4 =	simm.s32 $_size__tile_overlayer_lowered;
	s5 =	simm.s32 $_tile_overlayer_lowered  }
0x9b: {  	s6 =	simm.s32 $0x1BFF;
	s21 =	sshll.u32 s5, $0x1;
	s3 =	sadd.s32 s20, s19  }
0x9c: {  	s22 =	simm.s32 $0x0;
	s4 =	sshll.u32 s4, $0x1;
	s5 =	sadd.s32 s21, s3  }
0x9d: {  	[timem:s22], [sflag:s6] =	dma.local [hbm:s5], s4  }
0x9e: {  	_ =	swait.ge [sflag:s6], s4  }
0x9f: {  	s4 =	ssub.s32 $0x0, s4;
	[sflag:s6] =	ssyncset.done $0x0  }
0xa0: {  	[sflag:s6] =	ssyncadd.s32 s4;
	_ =	sdelay $0x1  }
0xa1: {  	s23 =	simm.s32 $0x1B8B  }
0xa2: {  	_ =	swait.ge [sflag:s23], $0x1  }
0xa3: {  	[sflag:s23] =	ssyncset.done $0x0  }
0xa4: {  	[sflag:s23] =	ssyncadd.s32 $0xFFFFFFFF  }
0xa5: {  	s4 =	sld [smem:$0x0]  }
0xa6: {  	s5 =	sand.u32 $0xFFFFFFFE, s1  }
0xa7: {  	p0 =	sne.s32 s1, s5  }
0xa8: {  	s5 =	sshll.u32 @p0 s5, $0xE  }
0xa9: {  	s5 =	sadd.s32 @p0 $0x11B8D, s5;
	s6 =	sshll.u32 @p0 s4, $0x11  }
0xaa: {  	s5 =	sor.u32 @p0 s6, s5  }
0xab: {  	[sflag:s5] =	ssyncadd.remote.s32 @p0 $0x1;
	_ =	sdelay $0x1  }
0xac: {  	s5 =	simm.s32 @p0 $0x1B8D  }
0xad: {  	_ =	swait.eq @p0 [sflag:s5], $0x1  }
0xae: {  	[sflag:s5] =	ssyncadd.s32 @p0 $0xFFFFFFFF  }
0xaf: {  	s6 =	sshll.u32 @!p0 s1, $0xE  }
0xb0: {  	s6 =	sor.u32 @!p0 $0x4000, s6;
	s5 =	simm.s32 @!p0 $0x1B8D  }
0xb1: {  	s4 =	sshll.u32 @!p0 s4, $0x11;
	s6 =	sadd.s32 @!p0 $0x11B8D, s6;
	_ =	swait.eq @!p0 [sflag:s5], $0x1  }
0xb2: {  	s4 =	sor.u32 @!p0 s4, s6;
	[sflag:s5] =	ssyncadd.s32 @!p0 $0xFFFFFFFF  }
0xb3: {  	s25 =	simm.s32 $0x1B8E;
	s24 =	sld [smem:$0x3FFE];
	[sflag:s4] =	ssyncadd.remote.s32 @!p0 $0x1  }
0xb4: {  	s26 =	simm.s32 $execute0_lowered;
	[smem:$0x3FD2] =	sst s25  }
0xb5: {  	s5 =	sshll.u32 s26, $0x1;
	_ =	strace $0x80000049;
	[dreg:$0x1] =	wrdreg $0xFFFFFFFF  }
0xb6: {  	s28 =	simm.s32 $_size_execute0_lowered;
	s3 =	sadd.s32 s3, s5;
	[dreg:$0x0] =	wrdreg $0x0  }
0xb7: {  	s5 =	sshll.u32 s28, $0x1;
	[dreg:$0x2] =	wrdreg s3  }
0xb8: {  	[dreg:$0x3] =	wrdreg s5  }
0xb9: {  	[dreg:$0x4] =	wrdreg $0xC0  }
0xba: {  	_ =	task [dreg:s22], $0x5FFFF  }
0xbb: {  	[dreg:$0x1] =	wrdreg $0xFFFFFFFF  }
0xbc: {  	[dreg:$0x0] =	wrdreg $0x60  }
0xbd: {  	[dreg:$0x2] =	wrdreg s24  }
0xbe: {  	[dreg:$0x3] =	wrdreg $0x0  }
0xbf: {  	[dreg:$0x4] =	wrdreg $0x9  }
0xc0: {  	_ =	task.clear_ibuf [dreg:s22], $0x5FFFF;
	_ =	strace $0x90000049  }
0xc1: {  	s29 =	simm.s32 $0x9;
	_ =	strace $0x8000004B  }
0xc2: {  	_ =	swait.ge [sflag:s29], $0x1  }
0xc3: {  	[sflag:s29] =	ssyncadd.s32 $0xFFFFFFFF  }
0xc4: {  	_ =	strace $0x9000004B  }
0xc5: {  	_ =	sfence  }
0xc6: {  	s30 =	sld [smem:$0x0];
	_ =	sdelay $0x2  }
0xc7: {  	s31 =	sshll.u32 s1, $0xD;
	s1 =	sshrl.u32 s1, $0x2  }
0xc8: {  	s4 =	sand.u32 $0x4000, s31;
	s1 =	sadd.s32 s1, s30  }
0xc9: {  	s0 =	sor.u32 s4, s0;
	s1 =	sshll.u32 s1, $0x11  }
0xca: {  	s0 =	sor.u32 s1, s0  }
0xcb: {  	s0 =	sadd.s32 $0x8F2B, s0  }
0xcc: {  	[sflag:s0] =	ssyncadd.remote.s32 $0x1  }
0xcd: {  	_ =	sfence.sel $0xFFFF  }
0xce: {  	[dreg:$0x0] =	wrdreg $0xFFFFFFFF;
	(pc) =	sbr.abs _section_cstart, $3  }
0xcf: {  	[dreg:$0x1] =	wrdreg $0xFFFFFFFF  }
0xd0: {  	_ =	task.clear_ibuf [dreg:s22], $0x2FFFF;
	_ =	strace $0x9FFFFFFF  }
0xd1: {  	(tm) =	ssettm $0x7FFFFFFF  }
tec
execute0_lowered:
.L_overlay_start_1:
0x0: {  	(tag) =	ssettag $0x1  }
0x1: {  	s7 =	rddreg [dreg:$0x0]  }
0x2: {  	s1 =	rddreg [dreg:$0x1]  }
0x3: {  	s0 =	rddreg [dreg:$0x2]  }
0x4: {  	s2 =	simm.s32 $0x0;
	s6 =	srdreg.scid;
	s3 =	stileid.u32  }
0x5: {  	s24 =	simm.s32 $0x0;
	[smem:$0x7FF] =	sst s2;
	s9 =	smul.u32 $0x28000, s3  }
0x6: {  	s4 =	sadd.s32 $0xF000, s7;
	s5 =	sadd.s32 $0xE800, s7;
	s14 =	smul.u32 $0xA000, s3  }
0x7: {  	s11 =	sand.u32 $0x1, s6;
	s6 =	sadd.s32 $0x37800, s7;
	s10 =	smul.u32 $0x5000, s3  }
0x8: {  	s16 =	sadd.s32 $0x4B800, s7;
	_ =	strace $0x8000004A;
	s12 =	smul.u32 $0x140000, s11  }
0x9: {  	s8 =	ssub.s32 $0x2, s11;
	s19 =	smul.u32 $0xFFFFD8F0, s11;
	s21 =	sshllo.u32 s11, $0x1  }
0xa: {  	s29 =	sshrl.u32 s8, $0x1;
	s30 =	sshrl.u32 s9, $0x2;
	s23 =	smul.u32 $0xA0000, s21  }
0xb: {  	s15 =	sadd.s32 $0x4000, s14;
	s18 =	sadd.s32 $0x8000, s14;
	s31 =	smul.u32 $0xFFFFEC78, s21  }
0xc: {  	s21 =	simm.s32 $0xA000;
	s17 =	ssub.s32 s8, s29;
	s7 =	sadd.s32 s30, s1  }
0xd: {  	s8 =	sadd.s32 s15, s1;
	s13 =	sadd.s32 s14, s12;
	s9 =	sadd.s32 s18, s1  }
0xe: {  	s20 =	sadd.s32 s12, s15;
	s12 =	sadd.s32 s12, s18;
	v1 =	vmov s19;
	s19 =	simm.s32 $0x1  }
0xf: {  	s13 =	sshrl.u32 s13, $0x3;
	s20 =	sshrl.u32 s20, $0x3;
	s22 =	sshrl.u32 s12, $0x3  }
0x10: {  	s14 =	sadd.s32 s14, s23;
	s15 =	sadd.s32 s15, s23;
	s18 =	sadd.s32 s18, s23  }
.Ltmp0:
0x11: {  	s17 =	smax.u32 s17, $0x1;
	s23 =	simm.s32 $0x80;
	(pc) =	sbr.rel .LBB2_1-.Ltmp0, $4  }
0x12: {  	s11 =	sadd.s32 s16, s13;
	s12 =	sadd.s32 s16, s20;
	s13 =	sadd.s32 s16, s22  }
0x13: {  	v0 =	vmov s3;
	s14 =	sshrl.u32 s14, $0x3;
	s15 =	sshrl.u32 s15, $0x3;
	s18 =	sshrl.u32 s18, $0x3  }
0x14: {  	v3 =	vimm.s32 $0x0;
	v0 =	vadd.s32 $0x1388, v0;
	s20 =	simm.s32 $0x14080;
	s22 =	simm.s32 $0xB000;
	s14 =	sadd.s32 s16, s14  }
0x15: {  	v4 =	vlaneseq.u32;
	v0 =	vbroadcast v0, $0x0;
	v2 =	vmov s31;
	s15 =	sadd.s32 s16, s15;
	s16 =	sadd.s32 s16, s18;
	s18 =	simm.s32 $0x10080  }
.LBB2_16:
0x16: {  	[sflag:s19] =	ssyncadd.s32 $0xFFFFC000  }
.LBB2_17:
0x17: {  	[bflag:$0x0] =	sbarrier.arrive $0xFFFF  }
0x18: {  	[tilespmem:s20], [sflag:$0x1] =	stream.linear.gather [spmem:s7], $0x4000, $0x38;
	[tilespmem:$0x18080] =	vst v63  }
0x19: {  	_ =	swait.ge [sflag:s19], $0x4000  }
0x1a: {  	[sflag:s19] =	ssyncset.done $0x0  }
0x1b: {  	[sflag:s19] =	ssyncadd.s32 $0xFFFFC000  }
0x1c: {  	[hbm4b:s14+s2] =	stream.linear.scatter [tilespmem:s20], [sflag:$0x1], $0x4000, $0x38;
	[tilespmem:$0x18080] =	vst v63  }
0x1d: {  	_ =	swait.ge [sflag:s19], $0x4000  }
0x1e: {  	[sflag:s19] =	ssyncset.done $0x0  }
0x1f: {  	[sflag:s19] =	ssyncadd.s32 $0xFFFFC000  }
0x20: {  	[tilespmem:s20], [sflag:$0x1] =	stream.linear.gather [spmem:s8], $0x4000, $0x38;
	[tilespmem:$0x18080] =	vst v63  }
0x21: {  	_ =	swait.ge [sflag:s19], $0x4000  }
0x22: {  	[sflag:s19] =	ssyncset.done $0x0  }
0x23: {  	[sflag:s19] =	ssyncadd.s32 $0xFFFFC000  }
0x24: {  	[hbm4b:s15+s2] =	stream.linear.scatter [tilespmem:s20], [sflag:$0x1], $0x4000, $0x38;
	[tilespmem:$0x18080] =	vst v63  }
0x25: {  	_ =	swait.ge [sflag:s19], $0x4000  }
0x26: {  	[sflag:s19] =	ssyncset.done $0x0  }
0x27: {  	[sflag:s19] =	ssyncadd.s32 $0xFFFFC000  }
0x28: {  	[tilespmem:s20], [sflag:$0x1] =	stream.linear.gather [spmem:s9], $0x2000, $0x38;
	[tilespmem:$0x18080] =	vst v63  }
0x29: {  	s24 =	sadd.s32 $0x1, s24;
	_ =	swait.ge [sflag:s19], $0x2000  }
0x2a: {  	p0 =	sne.s32 s24, s17;
	[sflag:s19] =	ssyncset.done $0x0  }
.Ltmp1:
0x2b: {  	[sflag:s19] =	ssyncadd.s32 $0xFFFFE000;
	(pc) =	sbr.rel @!p0 .LBB2_18-.Ltmp1, $4  }
0x2c: {  	[hbm4b:s16+s2] =	stream.linear.scatter [tilespmem:s20], [sflag:$0x1], $0x2000, $0x38;
	[tilespmem:$0x18080] =	vst v63  }
0x2d: {  	_ =	swait.ge [sflag:s19], $0x2000  }
0x2e: {  	[sflag:s19] =	ssyncset.done $0x0  }
0x2f: {  	[sflag:s19] =	ssyncadd.s32 $0xFFFFE000  }
.LBB2_1:
0x30: {  	[tilespmem:s18], [sflag:$0x1] =	stream.linear.gather [hbm4b:s4+s2], $0x4000, $0x38;
	[tilespmem:$0x18080] =	vst v63  }
0x31: {  	_ =	swait.ge [sflag:s19], $0x4000  }
0x32: {  	[sflag:s19] =	ssyncset.done $0x0  }
0x33: {  	[sflag:s19] =	ssyncadd.s32 $0xFFFFC000  }
0x34: {  	[tilespmem:s20], [sflag:$0x1] =	stream.linear.gather [hbm4b:s5+s2], $0x4000, $0x38;
	[tilespmem:$0x18080] =	vst v63  }
0x35: {  	_ =	swait.ge [sflag:s19], $0x4000  }
0x36: {  	[sflag:s19] =	ssyncset.done $0x0  }
0x37: {  	[sflag:s19] =	ssyncadd.s32 $0xFFFFC000  }
0x38: {  	[spmem:s7] =	stream.linear.scatter [tilespmem:s20], [sflag:$0x1], $0x4000, $0x38;
	[tilespmem:$0x18080] =	vst v63  }
0x39: {  	_ =	swait.ge [sflag:s19], $0x4000  }
0x3a: {  	[sflag:s19] =	ssyncset.done $0x0  }
0x3b: {  	[sflag:s19] =	ssyncadd.s32 $0xFFFFC000  }
0x3c: {  	[spmem:s8] =	stream.linear.scatter [tilespmem:s20], [sflag:$0x1], $0x4000, $0x38;
	[tilespmem:$0x18080] =	vst v63  }
0x3d: {  	_ =	swait.ge [sflag:s19], $0x4000  }
0x3e: {  	[sflag:s19] =	ssyncset.done $0x0  }
0x3f: {  	[sflag:s19] =	ssyncadd.s32 $0xFFFFC000  }
0x40: {  	[spmem:s9] =	stream.linear.scatter [tilespmem:s20], [sflag:$0x1], $0x2000, $0x38;
	[tilespmem:$0x18080] =	vst v63  }
0x41: {  	_ =	swait.ge [sflag:s19], $0x2000  }
0x42: {  	[sflag:s19] =	ssyncset.done $0x0  }
0x43: {  	[sflag:s19] =	ssyncadd.s32 $0xFFFFE000  }
0x44: {  	s25 =	simm.s32 $0x0;
	s26 =	simm.s32 $0x0;
	[bflag:$0x0] =	sbarrier.arrive $0xFFFF  }
.LBB2_2:
0x45: {  	s28 =	sshll.u32 s26, $0xC  }
0x46: {  	s28 =	sadd.s32 s10, s28  }
0x47: {  	s28 =	sshrl.u32 s28, $0x3  }
0x48: {  	s29 =	simm.s32 $0x0;
	s28 =	sadd.s32 s6, s28  }
0x49: {  	[tilespmem:s21], [sflag:$0x1] =	stream.linear.gather [hbm4b:s28+s29], $0x1000, $0x38;
	[tilespmem:$0x18080] =	vst v63  }
0x4a: {  	_ =	swait.ge [sflag:s19], $0x1000  }
0x4b: {  	[sflag:s19] =	ssyncset.done $0x0  }
0x4c: {  	s28 =	simm.s32 $0x0;
	[sflag:s19] =	ssyncadd.s32 $0xFFFFF000  }
0x4d: {  	v5 =	vld [tilespmem:s28+$0xA000];
	_ =	sdelay $0x4  }
0x4e: {  	v5 =	vadd.s32 v1, v5  }
0x4f: {  	vm0 =	vlt.u32 v5, $0x1388  }
0x50: {  	v6 =	vsel vm0, $0x1, v3  }
0x51: {  	(xrf0) =	vadd.scan.msk.s32 $0xffff, v6;
	_ =	sdelay $0x2  }
0x52: {  	v6 =	vmov s25  }
0x53: {  	v6 =	vadd.s32 $0xFFFFFFFF, v6  }
0x54: {  	v6 =	vbroadcast v6, $0x0  }
0x55: {  	v7, _, _ =	vpop (xrf0)  }
0x56: {  	v6 =	vadd.s32 v7, v6;
	(v2sf) =	vpush v7, $0xF;
	_ =	sdelay $0x4  }
0x57: {  	s29 =	simm.s32 $0x10;
	s28 =	simm.s32 $0x80;
	[tilespmem:v6+s22+$0x0] =	vst.idx.msk vm0, v5  }
.LBB2_3:
0x58: {  	p0 =	sne.s32 s28, $0x3FC0;
	v5 =	vld [tilespmem:s29+$0xA000];
	_ =	sdelay $0x4  }
0x59: {  	v5 =	vadd.s32 v1, v5  }
0x5a: {  	vm0 =	vlt.u32 v5, $0x1388  }
0x5b: {  	v6 =	vsel vm0, $0x1, v3  }
0x5c: {  	(xrf0) =	vadd.scan.msk.s32 $0xffff, v6  }
0x5d: {  	s29 =	spop (v2sf)  }
0x5e: {  	s25 =	sadd.s32 s25, s29  }
0x5f: {  	v6 =	vmov s25  }
0x60: {  	v6 =	vadd.s32 $0xFFFFFFFF, v6  }
0x61: {  	v6 =	vbroadcast v6, $0x0  }
0x62: {  	v7, _, _ =	vpop (xrf0)  }
0x63: {  	v6 =	vadd.s32 v7, v6;
	(v2sf) =	vpush v7, $0xF  }
.Ltmp2:
0x64: {  	(pc) =	sbr.rel @p0 .LBB2_3-.Ltmp2, $2  }
0x65: {  	_ =	sdelay $0x2  }
0x66: {  	s29 =	sshra.s32 s28, $0x2;
	s28 =	sadd.s32 $0x40, s28;
	[tilespmem:v6+s22+$0x0] =	vst.idx.msk vm0, v5  }
0x67: {  	v5 =	vld [tilespmem:s29+$0xA000];
	_ =	sdelay $0x4  }
0x68: {  	v5 =	vadd.s32 v1, v5  }
0x69: {  	vm0 =	vlt.u32 v5, $0x1388  }
0x6a: {  	v6 =	vsel vm0, $0x1, v3  }
0x6b: {  	(xrf0) =	vadd.scan.msk.s32 $0xffff, v6;
	_ =	sdelay $0x5  }
0x6c: {  	v6, _, _ =	vpop (xrf0)  }
0x6d: {  	(v2sf) =	vpush v6, $0xF;
	_ =	sdelay $0x4  }
0x6e: {  	s28 =	spop (v2sf)  }
0x6f: {  	s25 =	sadd.s32 s25, s28  }
0x70: {  	v7 =	vmov s25  }
0x71: {  	v7 =	vadd.s32 $0xFFFFFFFF, v7  }
0x72: {  	v7 =	vbroadcast v7, $0x0  }
0x73: {  	s26 =	sadd.s32 $0x1, s26  }
0x74: {  	p0 =	sne.s32 s26, $0x5;
	v6 =	vadd.s32 v6, v7  }
.Ltmp3:
0x75: {  	_ = 	snop;
	(pc) =	sbr.rel @p0 .LBB2_2-.Ltmp3, $3  }
0x76: {  	_ =	sdelay $0x1  }
0x77: {  	s31 =	spop (v2sf)  }
0x78: {  	[tilespmem:v6+s22+$0x0] =	vst.idx.msk vm0, v5;
	s25 =	sadd.s32 s25, s31  }
0x79: {  	v5 =	vadd.s32 s25, v4  }
0x7a: {  	s26 =	sadd.s32 $0x10, s25  }
0x7b: {  	v6 =	vadd.s32 s26, v4  }
0x7c: {  	s28 =	sadd.s32 $0x20, s25;
	s29 =	sadd.s32 $0x30, s25  }
0x7d: {  	s30 =	sadd.s32 $0x50, s25;
	v8 =	vadd.s32 s29, v4;
	s26 =	simm.s32 $0xB000;
	s29 =	sadd.s32 $0x7F, s25  }
0x7e: {  	s31 =	sadd.s32 $0x70, s25;
	v7 =	vadd.s32 s28, v4;
	s28 =	sadd.s32 $0x40, s25;
	[tilespmem:v5+s26+$0x0] =	vst.idx.msk $0xffff, v0;
	v5 =	vadd.s32 s30, v4;
	s30 =	sand.u32 $0x7F, s29  }
0x7f: {  	p1 =	slt.s32 s29, $0x1;
	p0 =	sne.s32 s30, $0x0;
	s30 =	sshra.s32 s29, $0x1F  }
0x80: {  	v9 =	vadd.s32 s28, v4;
	s28 =	sadd.s32 $0x60, s25;
	[tilespmem:v6+s26+$0x0] =	vst.idx.msk $0xffff, v0;
	v6 =	vadd.s32 s31, v4;
	s31 =	sshrl.u32 s30, $0x19;
	p0 =	por !p1, !p0  }
0x81: {  	v10 =	vadd.s32 s28, v4;
	s28 =	simm.s32 $0x1;
	s25 =	sadd.s32 s31, s29;
	p0 =	por !p0, !p0  }
0x82: {  	s25 =	sshra.s32 s25, $0x7;
	s28 =	simm.s32 @!p0 $0x0  }
0x83: {  	s25 =	ssub.s32 s25, s28  }
0x84: {  	[tilespmem:v7+s26+$0x0] =	vst.idx.msk $0xffff, v0;
	p0 =	slt.s32 s25, $0x1  }
.Ltmp4:
0x85: {  	[tilespmem:v8+s26+$0x0] =	vst.idx.msk $0xffff, v0;
	(pc) =	sbr.rel @p0 .LBB2_9-.Ltmp4, $4  }
0x86: {  	[tilespmem:v9+s26+$0x0] =	vst.idx.msk $0xffff, v0  }
0x87: {  	[tilespmem:v5+s26+$0x0] =	vst.idx.msk $0xffff, v0  }
0x88: {  	[tilespmem:v10+s26+$0x0] =	vst.idx.msk $0xffff, v0  }
0x89: {  	[tilespmem:v6+s26+$0x0] =	vst.idx.msk $0xffff, v0  }
0x8a: {  	p0 =	sne.s32 s25, $0x1  }
.Ltmp5:
0x8b: {  	_ = 	snop;
	(pc) =	sbr.rel @!p0 .LBB2_8-.Ltmp5, $4  }
0x8c: {  	_ = 	snop  }
0x8d: {  	[spmem:s1] =	stream.indirect.scatter.add.f32 [tilespmem:s18], [sflag:$0x1], $0x80, s26, s23, $0xb8;
	[tilespmem:$0x18080] =	vst v63  }
0x8e: {  	_ =	swait.ge [sflag:s19], $0x4000  }
0x8f: {  	s25 =	sadd.s32 $0xFFFFFFFF, s25;
	[sflag:s19] =	ssyncset.done $0x0  }
.LBB2_7:
0x90: {  	p0 =	sne.s32 s25, $0x1;
	[sflag:s19] =	ssyncadd.s32 $0xFFFFC000;
	s26 =	sadd.s32 $0x80, s26  }
.Ltmp6:
0x91: {  	s25 =	sadd.s32 $0xFFFFFFFF, s25;
	(pc) =	sbr.rel @p0 .LBB2_7-.Ltmp6, $4  }
0x92: {  	_ = 	snop  }
0x93: {  	[spmem:s1] =	stream.indirect.scatter.add.f32 [tilespmem:s18], [sflag:$0x1], $0x80, s26, s23, $0xb8;
	[tilespmem:$0x18080] =	vst v63  }
0x94: {  	_ =	swait.ge [sflag:s19], $0x4000  }
0x95: {  	[sflag:s19] =	ssyncset.done $0x0  }
.LBB2_8:
0x96: {  	[sflag:s19] =	ssyncadd.s32 $0xFFFFC000  }
.LBB2_9:
0x97: {  	[bflag:$0x0] =	sbarrier.arrive $0xFFFF  }
0x98: {  	[tilespmem:s20], [sflag:$0x1] =	stream.linear.gather [spmem:s7], $0x4000, $0x38;
	[tilespmem:$0x18080] =	vst v63  }
0x99: {  	_ =	swait.ge [sflag:s19], $0x4000  }
0x9a: {  	[sflag:s19] =	ssyncset.done $0x0  }
0x9b: {  	s25 =	simm.s32 $0x0;
	[sflag:s19] =	ssyncadd.s32 $0xFFFFC000  }
0x9c: {  	[hbm4b:s11+s25] =	stream.linear.scatter [tilespmem:s20], [sflag:$0x1], $0x4000, $0x38;
	[tilespmem:$0x18080] =	vst v63  }
0x9d: {  	_ =	swait.ge [sflag:s19], $0x4000  }
0x9e: {  	[sflag:s19] =	ssyncset.done $0x0  }
0x9f: {  	[sflag:s19] =	ssyncadd.s32 $0xFFFFC000  }
0xa0: {  	[tilespmem:s20], [sflag:$0x1] =	stream.linear.gather [spmem:s8], $0x4000, $0x38;
	[tilespmem:$0x18080] =	vst v63  }
0xa1: {  	_ =	swait.ge [sflag:s19], $0x4000  }
0xa2: {  	[sflag:s19] =	ssyncset.done $0x0  }
0xa3: {  	[sflag:s19] =	ssyncadd.s32 $0xFFFFC000  }
0xa4: {  	[hbm4b:s12+s25] =	stream.linear.scatter [tilespmem:s20], [sflag:$0x1], $0x4000, $0x38;
	[tilespmem:$0x18080] =	vst v63  }
0xa5: {  	_ =	swait.ge [sflag:s19], $0x4000  }
0xa6: {  	[sflag:s19] =	ssyncset.done $0x0  }
0xa7: {  	[sflag:s19] =	ssyncadd.s32 $0xFFFFC000  }
0xa8: {  	[tilespmem:s20], [sflag:$0x1] =	stream.linear.gather [spmem:s9], $0x2000, $0x38;
	[tilespmem:$0x18080] =	vst v63  }
0xa9: {  	_ =	swait.ge [sflag:s19], $0x2000  }
0xaa: {  	[sflag:s19] =	ssyncset.done $0x0  }
0xab: {  	[sflag:s19] =	ssyncadd.s32 $0xFFFFE000  }
0xac: {  	[hbm4b:s13+s25] =	stream.linear.scatter [tilespmem:s20], [sflag:$0x1], $0x2000, $0x38;
	[tilespmem:$0x18080] =	vst v63  }
0xad: {  	_ =	swait.ge [sflag:s19], $0x2000  }
0xae: {  	[sflag:s19] =	ssyncset.done $0x0  }
0xaf: {  	[sflag:s19] =	ssyncadd.s32 $0xFFFFE000  }
0xb0: {  	[bflag:$0x0] =	sbarrier.arrive $0xFFFF  }
0xb1: {  	[tilespmem:s20], [sflag:$0x1] =	stream.linear.gather [hbm4b:s5+s25], $0x4000, $0x38;
	[tilespmem:$0x18080] =	vst v63  }
0xb2: {  	_ =	swait.ge [sflag:s19], $0x4000  }
0xb3: {  	[sflag:s19] =	ssyncset.done $0x0  }
0xb4: {  	[sflag:s19] =	ssyncadd.s32 $0xFFFFC000  }
0xb5: {  	[spmem:s7] =	stream.linear.scatter [tilespmem:s20], [sflag:$0x1], $0x4000, $0x38;
	[tilespmem:$0x18080] =	vst v63  }
0xb6: {  	_ =	swait.ge [sflag:s19], $0x4000  }
0xb7: {  	[sflag:s19] =	ssyncset.done $0x0  }
0xb8: {  	[sflag:s19] =	ssyncadd.s32 $0xFFFFC000  }
0xb9: {  	[spmem:s8] =	stream.linear.scatter [tilespmem:s20], [sflag:$0x1], $0x4000, $0x38;
	[tilespmem:$0x18080] =	vst v63  }
0xba: {  	_ =	swait.ge [sflag:s19], $0x4000  }
0xbb: {  	[sflag:s19] =	ssyncset.done $0x0  }
0xbc: {  	[sflag:s19] =	ssyncadd.s32 $0xFFFFC000  }
0xbd: {  	[spmem:s9] =	stream.linear.scatter [tilespmem:s20], [sflag:$0x1], $0x2000, $0x38;
	[tilespmem:$0x18080] =	vst v63  }
0xbe: {  	_ =	swait.ge [sflag:s19], $0x2000  }
0xbf: {  	[sflag:s19] =	ssyncset.done $0x0  }
0xc0: {  	[sflag:s19] =	ssyncadd.s32 $0xFFFFE000  }
0xc1: {  	s26 =	simm.s32 $0x0;
	s28 =	simm.s32 $0x0;
	[bflag:$0x0] =	sbarrier.arrive $0xFFFF  }
.LBB2_10:
0xc2: {  	s29 =	sshll.u32 s28, $0xC  }
0xc3: {  	s29 =	sadd.s32 s10, s29  }
0xc4: {  	s29 =	sshrl.u32 s29, $0x3  }
0xc5: {  	s29 =	sadd.s32 s6, s29  }
0xc6: {  	[tilespmem:s21], [sflag:$0x1] =	stream.linear.gather [hbm4b:s29+s25], $0x1000, $0x38;
	[tilespmem:$0x18080] =	vst v63  }
0xc7: {  	_ =	swait.ge [sflag:s19], $0x1000  }
0xc8: {  	[sflag:s19] =	ssyncset.done $0x0  }
0xc9: {  	s29 =	simm.s32 $0x0;
	[sflag:s19] =	ssyncadd.s32 $0xFFFFF000  }
0xca: {  	v5 =	vld [tilespmem:s29+$0xA000];
	_ =	sdelay $0x4  }
0xcb: {  	v5 =	vadd.s32 v2, v5  }
0xcc: {  	vm0 =	vlt.u32 v5, $0x1388  }
0xcd: {  	v6 =	vsel vm0, $0x1, v3  }
0xce: {  	(xrf0) =	vadd.scan.msk.s32 $0xffff, v6;
	_ =	sdelay $0x2  }
0xcf: {  	v6 =	vmov s26  }
0xd0: {  	v6 =	vadd.s32 $0xFFFFFFFF, v6  }
0xd1: {  	v6 =	vbroadcast v6, $0x0  }
0xd2: {  	v7, _, _ =	vpop (xrf0)  }
0xd3: {  	v6 =	vadd.s32 v7, v6;
	(v2sf) =	vpush v7, $0xF;
	_ =	sdelay $0x4  }
0xd4: {  	s30 =	simm.s32 $0x10;
	s29 =	simm.s32 $0x80;
	[tilespmem:v6+s22+$0x0] =	vst.idx.msk vm0, v5  }
.LBB2_11:
0xd5: {  	p0 =	sne.s32 s29, $0x3FC0;
	v5 =	vld [tilespmem:s30+$0xA000];
	_ =	sdelay $0x4  }
0xd6: {  	v5 =	vadd.s32 v2, v5  }
0xd7: {  	vm0 =	vlt.u32 v5, $0x1388  }
0xd8: {  	v6 =	vsel vm0, $0x1, v3  }
0xd9: {  	(xrf0) =	vadd.scan.msk.s32 $0xffff, v6  }
0xda: {  	s30 =	spop (v2sf)  }
0xdb: {  	s26 =	sadd.s32 s26, s30  }
0xdc: {  	v6 =	vmov s26  }
0xdd: {  	v6 =	vadd.s32 $0xFFFFFFFF, v6  }
0xde: {  	v6 =	vbroadcast v6, $0x0  }
0xdf: {  	v7, _, _ =	vpop (xrf0)  }
0xe0: {  	v6 =	vadd.s32 v7, v6;
	(v2sf) =	vpush v7, $0xF  }
.Ltmp7:
0xe1: {  	(pc) =	sbr.rel @p0 .LBB2_11-.Ltmp7, $2  }
0xe2: {  	_ =	sdelay $0x2  }
0xe3: {  	s30 =	sshra.s32 s29, $0x2;
	s29 =	sadd.s32 $0x40, s29;
	[tilespmem:v6+s22+$0x0] =	vst.idx.msk vm0, v5  }
0xe4: {  	v5 =	vld [tilespmem:s30+$0xA000];
	_ =	sdelay $0x4  }
0xe5: {  	v5 =	vadd.s32 v2, v5  }
0xe6: {  	vm0 =	vlt.u32 v5, $0x1388  }
0xe7: {  	v6 =	vsel vm0, $0x1, v3  }
0xe8: {  	(xrf0) =	vadd.scan.msk.s32 $0xffff, v6;
	_ =	sdelay $0x5  }
0xe9: {  	v6, _, _ =	vpop (xrf0)  }
0xea: {  	(v2sf) =	vpush v6, $0xF;
	_ =	sdelay $0x4  }
0xeb: {  	s29 =	spop (v2sf)  }
0xec: {  	s26 =	sadd.s32 s26, s29  }
0xed: {  	v7 =	vmov s26  }
0xee: {  	v7 =	vadd.s32 $0xFFFFFFFF, v7  }
0xef: {  	v7 =	vbroadcast v7, $0x0  }
0xf0: {  	s28 =	sadd.s32 $0x1, s28  }
0xf1: {  	p0 =	sne.s32 s28, $0x5;
	v6 =	vadd.s32 v6, v7  }
.Ltmp8:
0xf2: {  	_ = 	snop;
	(pc) =	sbr.rel @p0 .LBB2_10-.Ltmp8, $3  }
0xf3: {  	_ =	sdelay $0x1  }
0xf4: {  	s31 =	spop (v2sf)  }
0xf5: {  	[tilespmem:v6+s22+$0x0] =	vst.idx.msk vm0, v5;
	s26 =	sadd.s32 s26, s31  }
0xf6: {  	v5 =	vadd.s32 s26, v4  }
0xf7: {  	s25 =	sadd.s32 $0x10, s26  }
0xf8: {  	v6 =	vadd.s32 s25, v4  }
0xf9: {  	s28 =	sadd.s32 $0x20, s26;
	s29 =	sadd.s32 $0x30, s26  }
0xfa: {  	s30 =	sadd.s32 $0x50, s26;
	v8 =	vadd.s32 s29, v4;
	s25 =	simm.s32 $0xB000;
	s29 =	sadd.s32 $0x7F, s26  }
0xfb: {  	s31 =	sadd.s32 $0x70, s26;
	v7 =	vadd.s32 s28, v4;
	s28 =	sadd.s32 $0x40, s26;
	[tilespmem:v5+s25+$0x0] =	vst.idx.msk $0xffff, v0;
	v5 =	vadd.s32 s30, v4;
	s30 =	sand.u32 $0x7F, s29  }
0xfc: {  	p1 =	slt.s32 s29, $0x1;
	p0 =	sne.s32 s30, $0x0;
	s30 =	sshra.s32 s29, $0x1F  }
0xfd: {  	v9 =	vadd.s32 s28, v4;
	s28 =	sadd.s32 $0x60, s26;
	[tilespmem:v6+s25+$0x0] =	vst.idx.msk $0xffff, v0;
	v6 =	vadd.s32 s31, v4;
	s31 =	sshrl.u32 s30, $0x19;
	p0 =	por !p1, !p0  }
0xfe: {  	v10 =	vadd.s32 s28, v4;
	s28 =	simm.s32 $0x1;
	s26 =	sadd.s32 s31, s29;
	p0 =	por !p0, !p0  }
0xff: {  	s26 =	sshra.s32 s26, $0x7;
	s28 =	simm.s32 @!p0 $0x0  }
0x100: {  	s26 =	ssub.s32 s26, s28  }
0x101: {  	[tilespmem:v7+s25+$0x0] =	vst.idx.msk $0xffff, v0;
	p0 =	slt.s32 s26, $0x1  }
.Ltmp9:
0x102: {  	[tilespmem:v8+s25+$0x0] =	vst.idx.msk $0xffff, v0;
	(pc) =	sbr.rel @p0 .LBB2_17-.Ltmp9, $4  }
0x103: {  	[tilespmem:v9+s25+$0x0] =	vst.idx.msk $0xffff, v0  }
0x104: {  	[tilespmem:v5+s25+$0x0] =	vst.idx.msk $0xffff, v0  }
0x105: {  	[tilespmem:v10+s25+$0x0] =	vst.idx.msk $0xffff, v0  }
0x106: {  	[tilespmem:v6+s25+$0x0] =	vst.idx.msk $0xffff, v0  }
0x107: {  	p0 =	sne.s32 s26, $0x1  }
.Ltmp10:
0x108: {  	_ = 	snop;
	(pc) =	sbr.rel @!p0 .LBB2_16-.Ltmp10, $4  }
0x109: {  	_ = 	snop  }
0x10a: {  	[spmem:s1] =	stream.indirect.scatter.add.f32 [tilespmem:s18], [sflag:$0x1], $0x80, s25, s23, $0xb8;
	[tilespmem:$0x18080] =	vst v63  }
0x10b: {  	_ =	swait.ge [sflag:s19], $0x4000  }
0x10c: {  	s26 =	sadd.s32 $0xFFFFFFFF, s26;
	[sflag:s19] =	ssyncset.done $0x0  }
.LBB2_15:
0x10d: {  	p0 =	sne.s32 s26, $0x1;
	[sflag:s19] =	ssyncadd.s32 $0xFFFFC000;
	s25 =	sadd.s32 $0x80, s25  }
.Ltmp11:
0x10e: {  	s26 =	sadd.s32 $0xFFFFFFFF, s26;
	(pc) =	sbr.rel @p0 .LBB2_15-.Ltmp11, $4  }
0x10f: {  	_ = 	snop  }
0x110: {  	[spmem:s1] =	stream.indirect.scatter.add.f32 [tilespmem:s18], [sflag:$0x1], $0x80, s25, s23, $0xb8;
	[tilespmem:$0x18080] =	vst v63  }
0x111: {  	_ =	swait.ge [sflag:s19], $0x4000  }
0x112: {  	[sflag:s19] =	ssyncset.done $0x0  }
.Ltmp12:
0x113: {  	_ = 	snop;
	(pc) =	sbr.rel .LBB2_16-.Ltmp12, $1  }
0x114: {  	_ =	sdelay $0x3  }
.LBB2_18:
0x115: {  	_ =	sfence.sel $0x180000  }
0x116: {  	[bflag:$0x0] =	sbarrier.arrive $0xFFFF  }
0x117: {  	p0 =	sne.s32 s3, $0x0;
	_ =	strace $0x9000004A  }
0x118: {  	s0 =	sadd.s32 @!p0 $0x100000, s0;
	[bflag:$0x2] =	sbarrier.arrive $0xFFFF  }
0x119: {  	[sflag:s0] =	ssyncadd.tile.s32 @!p0 $0x1;
	_ =	shalt  }
.Lfunc_end2:
_tile_overlayer_lowered:
.L_overlay_start_2:
0x11a: {  	(tag) =	ssettag $0x2  }
0x11b: {  	s0 =	rddreg [dreg:$0x0];
	s2 =	stileid.u32  }
0x11c: {  	s1 =	rddreg [dreg:$0x1];
	p0 =	sne.s32 s2, $0x0  }
0x11d: {  	s3 =	rddreg [dreg:$0x2];
	[bflag:$0x3] =	sbarrier.arrive $0xFFFF;
	s2 =	simm.s32 @!p0 $0x1C01  }
0x11e: {  	[timem:s3], [sflag:s2] =	dma.local @!p0 [hbm:s0], s1  }
0x11f: {  	s0 =	simm.s32 @!p0 $0x1  }
0x120: {  	_ =	swait.ge @!p0 [sflag:s0], s1  }
0x121: {  	s1 =	ssub.s32 @!p0 $0x0, s1;
	[sflag:s0] =	ssyncset.done @!p0 $0x0  }
0x122: {  	[sflag:s0] =	ssyncadd.s32 @!p0 s1  }
0x123: {  	[bflag:$0x3] =	sbarrier.arrive $0xFFFF  }
0x124: {  	_ =	shalt  }

// kernel: kernel.15.cloned.1.call-start
scs
__scs_entry_jumppad:
0x0: {  	(pc) =	sbr.rel $0x88, $3  }
0x1: {  	(tag) =	ssettag $0x0;
	lr =	simm.s32 $0x1  }
0x2: {  	[smem:$0x3F92] =	sst lr;
	_ =	strace $0xD0000000  }
0x3: {  	_ = 	snop  }
0x4: {  	_ = 	snop  }
0x5: {  	_ = 	snop  }
0x6: {  	_ = 	snop  }
0x7: {  	_ = 	snop  }
__scs_overlays_trampoline_lowered:
0x8: {  	[smem:$0x3FA1] =	sst s0  }
0x9: {  	[smem:$0x3FA2] =	sst s1  }
0xa: {  	[smem:$0x3FA3] =	sst s2  }
0xb: {  	[smem:$0x3FA4] =	sst s3  }
0xc: {  	[smem:$0x3FA5] =	sst s4  }
0xd: {  	[smem:$0x3FA6] =	sst s5  }
0xe: {  	[smem:$0x3FA7] =	sst s6  }
0xf: {  	[smem:$0x3FA8] =	sst s7  }
0x10: {  	[smem:$0x3FA9] =	sst s8  }
0x11: {  	[smem:$0x3FAA] =	sst s9;
	s0 =	simm.s32 @!p0 $0x0  }
0x12: {  	s1 =	sld [smem:$0x3F90];
	s0 =	simm.s32 @p0 $0x1  }
0x13: {  	[smem:$0x3FAB] =	sst s0;
	s0 =	simm.s32 @!p1 $0x0  }
0x14: {  	s2 =	sld [smem:$0x3F8F];
	s0 =	simm.s32 @p1 $0x1  }
0x15: {  	[smem:$0x3FAC] =	sst s0;
	s0 =	simm.s32 @!p2 $0x0  }
0x16: {  	s3 =	sld [smem:$0x3FDB];
	s0 =	simm.s32 @p2 $0x1  }
0x17: {  	s4 =	simm.s32 $0x1BF5;
	[smem:$0x3FAE] =	sst s0  }
0x18: {  	s0 =	sld [smem:$0x3F91];
	_ =	swait.ge [sflag:s4], $0x0  }
0x19: {  	s7 =	sld [smem:$0x3F92]  }
0x1a: {  	s8 =	sadd.s32 $0xFFFFE003, lr  }
0x1b: {  	s9 =	sadd.s32 $0xFFFFFEF7, lr;
	s5 =	simm.s32 $0xFFFFFFFF;
	p2 =	slt.u32 s8, $0xFFFFF086  }
0x1c: {  	p1 =	slt.u32 s9, $0xF7A;
	s5 =	simm.s32 @!p2 $0x0  }
0x1d: {  	s5 =	simm.s32 @p1 $0x1;
	p0 =	seq.s32 s7, s2  }
0x1e: {  	s7 =	smul.u32 @!p0 $0xF7A, s2;
	p2 =	seq.s32 @!p0 s5, $0x0  }
0x1f: {  	s9 =	smul.u32 $0xF7A, s1;
	s8 =	simm.s32 @!p0 $0x1BF5;
	p2 =	por !p2, p0  }
0x20: {  	[sflag:s8] =	ssyncset.s32 @!p0 $0xFFFFF086;
	s6 =	sadd.s32 @!p0 s3, s7;
	s7 =	simm.s32 @!p0 $0x108  }
0x21: {  	s3 =	sadd.s32 s3, s9;
	s6 =	sadd.s32 @!p0 $0x88, s6;
	s7 =	simm.s32 @p2 $0x1082  }
0x22: {  	[simem:s7], [sflag:s8] =	dma.local @!p0 [hbm:s6], $0xF7A  }
0x23: {  	s9 =	sor.u32 $0xD0000000, s2;
	s6 =	simm.s32 $0x108;
	_ =	swait.ge @!p0 [sflag:s8], $0x0  }
0x24: {  	s3 =	sadd.s32 $0x88, s3;
	s6 =	simm.s32 @!p1 $0x1082;
	[sflag:s4] =	ssyncset.s32 $0xFFFFF086  }
0x25: {  	[simem:s6], [sflag:s4] =	dma.local [hbm:s3], $0xF7A  }
0x26: {  	[smem:$0x3F92] =	sst s1;
	(tag) =	ssettag s2;
	_ =	strace s9  }
0x27: {  	s1 =	sld [smem:$0x3FA2]  }
0x28: {  	s2 =	sld [smem:$0x3FA3]  }
0x29: {  	s4 =	sld [smem:$0x3FA5]  }
0x2a: {  	p0 =	seq.s32 s5, $0x0;
	s5 =	sld [smem:$0x3FA6]  }
0x2b: {  	s6 =	sld [smem:$0x3FA7]  }
0x2c: {  	s7 =	sld [smem:$0x3FA8]  }
0x2d: {  	s3 =	simm.s32 $0x108;
	s8 =	sld [smem:$0x3FA9]  }
0x2e: {  	s3 =	simm.s32 @!p0 $0x1082;
	s9 =	sld [smem:$0x3FAA]  }
0x2f: {  	lr =	sadd.s32 s0, s3;
	s0 =	sld [smem:$0x3FA1]  }
0x30: {  	s3 =	sld [smem:$0x3FA4]  }
0x31: {  	[smem:$0x3FAD] =	sst s10  }
0x32: {  	s10 =	sld [smem:$0x3FAB];
	_ =	sdelay $0x3  }
0x33: {  	p0 =	seq.s32 s10, $0x1;
	s10 =	sld [smem:$0x3FAD];
	_ =	sdelay $0x3  }
0x34: {  	[smem:$0x3FAD] =	sst s10  }
0x35: {  	s10 =	sld [smem:$0x3FAC];
	_ =	sdelay $0x3  }
0x36: {  	p1 =	seq.s32 s10, $0x1;
	s10 =	sld [smem:$0x3FAD];
	_ =	sdelay $0x3  }
0x37: {  	[smem:$0x3FAD] =	sst s10  }
0x38: {  	s10 =	sld [smem:$0x3FAE]  }
0x39: {  	_ = 	snop;
	(pc) =	sbr.ind lr, $3  }
0x3a: {  	_ = 	snop  }
0x3b: {  	_ = 	snop  }
0x3c: {  	p2 =	seq.s32 s10, $0x1;
	s10 =	sld [smem:$0x3FAD]  }
0x3d: {  	_ =	shalt  }
0x3e: {  	_ =	shalt  }
0x3f: {  	_ =	shalt  }
0x40: {  	_ =	shalt  }
0x41: {  	_ =	shalt  }
0x42: {  	_ =	shalt  }
0x43: {  	_ =	shalt  }
0x44: {  	_ =	shalt  }
0x45: {  	_ =	shalt  }
0x46: {  	_ =	shalt  }
0x47: {  	_ =	shalt  }
0x48: {  	_ =	shalt  }
0x49: {  	_ =	shalt  }
0x4a: {  	_ =	shalt  }
0x4b: {  	_ =	shalt  }
0x4c: {  	_ =	shalt  }
0x4d: {  	_ =	shalt  }
0x4e: {  	_ =	shalt  }
0x4f: {  	_ =	shalt  }
0x50: {  	_ =	shalt  }
0x51: {  	_ =	shalt  }
0x52: {  	_ =	shalt  }
0x53: {  	_ =	shalt  }
0x54: {  	_ =	shalt  }
0x55: {  	_ =	shalt  }
0x56: {  	_ =	shalt  }
0x57: {  	_ =	shalt  }
0x58: {  	_ =	shalt  }
0x59: {  	_ =	shalt  }
0x5a: {  	_ =	shalt  }
0x5b: {  	_ =	shalt  }
0x5c: {  	_ =	shalt  }
0x5d: {  	_ =	shalt  }
0x5e: {  	_ =	shalt  }
0x5f: {  	_ =	shalt  }
0x60: {  	_ =	shalt  }
0x61: {  	_ =	shalt  }
0x62: {  	_ =	shalt  }
0x63: {  	_ =	shalt  }
0x64: {  	_ =	shalt  }
0x65: {  	_ =	shalt  }
0x66: {  	_ =	shalt  }
0x67: {  	_ =	shalt  }
0x68: {  	_ =	shalt  }
0x69: {  	_ =	shalt  }
0x6a: {  	_ =	shalt  }
0x6b: {  	_ =	shalt  }
0x6c: {  	_ =	shalt  }
0x6d: {  	_ =	shalt  }
0x6e: {  	_ =	shalt  }
0x6f: {  	_ =	shalt  }
0x70: {  	_ =	shalt  }
0x71: {  	_ =	shalt  }
0x72: {  	_ =	shalt  }
0x73: {  	_ =	shalt  }
0x74: {  	_ =	shalt  }
0x75: {  	_ =	shalt  }
0x76: {  	_ =	shalt  }
0x77: {  	_ =	shalt  }
0x78: {  	_ =	shalt  }
0x79: {  	_ =	shalt  }
0x7a: {  	_ =	shalt  }
0x7b: {  	_ =	shalt  }
0x7c: {  	_ =	shalt  }
0x7d: {  	_ =	shalt  }
0x7e: {  	_ =	shalt  }
0x7f: {  	_ =	shalt  }
0x80: {  	_ =	shalt  }
0x81: {  	_ =	shalt  }
0x82: {  	_ =	shalt  }
0x83: {  	_ =	shalt  }
0x84: {  	_ =	shalt  }
0x85: {  	_ =	shalt  }
0x86: {  	_ =	shalt  }
0x87: {  	_ =	shalt  }
.Lfunc_end0:
.L_simem_size_0:
called_computation.2_lowered:
.L_overlay_start_0:
0x88: {  	s2 =	sld [smem:$0x3FD9]  }
0x89: {  	s3 =	sld [smem:$0x3FFE];
	_ =	sdelay $0x1  }
0x8a: {  	s1 =	srdreg.scid  }
0x8b: {  	s0 =	sand.u32 $0x1, s1  }
0x8c: {  	s17 =	sshll.u32 s0, $0xA;
	s2 =	sadd.s32 s3, s2  }
0x8d: {  	s2 =	sadd.s32 s2, s17  }
0x8e: {  	[smem:$0x3FB9] =	sst s2  }
0x8f: {  	_ = 	snop  }
0x90: {  	s18 =	sld [smem:$0x3FD0];
	(tm) =	ssettm $0x1  }
0x91: {  	s19 =	sld [smem:$0x3FFB];
	_ =	sdelay $0x3  }
0x92: {  	_ =	strace s19  }
0x93: {  	s2 =	sld [smem:$0x3FFC];
	_ =	sdelay $0x3  }
0x94: {  	_ =	strace s2  }
0x95: {  	s2 =	sld [smem:$0x3FFD];
	_ =	sdelay $0x3  }
0x96: {  	_ =	strace s2  }
0x97: {  	_ =	strace $0x8FFFFFFF  }
0x98: {  	s20 =	sld [smem:$0x3FDB];
	_ =	sdelay $0x1  }
0x99: {  	s4 =	simm.s32 $_scs_section_size  }
0x9a: {  	s5 =	simm.s32 $_size__tile_overlayer_lowered;
	s6 =	simm.s32 $_tile_overlayer_lowered  }
0x9b: {  	s7 =	simm.s32 $0x1BFF;
	s21 =	sshll.u32 s6, $0x1;
	s4 =	sadd.s32 s4, s20  }
0x9c: {  	s22 =	simm.s32 $0x0;
	s5 =	sshll.u32 s5, $0x1;
	s6 =	sadd.s32 s21, s4  }
0x9d: {  	[timem:s22], [sflag:s7] =	dma.local [hbm:s6], s5  }
0x9e: {  	_ =	swait.ge [sflag:s7], s5  }
0x9f: {  	s5 =	ssub.s32 $0x0, s5;
	[sflag:s7] =	ssyncset.done $0x0  }
0xa0: {  	[sflag:s7] =	ssyncadd.s32 s5;
	_ =	sdelay $0x1  }
0xa1: {  	s23 =	simm.s32 $0x1B8B  }
0xa2: {  	_ =	swait.ge [sflag:s23], $0x1  }
0xa3: {  	[sflag:s23] =	ssyncset.done $0x0  }
0xa4: {  	[sflag:s23] =	ssyncadd.s32 $0xFFFFFFFF  }
0xa5: {  	s5 =	sld [smem:$0x0]  }
0xa6: {  	s6 =	sand.u32 $0xFFFFFFFE, s1  }
0xa7: {  	p0 =	sne.s32 s1, s6  }
0xa8: {  	s6 =	sshll.u32 @p0 s6, $0xE  }
0xa9: {  	s6 =	sadd.s32 @p0 $0x11B8D, s6;
	s7 =	sshll.u32 @p0 s5, $0x11  }
0xaa: {  	s6 =	sor.u32 @p0 s7, s6  }
0xab: {  	[sflag:s6] =	ssyncadd.remote.s32 @p0 $0x1;
	_ =	sdelay $0x1  }
0xac: {  	s6 =	simm.s32 @p0 $0x1B8D  }
0xad: {  	_ =	swait.eq @p0 [sflag:s6], $0x1  }
0xae: {  	[sflag:s6] =	ssyncadd.s32 @p0 $0xFFFFFFFF  }
0xaf: {  	s7 =	sshll.u32 @!p0 s1, $0xE  }
0xb0: {  	s7 =	sor.u32 @!p0 $0x4000, s7;
	s6 =	simm.s32 @!p0 $0x1B8D  }
0xb1: {  	s5 =	sshll.u32 @!p0 s5, $0x11;
	s7 =	sadd.s32 @!p0 $0x11B8D, s7;
	_ =	swait.eq @!p0 [sflag:s6], $0x1  }
0xb2: {  	s5 =	sor.u32 @!p0 s5, s7;
	[sflag:s6] =	ssyncadd.s32 @!p0 $0xFFFFFFFF  }
0xb3: {  	s25 =	simm.s32 $0x1B8E;
	s24 =	sld [smem:$0x3FFE];
	[sflag:s5] =	ssyncadd.remote.s32 @!p0 $0x1  }
0xb4: {  	s26 =	simm.s32 $execute0_lowered;
	[smem:$0x3FD2] =	sst s25  }
0xb5: {  	s6 =	sshll.u32 s26, $0x1;
	_ =	strace $0x8000004C;
	[dreg:$0x1] =	wrdreg $0xFFFFFFFF  }
0xb6: {  	s28 =	simm.s32 $_size_execute0_lowered;
	s4 =	sadd.s32 s4, s6;
	[dreg:$0x0] =	wrdreg $0x0  }
0xb7: {  	s6 =	sshll.u32 s28, $0x1;
	[dreg:$0x2] =	wrdreg s4  }
0xb8: {  	[dreg:$0x3] =	wrdreg s6  }
0xb9: {  	[dreg:$0x4] =	wrdreg $0xC0  }
0xba: {  	_ =	task [dreg:s22], $0x5FFFF  }
0xbb: {  	[dreg:$0x1] =	wrdreg $0xFFFFFFFF  }
0xbc: {  	[dreg:$0x0] =	wrdreg $0x60  }
0xbd: {  	[dreg:$0x2] =	wrdreg s18  }
0xbe: {  	[dreg:$0x3] =	wrdreg s24  }
0xbf: {  	[dreg:$0x4] =	wrdreg $0x0  }
0xc0: {  	[dreg:$0x5] =	wrdreg $0xA  }
0xc1: {  	_ =	task.clear_ibuf [dreg:s22], $0x6FFFF;
	_ =	strace $0x9000004C  }
0xc2: {  	s29 =	simm.s32 $0xA;
	_ =	strace $0x8000004E  }
0xc3: {  	_ =	swait.ge [sflag:s29], $0x1  }
0xc4: {  	[sflag:s29] =	ssyncadd.s32 $0xFFFFFFFF  }
0xc5: {  	_ =	strace $0x9000004E  }
0xc6: {  	_ =	sfence  }
0xc7: {  	s30 =	sld [smem:$0x0];
	_ =	sdelay $0x2  }
0xc8: {  	s31 =	sshll.u32 s1, $0xD;
	s1 =	sshrl.u32 s1, $0x2  }
0xc9: {  	s4 =	sand.u32 $0x4000, s31;
	s1 =	sadd.s32 s1, s30  }
0xca: {  	s0 =	sor.u32 s4, s0;
	s1 =	sshll.u32 s1, $0x11  }
0xcb: {  	s0 =	sor.u32 s1, s0  }
0xcc: {  	s0 =	sadd.s32 $0x8F2B, s0  }
0xcd: {  	[sflag:s0] =	ssyncadd.remote.s32 $0x1  }
0xce: {  	_ =	sfence.sel $0xFFFF  }
0xcf: {  	[dreg:$0x0] =	wrdreg $0xFFFFFFFF;
	(pc) =	sbr.abs _section_cstart, $3  }
0xd0: {  	[dreg:$0x1] =	wrdreg $0xFFFFFFFF  }
0xd1: {  	_ =	task.clear_ibuf [dreg:s22], $0x2FFFF;
	_ =	strace $0x9FFFFFFF  }
0xd2: {  	(tm) =	ssettm $0x7FFFFFFF  }
0xd3: {  	_ =	shalt  }
tec
execute0_lowered:
.L_overlay_start_1:
0x0: {  	(tag) =	ssettag $0x1  }
0x1: {  	s1 =	rddreg [dreg:$0x0]  }
0x2: {  	s0 =	rddreg [dreg:$0x1]  }
0x3: {  	s2 =	rddreg [dreg:$0x2];
	s3 =	simm.s32 $0x0  }
0x4: {  	s4 =	srdreg.scid;
	s21 =	stileid.u32;
	s20 =	simm.s32 $0x3  }
0x5: {  	s22 =	simm.s32 $0xB000;
	s28 =	simm.s32 $0x16100;
	s29 =	simm.s32 $0x2  }
0x6: {  	s30 =	simm.s32 $0x0;
	[smem:$0x7FF] =	sst s3;
	s8 =	smul.u32 $0x28000, s21  }
0x7: {  	s5 =	sadd.s32 $0x4800, s0;
	s6 =	sadd.s32 $0x37800, s0;
	s12 =	smul.u32 $0xA000, s21  }
0x8: {  	s4 =	sand.u32 $0x1, s4;
	s7 =	sadd.s32 $0xE800, s0;
	s11 =	smul.u32 $0x5000, s21  }
0x9: {  	s0 =	sadd.s32 $0x9B800, s0;
	v0 =	vmov s21;
	s21 =	simm.s32 $0xA000;
	s13 =	smul.u32 $0x140000, s4  }
0xa: {  	_ =	strace $0x8000004D;
	s9 =	ssub.s32 $0x2, s4;
	s15 =	smul.u32 $0xFFFFD8F0, s4  }
0xb: {  	s4 =	sshllo.u32 s4, $0x1;
	s10 =	sshrl.u32 s9, $0x1;
	s8 =	sshrl.u32 s8, $0x2  }
0xc: {  	s16 =	sadd.s32 $0x4000, s12;
	s17 =	sadd.s32 $0x8000, s12;
	s19 =	smul.u32 $0xA0000, s4  }
0xd: {  	s4 =	smul.u32 $0xFFFFEC78, s4;
	s14 =	ssub.s32 s9, s10;
	s8 =	sadd.s32 s8, s2  }
0xe: {  	s23 =	sadd.s32 s12, s13;
	s9 =	sadd.s32 s16, s2;
	s10 =	sadd.s32 s17, s2  }
0xf: {  	s24 =	sadd.s32 s13, s16;
	s13 =	sadd.s32 s13, s17;
	s18 =	sshrl.u32 s23, $0x3  }
0x10: {  	s13 =	sshrl.u32 s13, $0x3;
	s12 =	sadd.s32 s12, s19;
	s25 =	sadd.s32 s16, s19  }
0x11: {  	s26 =	sadd.s32 s17, s19;
	s19 =	simm.s32 $0x1A100;
	s23 =	simm.s32 $0x11080  }
0x12: {  	s18 =	sadd.s32 s0, s18;
	s13 =	sadd.s32 s0, s13;
	s12 =	sshrl.u32 s12, $0x3  }
0x13: {  	s17 =	sshrl.u32 s26, $0x3;
	[dreg:$0x4] =	wrdreg s18;
	s18 =	sshrl.u32 s24, $0x3  }
.Ltmp0:
0x14: {  	[dreg:$0x6] =	wrdreg s13;
	s12 =	sadd.s32 s0, s12;
	(pc) =	sbr.rel .LBB2_1-.Ltmp0, $4  }
0x15: {  	s13 =	sshrl.u32 s25, $0x3;
	s18 =	sadd.s32 s0, s18;
	[dreg:$0x7] =	wrdreg s12  }
0x16: {  	s26 =	simm.s32 $0x80;
	s31 =	sadd.s32 s0, s13;
	[dreg:$0x5] =	wrdreg s18  }
0x17: {  	v3 =	vimm.s32 $0x0;
	v4 =	vlaneseq.u32;
	v2 =	vadd.s32 $0x1388, v0;
	s24 =	simm.s32 $0xC000;
	s0 =	sadd.s32 s0, s17;
	[dreg:$0x8] =	wrdreg s31  }
0x18: {  	v2 =	vbroadcast v2, $0x0;
	v0 =	vmov s15;
	v1 =	vmov s4;
	s25 =	simm.s32 $0x1;
	[dreg:$0x9] =	wrdreg s0;
	s18 =	smax.u32 s14, $0x1  }
.LBB2_18:
0x19: {  	s14 =	simm.s32 $0x11080  }
.LBB2_22:
0x1a: {  	p1 =	slt.s32 s13, s12;
	s15 =	smov.u32 s12  }
0x1b: {  	[sflag:s20] =	ssyncadd.s32 @p0 $0xFFFFC000;
	s15 =	smov.u32 @p1 s13  }
0x1c: {  	_ =	swait.ge [sflag:s25], $0x4000;
	s15 =	sshll.u32 s15, $0x9  }
0x1d: {  	[sflag:s25] =	ssyncset.done $0x0;
	s15 =	sshra.s32 s15, $0x2  }
0x1e: {  	s14 =	sadd.s32 @p0 $0x100, s14;
	[sflag:s25] =	ssyncadd.s32 $0xFFFFC000;
	s15 =	sadd.s32 $0xC000, s15  }
0x1f: {  	[tilespmem:s19], [sflag:$0x2] =	stream.indirect.gather [hbm4b:s1+s26], $0x80, s15, s26, $0xb8;
	[tilespmem:$0x1E100] =	vst v63  }
0x20: {  	s31 =	smov.u32 @p0 s14  }
0x21: {  	[spmem:s2] =	stream.indirect.scatter.add.f32 [tilespmem:s28], [sflag:$0x3], $0x80, s31, s26, $0xb8;
	[tilespmem:$0x1E100] =	vst v63  }
0x22: {  	s13 =	sadd.s32 $0x1, s13;
	_ =	swait.ge [sflag:s20], $0x4000  }
0x23: {  	p0 =	slt.s32 s13, s12;
	[sflag:s20] =	ssyncset.done $0x0  }
0x24: {  	s12 =	smov.u32 @p0 s13;
	[sflag:s20] =	ssyncadd.s32 $0xFFFFC000  }
0x25: {  	s12 =	sshll.u32 s12, $0x9;
	_ =	swait.ge [sflag:s29], $0x4000  }
0x26: {  	s12 =	sshra.s32 s12, $0x2;
	[sflag:s29] =	ssyncset.done $0x0  }
0x27: {  	s12 =	sadd.s32 $0xC000, s12;
	[sflag:s29] =	ssyncadd.s32 $0xFFFFC000  }
0x28: {  	[tilespmem:s28], [sflag:$0x1] =	stream.indirect.gather [hbm4b:s1+s26], $0x80, s12, s26, $0xb8;
	[tilespmem:$0x1E100] =	vst v63  }
0x29: {  	s31 =	sadd.s32 $0x80, s31  }
0x2a: {  	[spmem:s2] =	stream.indirect.scatter.add.f32 [tilespmem:s19], [sflag:$0x3], $0x80, s31, s26, $0xb8;
	[tilespmem:$0x1E100] =	vst v63  }
0x2b: {  	_ =	swait.ge [sflag:s20], $0x4000  }
0x2c: {  	[sflag:s20] =	ssyncset.done $0x0  }
0x2d: {  	[sflag:s20] =	ssyncadd.s32 $0xFFFFC000  }
.LBB2_23:
0x2e: {  	s0 =	sand.u32 $0x1, s0  }
0x2f: {  	_ =	swait.ge [sflag:s25], $0x4000;
	p0 =	seq.s32 s0, $0x0  }
0x30: {  	[sflag:s25] =	ssyncset.done $0x0;
	s0 =	sshll.u32 @!p0 s4, $0x9  }
0x31: {  	[sflag:s25] =	ssyncadd.s32 $0xFFFFC000;
	s0 =	sshra.s32 @!p0 s0, $0x2  }
0x32: {  	s4 =	simm.s32 @!p0 $0x80;
	s12 =	simm.s32 @!p0 $0x16100;
	s0 =	sadd.s32 @!p0 $0x11080, s0  }
0x33: {  	[spmem:s2] =	stream.indirect.scatter.add.f32 @!p0 [tilespmem:s12], [sflag:$0x3], $0x80, s0, s4, $0xb8;
	[tilespmem:$0x1E100] =	vst v63  }
0x34: {  	s0 =	simm.s32 @!p0 $0x3  }
0x35: {  	_ =	swait.ge @!p0 [sflag:s0], $0x4000  }
0x36: {  	[sflag:s0] =	ssyncset.done @!p0 $0x0  }
0x37: {  	[sflag:s0] =	ssyncadd.s32 @!p0 $0xFFFFC000  }
0x38: {  	[bflag:$0x0] =	sbarrier.arrive $0xFFFF  }
0x39: {  	[tilespmem:s19], [sflag:$0x3] =	stream.linear.gather [spmem:s8], $0x4000, $0x38;
	[tilespmem:$0x1E100] =	vst v63  }
0x3a: {  	_ =	swait.ge [sflag:s20], $0x4000  }
0x3b: {  	[sflag:s20] =	ssyncset.done $0x0  }
0x3c: {  	s16 =	rddreg [dreg:$0x7];
	[sflag:s20] =	ssyncadd.s32 $0xFFFFC000  }
0x3d: {  	[hbm4b:s16+s3] =	stream.linear.scatter [tilespmem:s19], [sflag:$0x3], $0x4000, $0x38;
	[tilespmem:$0x1E100] =	vst v63  }
0x3e: {  	_ =	swait.ge [sflag:s20], $0x4000  }
0x3f: {  	[sflag:s20] =	ssyncset.done $0x0  }
0x40: {  	[sflag:s20] =	ssyncadd.s32 $0xFFFFC000  }
0x41: {  	[tilespmem:s19], [sflag:$0x3] =	stream.linear.gather [spmem:s9], $0x4000, $0x38;
	[tilespmem:$0x1E100] =	vst v63  }
0x42: {  	_ =	swait.ge [sflag:s20], $0x4000  }
0x43: {  	[sflag:s20] =	ssyncset.done $0x0  }
0x44: {  	s17 =	rddreg [dreg:$0x8];
	[sflag:s20] =	ssyncadd.s32 $0xFFFFC000  }
0x45: {  	[hbm4b:s17+s3] =	stream.linear.scatter [tilespmem:s19], [sflag:$0x3], $0x4000, $0x38;
	[tilespmem:$0x1E100] =	vst v63  }
0x46: {  	_ =	swait.ge [sflag:s20], $0x4000  }
0x47: {  	[sflag:s20] =	ssyncset.done $0x0  }
0x48: {  	[sflag:s20] =	ssyncadd.s32 $0xFFFFC000  }
0x49: {  	[tilespmem:s19], [sflag:$0x3] =	stream.linear.gather [spmem:s10], $0x2000, $0x38;
	[tilespmem:$0x1E100] =	vst v63  }
0x4a: {  	s30 =	sadd.s32 $0x1, s30;
	_ =	swait.ge [sflag:s20], $0x2000  }
0x4b: {  	p0 =	sne.s32 s30, s18;
	[sflag:s20] =	ssyncset.done $0x0  }
.Ltmp1:
0x4c: {  	s31 =	rddreg [dreg:$0x9];
	[sflag:s20] =	ssyncadd.s32 $0xFFFFE000;
	(pc) =	sbr.rel @!p0 .LBB2_24-.Ltmp1, $4  }
0x4d: {  	[hbm4b:s31+s3] =	stream.linear.scatter [tilespmem:s19], [sflag:$0x3], $0x2000, $0x38;
	[tilespmem:$0x1E100] =	vst v63  }
0x4e: {  	_ =	swait.ge [sflag:s20], $0x2000  }
0x4f: {  	[sflag:s20] =	ssyncset.done $0x0  }
0x50: {  	[sflag:s20] =	ssyncadd.s32 $0xFFFFE000  }
.LBB2_1:
0x51: {  	[tilespmem:s19], [sflag:$0x3] =	stream.linear.gather [hbm4b:s7+s3], $0x4000, $0x38;
	[tilespmem:$0x1E100] =	vst v63  }
0x52: {  	_ =	swait.ge [sflag:s20], $0x4000  }
0x53: {  	[sflag:s20] =	ssyncset.done $0x0  }
0x54: {  	[sflag:s20] =	ssyncadd.s32 $0xFFFFC000  }
0x55: {  	[spmem:s8] =	stream.linear.scatter [tilespmem:s19], [sflag:$0x3], $0x4000, $0x38;
	[tilespmem:$0x1E100] =	vst v63  }
0x56: {  	_ =	swait.ge [sflag:s20], $0x4000  }
0x57: {  	[sflag:s20] =	ssyncset.done $0x0  }
0x58: {  	[sflag:s20] =	ssyncadd.s32 $0xFFFFC000  }
0x59: {  	[spmem:s9] =	stream.linear.scatter [tilespmem:s19], [sflag:$0x3], $0x4000, $0x38;
	[tilespmem:$0x1E100] =	vst v63  }
0x5a: {  	_ =	swait.ge [sflag:s20], $0x4000  }
0x5b: {  	[sflag:s20] =	ssyncset.done $0x0  }
0x5c: {  	[sflag:s20] =	ssyncadd.s32 $0xFFFFC000  }
0x5d: {  	[spmem:s10] =	stream.linear.scatter [tilespmem:s19], [sflag:$0x3], $0x2000, $0x38;
	[tilespmem:$0x1E100] =	vst v63  }
0x5e: {  	_ =	swait.ge [sflag:s20], $0x2000  }
0x5f: {  	[sflag:s20] =	ssyncset.done $0x0  }
0x60: {  	[sflag:s20] =	ssyncadd.s32 $0xFFFFE000  }
0x61: {  	s0 =	simm.s32 $0x0;
	s4 =	simm.s32 $0x0;
	[bflag:$0x0] =	sbarrier.arrive $0xFFFF  }
.LBB2_2:
0x62: {  	s12 =	sshll.u32 s4, $0xC  }
0x63: {  	s12 =	sadd.s32 s11, s12  }
0x64: {  	s12 =	sshrl.u32 s12, $0x3  }
0x65: {  	s14 =	simm.s32 $0x0;
	s13 =	sadd.s32 s6, s12  }
0x66: {  	[tilespmem:s21], [sflag:$0x3] =	stream.linear.gather [hbm4b:s13+s14], $0x1000, $0x38;
	[tilespmem:$0x1E100] =	vst v63  }
0x67: {  	_ =	swait.ge [sflag:s20], $0x1000  }
0x68: {  	[sflag:s20] =	ssyncset.done $0x0  }
0x69: {  	s12 =	sadd.s32 s5, s12;
	[sflag:s20] =	ssyncadd.s32 $0xFFFFF000  }
0x6a: {  	[tilespmem:s22], [sflag:$0x3] =	stream.linear.gather [hbm4b:s12+s14], $0x1000, $0x38;
	[tilespmem:$0x1E100] =	vst v63  }
0x6b: {  	_ =	swait.ge [sflag:s20], $0x1000  }
0x6c: {  	[sflag:s20] =	ssyncset.done $0x0  }
0x6d: {  	s31 =	simm.s32 $0x0;
	[sflag:s20] =	ssyncadd.s32 $0xFFFFF000  }
0x6e: {  	v5 =	vld [tilespmem:s31+$0xA000];
	_ =	sdelay $0x4  }
0x6f: {  	v5 =	vadd.s32 v0, v5  }
0x70: {  	vm0 =	vlt.u32 v5, $0x1388  }
0x71: {  	v6 =	vsel vm0, $0x1, v3  }
0x72: {  	(xrf0) =	vadd.scan.msk.s32 $0xffff, v6;
	_ =	sdelay $0x2  }
0x73: {  	v6 =	vmov s0  }
0x74: {  	v6 =	vadd.s32 $0xFFFFFFFF, v6  }
0x75: {  	v6 =	vbroadcast v6, $0x0  }
0x76: {  	v7, _, _ =	vpop (xrf0)  }
0x77: {  	v6 =	vadd.s32 v7, v6;
	(v2sf) =	vpush v7, $0xF;
	_ =	sdelay $0x4  }
0x78: {  	[tilespmem:v6+s23+$0x0] =	vst.idx.msk vm0, v5  }
0x79: {  	v5 =	vld [tilespmem:s31+$0xB000];
	_ =	sdelay $0x4  }
0x7a: {  	s13 =	simm.s32 $0x80;
	s12 =	simm.s32 $0x10;
	[tilespmem:v6+s24+$0x0] =	vst.idx.msk vm0, v5  }
.LBB2_3:
0x7b: {  	p0 =	sne.s32 s13, $0x3FC0;
	v5 =	vld [tilespmem:s12+$0xA000];
	_ =	sdelay $0x2  }
0x7c: {  	s14 =	spop (v2sf)  }
0x7d: {  	s0 =	sadd.s32 s0, s14  }
0x7e: {  	v5 =	vadd.s32 v0, v5;
	v6 =	vmov s0  }
0x7f: {  	vm0 =	vlt.u32 v5, $0x1388;
	v6 =	vadd.s32 $0xFFFFFFFF, v6  }
0x80: {  	v7 =	vsel vm0, $0x1, v3;
	v6 =	vbroadcast v6, $0x0  }
0x81: {  	(xrf0) =	vadd.scan.msk.s32 $0xffff, v7;
	_ =	sdelay $0x5  }
0x82: {  	v7, _, _ =	vpop (xrf0)  }
0x83: {  	v6 =	vadd.s32 v7, v6;
	(v2sf) =	vpush v7, $0xF;
	_ =	sdelay $0x4  }
0x84: {  	[tilespmem:v6+s23+$0x0] =	vst.idx.msk vm0, v5  }
0x85: {  	v5 =	vld [tilespmem:s12+$0xB000]  }
.Ltmp2:
0x86: {  	(pc) =	sbr.rel @p0 .LBB2_3-.Ltmp2, $2  }
0x87: {  	_ =	sdelay $0x2  }
0x88: {  	s12 =	sshra.s32 s13, $0x2;
	s13 =	sadd.s32 $0x40, s13;
	[tilespmem:v6+s24+$0x0] =	vst.idx.msk vm0, v5  }
0x89: {  	v5 =	vld [tilespmem:s12+$0xA000];
	_ =	sdelay $0x4  }
0x8a: {  	v5 =	vadd.s32 v0, v5  }
0x8b: {  	vm0 =	vlt.u32 v5, $0x1388  }
0x8c: {  	v6 =	vsel vm0, $0x1, v3  }
0x8d: {  	(xrf0) =	vadd.scan.msk.s32 $0xffff, v6;
	_ =	sdelay $0x5  }
0x8e: {  	s13 =	spop (v2sf);
	v6, _, _ =	vpop (xrf0)  }
0x8f: {  	s0 =	sadd.s32 s0, s13;
	(v2sf) =	vpush v6, $0xF  }
0x90: {  	v7 =	vmov s0  }
0x91: {  	v7 =	vadd.s32 $0xFFFFFFFF, v7  }
0x92: {  	v7 =	vbroadcast v7, $0x0;
	_ =	sdelay $0x1  }
0x93: {  	v6 =	vadd.s32 v6, v7;
	_ =	sdelay $0x4  }
0x94: {  	s4 =	sadd.s32 $0x1, s4;
	[tilespmem:v6+s23+$0x0] =	vst.idx.msk vm0, v5  }
0x95: {  	p0 =	sne.s32 s4, $0x5;
	v5 =	vld [tilespmem:s12+$0xB000]  }
.Ltmp3:
0x96: {  	_ = 	snop;
	(pc) =	sbr.rel @p0 .LBB2_2-.Ltmp3, $3  }
0x97: {  	_ =	sdelay $0x1  }
0x98: {  	s31 =	spop (v2sf)  }
0x99: {  	[tilespmem:v6+s24+$0x0] =	vst.idx.msk vm0, v5;
	s0 =	sadd.s32 s0, s31  }
0x9a: {  	v5 =	vadd.s32 s0, v4  }
0x9b: {  	s4 =	sadd.s32 $0x10, s0  }
0x9c: {  	v6 =	vadd.s32 s4, v4  }
0x9d: {  	s14 =	sadd.s32 $0x20, s0  }
0x9e: {  	s31 =	simm.s32 $0x11080;
	v7 =	vadd.s32 s14, v4  }
0x9f: {  	s15 =	sadd.s32 $0x30, s0;
	[tilespmem:v5+s31+$0x0] =	vst.idx.msk $0xffff, v2  }
0xa0: {  	[tilespmem:v5+s24+$0x0] =	vst.idx.msk $0xffff, v4;
	v5 =	vadd.s32 s15, v4  }
0xa1: {  	[tilespmem:v6+s31+$0x0] =	vst.idx.msk $0xffff, v2  }
0xa2: {  	[tilespmem:v6+s24+$0x0] =	vst.idx.msk $0xffff, v4  }
0xa3: {  	[tilespmem:v7+s31+$0x0] =	vst.idx.msk $0xffff, v2  }
0xa4: {  	s16 =	sadd.s32 $0x40, s0;
	s14 =	sadd.s32 $0x7F, s0;
	[tilespmem:v7+s24+$0x0] =	vst.idx.msk $0xffff, v4  }
0xa5: {  	s17 =	sadd.s32 $0x50, s0;
	s12 =	sadd.s32 $0x60, s0;
	s15 =	sand.u32 $0x7F, s14;
	[tilespmem:v5+s31+$0x0] =	vst.idx.msk $0xffff, v2  }
0xa6: {  	p0 =	slt.s32 s14, $0x1;
	p1 =	sne.s32 s15, $0x0;
	[tilespmem:v5+s24+$0x0] =	vst.idx.msk $0xffff, v4;
	v5 =	vadd.s32 s12, v4;
	s12 =	sshra.s32 s14, $0x1F  }
0xa7: {  	s13 =	sadd.s32 $0x70, s0;
	v6 =	vadd.s32 s16, v4;
	p0 =	por !p0, !p1;
	s16 =	sshrl.u32 s12, $0x19  }
0xa8: {  	s4 =	simm.s32 $0x1;
	p0 =	por !p0, !p0;
	s0 =	sadd.s32 s16, s14  }
0xa9: {  	s4 =	simm.s32 @!p0 $0x0;
	s0 =	sshra.s32 s0, $0x7  }
0xaa: {  	s0 =	ssub.s32 s0, s4  }
0xab: {  	s4 =	sshrl.u32 s0, $0x1F  }
0xac: {  	s4 =	sadd.s32 s4, s0  }
0xad: {  	v7 =	vadd.s32 s17, v4;
	s17 =	sand.u32 $0xFFFFFFFE, s4  }
0xae: {  	p5 =	slt.s32 s0, $0x1;
	p6 =	sne.s32 s0, s17  }
0xaf: {  	p0 =	por !p5, !p6  }
0xb0: {  	[tilespmem:v6+s31+$0x0] =	vst.idx.msk $0xffff, v2;
	s12 =	simm.s32 $0x1;
	p0 =	por !p0, !p0  }
0xb1: {  	[tilespmem:v6+s24+$0x0] =	vst.idx.msk $0xffff, v4;
	v6 =	vadd.s32 s13, v4;
	s4 =	sshra.s32 s4, $0x1;
	s12 =	simm.s32 @!p0 $0x0  }
0xb2: {  	[tilespmem:v7+s31+$0x0] =	vst.idx.msk $0xffff, v2;
	s14 =	ssub.s32 s4, s12  }
0xb3: {  	[tilespmem:v7+s24+$0x0] =	vst.idx.msk $0xffff, v4;
	p0 =	slt.s32 s14, $0x1  }
.Ltmp4:
0xb4: {  	[tilespmem:v5+s31+$0x0] =	vst.idx.msk $0xffff, v2;
	(pc) =	sbr.rel @p0 .LBB2_12-.Ltmp4, $4  }
0xb5: {  	[tilespmem:v5+s24+$0x0] =	vst.idx.msk $0xffff, v4  }
0xb6: {  	[tilespmem:v6+s31+$0x0] =	vst.idx.msk $0xffff, v2  }
0xb7: {  	[tilespmem:v6+s24+$0x0] =	vst.idx.msk $0xffff, v4;
	s17 =	sadd.s32 $0xFFFFFFFF, s0  }
0xb8: {  	[tilespmem:s28], [sflag:$0x1] =	stream.indirect.gather [hbm4b:s1+s26], $0x80, s24, s26, $0xb8;
	[tilespmem:$0x1E100] =	vst v63  }
0xb9: {  	p1 =	sne.s32 s14, $0x1  }
.Ltmp5:
0xba: {  	_ = 	snop;
	(pc) =	sbr.rel @!p1 .LBB2_7-.Ltmp5, $3  }
0xbb: {  	_ =	sdelay $0x1  }
0xbc: {  	p0 =	sgt.s32 s17, $0x0;
	s16 =	smov.u32 s17;
	s13 =	simm.s32 $0x1  }
0xbd: {  	s14 =	sadd.s32 $0xFFFFFFFF, s14;
	s16 =	simm.s32 @!p0 $0x0;
	p0 =	por $0x0, $0x0  }
0xbe: {  	p0 =	sgt.s32 s16, $0x1;
	s15 =	smov.u32 s16  }
0xbf: {  	s15 =	smov.u32 @p0 s13  }
0xc0: {  	_ =	swait.ge [sflag:s25], $0x4000;
	s13 =	sshll.u32 s15, $0x9  }
0xc1: {  	[sflag:s25] =	ssyncset.done $0x0;
	s13 =	sshra.s32 s13, $0x2  }
0xc2: {  	[sflag:s25] =	ssyncadd.s32 $0xFFFFC000;
	s13 =	sadd.s32 $0xC000, s13  }
0xc3: {  	[tilespmem:s19], [sflag:$0x2] =	stream.indirect.gather [hbm4b:s1+s26], $0x80, s13, s26, $0xb8;
	[tilespmem:$0x1E100] =	vst v63  }
0xc4: {  	_ = 	snop  }
0xc5: {  	[spmem:s2] =	stream.indirect.scatter.add.f32 [tilespmem:s28], [sflag:$0x3], $0x80, s31, s26, $0xb8;
	[tilespmem:$0x1E100] =	vst v63  }
0xc6: {  	p0 =	sgt.s32 s16, $0x2;
	_ =	swait.ge [sflag:s20], $0x4000  }
0xc7: {  	s15 =	smov.u32 s16;
	s13 =	simm.s32 $0x2;
	[sflag:s20] =	ssyncset.done $0x0  }
0xc8: {  	s15 =	smov.u32 @p0 s13;
	[sflag:s20] =	ssyncadd.s32 $0xFFFFC000  }
0xc9: {  	s13 =	sshll.u32 s15, $0x9;
	_ =	swait.ge [sflag:s29], $0x4000  }
0xca: {  	s13 =	sshra.s32 s13, $0x2;
	[sflag:s29] =	ssyncset.done $0x0  }
0xcb: {  	p1 =	sne.s32 s14, $0x1;
	s13 =	sadd.s32 $0xC000, s13;
	[sflag:s29] =	ssyncadd.s32 $0xFFFFC000  }
0xcc: {  	[tilespmem:s28], [sflag:$0x1] =	stream.indirect.gather [hbm4b:s1+s26], $0x80, s13, s26, $0xb8;
	[tilespmem:$0x1E100] =	vst v63  }
.Ltmp6:
0xcd: {  	_ = 	snop;
	(pc) =	sbr.rel @!p1 .LBB2_9-.Ltmp6, $4  }
0xce: {  	s15 =	simm.s32 $0x11100  }
0xcf: {  	[spmem:s2] =	stream.indirect.scatter.add.f32 [tilespmem:s19], [sflag:$0x3], $0x80, s15, s26, $0xb8;
	[tilespmem:$0x1E100] =	vst v63  }
0xd0: {  	p0 =	por $0x1, $0x1;
	s13 =	simm.s32 $0x3;
	_ =	swait.ge [sflag:s20], $0x4000  }
0xd1: {  	s15 =	sadd.s32 $0xFFFFFFFF, s14;
	s14 =	simm.s32 $0x11080;
	[sflag:s20] =	ssyncset.done $0x0  }
.LBB2_10:
0xd2: {  	p2 =	slt.s32 s13, s16  }
0xd3: {  	[sflag:s20] =	ssyncadd.s32 $0xFFFFC000;
	s14 =	sadd.s32 $0x100, s14;
	s4 =	smov.u32 s16  }
0xd4: {  	p1 =	sne.s32 s15, $0x1;
	s15 =	sadd.s32 $0xFFFFFFFF, s15;
	s4 =	smov.u32 @p2 s13  }
0xd5: {  	_ =	swait.ge [sflag:s25], $0x4000;
	s4 =	sshll.u32 s4, $0x9  }
0xd6: {  	[sflag:s25] =	ssyncset.done $0x0;
	s4 =	sshra.s32 s4, $0x2  }
0xd7: {  	[sflag:s25] =	ssyncadd.s32 $0xFFFFC000;
	s4 =	sadd.s32 $0xC000, s4  }
0xd8: {  	[tilespmem:s19], [sflag:$0x2] =	stream.indirect.gather [hbm4b:s1+s26], $0x80, s4, s26, $0xb8;
	[tilespmem:$0x1E100] =	vst v63  }
0xd9: {  	_ = 	snop  }
0xda: {  	[spmem:s2] =	stream.indirect.scatter.add.f32 [tilespmem:s28], [sflag:$0x3], $0x80, s14, s26, $0xb8;
	[tilespmem:$0x1E100] =	vst v63  }
0xdb: {  	s4 =	sadd.s32 $0x1, s13;
	_ =	swait.ge [sflag:s20], $0x4000  }
0xdc: {  	s12 =	smov.u32 s16;
	p2 =	slt.s32 s4, s16;
	[sflag:s20] =	ssyncset.done $0x0  }
0xdd: {  	s12 =	smov.u32 @p2 s4;
	[sflag:s20] =	ssyncadd.s32 $0xFFFFC000  }
0xde: {  	s4 =	sshll.u32 s12, $0x9;
	_ =	swait.ge [sflag:s29], $0x4000  }
0xdf: {  	s4 =	sshra.s32 s4, $0x2;
	[sflag:s29] =	ssyncset.done $0x0  }
0xe0: {  	s4 =	sadd.s32 $0xC000, s4;
	[sflag:s29] =	ssyncadd.s32 $0xFFFFC000  }
0xe1: {  	[tilespmem:s28], [sflag:$0x1] =	stream.indirect.gather [hbm4b:s1+s26], $0x80, s4, s26, $0xb8;
	[tilespmem:$0x1E100] =	vst v63  }
.Ltmp7:
0xe2: {  	_ = 	snop;
	(pc) =	sbr.rel @p1 .LBB2_10-.Ltmp7, $4  }
0xe3: {  	s4 =	sadd.s32 $0x80, s14  }
0xe4: {  	[spmem:s2] =	stream.indirect.scatter.add.f32 [tilespmem:s19], [sflag:$0x3], $0x80, s4, s26, $0xb8;
	[tilespmem:$0x1E100] =	vst v63  }
0xe5: {  	_ =	swait.ge [sflag:s20], $0x4000  }
0xe6: {  	s13 =	sadd.s32 $0x2, s13;
	[sflag:s20] =	ssyncset.done $0x0  }
.LBB2_11:
0xe7: {  	p1 =	slt.s32 s13, s16;
	s4 =	smov.u32 s16  }
0xe8: {  	[sflag:s20] =	ssyncadd.s32 @p0 $0xFFFFC000;
	s4 =	smov.u32 @p1 s13  }
0xe9: {  	_ =	swait.ge [sflag:s25], $0x4000;
	s4 =	sshll.u32 s4, $0x9  }
0xea: {  	[sflag:s25] =	ssyncset.done $0x0;
	s4 =	sshra.s32 s4, $0x2  }
0xeb: {  	s12 =	sadd.s32 @p0 $0x100, s14;
	[sflag:s25] =	ssyncadd.s32 $0xFFFFC000;
	s4 =	sadd.s32 $0xC000, s4  }
0xec: {  	[tilespmem:s19], [sflag:$0x2] =	stream.indirect.gather [hbm4b:s1+s26], $0x80, s4, s26, $0xb8;
	[tilespmem:$0x1E100] =	vst v63  }
0xed: {  	s31 =	smov.u32 @p0 s12  }
0xee: {  	[spmem:s2] =	stream.indirect.scatter.add.f32 [tilespmem:s28], [sflag:$0x3], $0x80, s31, s26, $0xb8;
	[tilespmem:$0x1E100] =	vst v63  }
0xef: {  	s4 =	sadd.s32 $0x1, s13;
	_ =	swait.ge [sflag:s20], $0x4000  }
0xf0: {  	p0 =	slt.s32 s4, s16;
	[sflag:s20] =	ssyncset.done $0x0  }
0xf1: {  	s16 =	smov.u32 @p0 s4;
	[sflag:s20] =	ssyncadd.s32 $0xFFFFC000  }
0xf2: {  	s4 =	sshll.u32 s16, $0x9;
	_ =	swait.ge [sflag:s29], $0x4000  }
0xf3: {  	s4 =	sshra.s32 s4, $0x2;
	[sflag:s29] =	ssyncset.done $0x0  }
0xf4: {  	s4 =	sadd.s32 $0xC000, s4;
	[sflag:s29] =	ssyncadd.s32 $0xFFFFC000  }
0xf5: {  	[tilespmem:s28], [sflag:$0x1] =	stream.indirect.gather [hbm4b:s1+s26], $0x80, s4, s26, $0xb8;
	[tilespmem:$0x1E100] =	vst v63  }
0xf6: {  	s31 =	sadd.s32 $0x80, s31  }
0xf7: {  	[spmem:s2] =	stream.indirect.scatter.add.f32 [tilespmem:s19], [sflag:$0x3], $0x80, s31, s26, $0xb8;
	[tilespmem:$0x1E100] =	vst v63  }
0xf8: {  	_ =	swait.ge [sflag:s20], $0x4000  }
0xf9: {  	[sflag:s20] =	ssyncset.done $0x0  }
0xfa: {  	[sflag:s20] =	ssyncadd.s32 $0xFFFFC000  }
.LBB2_12:
0xfb: {  	s0 =	sand.u32 $0x1, s0  }
0xfc: {  	_ =	swait.ge [sflag:s25], $0x4000;
	p0 =	seq.s32 s0, $0x0  }
0xfd: {  	[sflag:s25] =	ssyncset.done $0x0;
	s0 =	sshll.u32 @!p0 s17, $0x9  }
0xfe: {  	[sflag:s25] =	ssyncadd.s32 $0xFFFFC000;
	s0 =	sshra.s32 @!p0 s0, $0x2  }
0xff: {  	s4 =	simm.s32 @!p0 $0x80;
	s12 =	simm.s32 @!p0 $0x16100;
	s0 =	sadd.s32 @!p0 $0x11080, s0  }
0x100: {  	[spmem:s2] =	stream.indirect.scatter.add.f32 @!p0 [tilespmem:s12], [sflag:$0x3], $0x80, s0, s4, $0xb8;
	[tilespmem:$0x1E100] =	vst v63  }
0x101: {  	s0 =	simm.s32 @!p0 $0x3  }
0x102: {  	_ =	swait.ge @!p0 [sflag:s0], $0x4000  }
0x103: {  	[sflag:s0] =	ssyncset.done @!p0 $0x0  }
0x104: {  	[sflag:s0] =	ssyncadd.s32 @!p0 $0xFFFFC000  }
0x105: {  	[bflag:$0x0] =	sbarrier.arrive $0xFFFF  }
0x106: {  	[tilespmem:s19], [sflag:$0x3] =	stream.linear.gather [spmem:s8], $0x4000, $0x38;
	[tilespmem:$0x1E100] =	vst v63  }
0x107: {  	_ =	swait.ge [sflag:s20], $0x4000  }
0x108: {  	[sflag:s20] =	ssyncset.done $0x0  }
0x109: {  	s0 =	simm.s32 $0x0;
	s16 =	rddreg [dreg:$0x4];
	[sflag:s20] =	ssyncadd.s32 $0xFFFFC000  }
0x10a: {  	[hbm4b:s16+s0] =	stream.linear.scatter [tilespmem:s19], [sflag:$0x3], $0x4000, $0x38;
	[tilespmem:$0x1E100] =	vst v63  }
0x10b: {  	_ =	swait.ge [sflag:s20], $0x4000  }
0x10c: {  	[sflag:s20] =	ssyncset.done $0x0  }
0x10d: {  	[sflag:s20] =	ssyncadd.s32 $0xFFFFC000  }
0x10e: {  	[tilespmem:s19], [sflag:$0x3] =	stream.linear.gather [spmem:s9], $0x4000, $0x38;
	[tilespmem:$0x1E100] =	vst v63  }
0x10f: {  	_ =	swait.ge [sflag:s20], $0x4000  }
0x110: {  	[sflag:s20] =	ssyncset.done $0x0  }
0x111: {  	s17 =	rddreg [dreg:$0x5];
	[sflag:s20] =	ssyncadd.s32 $0xFFFFC000  }
0x112: {  	[hbm4b:s17+s0] =	stream.linear.scatter [tilespmem:s19], [sflag:$0x3], $0x4000, $0x38;
	[tilespmem:$0x1E100] =	vst v63  }
0x113: {  	_ =	swait.ge [sflag:s20], $0x4000  }
0x114: {  	[sflag:s20] =	ssyncset.done $0x0  }
0x115: {  	[sflag:s20] =	ssyncadd.s32 $0xFFFFC000  }
0x116: {  	[tilespmem:s19], [sflag:$0x3] =	stream.linear.gather [spmem:s10], $0x2000, $0x38;
	[tilespmem:$0x1E100] =	vst v63  }
0x117: {  	_ =	swait.ge [sflag:s20], $0x2000  }
0x118: {  	[sflag:s20] =	ssyncset.done $0x0  }
0x119: {  	s31 =	rddreg [dreg:$0x6];
	[sflag:s20] =	ssyncadd.s32 $0xFFFFE000  }
0x11a: {  	[hbm4b:s31+s0] =	stream.linear.scatter [tilespmem:s19], [sflag:$0x3], $0x2000, $0x38;
	[tilespmem:$0x1E100] =	vst v63  }
0x11b: {  	_ =	swait.ge [sflag:s20], $0x2000  }
0x11c: {  	[sflag:s20] =	ssyncset.done $0x0  }
0x11d: {  	[sflag:s20] =	ssyncadd.s32 $0xFFFFE000  }
0x11e: {  	[bflag:$0x0] =	sbarrier.arrive $0xFFFF  }
0x11f: {  	[tilespmem:s19], [sflag:$0x3] =	stream.linear.gather [hbm4b:s7+s0], $0x4000, $0x38;
	[tilespmem:$0x1E100] =	vst v63  }
0x120: {  	_ =	swait.ge [sflag:s20], $0x4000  }
0x121: {  	[sflag:s20] =	ssyncset.done $0x0  }
0x122: {  	[sflag:s20] =	ssyncadd.s32 $0xFFFFC000  }
0x123: {  	[spmem:s8] =	stream.linear.scatter [tilespmem:s19], [sflag:$0x3], $0x4000, $0x38;
	[tilespmem:$0x1E100] =	vst v63  }
0x124: {  	_ =	swait.ge [sflag:s20], $0x4000  }
0x125: {  	[sflag:s20] =	ssyncset.done $0x0  }
0x126: {  	[sflag:s20] =	ssyncadd.s32 $0xFFFFC000  }
0x127: {  	[spmem:s9] =	stream.linear.scatter [tilespmem:s19], [sflag:$0x3], $0x4000, $0x38;
	[tilespmem:$0x1E100] =	vst v63  }
0x128: {  	_ =	swait.ge [sflag:s20], $0x4000  }
0x129: {  	[sflag:s20] =	ssyncset.done $0x0  }
0x12a: {  	[sflag:s20] =	ssyncadd.s32 $0xFFFFC000  }
0x12b: {  	[spmem:s10] =	stream.linear.scatter [tilespmem:s19], [sflag:$0x3], $0x2000, $0x38;
	[tilespmem:$0x1E100] =	vst v63  }
0x12c: {  	_ =	swait.ge [sflag:s20], $0x2000  }
0x12d: {  	[sflag:s20] =	ssyncset.done $0x0  }
0x12e: {  	[sflag:s20] =	ssyncadd.s32 $0xFFFFE000  }
0x12f: {  	s4 =	simm.s32 $0x0;
	s12 =	simm.s32 $0x0;
	[bflag:$0x0] =	sbarrier.arrive $0xFFFF  }
.LBB2_13:
0x130: {  	s13 =	sshll.u32 s12, $0xC  }
0x131: {  	s13 =	sadd.s32 s11, s13  }
0x132: {  	s13 =	sshrl.u32 s13, $0x3  }
0x133: {  	s14 =	sadd.s32 s6, s13  }
0x134: {  	[tilespmem:s21], [sflag:$0x3] =	stream.linear.gather [hbm4b:s14+s0], $0x1000, $0x38;
	[tilespmem:$0x1E100] =	vst v63  }
0x135: {  	_ =	swait.ge [sflag:s20], $0x1000  }
0x136: {  	[sflag:s20] =	ssyncset.done $0x0  }
0x137: {  	s13 =	sadd.s32 s5, s13;
	[sflag:s20] =	ssyncadd.s32 $0xFFFFF000  }
0x138: {  	[tilespmem:s22], [sflag:$0x3] =	stream.linear.gather [hbm4b:s13+s0], $0x1000, $0x38;
	[tilespmem:$0x1E100] =	vst v63  }
0x139: {  	_ =	swait.ge [sflag:s20], $0x1000  }
0x13a: {  	[sflag:s20] =	ssyncset.done $0x0  }
0x13b: {  	s31 =	simm.s32 $0x0;
	[sflag:s20] =	ssyncadd.s32 $0xFFFFF000  }
0x13c: {  	v5 =	vld [tilespmem:s31+$0xA000];
	_ =	sdelay $0x4  }
0x13d: {  	v5 =	vadd.s32 v1, v5  }
0x13e: {  	vm0 =	vlt.u32 v5, $0x1388  }
0x13f: {  	v6 =	vsel vm0, $0x1, v3  }
0x140: {  	(xrf0) =	vadd.scan.msk.s32 $0xffff, v6;
	_ =	sdelay $0x2  }
0x141: {  	v6 =	vmov s4  }
0x142: {  	v6 =	vadd.s32 $0xFFFFFFFF, v6  }
0x143: {  	v6 =	vbroadcast v6, $0x0  }
0x144: {  	v7, _, _ =	vpop (xrf0)  }
0x145: {  	v6 =	vadd.s32 v7, v6;
	(v2sf) =	vpush v7, $0xF;
	_ =	sdelay $0x4  }
0x146: {  	[tilespmem:v6+s23+$0x0] =	vst.idx.msk vm0, v5  }
0x147: {  	v5 =	vld [tilespmem:s31+$0xB000];
	_ =	sdelay $0x4  }
0x148: {  	s14 =	simm.s32 $0x80;
	s13 =	simm.s32 $0x10;
	[tilespmem:v6+s24+$0x0] =	vst.idx.msk vm0, v5  }
.LBB2_14:
0x149: {  	p0 =	sne.s32 s14, $0x3FC0;
	v5 =	vld [tilespmem:s13+$0xA000];
	_ =	sdelay $0x2  }
0x14a: {  	s15 =	spop (v2sf)  }
0x14b: {  	s4 =	sadd.s32 s4, s15  }
0x14c: {  	v5 =	vadd.s32 v1, v5;
	v6 =	vmov s4  }
0x14d: {  	vm0 =	vlt.u32 v5, $0x1388;
	v6 =	vadd.s32 $0xFFFFFFFF, v6  }
0x14e: {  	v7 =	vsel vm0, $0x1, v3;
	v6 =	vbroadcast v6, $0x0  }
0x14f: {  	(xrf0) =	vadd.scan.msk.s32 $0xffff, v7;
	_ =	sdelay $0x5  }
0x150: {  	v7, _, _ =	vpop (xrf0)  }
0x151: {  	v6 =	vadd.s32 v7, v6;
	(v2sf) =	vpush v7, $0xF;
	_ =	sdelay $0x4  }
0x152: {  	[tilespmem:v6+s23+$0x0] =	vst.idx.msk vm0, v5  }
0x153: {  	v5 =	vld [tilespmem:s13+$0xB000]  }
.Ltmp8:
0x154: {  	(pc) =	sbr.rel @p0 .LBB2_14-.Ltmp8, $2  }
0x155: {  	_ =	sdelay $0x2  }
0x156: {  	s13 =	sshra.s32 s14, $0x2;
	s14 =	sadd.s32 $0x40, s14;
	[tilespmem:v6+s24+$0x0] =	vst.idx.msk vm0, v5  }
0x157: {  	v5 =	vld [tilespmem:s13+$0xA000];
	_ =	sdelay $0x4  }
0x158: {  	v5 =	vadd.s32 v1, v5  }
0x159: {  	vm0 =	vlt.u32 v5, $0x1388  }
0x15a: {  	v6 =	vsel vm0, $0x1, v3  }
0x15b: {  	(xrf0) =	vadd.scan.msk.s32 $0xffff, v6;
	_ =	sdelay $0x5  }
0x15c: {  	s14 =	spop (v2sf);
	v6, _, _ =	vpop (xrf0)  }
0x15d: {  	s4 =	sadd.s32 s4, s14;
	(v2sf) =	vpush v6, $0xF  }
0x15e: {  	v7 =	vmov s4  }
0x15f: {  	v7 =	vadd.s32 $0xFFFFFFFF, v7  }
0x160: {  	v7 =	vbroadcast v7, $0x0;
	_ =	sdelay $0x1  }
0x161: {  	v6 =	vadd.s32 v6, v7;
	_ =	sdelay $0x4  }
0x162: {  	s12 =	sadd.s32 $0x1, s12;
	[tilespmem:v6+s23+$0x0] =	vst.idx.msk vm0, v5  }
0x163: {  	p0 =	sne.s32 s12, $0x5;
	v5 =	vld [tilespmem:s13+$0xB000]  }
.Ltmp9:
0x164: {  	_ = 	snop;
	(pc) =	sbr.rel @p0 .LBB2_13-.Ltmp9, $3  }
0x165: {  	_ =	sdelay $0x1  }
0x166: {  	s31 =	spop (v2sf)  }
0x167: {  	[tilespmem:v6+s24+$0x0] =	vst.idx.msk vm0, v5;
	s4 =	sadd.s32 s4, s31  }
0x168: {  	v5 =	vadd.s32 s4, v4  }
0x169: {  	s0 =	sadd.s32 $0x10, s4  }
0x16a: {  	v6 =	vadd.s32 s0, v4  }
0x16b: {  	s15 =	sadd.s32 $0x20, s4  }
0x16c: {  	s31 =	simm.s32 $0x11080;
	v7 =	vadd.s32 s15, v4  }
0x16d: {  	[tilespmem:v5+s31+$0x0] =	vst.idx.msk $0xffff, v2  }
0x16e: {  	[tilespmem:v5+s24+$0x0] =	vst.idx.msk $0xffff, v4  }
0x16f: {  	s16 =	sadd.s32 $0x30, s4;
	[tilespmem:v6+s31+$0x0] =	vst.idx.msk $0xffff, v2  }
0x170: {  	s17 =	sadd.s32 $0x40, s4;
	s12 =	sadd.s32 $0x50, s4;
	s15 =	sadd.s32 $0x7F, s4;
	[tilespmem:v6+s24+$0x0] =	vst.idx.msk $0xffff, v4  }
0x171: {  	s13 =	sadd.s32 $0x60, s4;
	s14 =	sadd.s32 $0x70, s4;
	s4 =	sand.u32 $0x7F, s15;
	[tilespmem:v7+s31+$0x0] =	vst.idx.msk $0xffff, v2  }
0x172: {  	p0 =	slt.s32 s15, $0x1;
	p1 =	sne.s32 s4, $0x0;
	[tilespmem:v7+s24+$0x0] =	vst.idx.msk $0xffff, v4;
	v7 =	vadd.s32 s12, v4;
	s12 =	sshra.s32 s15, $0x1F  }
0x173: {  	p0 =	por !p0, !p1;
	v5 =	vadd.s32 s16, v4;
	s16 =	sshrl.u32 s12, $0x19  }
0x174: {  	s4 =	simm.s32 $0x1;
	p0 =	por !p0, !p0;
	s0 =	sadd.s32 s16, s15  }
0x175: {  	s4 =	simm.s32 @!p0 $0x0;
	s0 =	sshra.s32 s0, $0x7  }
0x176: {  	v6 =	vadd.s32 s17, v4;
	s0 =	ssub.s32 s0, s4  }
0x177: {  	s4 =	sshrl.u32 s0, $0x1F  }
0x178: {  	s4 =	sadd.s32 s4, s0  }
0x179: {  	[tilespmem:v5+s31+$0x0] =	vst.idx.msk $0xffff, v2;
	s17 =	sand.u32 $0xFFFFFFFE, s4  }
0x17a: {  	[tilespmem:v5+s24+$0x0] =	vst.idx.msk $0xffff, v4;
	v5 =	vadd.s32 s13, v4;
	p5 =	slt.s32 s0, $0x1;
	p6 =	sne.s32 s0, s17  }
0x17b: {  	[tilespmem:v6+s31+$0x0] =	vst.idx.msk $0xffff, v2;
	p0 =	por !p5, !p6  }
0x17c: {  	s12 =	simm.s32 $0x1;
	[tilespmem:v6+s24+$0x0] =	vst.idx.msk $0xffff, v4;
	v6 =	vadd.s32 s14, v4;
	p0 =	por !p0, !p0  }
0x17d: {  	[tilespmem:v7+s31+$0x0] =	vst.idx.msk $0xffff, v2;
	s4 =	sshra.s32 s4, $0x1;
	s12 =	simm.s32 @!p0 $0x0  }
0x17e: {  	[tilespmem:v7+s24+$0x0] =	vst.idx.msk $0xffff, v4;
	s14 =	ssub.s32 s4, s12  }
0x17f: {  	[tilespmem:v5+s31+$0x0] =	vst.idx.msk $0xffff, v2;
	p0 =	slt.s32 s14, $0x1  }
.Ltmp10:
0x180: {  	[tilespmem:v5+s24+$0x0] =	vst.idx.msk $0xffff, v4;
	(pc) =	sbr.rel @p0 .LBB2_23-.Ltmp10, $4  }
0x181: {  	[tilespmem:v6+s31+$0x0] =	vst.idx.msk $0xffff, v2  }
0x182: {  	[tilespmem:v6+s24+$0x0] =	vst.idx.msk $0xffff, v4  }
0x183: {  	[tilespmem:s28], [sflag:$0x1] =	stream.indirect.gather [hbm4b:s1+s26], $0x80, s24, s26, $0xb8;
	[tilespmem:$0x1E100] =	vst v63  }
0x184: {  	s4 =	sadd.s32 $0xFFFFFFFF, s0  }
0x185: {  	p1 =	sne.s32 s14, $0x1  }
.Ltmp11:
0x186: {  	_ = 	snop;
	(pc) =	sbr.rel @!p1 .LBB2_18-.Ltmp11, $3  }
0x187: {  	_ =	sdelay $0x1  }
0x188: {  	p0 =	sgt.s32 s4, $0x0;
	s12 =	smov.u32 s4;
	s13 =	simm.s32 $0x1  }
0x189: {  	s14 =	sadd.s32 $0xFFFFFFFF, s14;
	s12 =	simm.s32 @!p0 $0x0;
	p0 =	por $0x0, $0x0  }
0x18a: {  	p0 =	sgt.s32 s12, $0x1;
	s15 =	smov.u32 s12  }
0x18b: {  	s15 =	smov.u32 @p0 s13  }
0x18c: {  	_ =	swait.ge [sflag:s25], $0x4000;
	s13 =	sshll.u32 s15, $0x9  }
0x18d: {  	[sflag:s25] =	ssyncset.done $0x0;
	s13 =	sshra.s32 s13, $0x2  }
0x18e: {  	[sflag:s25] =	ssyncadd.s32 $0xFFFFC000;
	s13 =	sadd.s32 $0xC000, s13  }
0x18f: {  	[tilespmem:s19], [sflag:$0x2] =	stream.indirect.gather [hbm4b:s1+s26], $0x80, s13, s26, $0xb8;
	[tilespmem:$0x1E100] =	vst v63  }
0x190: {  	_ = 	snop  }
0x191: {  	[spmem:s2] =	stream.indirect.scatter.add.f32 [tilespmem:s28], [sflag:$0x3], $0x80, s31, s26, $0xb8;
	[tilespmem:$0x1E100] =	vst v63  }
0x192: {  	p0 =	sgt.s32 s12, $0x2;
	_ =	swait.ge [sflag:s20], $0x4000  }
0x193: {  	s15 =	smov.u32 s12;
	s13 =	simm.s32 $0x2;
	[sflag:s20] =	ssyncset.done $0x0  }
0x194: {  	s15 =	smov.u32 @p0 s13;
	[sflag:s20] =	ssyncadd.s32 $0xFFFFC000  }
0x195: {  	s13 =	sshll.u32 s15, $0x9;
	_ =	swait.ge [sflag:s29], $0x4000  }
0x196: {  	s13 =	sshra.s32 s13, $0x2;
	[sflag:s29] =	ssyncset.done $0x0  }
0x197: {  	p1 =	sne.s32 s14, $0x1;
	s13 =	sadd.s32 $0xC000, s13;
	[sflag:s29] =	ssyncadd.s32 $0xFFFFC000  }
0x198: {  	[tilespmem:s28], [sflag:$0x1] =	stream.indirect.gather [hbm4b:s1+s26], $0x80, s13, s26, $0xb8;
	[tilespmem:$0x1E100] =	vst v63  }
.Ltmp12:
0x199: {  	_ = 	snop;
	(pc) =	sbr.rel @!p1 .LBB2_20-.Ltmp12, $4  }
0x19a: {  	s17 =	simm.s32 $0x11100  }
0x19b: {  	[spmem:s2] =	stream.indirect.scatter.add.f32 [tilespmem:s19], [sflag:$0x3], $0x80, s17, s26, $0xb8;
	[tilespmem:$0x1E100] =	vst v63  }
0x19c: {  	p0 =	por $0x1, $0x1;
	s15 =	sadd.s32 $0xFFFFFFFF, s14;
	_ =	swait.ge [sflag:s20], $0x4000  }
0x19d: {  	s14 =	simm.s32 $0x11080;
	s13 =	simm.s32 $0x3;
	[sflag:s20] =	ssyncset.done $0x0  }
.LBB2_21:
0x19e: {  	p2 =	slt.s32 s13, s12  }
0x19f: {  	[sflag:s20] =	ssyncadd.s32 $0xFFFFC000;
	s14 =	sadd.s32 $0x100, s14;
	s16 =	smov.u32 s12  }
0x1a0: {  	p1 =	sne.s32 s15, $0x1;
	s15 =	sadd.s32 $0xFFFFFFFF, s15;
	s16 =	smov.u32 @p2 s13  }
0x1a1: {  	_ =	swait.ge [sflag:s25], $0x4000;
	s16 =	sshll.u32 s16, $0x9  }
0x1a2: {  	[sflag:s25] =	ssyncset.done $0x0;
	s16 =	sshra.s32 s16, $0x2  }
0x1a3: {  	[sflag:s25] =	ssyncadd.s32 $0xFFFFC000;
	s16 =	sadd.s32 $0xC000, s16  }
0x1a4: {  	[tilespmem:s19], [sflag:$0x2] =	stream.indirect.gather [hbm4b:s1+s26], $0x80, s16, s26, $0xb8;
	[tilespmem:$0x1E100] =	vst v63  }
0x1a5: {  	_ = 	snop  }
0x1a6: {  	[spmem:s2] =	stream.indirect.scatter.add.f32 [tilespmem:s28], [sflag:$0x3], $0x80, s14, s26, $0xb8;
	[tilespmem:$0x1E100] =	vst v63  }
0x1a7: {  	s16 =	sadd.s32 $0x1, s13;
	_ =	swait.ge [sflag:s20], $0x4000  }
0x1a8: {  	s17 =	smov.u32 s12;
	p2 =	slt.s32 s16, s12;
	[sflag:s20] =	ssyncset.done $0x0  }
0x1a9: {  	s17 =	smov.u32 @p2 s16;
	[sflag:s20] =	ssyncadd.s32 $0xFFFFC000  }
0x1aa: {  	s16 =	sshll.u32 s17, $0x9;
	_ =	swait.ge [sflag:s29], $0x4000  }
0x1ab: {  	s16 =	sshra.s32 s16, $0x2;
	[sflag:s29] =	ssyncset.done $0x0  }
0x1ac: {  	s16 =	sadd.s32 $0xC000, s16;
	[sflag:s29] =	ssyncadd.s32 $0xFFFFC000  }
0x1ad: {  	[tilespmem:s28], [sflag:$0x1] =	stream.indirect.gather [hbm4b:s1+s26], $0x80, s16, s26, $0xb8;
	[tilespmem:$0x1E100] =	vst v63  }
.Ltmp13:
0x1ae: {  	_ = 	snop;
	(pc) =	sbr.rel @p1 .LBB2_21-.Ltmp13, $4  }
0x1af: {  	s16 =	sadd.s32 $0x80, s14  }
0x1b0: {  	[spmem:s2] =	stream.indirect.scatter.add.f32 [tilespmem:s19], [sflag:$0x3], $0x80, s16, s26, $0xb8;
	[tilespmem:$0x1E100] =	vst v63  }
0x1b1: {  	_ =	swait.ge [sflag:s20], $0x4000  }
0x1b2: {  	s13 =	sadd.s32 $0x2, s13;
	[sflag:s20] =	ssyncset.done $0x0  }
.Ltmp14:
0x1b3: {  	_ = 	snop;
	(pc) =	sbr.rel .LBB2_22-.Ltmp14, $1  }
0x1b4: {  	_ =	sdelay $0x3  }
.LBB2_7:
.Ltmp15:
0x1b5: {  	(pc) =	sbr.rel .LBB2_11-.Ltmp15, $2  }
0x1b6: {  	_ =	sdelay $0x2  }
0x1b7: {  	s14 =	simm.s32 $0x11080  }
.LBB2_9:
.Ltmp16:
0x1b8: {  	(pc) =	sbr.rel .LBB2_11-.Ltmp16, $2  }
0x1b9: {  	_ =	sdelay $0x2  }
0x1ba: {  	s14 =	simm.s32 $0x11080  }
.LBB2_20:
.Ltmp17:
0x1bb: {  	(pc) =	sbr.rel .LBB2_22-.Ltmp17, $2  }
0x1bc: {  	_ =	sdelay $0x2  }
0x1bd: {  	s14 =	simm.s32 $0x11080  }
.LBB2_24:
0x1be: {  	_ =	sfence.sel $0x180000  }
0x1bf: {  	[bflag:$0x0] =	sbarrier.arrive $0xFFFF  }
0x1c0: {  	_ =	strace $0x9000004D  }
0x1c1: {  	s0 =	stileid.u32;
	[bflag:$0x2] =	sbarrier.arrive $0xFFFF  }
0x1c2: {  	p0 =	sne.s32 s0, $0x0;
	s0 =	rddreg [dreg:$0x3]  }
0x1c3: {  	s0 =	sadd.s32 @!p0 $0x100000, s0  }
0x1c4: {  	[sflag:s0] =	ssyncadd.tile.s32 @!p0 $0x1;
	_ =	shalt  }
.Lfunc_end2:
_tile_overlayer_lowered:
.L_overlay_start_2:
0x1c5: {  	(tag) =	ssettag $0x2  }
0x1c6: {  	s0 =	rddreg [dreg:$0x0];
	s2 =	stileid.u32  }
0x1c7: {  	s1 =	rddreg [dreg:$0x1];
	p0 =	sne.s32 s2, $0x0  }
0x1c8: {  	s3 =	rddreg [dreg:$0x2];
	[bflag:$0x3] =	sbarrier.arrive $0xFFFF;
	s2 =	simm.s32 @!p0 $0x1C03  }
0x1c9: {  	[timem:s3], [sflag:s2] =	dma.local @!p0 [hbm:s0], s1  }
0x1ca: {  	s0 =	simm.s32 @!p0 $0x3  }
0x1cb: {  	_ =	swait.ge @!p0 [sflag:s0], s1  }
0x1cc: {  	s1 =	ssub.s32 @!p0 $0x0, s1;
	[sflag:s0] =	ssyncset.done @!p0 $0x0  }
0x1cd: {  	[sflag:s0] =	ssyncadd.s32 @!p0 s1  }
0x1ce: {  	[bflag:$0x3] =	sbarrier.arrive $0xFFFF  }
0x1cf: {  	_ =	shalt  }

// kernel: kernel.18.cloned.1.call-start
scs
__scs_entry_jumppad:
0x0: {  	(pc) =	sbr.rel $0x88, $3  }
0x1: {  	(tag) =	ssettag $0x0;
	lr =	simm.s32 $0x1  }
0x2: {  	[smem:$0x3F92] =	sst lr;
	_ =	strace $0xD0000000  }
0x3: {  	_ = 	snop  }
0x4: {  	_ = 	snop  }
0x5: {  	_ = 	snop  }
0x6: {  	_ = 	snop  }
0x7: {  	_ = 	snop  }
__scs_overlays_trampoline_lowered:
0x8: {  	[smem:$0x3FA1] =	sst s0  }
0x9: {  	[smem:$0x3FA2] =	sst s1  }
0xa: {  	[smem:$0x3FA3] =	sst s2  }
0xb: {  	[smem:$0x3FA4] =	sst s3  }
0xc: {  	[smem:$0x3FA5] =	sst s4  }
0xd: {  	[smem:$0x3FA6] =	sst s5  }
0xe: {  	[smem:$0x3FA7] =	sst s6  }
0xf: {  	[smem:$0x3FA8] =	sst s7  }
0x10: {  	[smem:$0x3FA9] =	sst s8  }
0x11: {  	[smem:$0x3FAA] =	sst s9;
	s0 =	simm.s32 @!p0 $0x0  }
0x12: {  	s1 =	sld [smem:$0x3F90];
	s0 =	simm.s32 @p0 $0x1  }
0x13: {  	[smem:$0x3FAB] =	sst s0;
	s0 =	simm.s32 @!p1 $0x0  }
0x14: {  	s2 =	sld [smem:$0x3F8F];
	s0 =	simm.s32 @p1 $0x1  }
0x15: {  	[smem:$0x3FAC] =	sst s0;
	s0 =	simm.s32 @!p2 $0x0  }
0x16: {  	s3 =	sld [smem:$0x3FDB];
	s0 =	simm.s32 @p2 $0x1  }
0x17: {  	s4 =	simm.s32 $0x1BF5;
	[smem:$0x3FAE] =	sst s0  }
0x18: {  	s0 =	sld [smem:$0x3F91];
	_ =	swait.ge [sflag:s4], $0x0  }
0x19: {  	s7 =	sld [smem:$0x3F92]  }
0x1a: {  	s8 =	sadd.s32 $0xFFFFE003, lr  }
0x1b: {  	s9 =	sadd.s32 $0xFFFFFEF7, lr;
	s5 =	simm.s32 $0xFFFFFFFF;
	p2 =	slt.u32 s8, $0xFFFFF086  }
0x1c: {  	p1 =	slt.u32 s9, $0xF7A;
	s5 =	simm.s32 @!p2 $0x0  }
0x1d: {  	s5 =	simm.s32 @p1 $0x1;
	p0 =	seq.s32 s7, s2  }
0x1e: {  	s7 =	smul.u32 @!p0 $0xF7A, s2;
	p2 =	seq.s32 @!p0 s5, $0x0  }
0x1f: {  	s9 =	smul.u32 $0xF7A, s1;
	s8 =	simm.s32 @!p0 $0x1BF5;
	p2 =	por !p2, p0  }
0x20: {  	[sflag:s8] =	ssyncset.s32 @!p0 $0xFFFFF086;
	s6 =	sadd.s32 @!p0 s3, s7;
	s7 =	simm.s32 @!p0 $0x108  }
0x21: {  	s3 =	sadd.s32 s3, s9;
	s6 =	sadd.s32 @!p0 $0x88, s6;
	s7 =	simm.s32 @p2 $0x1082  }
0x22: {  	[simem:s7], [sflag:s8] =	dma.local @!p0 [hbm:s6], $0xF7A  }
0x23: {  	s9 =	sor.u32 $0xD0000000, s2;
	s6 =	simm.s32 $0x108;
	_ =	swait.ge @!p0 [sflag:s8], $0x0  }
0x24: {  	s3 =	sadd.s32 $0x88, s3;
	s6 =	simm.s32 @!p1 $0x1082;
	[sflag:s4] =	ssyncset.s32 $0xFFFFF086  }
0x25: {  	[simem:s6], [sflag:s4] =	dma.local [hbm:s3], $0xF7A  }
0x26: {  	[smem:$0x3F92] =	sst s1;
	(tag) =	ssettag s2;
	_ =	strace s9  }
0x27: {  	s1 =	sld [smem:$0x3FA2]  }
0x28: {  	s2 =	sld [smem:$0x3FA3]  }
0x29: {  	s4 =	sld [smem:$0x3FA5]  }
0x2a: {  	p0 =	seq.s32 s5, $0x0;
	s5 =	sld [smem:$0x3FA6]  }
0x2b: {  	s6 =	sld [smem:$0x3FA7]  }
0x2c: {  	s7 =	sld [smem:$0x3FA8]  }
0x2d: {  	s3 =	simm.s32 $0x108;
	s8 =	sld [smem:$0x3FA9]  }
0x2e: {  	s3 =	simm.s32 @!p0 $0x1082;
	s9 =	sld [smem:$0x3FAA]  }
0x2f: {  	lr =	sadd.s32 s0, s3;
	s0 =	sld [smem:$0x3FA1]  }
0x30: {  	s3 =	sld [smem:$0x3FA4]  }
0x31: {  	[smem:$0x3FAD] =	sst s10  }
0x32: {  	s10 =	sld [smem:$0x3FAB];
	_ =	sdelay $0x3  }
0x33: {  	p0 =	seq.s32 s10, $0x1;
	s10 =	sld [smem:$0x3FAD];
	_ =	sdelay $0x3  }
0x34: {  	[smem:$0x3FAD] =	sst s10  }
0x35: {  	s10 =	sld [smem:$0x3FAC];
	_ =	sdelay $0x3  }
0x36: {  	p1 =	seq.s32 s10, $0x1;
	s10 =	sld [smem:$0x3FAD];
	_ =	sdelay $0x3  }
0x37: {  	[smem:$0x3FAD] =	sst s10  }
0x38: {  	s10 =	sld [smem:$0x3FAE]  }
0x39: {  	_ = 	snop;
	(pc) =	sbr.ind lr, $3  }
0x3a: {  	_ = 	snop  }
0x3b: {  	_ = 	snop  }
0x3c: {  	p2 =	seq.s32 s10, $0x1;
	s10 =	sld [smem:$0x3FAD]  }
0x3d: {  	_ =	shalt  }
0x3e: {  	_ =	shalt  }
0x3f: {  	_ =	shalt  }
0x40: {  	_ =	shalt  }
0x41: {  	_ =	shalt  }
0x42: {  	_ =	shalt  }
0x43: {  	_ =	shalt  }
0x44: {  	_ =	shalt  }
0x45: {  	_ =	shalt  }
0x46: {  	_ =	shalt  }
0x47: {  	_ =	shalt  }
0x48: {  	_ =	shalt  }
0x49: {  	_ =	shalt  }
0x4a: {  	_ =	shalt  }
0x4b: {  	_ =	shalt  }
0x4c: {  	_ =	shalt  }
0x4d: {  	_ =	shalt  }
0x4e: {  	_ =	shalt  }
0x4f: {  	_ =	shalt  }
0x50: {  	_ =	shalt  }
0x51: {  	_ =	shalt  }
0x52: {  	_ =	shalt  }
0x53: {  	_ =	shalt  }
0x54: {  	_ =	shalt  }
0x55: {  	_ =	shalt  }
0x56: {  	_ =	shalt  }
0x57: {  	_ =	shalt  }
0x58: {  	_ =	shalt  }
0x59: {  	_ =	shalt  }
0x5a: {  	_ =	shalt  }
0x5b: {  	_ =	shalt  }
0x5c: {  	_ =	shalt  }
0x5d: {  	_ =	shalt  }
0x5e: {  	_ =	shalt  }
0x5f: {  	_ =	shalt  }
0x60: {  	_ =	shalt  }
0x61: {  	_ =	shalt  }
0x62: {  	_ =	shalt  }
0x63: {  	_ =	shalt  }
0x64: {  	_ =	shalt  }
0x65: {  	_ =	shalt  }
0x66: {  	_ =	shalt  }
0x67: {  	_ =	shalt  }
0x68: {  	_ =	shalt  }
0x69: {  	_ =	shalt  }
0x6a: {  	_ =	shalt  }
0x6b: {  	_ =	shalt  }
0x6c: {  	_ =	shalt  }
0x6d: {  	_ =	shalt  }
0x6e: {  	_ =	shalt  }
0x6f: {  	_ =	shalt  }
0x70: {  	_ =	shalt  }
0x71: {  	_ =	shalt  }
0x72: {  	_ =	shalt  }
0x73: {  	_ =	shalt  }
0x74: {  	_ =	shalt  }
0x75: {  	_ =	shalt  }
0x76: {  	_ =	shalt  }
0x77: {  	_ =	shalt  }
0x78: {  	_ =	shalt  }
0x79: {  	_ =	shalt  }
0x7a: {  	_ =	shalt  }
0x7b: {  	_ =	shalt  }
0x7c: {  	_ =	shalt  }
0x7d: {  	_ =	shalt  }
0x7e: {  	_ =	shalt  }
0x7f: {  	_ =	shalt  }
0x80: {  	_ =	shalt  }
0x81: {  	_ =	shalt  }
0x82: {  	_ =	shalt  }
0x83: {  	_ =	shalt  }
0x84: {  	_ =	shalt  }
0x85: {  	_ =	shalt  }
0x86: {  	_ =	shalt  }
0x87: {  	_ =	shalt  }
.Lfunc_end0:
.L_simem_size_0:
called_computation.3_lowered:
.L_overlay_start_0:
0x88: {  	s2 =	sld [smem:$0x3FD9]  }
0x89: {  	s3 =	sld [smem:$0x3FFE];
	_ =	sdelay $0x1  }
0x8a: {  	s1 =	srdreg.scid  }
0x8b: {  	s0 =	sand.u32 $0x1, s1  }
0x8c: {  	s16 =	sshll.u32 s0, $0xA;
	s2 =	sadd.s32 s3, s2  }
0x8d: {  	s2 =	sadd.s32 s2, s16  }
0x8e: {  	[smem:$0x3FB9] =	sst s2  }
0x8f: {  	_ = 	snop  }
0x90: {  	(tm) =	ssettm $0x1  }
0x91: {  	s17 =	sld [smem:$0x3FFB];
	_ =	sdelay $0x3  }
0x92: {  	_ =	strace s17  }
0x93: {  	s2 =	sld [smem:$0x3FFC];
	_ =	sdelay $0x3  }
0x94: {  	_ =	strace s2  }
0x95: {  	s2 =	sld [smem:$0x3FFD];
	_ =	sdelay $0x3  }
0x96: {  	_ =	strace s2  }
0x97: {  	_ =	strace $0x8FFFFFFF  }
0x98: {  	s18 =	sld [smem:$0x3FDB];
	_ =	sdelay $0x1  }
0x99: {  	s19 =	simm.s32 $_scs_section_size  }
0x9a: {  	s4 =	simm.s32 $_size__tile_overlayer_lowered;
	s5 =	simm.s32 $_tile_overlayer_lowered  }
0x9b: {  	s22 =	simm.s32 $0x1BFF;
	s21 =	sshll.u32 s5, $0x1;
	s2 =	sadd.s32 s19, s18  }
0x9c: {  	s6 =	simm.s32 $0x0;
	s20 =	sshll.u32 s4, $0x1;
	s4 =	sadd.s32 s21, s2  }
0x9d: {  	[timem:s6], [sflag:s22] =	dma.local [hbm:s4], s20  }
0x9e: {  	_ =	swait.ge [sflag:s22], s20  }
0x9f: {  	s3 =	ssub.s32 $0x0, s20;
	[sflag:s22] =	ssyncset.done $0x0  }
0xa0: {  	[sflag:s22] =	ssyncadd.s32 s3;
	_ =	sdelay $0x1  }
0xa1: {  	s23 =	simm.s32 $0x1B8B  }
0xa2: {  	_ =	swait.ge [sflag:s23], $0x1  }
0xa3: {  	[sflag:s23] =	ssyncset.done $0x0  }
0xa4: {  	s25 =	simm.s32 $0x1B8E;
	s24 =	sld [smem:$0x3FFE];
	[sflag:s23] =	ssyncadd.s32 $0xFFFFFFFF  }
0xa5: {  	s26 =	simm.s32 $execute0_lowered;
	[smem:$0x3FD2] =	sst s25  }
0xa6: {  	s4 =	sshll.u32 s26, $0x1;
	_ =	strace $0x8000004F;
	[dreg:$0x1] =	wrdreg $0xFFFFFFFF  }
0xa7: {  	s28 =	simm.s32 $_size_execute0_lowered;
	s2 =	sadd.s32 s2, s4;
	[dreg:$0x0] =	wrdreg $0x0  }
0xa8: {  	s4 =	sshll.u32 s28, $0x1;
	[dreg:$0x2] =	wrdreg s2  }
0xa9: {  	[dreg:$0x3] =	wrdreg s4  }
0xaa: {  	[dreg:$0x4] =	wrdreg $0xC0  }
0xab: {  	_ =	task [dreg:s6], $0x5FFFF  }
0xac: {  	[dreg:$0x1] =	wrdreg $0xFFFFFFFF  }
0xad: {  	[dreg:$0x0] =	wrdreg $0x60  }
0xae: {  	[dreg:$0x2] =	wrdreg s24  }
0xaf: {  	[dreg:$0x3] =	wrdreg $0x0  }
0xb0: {  	[dreg:$0x4] =	wrdreg $0x9  }
0xb1: {  	_ =	task.clear_ibuf [dreg:s6], $0x5FFFF;
	_ =	strace $0x9000004F  }
0xb2: {  	s29 =	simm.s32 $0x9;
	_ =	strace $0x80000051  }
0xb3: {  	_ =	swait.ge [sflag:s29], $0x1  }
0xb4: {  	[sflag:s29] =	ssyncadd.s32 $0xFFFFFFFF  }
0xb5: {  	_ =	strace $0x90000051  }
0xb6: {  	_ =	sfence  }
0xb7: {  	s30 =	sld [smem:$0x0];
	_ =	sdelay $0x2  }
0xb8: {  	s31 =	sshll.u32 s1, $0xD;
	s1 =	sshrl.u32 s1, $0x2  }
0xb9: {  	s3 =	sand.u32 $0x4000, s31;
	s1 =	sadd.s32 s1, s30  }
0xba: {  	s0 =	sor.u32 s3, s0;
	s1 =	sshll.u32 s1, $0x11  }
0xbb: {  	s0 =	sor.u32 s1, s0  }
0xbc: {  	s0 =	sadd.s32 $0x8F2B, s0  }
0xbd: {  	[sflag:s0] =	ssyncadd.remote.s32 $0x1  }
0xbe: {  	_ =	sfence.sel $0xFFFF  }
0xbf: {  	[dreg:$0x0] =	wrdreg $0xFFFFFFFF;
	(pc) =	sbr.abs _section_cstart, $3  }
0xc0: {  	[dreg:$0x1] =	wrdreg $0xFFFFFFFF  }
0xc1: {  	_ =	task.clear_ibuf [dreg:s6], $0x2FFFF;
	_ =	strace $0x9FFFFFFF  }
0xc2: {  	(tm) =	ssettm $0x7FFFFFFF  }
0xc3: {  	_ =	shalt  }
tec
execute0_lowered:
.L_overlay_start_1:
0x0: {  	(tag) =	ssettag $0x1  }
0x1: {  	s0 =	rddreg [dreg:$0x0]  }
0x2: {  	s1 =	rddreg [dreg:$0x1];
	s2 =	simm.s32 $0x0;
	s3 =	srdreg.scid  }
0x3: {  	s16 =	stileid.u32;
	s17 =	simm.s32 $0x3;
	s18 =	simm.s32 $0xA000  }
0x4: {  	s19 =	simm.s32 $0xB000;
	s20 =	simm.s32 $0x11080;
	s21 =	simm.s32 $0xC000  }
0x5: {  	s22 =	simm.s32 $0x1;
	s23 =	simm.s32 $0x80;
	s25 =	simm.s32 $0x2  }
0x6: {  	s26 =	simm.s32 $0x0;
	[smem:$0x7FF] =	sst s2;
	s4 =	sadd.s32 $0x4B800, s0  }
0x7: {  	s5 =	sadd.s32 $0x41800, s0;
	s6 =	sadd.s32 $0x4800, s0;
	s7 =	smul.u32 $0x28000, s16  }
0x8: {  	s3 =	sand.u32 $0x1, s3;
	s8 =	sadd.s32 $0xE800, s0;
	s12 =	smul.u32 $0xA000, s16  }
0x9: {  	s0 =	sadd.s32 $0x99A00, s0;
	s11 =	smul.u32 $0x5000, s16;
	v0 =	vmov s16;
	s16 =	simm.s32 $0x1A100  }
0xa: {  	_ =	strace $0x80000050;
	s30 =	ssub.s32 $0x2, s3;
	s24 =	smul.u32 $0xFFFFEC78, s3  }
0xb: {  	[dreg:$0x3] =	wrdreg s8;
	s3 =	smul.u32 $0xA0000, s3;
	s9 =	sshrl.u32 s30, $0x1  }
0xc: {  	s7 =	sshrl.u32 s7, $0x2;
	s31 =	sadd.s32 $0x4000, s12;
	s13 =	sadd.s32 $0x8000, s12  }
0xd: {  	s15 =	ssub.s32 s30, s9;
	s8 =	sadd.s32 s7, s1;
	s9 =	sadd.s32 s31, s1  }
.Ltmp0:
0xe: {  	s10 =	sadd.s32 s13, s1;
	s12 =	sadd.s32 s12, s3;
	(pc) =	sbr.rel .LBB2_1-.Ltmp0, $4  }
0xf: {  	s7 =	sadd.s32 s3, s31;
	s3 =	sadd.s32 s3, s13;
	s12 =	sshrl.u32 s12, $0x3  }
0x10: {  	v1 =	vmov s24;
	s24 =	simm.s32 $0x16100;
	s7 =	sshrl.u32 s7, $0x3;
	s12 =	sadd.s32 s0, s12  }
0x11: {  	v0 =	vadd.s32 $0x1388, v0;
	s3 =	sshrl.u32 s3, $0x3;
	s7 =	sadd.s32 s0, s7;
	[dreg:$0x4] =	wrdreg s12  }
0x12: {  	v2 =	vimm.s32 $0x0;
	v3 =	vlaneseq.u32;
	v0 =	vbroadcast v0, $0x0;
	s15 =	smax.u32 s15, $0x1;
	s14 =	sadd.s32 s0, s3;
	[dreg:$0x5] =	wrdreg s7  }
.LBB2_7:
0x13: {  	s3 =	simm.s32 $0x11080  }
.LBB2_11:
0x14: {  	p1 =	slt.s32 s0, s12;
	s7 =	smov.u32 s12  }
0x15: {  	[sflag:s17] =	ssyncadd.s32 @p0 $0xFFFFC000;
	s7 =	smov.u32 @p1 s0  }
0x16: {  	_ =	swait.ge [sflag:s22], $0x4000;
	s7 =	sshll.u32 s7, $0x9  }
0x17: {  	[sflag:s22] =	ssyncset.done $0x0;
	s7 =	sshra.s32 s7, $0x2  }
0x18: {  	s3 =	sadd.s32 @p0 $0x100, s3;
	[sflag:s22] =	ssyncadd.s32 $0xFFFFC000;
	s7 =	sadd.s32 $0xC000, s7  }
0x19: {  	[tilespmem:s16], [sflag:$0x2] =	stream.indirect.gather [hbm4b:s4+s23], $0x80, s7, s23, $0xb8;
	[tilespmem:$0x1E100] =	vst v63  }
0x1a: {  	s28 =	smov.u32 @p0 s3  }
0x1b: {  	[spmem:s1] =	stream.indirect.scatter.add.f32 [tilespmem:s24], [sflag:$0x3], $0x80, s28, s23, $0xb8;
	[tilespmem:$0x1E100] =	vst v63  }
0x1c: {  	s0 =	sadd.s32 $0x1, s0;
	_ =	swait.ge [sflag:s17], $0x4000  }
0x1d: {  	p0 =	slt.s32 s0, s12;
	[sflag:s17] =	ssyncset.done $0x0  }
0x1e: {  	s12 =	smov.u32 @p0 s0;
	[sflag:s17] =	ssyncadd.s32 $0xFFFFC000  }
0x1f: {  	s0 =	sshll.u32 s12, $0x9;
	_ =	swait.ge [sflag:s25], $0x4000  }
0x20: {  	s0 =	sshra.s32 s0, $0x2;
	[sflag:s25] =	ssyncset.done $0x0  }
0x21: {  	s0 =	sadd.s32 $0xC000, s0;
	[sflag:s25] =	ssyncadd.s32 $0xFFFFC000  }
0x22: {  	[tilespmem:s24], [sflag:$0x1] =	stream.indirect.gather [hbm4b:s4+s23], $0x80, s0, s23, $0xb8;
	[tilespmem:$0x1E100] =	vst v63  }
0x23: {  	s31 =	sadd.s32 $0x80, s28  }
0x24: {  	[spmem:s1] =	stream.indirect.scatter.add.f32 [tilespmem:s16], [sflag:$0x3], $0x80, s31, s23, $0xb8;
	[tilespmem:$0x1E100] =	vst v63  }
0x25: {  	_ =	swait.ge [sflag:s17], $0x4000  }
0x26: {  	[sflag:s17] =	ssyncset.done $0x0  }
0x27: {  	[sflag:s17] =	ssyncadd.s32 $0xFFFFC000  }
.LBB2_12:
0x28: {  	s0 =	sand.u32 $0x1, s29  }
0x29: {  	_ =	swait.ge [sflag:s22], $0x4000;
	p0 =	seq.s32 s0, $0x0  }
0x2a: {  	[sflag:s22] =	ssyncset.done $0x0;
	s0 =	sshll.u32 @!p0 s13, $0x9  }
0x2b: {  	[sflag:s22] =	ssyncadd.s32 $0xFFFFC000;
	s0 =	sshra.s32 @!p0 s0, $0x2  }
0x2c: {  	s3 =	simm.s32 @!p0 $0x80;
	s7 =	simm.s32 @!p0 $0x16100;
	s0 =	sadd.s32 @!p0 $0x11080, s0  }
0x2d: {  	[spmem:s1] =	stream.indirect.scatter.add.f32 @!p0 [tilespmem:s7], [sflag:$0x3], $0x80, s0, s3, $0xb8;
	[tilespmem:$0x1E100] =	vst v63  }
0x2e: {  	s0 =	simm.s32 @!p0 $0x3  }
0x2f: {  	_ =	swait.ge @!p0 [sflag:s0], $0x4000  }
0x30: {  	[sflag:s0] =	ssyncset.done @!p0 $0x0  }
0x31: {  	[sflag:s0] =	ssyncadd.s32 @!p0 $0xFFFFC000  }
0x32: {  	[bflag:$0x0] =	sbarrier.arrive $0xFFFF  }
0x33: {  	[tilespmem:s16], [sflag:$0x3] =	stream.linear.gather [spmem:s8], $0x4000, $0x38;
	[tilespmem:$0x1E100] =	vst v63  }
0x34: {  	_ =	swait.ge [sflag:s17], $0x4000  }
0x35: {  	[sflag:s17] =	ssyncset.done $0x0  }
0x36: {  	s30 =	rddreg [dreg:$0x4];
	[sflag:s17] =	ssyncadd.s32 $0xFFFFC000  }
0x37: {  	[hbm4b:s30+s2] =	stream.linear.scatter [tilespmem:s16], [sflag:$0x3], $0x4000, $0x38;
	[tilespmem:$0x1E100] =	vst v63  }
0x38: {  	_ =	swait.ge [sflag:s17], $0x4000  }
0x39: {  	[sflag:s17] =	ssyncset.done $0x0  }
0x3a: {  	[sflag:s17] =	ssyncadd.s32 $0xFFFFC000  }
0x3b: {  	[tilespmem:s16], [sflag:$0x3] =	stream.linear.gather [spmem:s9], $0x4000, $0x38;
	[tilespmem:$0x1E100] =	vst v63  }
0x3c: {  	_ =	swait.ge [sflag:s17], $0x4000  }
0x3d: {  	[sflag:s17] =	ssyncset.done $0x0  }
0x3e: {  	s31 =	rddreg [dreg:$0x5];
	[sflag:s17] =	ssyncadd.s32 $0xFFFFC000  }
0x3f: {  	[hbm4b:s31+s2] =	stream.linear.scatter [tilespmem:s16], [sflag:$0x3], $0x4000, $0x38;
	[tilespmem:$0x1E100] =	vst v63  }
0x40: {  	_ =	swait.ge [sflag:s17], $0x4000  }
0x41: {  	[sflag:s17] =	ssyncset.done $0x0  }
0x42: {  	[sflag:s17] =	ssyncadd.s32 $0xFFFFC000  }
0x43: {  	[tilespmem:s16], [sflag:$0x3] =	stream.linear.gather [spmem:s10], $0x2000, $0x38;
	[tilespmem:$0x1E100] =	vst v63  }
0x44: {  	s26 =	sadd.s32 $0x1, s26;
	_ =	swait.ge [sflag:s17], $0x2000  }
0x45: {  	p0 =	sne.s32 s26, s15;
	[sflag:s17] =	ssyncset.done $0x0  }
.Ltmp1:
0x46: {  	[sflag:s17] =	ssyncadd.s32 $0xFFFFE000;
	(pc) =	sbr.rel @!p0 .LBB2_13-.Ltmp1, $4  }
0x47: {  	[hbm4b:s14+s2] =	stream.linear.scatter [tilespmem:s16], [sflag:$0x3], $0x2000, $0x38;
	[tilespmem:$0x1E100] =	vst v63  }
0x48: {  	_ =	swait.ge [sflag:s17], $0x2000  }
0x49: {  	[sflag:s17] =	ssyncset.done $0x0  }
0x4a: {  	[sflag:s17] =	ssyncadd.s32 $0xFFFFE000  }
.LBB2_1:
0x4b: {  	s0 =	rddreg [dreg:$0x3]  }
0x4c: {  	[tilespmem:s16], [sflag:$0x3] =	stream.linear.gather [hbm4b:s0+s2], $0x4000, $0x38;
	[tilespmem:$0x1E100] =	vst v63  }
0x4d: {  	_ =	swait.ge [sflag:s17], $0x4000  }
0x4e: {  	[sflag:s17] =	ssyncset.done $0x0  }
0x4f: {  	[sflag:s17] =	ssyncadd.s32 $0xFFFFC000  }
0x50: {  	[spmem:s8] =	stream.linear.scatter [tilespmem:s16], [sflag:$0x3], $0x4000, $0x38;
	[tilespmem:$0x1E100] =	vst v63  }
0x51: {  	_ =	swait.ge [sflag:s17], $0x4000  }
0x52: {  	[sflag:s17] =	ssyncset.done $0x0  }
0x53: {  	[sflag:s17] =	ssyncadd.s32 $0xFFFFC000  }
0x54: {  	[spmem:s9] =	stream.linear.scatter [tilespmem:s16], [sflag:$0x3], $0x4000, $0x38;
	[tilespmem:$0x1E100] =	vst v63  }
0x55: {  	_ =	swait.ge [sflag:s17], $0x4000  }
0x56: {  	[sflag:s17] =	ssyncset.done $0x0  }
0x57: {  	[sflag:s17] =	ssyncadd.s32 $0xFFFFC000  }
0x58: {  	[spmem:s10] =	stream.linear.scatter [tilespmem:s16], [sflag:$0x3], $0x2000, $0x38;
	[tilespmem:$0x1E100] =	vst v63  }
0x59: {  	_ =	swait.ge [sflag:s17], $0x2000  }
0x5a: {  	[sflag:s17] =	ssyncset.done $0x0  }
0x5b: {  	[sflag:s17] =	ssyncadd.s32 $0xFFFFE000  }
0x5c: {  	s29 =	simm.s32 $0x0;
	s28 =	simm.s32 $0x0;
	[bflag:$0x0] =	sbarrier.arrive $0xFFFF  }
.LBB2_2:
0x5d: {  	s0 =	sshll.u32 s28, $0xC  }
0x5e: {  	s0 =	sadd.s32 s11, s0  }
0x5f: {  	s0 =	sshrl.u32 s0, $0x3  }
0x60: {  	s7 =	simm.s32 $0x0;
	s3 =	sadd.s32 s6, s0  }
0x61: {  	[tilespmem:s18], [sflag:$0x3] =	stream.linear.gather [hbm4b:s3+s7], $0x1000, $0x38;
	[tilespmem:$0x1E100] =	vst v63  }
0x62: {  	_ =	swait.ge [sflag:s17], $0x1000  }
0x63: {  	[sflag:s17] =	ssyncset.done $0x0  }
0x64: {  	s0 =	sadd.s32 s5, s0;
	[sflag:s17] =	ssyncadd.s32 $0xFFFFF000  }
0x65: {  	[tilespmem:s19], [sflag:$0x3] =	stream.linear.gather [hbm4b:s0+s7], $0x1000, $0x38;
	[tilespmem:$0x1E100] =	vst v63  }
0x66: {  	_ =	swait.ge [sflag:s17], $0x1000  }
0x67: {  	[sflag:s17] =	ssyncset.done $0x0  }
0x68: {  	s31 =	simm.s32 $0x0;
	[sflag:s17] =	ssyncadd.s32 $0xFFFFF000  }
0x69: {  	v4 =	vld [tilespmem:s31+$0xA000];
	_ =	sdelay $0x4  }
0x6a: {  	v4 =	vadd.s32 v1, v4  }
0x6b: {  	vm0 =	vlt.u32 v4, $0x1388  }
0x6c: {  	v5 =	vsel vm0, $0x1, v2  }
0x6d: {  	(xrf0) =	vadd.scan.msk.s32 $0xffff, v5;
	_ =	sdelay $0x2  }
0x6e: {  	v5 =	vmov s29  }
0x6f: {  	v5 =	vadd.s32 $0xFFFFFFFF, v5  }
0x70: {  	v5 =	vbroadcast v5, $0x0  }
0x71: {  	v6, _, _ =	vpop (xrf0)  }
0x72: {  	v5 =	vadd.s32 v6, v5;
	(v2sf) =	vpush v6, $0xF;
	_ =	sdelay $0x4  }
0x73: {  	[tilespmem:v5+s20+$0x0] =	vst.idx.msk vm0, v4  }
0x74: {  	v4 =	vld [tilespmem:s31+$0xB000];
	_ =	sdelay $0x4  }
0x75: {  	s3 =	simm.s32 $0x80;
	s0 =	simm.s32 $0x10;
	[tilespmem:v5+s21+$0x0] =	vst.idx.msk vm0, v4  }
.LBB2_3:
0x76: {  	p0 =	sne.s32 s3, $0x3FC0;
	v4 =	vld [tilespmem:s0+$0xA000];
	_ =	sdelay $0x2  }
0x77: {  	s7 =	spop (v2sf)  }
0x78: {  	s29 =	sadd.s32 s29, s7  }
0x79: {  	v4 =	vadd.s32 v1, v4;
	v5 =	vmov s29  }
0x7a: {  	vm0 =	vlt.u32 v4, $0x1388;
	v5 =	vadd.s32 $0xFFFFFFFF, v5  }
0x7b: {  	v6 =	vsel vm0, $0x1, v2;
	v5 =	vbroadcast v5, $0x0  }
0x7c: {  	(xrf0) =	vadd.scan.msk.s32 $0xffff, v6;
	_ =	sdelay $0x5  }
0x7d: {  	v6, _, _ =	vpop (xrf0)  }
0x7e: {  	v5 =	vadd.s32 v6, v5;
	(v2sf) =	vpush v6, $0xF;
	_ =	sdelay $0x4  }
0x7f: {  	[tilespmem:v5+s20+$0x0] =	vst.idx.msk vm0, v4  }
0x80: {  	v4 =	vld [tilespmem:s0+$0xB000]  }
.Ltmp2:
0x81: {  	(pc) =	sbr.rel @p0 .LBB2_3-.Ltmp2, $2  }
0x82: {  	_ =	sdelay $0x2  }
0x83: {  	s0 =	sshra.s32 s3, $0x2;
	s3 =	sadd.s32 $0x40, s3;
	[tilespmem:v5+s21+$0x0] =	vst.idx.msk vm0, v4  }
0x84: {  	v4 =	vld [tilespmem:s0+$0xA000];
	_ =	sdelay $0x4  }
0x85: {  	v4 =	vadd.s32 v1, v4  }
0x86: {  	vm0 =	vlt.u32 v4, $0x1388  }
0x87: {  	v5 =	vsel vm0, $0x1, v2  }
0x88: {  	(xrf0) =	vadd.scan.msk.s32 $0xffff, v5;
	_ =	sdelay $0x5  }
0x89: {  	s3 =	spop (v2sf);
	v5, _, _ =	vpop (xrf0)  }
0x8a: {  	s3 =	sadd.s32 s29, s3;
	(v2sf) =	vpush v5, $0xF  }
0x8b: {  	v6 =	vmov s3  }
0x8c: {  	v6 =	vadd.s32 $0xFFFFFFFF, v6  }
0x8d: {  	v6 =	vbroadcast v6, $0x0;
	_ =	sdelay $0x1  }
0x8e: {  	v5 =	vadd.s32 v5, v6;
	_ =	sdelay $0x4  }
0x8f: {  	s28 =	sadd.s32 $0x1, s28;
	[tilespmem:v5+s20+$0x0] =	vst.idx.msk vm0, v4  }
0x90: {  	p0 =	sne.s32 s28, $0x5;
	v4 =	vld [tilespmem:s0+$0xB000]  }
.Ltmp3:
0x91: {  	_ = 	snop;
	(pc) =	sbr.rel @p0 .LBB2_2-.Ltmp3, $3  }
0x92: {  	_ =	sdelay $0x1  }
0x93: {  	s31 =	spop (v2sf)  }
0x94: {  	[tilespmem:v5+s21+$0x0] =	vst.idx.msk vm0, v4;
	s29 =	sadd.s32 s3, s31  }
0x95: {  	v4 =	vadd.s32 s29, v3  }
0x96: {  	s0 =	sadd.s32 $0x10, s29  }
0x97: {  	v5 =	vadd.s32 s0, v3  }
0x98: {  	s13 =	sadd.s32 $0x20, s29  }
0x99: {  	s28 =	simm.s32 $0x11080;
	v6 =	vadd.s32 s13, v3  }
0x9a: {  	s30 =	sadd.s32 $0x30, s29;
	[tilespmem:v4+s28+$0x0] =	vst.idx.msk $0xffff, v0  }
0x9b: {  	[tilespmem:v4+s21+$0x0] =	vst.idx.msk $0xffff, v3;
	v4 =	vadd.s32 s30, v3  }
0x9c: {  	[tilespmem:v5+s28+$0x0] =	vst.idx.msk $0xffff, v0  }
0x9d: {  	[tilespmem:v5+s21+$0x0] =	vst.idx.msk $0xffff, v3  }
0x9e: {  	[tilespmem:v6+s28+$0x0] =	vst.idx.msk $0xffff, v0  }
0x9f: {  	s3 =	sadd.s32 $0x50, s29;
	s13 =	sadd.s32 $0x7F, s29;
	[tilespmem:v6+s21+$0x0] =	vst.idx.msk $0xffff, v3  }
0xa0: {  	s7 =	sadd.s32 $0x60, s29;
	v63 =	vadd.s32 s3, v3;
	s3 =	sand.u32 $0x7F, s13;
	[tilespmem:v4+s28+$0x0] =	vst.idx.msk $0xffff, v0  }
0xa1: {  	p0 =	slt.s32 s13, $0x1;
	p1 =	sne.s32 s3, $0x0;
	[tilespmem:v4+s21+$0x0] =	vst.idx.msk $0xffff, v3;
	v4 =	vadd.s32 s7, v3;
	s7 =	sshra.s32 s13, $0x1F  }
0xa2: {  	p0 =	por !p0, !p1;
	s30 =	sshrl.u32 s7, $0x19  }
0xa3: {  	s3 =	simm.s32 $0x1;
	p0 =	por !p0, !p0;
	s0 =	sadd.s32 s30, s13  }
0xa4: {  	s3 =	simm.s32 @!p0 $0x0;
	s0 =	sshra.s32 s0, $0x7  }
0xa5: {  	s31 =	sadd.s32 $0x40, s29;
	s12 =	sadd.s32 $0x70, s29;
	s29 =	ssub.s32 s0, s3  }
0xa6: {  	v5 =	vadd.s32 s31, v3;
	s0 =	sshrl.u32 s29, $0x1F  }
0xa7: {  	s0 =	sadd.s32 s0, s29  }
0xa8: {  	s31 =	sand.u32 $0xFFFFFFFE, s0  }
0xa9: {  	p5 =	slt.s32 s29, $0x1;
	p6 =	sne.s32 s29, s31  }
0xaa: {  	p0 =	por !p5, !p6  }
0xab: {  	[tilespmem:v5+s28+$0x0] =	vst.idx.msk $0xffff, v0;
	s3 =	simm.s32 $0x1;
	p0 =	por !p0, !p0  }
0xac: {  	[tilespmem:v5+s21+$0x0] =	vst.idx.msk $0xffff, v3;
	v5 =	vadd.s32 s12, v3;
	s0 =	sshra.s32 s0, $0x1;
	s3 =	simm.s32 @!p0 $0x0  }
0xad: {  	[tilespmem:v63+s28+$0x0] =	vst.idx.msk $0xffff, v0;
	s3 =	ssub.s32 s0, s3  }
0xae: {  	[tilespmem:v63+s21+$0x0] =	vst.idx.msk $0xffff, v3;
	p0 =	slt.s32 s3, $0x1  }
.Ltmp4:
0xaf: {  	[tilespmem:v4+s28+$0x0] =	vst.idx.msk $0xffff, v0;
	(pc) =	sbr.rel @p0 .LBB2_12-.Ltmp4, $4  }
0xb0: {  	[tilespmem:v4+s21+$0x0] =	vst.idx.msk $0xffff, v3  }
0xb1: {  	[tilespmem:v5+s28+$0x0] =	vst.idx.msk $0xffff, v0  }
0xb2: {  	s13 =	sadd.s32 $0xFFFFFFFF, s29;
	[tilespmem:v5+s21+$0x0] =	vst.idx.msk $0xffff, v3  }
0xb3: {  	[tilespmem:s24], [sflag:$0x1] =	stream.indirect.gather [hbm4b:s4+s23], $0x80, s21, s23, $0xb8;
	[tilespmem:$0x1E100] =	vst v63  }
0xb4: {  	p1 =	sne.s32 s3, $0x1  }
.Ltmp5:
0xb5: {  	_ = 	snop;
	(pc) =	sbr.rel @!p1 .LBB2_7-.Ltmp5, $3  }
0xb6: {  	_ =	sdelay $0x1  }
0xb7: {  	p0 =	sgt.s32 s13, $0x0;
	s12 =	smov.u32 s13;
	s0 =	simm.s32 $0x1  }
0xb8: {  	s3 =	sadd.s32 $0xFFFFFFFF, s3;
	s12 =	simm.s32 @!p0 $0x0;
	p0 =	por $0x0, $0x0  }
0xb9: {  	p0 =	sgt.s32 s12, $0x1;
	s7 =	smov.u32 s12  }
0xba: {  	s7 =	smov.u32 @p0 s0  }
0xbb: {  	_ =	swait.ge [sflag:s22], $0x4000;
	s0 =	sshll.u32 s7, $0x9  }
0xbc: {  	[sflag:s22] =	ssyncset.done $0x0;
	s0 =	sshra.s32 s0, $0x2  }
0xbd: {  	[sflag:s22] =	ssyncadd.s32 $0xFFFFC000;
	s0 =	sadd.s32 $0xC000, s0  }
0xbe: {  	[tilespmem:s16], [sflag:$0x2] =	stream.indirect.gather [hbm4b:s4+s23], $0x80, s0, s23, $0xb8;
	[tilespmem:$0x1E100] =	vst v63  }
0xbf: {  	_ = 	snop  }
0xc0: {  	[spmem:s1] =	stream.indirect.scatter.add.f32 [tilespmem:s24], [sflag:$0x3], $0x80, s28, s23, $0xb8;
	[tilespmem:$0x1E100] =	vst v63  }
0xc1: {  	p0 =	sgt.s32 s12, $0x2;
	_ =	swait.ge [sflag:s17], $0x4000  }
0xc2: {  	s7 =	smov.u32 s12;
	s0 =	simm.s32 $0x2;
	[sflag:s17] =	ssyncset.done $0x0  }
0xc3: {  	s7 =	smov.u32 @p0 s0;
	[sflag:s17] =	ssyncadd.s32 $0xFFFFC000  }
0xc4: {  	s0 =	sshll.u32 s7, $0x9;
	_ =	swait.ge [sflag:s25], $0x4000  }
0xc5: {  	s0 =	sshra.s32 s0, $0x2;
	[sflag:s25] =	ssyncset.done $0x0  }
0xc6: {  	p1 =	sne.s32 s3, $0x1;
	s0 =	sadd.s32 $0xC000, s0;
	[sflag:s25] =	ssyncadd.s32 $0xFFFFC000  }
0xc7: {  	[tilespmem:s24], [sflag:$0x1] =	stream.indirect.gather [hbm4b:s4+s23], $0x80, s0, s23, $0xb8;
	[tilespmem:$0x1E100] =	vst v63  }
.Ltmp6:
0xc8: {  	_ = 	snop;
	(pc) =	sbr.rel @!p1 .LBB2_9-.Ltmp6, $4  }
0xc9: {  	s31 =	simm.s32 $0x11100  }
0xca: {  	[spmem:s1] =	stream.indirect.scatter.add.f32 [tilespmem:s16], [sflag:$0x3], $0x80, s31, s23, $0xb8;
	[tilespmem:$0x1E100] =	vst v63  }
0xcb: {  	p0 =	por $0x1, $0x1;
	s7 =	sadd.s32 $0xFFFFFFFF, s3;
	_ =	swait.ge [sflag:s17], $0x4000  }
0xcc: {  	s3 =	simm.s32 $0x11080;
	s0 =	simm.s32 $0x3;
	[sflag:s17] =	ssyncset.done $0x0  }
.LBB2_10:
0xcd: {  	p2 =	slt.s32 s0, s12  }
0xce: {  	[sflag:s17] =	ssyncadd.s32 $0xFFFFC000;
	s3 =	sadd.s32 $0x100, s3;
	s31 =	smov.u32 s12  }
0xcf: {  	p1 =	sne.s32 s7, $0x1;
	s7 =	sadd.s32 $0xFFFFFFFF, s7;
	s31 =	smov.u32 @p2 s0  }
0xd0: {  	_ =	swait.ge [sflag:s22], $0x4000;
	s31 =	sshll.u32 s31, $0x9  }
0xd1: {  	[sflag:s22] =	ssyncset.done $0x0;
	s31 =	sshra.s32 s31, $0x2  }
0xd2: {  	[sflag:s22] =	ssyncadd.s32 $0xFFFFC000;
	s31 =	sadd.s32 $0xC000, s31  }
0xd3: {  	[tilespmem:s16], [sflag:$0x2] =	stream.indirect.gather [hbm4b:s4+s23], $0x80, s31, s23, $0xb8;
	[tilespmem:$0x1E100] =	vst v63  }
0xd4: {  	_ = 	snop  }
0xd5: {  	[spmem:s1] =	stream.indirect.scatter.add.f32 [tilespmem:s24], [sflag:$0x3], $0x80, s3, s23, $0xb8;
	[tilespmem:$0x1E100] =	vst v63  }
0xd6: {  	s31 =	sadd.s32 $0x1, s0;
	_ =	swait.ge [sflag:s17], $0x4000  }
0xd7: {  	s30 =	smov.u32 s12;
	p2 =	slt.s32 s31, s12;
	[sflag:s17] =	ssyncset.done $0x0  }
0xd8: {  	s30 =	smov.u32 @p2 s31;
	[sflag:s17] =	ssyncadd.s32 $0xFFFFC000  }
0xd9: {  	s30 =	sshll.u32 s30, $0x9;
	_ =	swait.ge [sflag:s25], $0x4000  }
0xda: {  	s30 =	sshra.s32 s30, $0x2;
	[sflag:s25] =	ssyncset.done $0x0  }
0xdb: {  	s30 =	sadd.s32 $0xC000, s30;
	[sflag:s25] =	ssyncadd.s32 $0xFFFFC000  }
0xdc: {  	[tilespmem:s24], [sflag:$0x1] =	stream.indirect.gather [hbm4b:s4+s23], $0x80, s30, s23, $0xb8;
	[tilespmem:$0x1E100] =	vst v63  }
.Ltmp7:
0xdd: {  	_ = 	snop;
	(pc) =	sbr.rel @p1 .LBB2_10-.Ltmp7, $4  }
0xde: {  	s30 =	sadd.s32 $0x80, s3  }
0xdf: {  	[spmem:s1] =	stream.indirect.scatter.add.f32 [tilespmem:s16], [sflag:$0x3], $0x80, s30, s23, $0xb8;
	[tilespmem:$0x1E100] =	vst v63  }
0xe0: {  	_ =	swait.ge [sflag:s17], $0x4000  }
0xe1: {  	s0 =	sadd.s32 $0x2, s0;
	[sflag:s17] =	ssyncset.done $0x0  }
.Ltmp8:
0xe2: {  	_ = 	snop;
	(pc) =	sbr.rel .LBB2_11-.Ltmp8, $1  }
0xe3: {  	_ =	sdelay $0x3  }
.LBB2_9:
.Ltmp9:
0xe4: {  	(pc) =	sbr.rel .LBB2_11-.Ltmp9, $2  }
0xe5: {  	_ =	sdelay $0x2  }
0xe6: {  	s3 =	simm.s32 $0x11080  }
.LBB2_13:
0xe7: {  	_ =	sfence.sel $0x180000  }
0xe8: {  	[bflag:$0x0] =	sbarrier.arrive $0xFFFF  }
0xe9: {  	_ =	strace $0x90000050  }
0xea: {  	s0 =	stileid.u32;
	[bflag:$0x2] =	sbarrier.arrive $0xFFFF  }
0xeb: {  	p0 =	sne.s32 s0, $0x0;
	s0 =	rddreg [dreg:$0x2]  }
0xec: {  	s0 =	sadd.s32 @!p0 $0x100000, s0  }
0xed: {  	[sflag:s0] =	ssyncadd.tile.s32 @!p0 $0x1;
	_ =	shalt  }
.Lfunc_end2:
_tile_overlayer_lowered:
.L_overlay_start_2:
0xee: {  	(tag) =	ssettag $0x2  }
0xef: {  	s0 =	rddreg [dreg:$0x0];
	s2 =	stileid.u32  }
0xf0: {  	s1 =	rddreg [dreg:$0x1];
	p0 =	sne.s32 s2, $0x0  }
0xf1: {  	s3 =	rddreg [dreg:$0x2];
	[bflag:$0x3] =	sbarrier.arrive $0xFFFF;
	s2 =	simm.s32 @!p0 $0x1C03  }
0xf2: {  	[timem:s3], [sflag:s2] =	dma.local @!p0 [hbm:s0], s1  }
0xf3: {  	s0 =	simm.s32 @!p0 $0x3  }
0xf4: {  	_ =	swait.ge @!p0 [sflag:s0], s1  }
0xf5: {  	s1 =	ssub.s32 @!p0 $0x0, s1;
	[sflag:s0] =	ssyncset.done @!p0 $0x0  }
0xf6: {  	[sflag:s0] =	ssyncadd.s32 @!p0 s1  }
0xf7: {  	[bflag:$0x3] =	sbarrier.arrive $0xFFFF  }
0xf8: {  	_ =	shalt  }

// kernel: kernel.9.cloned.1.call-start
scs
__scs_entry_jumppad:
0x0: {  	(pc) =	sbr.rel $0x88, $3  }
0x1: {  	(tag) =	ssettag $0x0;
	lr =	simm.s32 $0x1  }
0x2: {  	[smem:$0x3F92] =	sst lr;
	_ =	strace $0xD0000000  }
0x3: {  	_ = 	snop  }
0x4: {  	_ = 	snop  }
0x5: {  	_ = 	snop  }
0x6: {  	_ = 	snop  }
0x7: {  	_ = 	snop  }
__scs_overlays_trampoline_lowered:
0x8: {  	[smem:$0x3FA1] =	sst s0  }
0x9: {  	[smem:$0x3FA2] =	sst s1  }
0xa: {  	[smem:$0x3FA3] =	sst s2  }
0xb: {  	[smem:$0x3FA4] =	sst s3  }
0xc: {  	[smem:$0x3FA5] =	sst s4  }
0xd: {  	[smem:$0x3FA6] =	sst s5  }
0xe: {  	[smem:$0x3FA7] =	sst s6  }
0xf: {  	[smem:$0x3FA8] =	sst s7  }
0x10: {  	[smem:$0x3FA9] =	sst s8  }
0x11: {  	[smem:$0x3FAA] =	sst s9;
	s0 =	simm.s32 @!p0 $0x0  }
0x12: {  	s1 =	sld [smem:$0x3F90];
	s0 =	simm.s32 @p0 $0x1  }
0x13: {  	[smem:$0x3FAB] =	sst s0;
	s0 =	simm.s32 @!p1 $0x0  }
0x14: {  	s2 =	sld [smem:$0x3F8F];
	s0 =	simm.s32 @p1 $0x1  }
0x15: {  	[smem:$0x3FAC] =	sst s0;
	s0 =	simm.s32 @!p2 $0x0  }
0x16: {  	s3 =	sld [smem:$0x3FDB];
	s0 =	simm.s32 @p2 $0x1  }
0x17: {  	s4 =	simm.s32 $0x1BF5;
	[smem:$0x3FAE] =	sst s0  }
0x18: {  	s0 =	sld [smem:$0x3F91];
	_ =	swait.ge [sflag:s4], $0x0  }
0x19: {  	s7 =	sld [smem:$0x3F92]  }
0x1a: {  	s8 =	sadd.s32 $0xFFFFE003, lr  }
0x1b: {  	s9 =	sadd.s32 $0xFFFFFEF7, lr;
	s5 =	simm.s32 $0xFFFFFFFF;
	p2 =	slt.u32 s8, $0xFFFFF086  }
0x1c: {  	p1 =	slt.u32 s9, $0xF7A;
	s5 =	simm.s32 @!p2 $0x0  }
0x1d: {  	s5 =	simm.s32 @p1 $0x1;
	p0 =	seq.s32 s7, s2  }
0x1e: {  	s7 =	smul.u32 @!p0 $0xF7A, s2;
	p2 =	seq.s32 @!p0 s5, $0x0  }
0x1f: {  	s9 =	smul.u32 $0xF7A, s1;
	s8 =	simm.s32 @!p0 $0x1BF5;
	p2 =	por !p2, p0  }
0x20: {  	[sflag:s8] =	ssyncset.s32 @!p0 $0xFFFFF086;
	s6 =	sadd.s32 @!p0 s3, s7;
	s7 =	simm.s32 @!p0 $0x108  }
0x21: {  	s3 =	sadd.s32 s3, s9;
	s6 =	sadd.s32 @!p0 $0x88, s6;
	s7 =	simm.s32 @p2 $0x1082  }
0x22: {  	[simem:s7], [sflag:s8] =	dma.local @!p0 [hbm:s6], $0xF7A  }
0x23: {  	s9 =	sor.u32 $0xD0000000, s2;
	s6 =	simm.s32 $0x108;
	_ =	swait.ge @!p0 [sflag:s8], $0x0  }
0x24: {  	s3 =	sadd.s32 $0x88, s3;
	s6 =	simm.s32 @!p1 $0x1082;
	[sflag:s4] =	ssyncset.s32 $0xFFFFF086  }
0x25: {  	[simem:s6], [sflag:s4] =	dma.local [hbm:s3], $0xF7A  }
0x26: {  	[smem:$0x3F92] =	sst s1;
	(tag) =	ssettag s2;
	_ =	strace s9  }
0x27: {  	s1 =	sld [smem:$0x3FA2]  }
0x28: {  	s2 =	sld [smem:$0x3FA3]  }
0x29: {  	s4 =	sld [smem:$0x3FA5]  }
0x2a: {  	p0 =	seq.s32 s5, $0x0;
	s5 =	sld [smem:$0x3FA6]  }
0x2b: {  	s6 =	sld [smem:$0x3FA7]  }
0x2c: {  	s7 =	sld [smem:$0x3FA8]  }
0x2d: {  	s3 =	simm.s32 $0x108;
	s8 =	sld [smem:$0x3FA9]  }
0x2e: {  	s3 =	simm.s32 @!p0 $0x1082;
	s9 =	sld [smem:$0x3FAA]  }
0x2f: {  	lr =	sadd.s32 s0, s3;
	s0 =	sld [smem:$0x3FA1]  }
0x30: {  	s3 =	sld [smem:$0x3FA4]  }
0x31: {  	[smem:$0x3FAD] =	sst s10  }
0x32: {  	s10 =	sld [smem:$0x3FAB];
	_ =	sdelay $0x3  }
0x33: {  	p0 =	seq.s32 s10, $0x1;
	s10 =	sld [smem:$0x3FAD];
	_ =	sdelay $0x3  }
0x34: {  	[smem:$0x3FAD] =	sst s10  }
0x35: {  	s10 =	sld [smem:$0x3FAC];
	_ =	sdelay $0x3  }
0x36: {  	p1 =	seq.s32 s10, $0x1;
	s10 =	sld [smem:$0x3FAD];
	_ =	sdelay $0x3  }
0x37: {  	[smem:$0x3FAD] =	sst s10  }
0x38: {  	s10 =	sld [smem:$0x3FAE]  }
0x39: {  	_ = 	snop;
	(pc) =	sbr.ind lr, $3  }
0x3a: {  	_ = 	snop  }
0x3b: {  	_ = 	snop  }
0x3c: {  	p2 =	seq.s32 s10, $0x1;
	s10 =	sld [smem:$0x3FAD]  }
0x3d: {  	_ =	shalt  }
0x3e: {  	_ =	shalt  }
0x3f: {  	_ =	shalt  }
0x40: {  	_ =	shalt  }
0x41: {  	_ =	shalt  }
0x42: {  	_ =	shalt  }
0x43: {  	_ =	shalt  }
0x44: {  	_ =	shalt  }
0x45: {  	_ =	shalt  }
0x46: {  	_ =	shalt  }
0x47: {  	_ =	shalt  }
0x48: {  	_ =	shalt  }
0x49: {  	_ =	shalt  }
0x4a: {  	_ =	shalt  }
0x4b: {  	_ =	shalt  }
0x4c: {  	_ =	shalt  }
0x4d: {  	_ =	shalt  }
0x4e: {  	_ =	shalt  }
0x4f: {  	_ =	shalt  }
0x50: {  	_ =	shalt  }
0x51: {  	_ =	shalt  }
0x52: {  	_ =	shalt  }
0x53: {  	_ =	shalt  }
0x54: {  	_ =	shalt  }
0x55: {  	_ =	shalt  }
0x56: {  	_ =	shalt  }
0x57: {  	_ =	shalt  }
0x58: {  	_ =	shalt  }
0x59: {  	_ =	shalt  }
0x5a: {  	_ =	shalt  }
0x5b: {  	_ =	shalt  }
0x5c: {  	_ =	shalt  }
0x5d: {  	_ =	shalt  }
0x5e: {  	_ =	shalt  }
0x5f: {  	_ =	shalt  }
0x60: {  	_ =	shalt  }
0x61: {  	_ =	shalt  }
0x62: {  	_ =	shalt  }
0x63: {  	_ =	shalt  }
0x64: {  	_ =	shalt  }
0x65: {  	_ =	shalt  }
0x66: {  	_ =	shalt  }
0x67: {  	_ =	shalt  }
0x68: {  	_ =	shalt  }
0x69: {  	_ =	shalt  }
0x6a: {  	_ =	shalt  }
0x6b: {  	_ =	shalt  }
0x6c: {  	_ =	shalt  }
0x6d: {  	_ =	shalt  }
0x6e: {  	_ =	shalt  }
0x6f: {  	_ =	shalt  }
0x70: {  	_ =	shalt  }
0x71: {  	_ =	shalt  }
0x72: {  	_ =	shalt  }
0x73: {  	_ =	shalt  }
0x74: {  	_ =	shalt  }
0x75: {  	_ =	shalt  }
0x76: {  	_ =	shalt  }
0x77: {  	_ =	shalt  }
0x78: {  	_ =	shalt  }
0x79: {  	_ =	shalt  }
0x7a: {  	_ =	shalt  }
0x7b: {  	_ =	shalt  }
0x7c: {  	_ =	shalt  }
0x7d: {  	_ =	shalt  }
0x7e: {  	_ =	shalt  }
0x7f: {  	_ =	shalt  }
0x80: {  	_ =	shalt  }
0x81: {  	_ =	shalt  }
0x82: {  	_ =	shalt  }
0x83: {  	_ =	shalt  }
0x84: {  	_ =	shalt  }
0x85: {  	_ =	shalt  }
0x86: {  	_ =	shalt  }
0x87: {  	_ =	shalt  }
.Lfunc_end0:
.L_simem_size_0:
called_computation_lowered:
.L_overlay_start_0:
0x88: {  	s2 =	sld [smem:$0x3FD9]  }
0x89: {  	s3 =	sld [smem:$0x3FFE];
	_ =	sdelay $0x1  }
0x8a: {  	s1 =	srdreg.scid  }
0x8b: {  	s0 =	sand.u32 $0x1, s1  }
0x8c: {  	s16 =	sshll.u32 s0, $0xA;
	s2 =	sadd.s32 s3, s2  }
0x8d: {  	s2 =	sadd.s32 s2, s16  }
0x8e: {  	[smem:$0x3FB9] =	sst s2  }
0x8f: {  	_ = 	snop  }
0x90: {  	(tm) =	ssettm $0x1  }
0x91: {  	s17 =	sld [smem:$0x3FFB];
	_ =	sdelay $0x3  }
0x92: {  	_ =	strace s17  }
0x93: {  	s2 =	sld [smem:$0x3FFC];
	_ =	sdelay $0x3  }
0x94: {  	_ =	strace s2  }
0x95: {  	s2 =	sld [smem:$0x3FFD];
	_ =	sdelay $0x3  }
0x96: {  	_ =	strace s2  }
0x97: {  	_ =	strace $0x8FFFFFFF  }
0x98: {  	s18 =	sld [smem:$0x3FDB];
	_ =	sdelay $0x1  }
0x99: {  	s19 =	simm.s32 $_scs_section_size  }
0x9a: {  	s4 =	simm.s32 $_size__tile_overlayer_lowered;
	s5 =	simm.s32 $_tile_overlayer_lowered  }
0x9b: {  	s22 =	simm.s32 $0x1BFF;
	s21 =	sshll.u32 s5, $0x1;
	s2 =	sadd.s32 s19, s18  }
0x9c: {  	s6 =	simm.s32 $0x0;
	s20 =	sshll.u32 s4, $0x1;
	s4 =	sadd.s32 s21, s2  }
0x9d: {  	[timem:s6], [sflag:s22] =	dma.local [hbm:s4], s20  }
0x9e: {  	_ =	swait.ge [sflag:s22], s20  }
0x9f: {  	s3 =	ssub.s32 $0x0, s20;
	[sflag:s22] =	ssyncset.done $0x0  }
0xa0: {  	[sflag:s22] =	ssyncadd.s32 s3;
	_ =	sdelay $0x1  }
0xa1: {  	s23 =	simm.s32 $0x1B8B  }
0xa2: {  	_ =	swait.ge [sflag:s23], $0x1  }
0xa3: {  	[sflag:s23] =	ssyncset.done $0x0  }
0xa4: {  	s25 =	simm.s32 $0x1B8E;
	s24 =	sld [smem:$0x3FFE];
	[sflag:s23] =	ssyncadd.s32 $0xFFFFFFFF  }
0xa5: {  	s26 =	simm.s32 $execute0_lowered;
	[smem:$0x3FD2] =	sst s25  }
0xa6: {  	s4 =	sshll.u32 s26, $0x1;
	_ =	strace $0x80000046;
	[dreg:$0x1] =	wrdreg $0xFFFFFFFF  }
0xa7: {  	s28 =	simm.s32 $_size_execute0_lowered;
	s2 =	sadd.s32 s2, s4;
	[dreg:$0x0] =	wrdreg $0x0  }
0xa8: {  	s4 =	sshll.u32 s28, $0x1;
	[dreg:$0x2] =	wrdreg s2  }
0xa9: {  	[dreg:$0x3] =	wrdreg s4  }
0xaa: {  	[dreg:$0x4] =	wrdreg $0xC0  }
0xab: {  	_ =	task [dreg:s6], $0x5FFFF  }
0xac: {  	[dreg:$0x1] =	wrdreg $0xFFFFFFFF  }
0xad: {  	[dreg:$0x0] =	wrdreg $0x60  }
0xae: {  	[dreg:$0x2] =	wrdreg s24  }
0xaf: {  	[dreg:$0x3] =	wrdreg $0x0  }
0xb0: {  	[dreg:$0x4] =	wrdreg $0xA  }
0xb1: {  	_ =	task.clear_ibuf [dreg:s6], $0x5FFFF;
	_ =	strace $0x90000046  }
0xb2: {  	s29 =	simm.s32 $0xA;
	_ =	strace $0x80000048  }
0xb3: {  	_ =	swait.ge [sflag:s29], $0x1  }
0xb4: {  	[sflag:s29] =	ssyncadd.s32 $0xFFFFFFFF  }
0xb5: {  	_ =	strace $0x90000048  }
0xb6: {  	_ =	sfence  }
0xb7: {  	s30 =	sld [smem:$0x0];
	_ =	sdelay $0x2  }
0xb8: {  	s31 =	sshll.u32 s1, $0xD;
	s1 =	sshrl.u32 s1, $0x2  }
0xb9: {  	s3 =	sand.u32 $0x4000, s31;
	s1 =	sadd.s32 s1, s30  }
0xba: {  	s0 =	sor.u32 s3, s0;
	s1 =	sshll.u32 s1, $0x11  }
0xbb: {  	s0 =	sor.u32 s1, s0  }
0xbc: {  	s0 =	sadd.s32 $0x8F2B, s0  }
0xbd: {  	[sflag:s0] =	ssyncadd.remote.s32 $0x1  }
0xbe: {  	_ =	sfence.sel $0xFFFF  }
0xbf: {  	[dreg:$0x0] =	wrdreg $0xFFFFFFFF;
	(pc) =	sbr.abs _section_cstart, $3  }
0xc0: {  	[dreg:$0x1] =	wrdreg $0xFFFFFFFF  }
0xc1: {  	_ =	task.clear_ibuf [dreg:s6], $0x2FFFF;
	_ =	strace $0x9FFFFFFF  }
0xc2: {  	(tm) =	ssettm $0x7FFFFFFF  }
0xc3: {  	_ =	shalt  }
tec
execute0_lowered:
.L_overlay_start_1:
0x0: {  	(tag) =	ssettag $0x1  }
0x1: {  	s7 =	rddreg [dreg:$0x0]  }
0x2: {  	s1 =	rddreg [dreg:$0x1]  }
0x3: {  	s0 =	rddreg [dreg:$0x2]  }
0x4: {  	s2 =	simm.s32 $0x0;
	s6 =	srdreg.scid;
	s3 =	stileid.u32  }
0x5: {  	s17 =	simm.s32 $0x14080;
	s18 =	simm.s32 $0xA000;
	s20 =	simm.s32 $0x80  }
0x6: {  	s21 =	simm.s32 $0x0;
	[smem:$0x7FF] =	sst s2;
	s4 =	sadd.s32 $0xF000, s7  }
0x7: {  	s5 =	sadd.s32 $0xE800, s7;
	s8 =	sand.u32 $0x1, s6;
	s10 =	smul.u32 $0x28000, s3  }
0x8: {  	s6 =	sadd.s32 $0x4800, s7;
	s13 =	sadd.s32 $0xF800, s7;
	s11 =	smul.u32 $0xA000, s3  }
0x9: {  	_ =	strace $0x80000047;
	s9 =	ssub.s32 $0x2, s8;
	s19 =	smul.u32 $0xFFFFEC78, s8  }
0xa: {  	s16 =	smul.u32 $0xA0000, s8;
	s30 =	sshrl.u32 s9, $0x1;
	s31 =	sshrl.u32 s10, $0x2  }
0xb: {  	s12 =	sadd.s32 $0x4000, s11;
	s15 =	sadd.s32 $0x8000, s11;
	s10 =	smul.u32 $0x5000, s3  }
0xc: {  	s14 =	ssub.s32 s9, s30;
	s7 =	sadd.s32 s31, s1;
	s8 =	sadd.s32 s12, s1  }
.Ltmp0:
0xd: {  	s9 =	sadd.s32 s15, s1;
	s11 =	sadd.s32 s11, s16;
	(pc) =	sbr.rel .LBB2_1-.Ltmp0, $4  }
0xe: {  	s12 =	sadd.s32 s16, s12;
	s15 =	sadd.s32 s16, s15;
	s16 =	simm.s32 $0x1  }
0xf: {  	v0 =	vmov s3;
	v1 =	vmov s19;
	s19 =	simm.s32 $0xB000;
	s11 =	sshrl.u32 s11, $0x3;
	s12 =	sshrl.u32 s12, $0x3  }
0x10: {  	v0 =	vadd.s32 $0x1388, v0;
	s15 =	sshrl.u32 s15, $0x3;
	s14 =	smax.u32 s14, $0x1;
	s11 =	sadd.s32 s13, s11  }
0x11: {  	v2 =	vimm.s32 $0x0;
	v3 =	vlaneseq.u32;
	v0 =	vbroadcast v0, $0x0;
	s12 =	sadd.s32 s13, s12;
	s13 =	sadd.s32 s13, s15;
	s15 =	simm.s32 $0x10080  }
.LBB2_8:
0x12: {  	[sflag:s16] =	ssyncadd.s32 $0xFFFFC000  }
.LBB2_9:
0x13: {  	[bflag:$0x0] =	sbarrier.arrive $0xFFFF  }
0x14: {  	[tilespmem:s17], [sflag:$0x1] =	stream.linear.gather [spmem:s7], $0x4000, $0x38;
	[tilespmem:$0x18080] =	vst v63  }
0x15: {  	_ =	swait.ge [sflag:s16], $0x4000  }
0x16: {  	[sflag:s16] =	ssyncset.done $0x0  }
0x17: {  	[sflag:s16] =	ssyncadd.s32 $0xFFFFC000  }
0x18: {  	[hbm4b:s11+s2] =	stream.linear.scatter [tilespmem:s17], [sflag:$0x1], $0x4000, $0x38;
	[tilespmem:$0x18080] =	vst v63  }
0x19: {  	_ =	swait.ge [sflag:s16], $0x4000  }
0x1a: {  	[sflag:s16] =	ssyncset.done $0x0  }
0x1b: {  	[sflag:s16] =	ssyncadd.s32 $0xFFFFC000  }
0x1c: {  	[tilespmem:s17], [sflag:$0x1] =	stream.linear.gather [spmem:s8], $0x4000, $0x38;
	[tilespmem:$0x18080] =	vst v63  }
0x1d: {  	_ =	swait.ge [sflag:s16], $0x4000  }
0x1e: {  	[sflag:s16] =	ssyncset.done $0x0  }
0x1f: {  	[sflag:s16] =	ssyncadd.s32 $0xFFFFC000  }
0x20: {  	[hbm4b:s12+s2] =	stream.linear.scatter [tilespmem:s17], [sflag:$0x1], $0x4000, $0x38;
	[tilespmem:$0x18080] =	vst v63  }
0x21: {  	_ =	swait.ge [sflag:s16], $0x4000  }
0x22: {  	[sflag:s16] =	ssyncset.done $0x0  }
0x23: {  	[sflag:s16] =	ssyncadd.s32 $0xFFFFC000  }
0x24: {  	[tilespmem:s17], [sflag:$0x1] =	stream.linear.gather [spmem:s9], $0x2000, $0x38;
	[tilespmem:$0x18080] =	vst v63  }
0x25: {  	s21 =	sadd.s32 $0x1, s21;
	_ =	swait.ge [sflag:s16], $0x2000  }
0x26: {  	p0 =	sne.s32 s21, s14;
	[sflag:s16] =	ssyncset.done $0x0  }
.Ltmp1:
0x27: {  	[sflag:s16] =	ssyncadd.s32 $0xFFFFE000;
	(pc) =	sbr.rel @!p0 .LBB2_10-.Ltmp1, $4  }
0x28: {  	[hbm4b:s13+s2] =	stream.linear.scatter [tilespmem:s17], [sflag:$0x1], $0x2000, $0x38;
	[tilespmem:$0x18080] =	vst v63  }
0x29: {  	_ =	swait.ge [sflag:s16], $0x2000  }
0x2a: {  	[sflag:s16] =	ssyncset.done $0x0  }
0x2b: {  	[sflag:s16] =	ssyncadd.s32 $0xFFFFE000  }
.LBB2_1:
0x2c: {  	[tilespmem:s15], [sflag:$0x1] =	stream.linear.gather [hbm4b:s4+s2], $0x4000, $0x38;
	[tilespmem:$0x18080] =	vst v63  }
0x2d: {  	_ =	swait.ge [sflag:s16], $0x4000  }
0x2e: {  	[sflag:s16] =	ssyncset.done $0x0  }
0x2f: {  	[sflag:s16] =	ssyncadd.s32 $0xFFFFC000  }
0x30: {  	[tilespmem:s17], [sflag:$0x1] =	stream.linear.gather [hbm4b:s5+s2], $0x4000, $0x38;
	[tilespmem:$0x18080] =	vst v63  }
0x31: {  	_ =	swait.ge [sflag:s16], $0x4000  }
0x32: {  	[sflag:s16] =	ssyncset.done $0x0  }
0x33: {  	[sflag:s16] =	ssyncadd.s32 $0xFFFFC000  }
0x34: {  	[spmem:s7] =	stream.linear.scatter [tilespmem:s17], [sflag:$0x1], $0x4000, $0x38;
	[tilespmem:$0x18080] =	vst v63  }
0x35: {  	_ =	swait.ge [sflag:s16], $0x4000  }
0x36: {  	[sflag:s16] =	ssyncset.done $0x0  }
0x37: {  	[sflag:s16] =	ssyncadd.s32 $0xFFFFC000  }
0x38: {  	[spmem:s8] =	stream.linear.scatter [tilespmem:s17], [sflag:$0x1], $0x4000, $0x38;
	[tilespmem:$0x18080] =	vst v63  }
0x39: {  	_ =	swait.ge [sflag:s16], $0x4000  }
0x3a: {  	[sflag:s16] =	ssyncset.done $0x0  }
0x3b: {  	[sflag:s16] =	ssyncadd.s32 $0xFFFFC000  }
0x3c: {  	[spmem:s9] =	stream.linear.scatter [tilespmem:s17], [sflag:$0x1], $0x2000, $0x38;
	[tilespmem:$0x18080] =	vst v63  }
0x3d: {  	_ =	swait.ge [sflag:s16], $0x2000  }
0x3e: {  	[sflag:s16] =	ssyncset.done $0x0  }
0x3f: {  	[sflag:s16] =	ssyncadd.s32 $0xFFFFE000  }
0x40: {  	s22 =	simm.s32 $0x0;
	s23 =	simm.s32 $0x0;
	[bflag:$0x0] =	sbarrier.arrive $0xFFFF  }
.LBB2_2:
0x41: {  	s24 =	sshll.u32 s23, $0xC  }
0x42: {  	s24 =	sadd.s32 s10, s24  }
0x43: {  	s24 =	sshrl.u32 s24, $0x3  }
0x44: {  	s25 =	simm.s32 $0x0;
	s24 =	sadd.s32 s6, s24  }
0x45: {  	[tilespmem:s18], [sflag:$0x1] =	stream.linear.gather [hbm4b:s24+s25], $0x1000, $0x38;
	[tilespmem:$0x18080] =	vst v63  }
0x46: {  	_ =	swait.ge [sflag:s16], $0x1000  }
0x47: {  	[sflag:s16] =	ssyncset.done $0x0  }
0x48: {  	s31 =	simm.s32 $0x0;
	[sflag:s16] =	ssyncadd.s32 $0xFFFFF000  }
0x49: {  	v4 =	vld [tilespmem:s31+$0xA000];
	_ =	sdelay $0x4  }
0x4a: {  	v4 =	vadd.s32 v1, v4  }
0x4b: {  	vm0 =	vlt.u32 v4, $0x1388  }
0x4c: {  	v5 =	vsel vm0, $0x1, v2  }
0x4d: {  	(xrf0) =	vadd.scan.msk.s32 $0xffff, v5;
	_ =	sdelay $0x2  }
0x4e: {  	v5 =	vmov s22  }
0x4f: {  	v5 =	vadd.s32 $0xFFFFFFFF, v5  }
0x50: {  	v5 =	vbroadcast v5, $0x0  }
0x51: {  	v6, _, _ =	vpop (xrf0)  }
0x52: {  	v5 =	vadd.s32 v6, v5;
	(v2sf) =	vpush v6, $0xF;
	_ =	sdelay $0x4  }
0x53: {  	s25 =	simm.s32 $0x10;
	s24 =	simm.s32 $0x80;
	[tilespmem:v5+s19+$0x0] =	vst.idx.msk vm0, v4  }
.LBB2_3:
0x54: {  	p0 =	sne.s32 s24, $0x3FC0;
	v4 =	vld [tilespmem:s25+$0xA000];
	_ =	sdelay $0x4  }
0x55: {  	v4 =	vadd.s32 v1, v4  }
0x56: {  	vm0 =	vlt.u32 v4, $0x1388  }
0x57: {  	v5 =	vsel vm0, $0x1, v2  }
0x58: {  	(xrf0) =	vadd.scan.msk.s32 $0xffff, v5  }
0x59: {  	s25 =	spop (v2sf)  }
0x5a: {  	s22 =	sadd.s32 s22, s25  }
0x5b: {  	v5 =	vmov s22  }
0x5c: {  	v5 =	vadd.s32 $0xFFFFFFFF, v5  }
0x5d: {  	v5 =	vbroadcast v5, $0x0  }
0x5e: {  	v6, _, _ =	vpop (xrf0)  }
0x5f: {  	v5 =	vadd.s32 v6, v5;
	(v2sf) =	vpush v6, $0xF  }
.Ltmp2:
0x60: {  	(pc) =	sbr.rel @p0 .LBB2_3-.Ltmp2, $2  }
0x61: {  	_ =	sdelay $0x2  }
0x62: {  	s25 =	sshra.s32 s24, $0x2;
	s24 =	sadd.s32 $0x40, s24;
	[tilespmem:v5+s19+$0x0] =	vst.idx.msk vm0, v4  }
0x63: {  	v4 =	vld [tilespmem:s25+$0xA000];
	_ =	sdelay $0x4  }
0x64: {  	v4 =	vadd.s32 v1, v4  }
0x65: {  	vm0 =	vlt.u32 v4, $0x1388  }
0x66: {  	v5 =	vsel vm0, $0x1, v2  }
0x67: {  	(xrf0) =	vadd.scan.msk.s32 $0xffff, v5;
	_ =	sdelay $0x5  }
0x68: {  	v5, _, _ =	vpop (xrf0)  }
0x69: {  	(v2sf) =	vpush v5, $0xF;
	_ =	sdelay $0x4  }
0x6a: {  	s24 =	spop (v2sf)  }
0x6b: {  	s22 =	sadd.s32 s22, s24  }
0x6c: {  	v6 =	vmov s22  }
0x6d: {  	v6 =	vadd.s32 $0xFFFFFFFF, v6  }
0x6e: {  	v6 =	vbroadcast v6, $0x0  }
0x6f: {  	s23 =	sadd.s32 $0x1, s23  }
0x70: {  	p0 =	sne.s32 s23, $0x5;
	v5 =	vadd.s32 v5, v6  }
.Ltmp3:
0x71: {  	_ = 	snop;
	(pc) =	sbr.rel @p0 .LBB2_2-.Ltmp3, $3  }
0x72: {  	_ =	sdelay $0x1  }
0x73: {  	s31 =	spop (v2sf)  }
0x74: {  	[tilespmem:v5+s19+$0x0] =	vst.idx.msk vm0, v4;
	s22 =	sadd.s32 s22, s31  }
0x75: {  	v4 =	vadd.s32 s22, v3;
	_ =	sdelay $0x2  }
0x76: {  	s23 =	sadd.s32 $0x10, s22;
	s24 =	sadd.s32 $0x20, s22;
	s25 =	sadd.s32 $0x30, s22  }
0x77: {  	s26 =	sadd.s32 $0x50, s22;
	v5 =	vadd.s32 s23, v3;
	v7 =	vadd.s32 s25, v3;
	s23 =	simm.s32 $0xB000;
	s25 =	sadd.s32 $0x7F, s22  }
0x78: {  	s28 =	sadd.s32 $0x60, s22;
	s29 =	sadd.s32 $0x70, s22;
	[tilespmem:v4+s23+$0x0] =	vst.idx.msk $0xffff, v0;
	v4 =	vadd.s32 s26, v3;
	s26 =	sand.u32 $0x7F, s25  }
0x79: {  	v6 =	vadd.s32 s24, v3;
	s30 =	sshra.s32 s25, $0x1F;
	p1 =	slt.s32 s25, $0x1;
	p0 =	sne.s32 s26, $0x0  }
0x7a: {  	s24 =	sadd.s32 $0x40, s22;
	s31 =	sshrl.u32 s30, $0x19;
	p0 =	por !p1, !p0  }
0x7b: {  	v8 =	vadd.s32 s24, v3;
	s24 =	simm.s32 $0x1;
	s22 =	sadd.s32 s31, s25;
	p0 =	por !p0, !p0  }
0x7c: {  	s22 =	sshra.s32 s22, $0x7;
	s24 =	simm.s32 @!p0 $0x0  }
0x7d: {  	v9 =	vadd.s32 s28, v3;
	[tilespmem:v5+s23+$0x0] =	vst.idx.msk $0xffff, v0;
	s22 =	ssub.s32 s22, s24  }
0x7e: {  	v5 =	vadd.s32 s29, v3;
	[tilespmem:v6+s23+$0x0] =	vst.idx.msk $0xffff, v0;
	p0 =	slt.s32 s22, $0x1  }
.Ltmp4:
0x7f: {  	[tilespmem:v7+s23+$0x0] =	vst.idx.msk $0xffff, v0;
	(pc) =	sbr.rel @p0 .LBB2_9-.Ltmp4, $4  }
0x80: {  	[tilespmem:v8+s23+$0x0] =	vst.idx.msk $0xffff, v0  }
0x81: {  	[tilespmem:v4+s23+$0x0] =	vst.idx.msk $0xffff, v0  }
0x82: {  	[tilespmem:v9+s23+$0x0] =	vst.idx.msk $0xffff, v0  }
0x83: {  	[tilespmem:v5+s23+$0x0] =	vst.idx.msk $0xffff, v0  }
0x84: {  	p0 =	sne.s32 s22, $0x1  }
.Ltmp5:
0x85: {  	_ = 	snop;
	(pc) =	sbr.rel @!p0 .LBB2_8-.Ltmp5, $4  }
0x86: {  	_ = 	snop  }
0x87: {  	[spmem:s1] =	stream.indirect.scatter.add.f32 [tilespmem:s15], [sflag:$0x1], $0x80, s23, s20, $0xb8;
	[tilespmem:$0x18080] =	vst v63  }
0x88: {  	_ =	swait.ge [sflag:s16], $0x4000  }
0x89: {  	s22 =	sadd.s32 $0xFFFFFFFF, s22;
	[sflag:s16] =	ssyncset.done $0x0  }
.LBB2_7:
0x8a: {  	p0 =	sne.s32 s22, $0x1;
	[sflag:s16] =	ssyncadd.s32 $0xFFFFC000;
	s23 =	sadd.s32 $0x80, s23  }
.Ltmp6:
0x8b: {  	s22 =	sadd.s32 $0xFFFFFFFF, s22;
	(pc) =	sbr.rel @p0 .LBB2_7-.Ltmp6, $4  }
0x8c: {  	_ = 	snop  }
0x8d: {  	[spmem:s1] =	stream.indirect.scatter.add.f32 [tilespmem:s15], [sflag:$0x1], $0x80, s23, s20, $0xb8;
	[tilespmem:$0x18080] =	vst v63  }
0x8e: {  	_ =	swait.ge [sflag:s16], $0x4000  }
0x8f: {  	[sflag:s16] =	ssyncset.done $0x0  }
.Ltmp7:
0x90: {  	_ = 	snop;
	(pc) =	sbr.rel .LBB2_8-.Ltmp7, $1  }
0x91: {  	_ =	sdelay $0x3  }
.LBB2_10:
0x92: {  	_ =	sfence.sel $0x180000  }
0x93: {  	[bflag:$0x0] =	sbarrier.arrive $0xFFFF  }
0x94: {  	p0 =	sne.s32 s3, $0x0;
	_ =	strace $0x90000047  }
0x95: {  	s0 =	sadd.s32 @!p0 $0x100000, s0;
	[bflag:$0x2] =	sbarrier.arrive $0xFFFF  }
0x96: {  	[sflag:s0] =	ssyncadd.tile.s32 @!p0 $0x1;
	_ =	shalt  }
.Lfunc_end2:
_tile_overlayer_lowered:
.L_overlay_start_2:
0x97: {  	(tag) =	ssettag $0x2  }
0x98: {  	s0 =	rddreg [dreg:$0x0];
	s2 =	stileid.u32  }
0x99: {  	s1 =	rddreg [dreg:$0x1];
	p0 =	sne.s32 s2, $0x0  }
0x9a: {  	s3 =	rddreg [dreg:$0x2];
	[bflag:$0x3] =	sbarrier.arrive $0xFFFF;
	s2 =	simm.s32 @!p0 $0x1C01  }
0x9b: {  	[timem:s3], [sflag:s2] =	dma.local @!p0 [hbm:s0], s1  }
0x9c: {  	s0 =	simm.s32 @!p0 $0x1  }
0x9d: {  	_ =	swait.ge @!p0 [sflag:s0], s1  }
0x9e: {  	s1 =	ssub.s32 @!p0 $0x0, s1;
	[sflag:s0] =	ssyncset.done @!p0 $0x0  }
0x9f: {  	[sflag:s0] =	ssyncadd.s32 @!p0 s1  }
0xa0: {  	[bflag:$0x3] =	sbarrier.arrive $0xFFFF  }
0xa1: {  	_ =	shalt  }

</sc_bundles>
